<compile_context>
chip_gen: v7x
topology: tpu7x:2x2x1
jax: 0.10.2.dev20260603
libtpu: 0.0.44.dev20260713+nightly
codegen_flags: <defaults>
</compile_context>

<pallas_src>
import functools

import jax
import jax.numpy as jnp
from jax import lax
from jax.experimental import pallas as pl
from jax.experimental.pallas import tpu as pltpu
from jax.experimental.pallas import tpu_sc as plsc

_B = 16384
_D = 64
_OUT_D = 76
_V = 100001
_VMAIN = 99968
_VTAIL = _V - _VMAIN
_VPAD = _VMAIN + 128
_CHUNK = 4096
_NCHUNK = _B // _CHUNK


def _body(uid_h, age_h, bw_h, bh_h, cal_h, sex_h, tableT_h, tail_h, parms_h,
          outT_h, uid_v, colbuf_v, ocol0_v, ocol1_v, parms_v,
          sem, osem0, osem1):
    c = lax.axis_index("c")
    s = lax.axis_index("s")
    wid = s * 2 + c

    pltpu.sync_copy(parms_h, parms_v)
    pltpu.sync_copy(uid_h, uid_v)

    ocols = (ocol0_v, ocol1_v)
    osems = (osem0, osem1)
    pending = [None, None]

    def out_write(k, col):
        buf = ocols[k % 2]
        cp = pltpu.make_async_copy(
            buf, outT_h.at[col, pl.ds(k * _CHUNK, _CHUNK)], osems[k % 2])
        cp.start()
        pending[k % 2] = cp

    def drain(k):
        if pending[k % 2] is not None:
            pending[k % 2].wait()
            pending[k % 2] = None

    def gather_chunk(k, col):
        drain(k)
        buf = ocols[k % 2]

        def blk(i, carry):
            for u in range(16):
                off = i * 256 + u * 16
                idx = uid_v[pl.ds(k * _CHUNK + off, 16)]
                vals = plsc.load_gather(colbuf_v, [idx])
                buf[pl.ds(off, 16)] = vals
            return carry
        lax.fori_loop(0, _CHUNK // 256, blk, 0)
        out_write(k, col)

    _PARTS = (0, 25088, 50176, 75264, _VMAIN)
    for slot in range(2):
        col = 2 * wid + slot
        cps = []
        for p in range(4):
            lo, hi = _PARTS[p], _PARTS[p + 1]
            cp = pltpu.make_async_copy(
                tableT_h.at[col, pl.ds(lo, hi - lo)],
                colbuf_v.at[pl.ds(lo, hi - lo)], sem)
            cp.start()
            cps.append(cp)
        cp = pltpu.make_async_copy(
            tail_h.at[col], colbuf_v.at[pl.ds(_VMAIN, 128)], sem)
        cp.start()
        cps.append(cp)
        for cp in cps:
            cp.wait()
        for k in range(_NCHUNK):
            gather_chunk(k, col)

    drain(0)
    drain(1)

    _HB = _B // 2
    fsel = wid - jnp.where(wid >= 12, 12, 0)
    tcol = _D + fsel
    hbase = jnp.where(wid >= 12, _HB, 0)

    @pl.when((wid < 24) & (fsel < 4))
    def _feat():
        mean = parms_v[pl.ds(16 * fsel, 16)]
        scale = parms_v[pl.ds(_D + 16 * fsel, 16)]
        for f, ref in enumerate((age_h, bw_h, bh_h, cal_h)):
            @pl.when(fsel == f)
            def _stage(ref=ref):
                pltpu.sync_copy(ref.at[pl.ds(hbase, _HB)],
                                colbuf_v.at[pl.ds(0, _HB)])
        for k in range(_HB // _CHUNK):
            def fblk(i, carry):
                for u in range(16):
                    off = i * 256 + u * 16
                    x = colbuf_v[pl.ds(k * _CHUNK + off, 16)]
                    ocol0_v[pl.ds(off, 16)] = (x - mean) * scale
                return carry
            lax.fori_loop(0, _CHUNK // 256, fblk, 0)
            pltpu.sync_copy(
                ocol0_v, outT_h.at[tcol, pl.ds(hbase + k * _CHUNK, _CHUNK)])

    @pl.when((wid < 24) & (fsel >= 4))
    def _sex():
        j = fsel - 4
        pltpu.sync_copy(sex_h.at[pl.ds(hbase, _HB)], uid_v.at[pl.ds(0, _HB)])
        for k in range(_HB // _CHUNK):
            def sblk(i, carry):
                for u in range(16):
                    off = i * 256 + u * 16
                    sv = uid_v[pl.ds(k * _CHUNK + off, 16)]
                    vals = plsc.load_gather(parms_v, [128 + sv * 8 + j])
                    ocol0_v[pl.ds(off, 16)] = vals
                return carry
            lax.fori_loop(0, _CHUNK // 256, sblk, 0)
            pltpu.sync_copy(
                ocol0_v, outT_h.at[tcol, pl.ds(hbase + k * _CHUNK, _CHUNK)])


@jax.jit
def _run(uid, age, bw, bh, cal, sex, tableT, tail, parms):
    mesh = plsc.VectorSubcoreMesh(core_axis_name="c", subcore_axis_name="s")
    f = functools.partial(
        pl.kernel,
        out_type=jax.ShapeDtypeStruct((_OUT_D, _B), jnp.float32),
        mesh=mesh,
        compiler_params=pltpu.CompilerParams(
            needs_layout_passes=False, use_tc_tiling_on_sc=True),
        scratch_types=[
            pltpu.VMEM((_B,), jnp.int32),
            pltpu.VMEM((_VPAD,), jnp.float32),
            pltpu.VMEM((_CHUNK,), jnp.float32),
            pltpu.VMEM((_CHUNK,), jnp.float32),
            pltpu.VMEM((256,), jnp.float32),
            pltpu.SemaphoreType.DMA,
            pltpu.SemaphoreType.DMA,
            pltpu.SemaphoreType.DMA,
        ],
    )(_body)
    return f(uid, age, bw, bh, cal, sex, tableT, tail, parms)


def kernel(User_ID, Age, Body_Weight, Body_Height, Cal_Need, sex, user_table,
           sex_table, feat_mean, feat_var):
    scale = 1.0 / jnp.maximum(jnp.sqrt(feat_var), 1e-7)
    parms = jnp.concatenate(
        [jnp.broadcast_to(feat_mean[:, None], (4, 16)).reshape(-1),
         jnp.broadcast_to(scale[:, None], (4, 16)).reshape(-1),
         jnp.pad(sex_table.reshape(-1), (0, 128 - 24))])
    tableT = user_table.T
    tail = jnp.pad(user_table[_VMAIN:].T, ((0, 0), (0, 128 - _VTAIL)))
    outT = _run(User_ID.astype(jnp.int32), Age, Body_Weight, Body_Height,
                Cal_Need, sex.astype(jnp.int32), tableT, tail, parms)
    return outT.T

# --- scband reference (transcript-rebuilt; emitter-appended) ---
"""Pipeline reference for scband-user-model-90039694393475 (READ-ONLY COPY).

The authoritative reference and input builder live on the scoring server;
editing this copy changes nothing except your own understanding.
"""

import jax, jax.numpy as jnp
import numpy as np

VOCAB = 100000
BATCH = 16384
USER_DIM = 64
SEX_DIM = 8


def setup_inputs(seed: int = 0) -> dict:
    key = jax.random.key(seed)
    ks = jax.random.split(key, 10)
    user_id = jax.random.randint(ks[0], (BATCH,), 0, VOCAB)
    age = jax.random.uniform(ks[1], (BATCH,), dtype=jnp.float32)
    body_weight = jax.random.uniform(ks[2], (BATCH,), dtype=jnp.float32)
    body_height = jax.random.uniform(ks[3], (BATCH,), dtype=jnp.float32)
    cal_need = jax.random.uniform(ks[4], (BATCH,), dtype=jnp.float32)
    sex = jax.random.randint(ks[5], (BATCH,), 0, 3)
    # Learned params: StringLookup maps to [0, vocab]; Embedding has vocab+1 rows.
    user_table = jax.random.normal(ks[6], (VOCAB + 1, USER_DIM), dtype=jnp.float32) * 0.05
    sex_table = jax.random.normal(ks[7], (3, SEX_DIM), dtype=jnp.float32) * 0.05
    # Normalization layers adapted on the data (mean/variance per numeric feature).
    feats = jnp.stack([age, body_weight, body_height, cal_need], axis=1)
    feat_mean = jnp.mean(feats, axis=0)
    feat_var = jnp.var(feats, axis=0)
    return {
        "User_ID": user_id,
        "Age": age,
        "Body_Weight": body_weight,
        "Body_Height": body_height,
        "Cal_Need": cal_need,
        "sex": sex,
        "user_table": user_table,
        "sex_table": sex_table,
        "feat_mean": feat_mean,
        "feat_var": feat_var,
    }


def reference(User_ID, Age, Body_Weight, Body_Height, Cal_Need, sex, user_table, sex_table, feat_mean, feat_var):
    # user_embedding: StringLookup + Embedding -> table gather
    user_emb = jnp.take(user_table, User_ID, axis=0)  # [B, 64]
    # Normalization(axis=None) per numeric feature, then Reshape([1])
    feats = jnp.stack([Age, Body_Weight, Body_Height, Cal_Need], axis=1)  # [B, 4]
    norm = (feats - feat_mean[None, :]) / jnp.maximum(jnp.sqrt(feat_var[None, :]), 1e-7)
    # sex: StringLookup + Embedding(3, 8)
    sex_emb = jnp.take(sex_table, sex, axis=0)  # [B, 8]
    # concat order: user_emb, Age, Body_Weight, Body_Height, Cal_Need, sex_emb
    return jnp.concatenate([user_emb, norm, sex_emb], axis=1)  # [B, 76]

if __name__ == "__main__":
    import jax
    _d = setup_inputs()
    print(jax.jit(kernel)(*tuple(_d.values())))

</pallas_src>

<mosaic_0001>
#map = affine_map<(d0, d1) -> (0)>
#map1 = affine_map<(d0, d1) -> (0, 0)>
module attributes {stable_mosaic.version = 14 : i64} {
  func.func @_body(%arg0: i32, %arg1: i32, %arg2: memref<16384xi32, #tpu.memory_space<hbm>>, %arg3: memref<16384xf32, #tpu.memory_space<hbm>>, %arg4: memref<16384xf32, #tpu.memory_space<hbm>>, %arg5: memref<16384xf32, #tpu.memory_space<hbm>>, %arg6: memref<16384xf32, #tpu.memory_space<hbm>>, %arg7: memref<16384xi32, #tpu.memory_space<hbm>>, %arg8: memref<64x100001xf32, #tpu.memory_space<hbm>>, %arg9: memref<64x128xf32, #tpu.memory_space<hbm>>, %arg10: memref<256xf32, #tpu.memory_space<hbm>>, %arg11: memref<76x16384xf32, #tpu.memory_space<hbm>>, %arg12: memref<16384xi32, #tpu.memory_space<vmem>>, %arg13: memref<100096xf32, #tpu.memory_space<vmem>>, %arg14: memref<4096xf32, #tpu.memory_space<vmem>>, %arg15: memref<4096xf32, #tpu.memory_space<vmem>>, %arg16: memref<256xf32, #tpu.memory_space<vmem>>, %arg17: memref<!tpu.dma_semaphore, #tpu.memory_space<semaphore_mem>>, %arg18: memref<!tpu.dma_semaphore, #tpu.memory_space<semaphore_mem>>, %arg19: memref<!tpu.dma_semaphore, #tpu.memory_space<semaphore_mem>>) attributes {dimension_semantics = [#tpu.dimension_semantics<core_parallel>, #tpu.dimension_semantics<subcore_parallel>], iteration_bounds = array<i64: 2, 16>, scalar_prefetch = 0 : i64, scratch_operands = 8 : i64, tpu.core_type = #tpu.core_type<sc_vector_subcore>, window_params = [{transform_indices = #map}, {transform_indices = #map}, {transform_indices = #map}, {transform_indices = #map}, {transform_indices = #map}, {transform_indices = #map}, {transform_indices = #map1}, {transform_indices = #map1}, {transform_indices = #map}, {transform_indices = #map1}]} {
    %mul3A = arith.constant 2 : i32
    %mul3A_0 = arith.muli %arg1, %mul3A : i32
    %add3A = arith.addi %mul3A_0, %arg0 : i32
    "tpu.region"() ({
      %run_scoped3A = tpu.sem_alloc : memref<!tpu.dma_semaphore, #tpu.memory_space<semaphore_mem>>
      tpu.enqueue_dma source(%arg10 : memref<256xf32, #tpu.memory_space<hbm>>) target(%arg16 : memref<256xf32, #tpu.memory_space<vmem>>) target_semaphore(%run_scoped3A : memref<!tpu.dma_semaphore, #tpu.memory_space<semaphore_mem>>)
      tpu.wait_dma2 semaphore(%run_scoped3A : memref<!tpu.dma_semaphore, #tpu.memory_space<semaphore_mem>>) src(%arg10 : memref<256xf32, #tpu.memory_space<hbm>>) dst(%arg16 : memref<256xf32, #tpu.memory_space<vmem>>)
      tpu.yield
    }) : () -> ()
    "tpu.region"() ({
      %run_scoped3A = tpu.sem_alloc : memref<!tpu.dma_semaphore, #tpu.memory_space<semaphore_mem>>
      tpu.enqueue_dma source(%arg2 : memref<16384xi32, #tpu.memory_space<hbm>>) target(%arg12 : memref<16384xi32, #tpu.memory_space<vmem>>) target_semaphore(%run_scoped3A : memref<!tpu.dma_semaphore, #tpu.memory_space<semaphore_mem>>)
      tpu.wait_dma2 semaphore(%run_scoped3A : memref<!tpu.dma_semaphore, #tpu.memory_space<semaphore_mem>>) src(%arg2 : memref<16384xi32, #tpu.memory_space<hbm>>) dst(%arg12 : memref<16384xi32, #tpu.memory_space<vmem>>)
      tpu.yield
    }) : () -> ()
    %mul3A_1 = arith.constant 2 : i32
    %mul3A_2 = arith.muli %mul3A_1, %add3A : i32
    %add3A_3 = arith.constant 0 : i32
    %add3A_4 = arith.addi %mul3A_2, %add3A_3 : i32
    %dma_start3A = arith.constant 0 : i32
    %dma_start3A_5 = tpu.memref_slice %arg13[%dma_start3A] : memref<100096xf32, #tpu.memory_space<vmem>> -> memref<25088xf32, #tpu.memory_space<vmem>>
    %dma_start3A_6 = arith.constant 0 : i32
    %dma_start3A_7 = tpu.memref_slice %arg8[%add3A_4, %dma_start3A_6] : memref<64x100001xf32, #tpu.memory_space<hbm>> -> memref<1x25088xf32, #tpu.memory_space<hbm>>
    %dma_start3A_8 = tpu.memref_squeeze %dma_start3A_7 : memref<1x25088xf32, #tpu.memory_space<hbm>> -> memref<25088xf32, #tpu.memory_space<hbm>>
    %dma_start3A_9 = arith.constant 0 : i32
    %dma_start3A_10 = tpu.memref_slice %arg13[%dma_start3A_9] : memref<100096xf32, #tpu.memory_space<vmem>> -> memref<25088xf32, #tpu.memory_space<vmem>>
    %dma_start3A_11 = arith.constant 0 : i32
    %dma_start3A_12 = tpu.memref_slice %arg8[%add3A_4, %dma_start3A_11] : memref<64x100001xf32, #tpu.memory_space<hbm>> -> memref<1x25088xf32, #tpu.memory_space<hbm>>
    %dma_start3A_13 = tpu.memref_squeeze %dma_start3A_12 : memref<1x25088xf32, #tpu.memory_space<hbm>> -> memref<25088xf32, #tpu.memory_space<hbm>>
    tpu.enqueue_dma source(%dma_start3A_13 : memref<25088xf32, #tpu.memory_space<hbm>>) target(%dma_start3A_10 : memref<25088xf32, #tpu.memory_space<vmem>>) target_semaphore(%arg17 : memref<!tpu.dma_semaphore, #tpu.memory_space<semaphore_mem>>)
    %dma_start3A_14 = arith.constant 25088 : i32
    %dma_start3A_15 = tpu.memref_slice %arg13[%dma_start3A_14] : memref<100096xf32, #tpu.memory_space<vmem>> -> memref<25088xf32, #tpu.memory_space<vmem>>
    %dma_start3A_16 = arith.constant 25088 : i32
    %dma_start3A_17 = tpu.memref_slice %arg8[%add3A_4, %dma_start3A_16] : memref<64x100001xf32, #tpu.memory_space<hbm>> -> memref<1x25088xf32, #tpu.memory_space<hbm>>
    %dma_start3A_18 = tpu.memref_squeeze %dma_start3A_17 : memref<1x25088xf32, #tpu.memory_space<hbm>> -> memref<25088xf32, #tpu.memory_space<hbm>>
    %dma_start3A_19 = arith.constant 25088 : i32
    %dma_start3A_20 = tpu.memref_slice %arg13[%dma_start3A_19] : memref<100096xf32, #tpu.memory_space<vmem>> -> memref<25088xf32, #tpu.memory_space<vmem>>
    %dma_start3A_21 = arith.constant 25088 : i32
    %dma_start3A_22 = tpu.memref_slice %arg8[%add3A_4, %dma_start3A_21] : memref<64x100001xf32, #tpu.memory_space<hbm>> -> memref<1x25088xf32, #tpu.memory_space<hbm>>
    %dma_start3A_23 = tpu.memref_squeeze %dma_start3A_22 : memref<1x25088xf32, #tpu.memory_space<hbm>> -> memref<25088xf32, #tpu.memory_space<hbm>>
    tpu.enqueue_dma source(%dma_start3A_23 : memref<25088xf32, #tpu.memory_space<hbm>>) target(%dma_start3A_20 : memref<25088xf32, #tpu.memory_space<vmem>>) target_semaphore(%arg17 : memref<!tpu.dma_semaphore, #tpu.memory_space<semaphore_mem>>)
    %dma_start3A_24 = arith.constant 50176 : i32
    %dma_start3A_25 = tpu.memref_slice %arg13[%dma_start3A_24] : memref<100096xf32, #tpu.memory_space<vmem>> -> memref<25088xf32, #tpu.memory_space<vmem>>
    %dma_start3A_26 = arith.constant 50176 : i32
    %dma_start3A_27 = tpu.memref_slice %arg8[%add3A_4, %dma_start3A_26] : memref<64x100001xf32, #tpu.memory_space<hbm>> -> memref<1x25088xf32, #tpu.memory_space<hbm>>
    %dma_start3A_28 = tpu.memref_squeeze %dma_start3A_27 : memref<1x25088xf32, #tpu.memory_space<hbm>> -> memref<25088xf32, #tpu.memory_space<hbm>>
    %dma_start3A_29 = arith.constant 50176 : i32
    %dma_start3A_30 = tpu.memref_slice %arg13[%dma_start3A_29] : memref<100096xf32, #tpu.memory_space<vmem>> -> memref<25088xf32, #tpu.memory_space<vmem>>
    %dma_start3A_31 = arith.constant 50176 : i32
    %dma_start3A_32 = tpu.memref_slice %arg8[%add3A_4, %dma_start3A_31] : memref<64x100001xf32, #tpu.memory_space<hbm>> -> memref<1x25088xf32, #tpu.memory_space<hbm>>
    %dma_start3A_33 = tpu.memref_squeeze %dma_start3A_32 : memref<1x25088xf32, #tpu.memory_space<hbm>> -> memref<25088xf32, #tpu.memory_space<hbm>>
    tpu.enqueue_dma source(%dma_start3A_33 : memref<25088xf32, #tpu.memory_space<hbm>>) target(%dma_start3A_30 : memref<25088xf32, #tpu.memory_space<vmem>>) target_semaphore(%arg17 : memref<!tpu.dma_semaphore, #tpu.memory_space<semaphore_mem>>)
    %dma_start3A_34 = arith.constant 75264 : i32
    %dma_start3A_35 = tpu.memref_slice %arg13[%dma_start3A_34] : memref<100096xf32, #tpu.memory_space<vmem>> -> memref<24704xf32, #tpu.memory_space<vmem>>
    %dma_start3A_36 = arith.constant 75264 : i32
    %dma_start3A_37 = tpu.memref_slice %arg8[%add3A_4, %dma_start3A_36] : memref<64x100001xf32, #tpu.memory_space<hbm>> -> memref<1x24704xf32, #tpu.memory_space<hbm>>
    %dma_start3A_38 = tpu.memref_squeeze %dma_start3A_37 : memref<1x24704xf32, #tpu.memory_space<hbm>> -> memref<24704xf32, #tpu.memory_space<hbm>>
    %dma_start3A_39 = arith.constant 75264 : i32
    %dma_start3A_40 = tpu.memref_slice %arg13[%dma_start3A_39] : memref<100096xf32, #tpu.memory_space<vmem>> -> memref<24704xf32, #tpu.memory_space<vmem>>
    %dma_start3A_41 = arith.constant 75264 : i32
    %dma_start3A_42 = tpu.memref_slice %arg8[%add3A_4, %dma_start3A_41] : memref<64x100001xf32, #tpu.memory_space<hbm>> -> memref<1x24704xf32, #tpu.memory_space<hbm>>
    %dma_start3A_43 = tpu.memref_squeeze %dma_start3A_42 : memref<1x24704xf32, #tpu.memory_space<hbm>> -> memref<24704xf32, #tpu.memory_space<hbm>>
    tpu.enqueue_dma source(%dma_start3A_43 : memref<24704xf32, #tpu.memory_space<hbm>>) target(%dma_start3A_40 : memref<24704xf32, #tpu.memory_space<vmem>>) target_semaphore(%arg17 : memref<!tpu.dma_semaphore, #tpu.memory_space<semaphore_mem>>)
    %dma_start3A_44 = arith.constant 99968 : i32
    %dma_start3A_45 = tpu.memref_slice %arg13[%dma_start3A_44] : memref<100096xf32, #tpu.memory_space<vmem>> -> memref<128xf32, #tpu.memory_space<vmem>>
    %dma_start3A_46 = arith.constant 0 : i32
    %dma_start3A_47 = tpu.memref_slice %arg9[%add3A_4, %dma_start3A_46] : memref<64x128xf32, #tpu.memory_space<hbm>> -> memref<1x128xf32, #tpu.memory_space<hbm>>
    %dma_start3A_48 = tpu.memref_squeeze %dma_start3A_47 : memref<1x128xf32, #tpu.memory_space<hbm>> -> memref<128xf32, #tpu.memory_space<hbm>>
    %dma_start3A_49 = arith.constant 99968 : i32
    %dma_start3A_50 = tpu.memref_slice %arg13[%dma_start3A_49] : memref<100096xf32, #tpu.memory_space<vmem>> -> memref<128xf32, #tpu.memory_space<vmem>>
    %dma_start3A_51 = arith.constant 0 : i32
    %dma_start3A_52 = tpu.memref_slice %arg9[%add3A_4, %dma_start3A_51] : memref<64x128xf32, #tpu.memory_space<hbm>> -> memref<1x128xf32, #tpu.memory_space<hbm>>
    %dma_start3A_53 = tpu.memref_squeeze %dma_start3A_52 : memref<1x128xf32, #tpu.memory_space<hbm>> -> memref<128xf32, #tpu.memory_space<hbm>>
    tpu.enqueue_dma source(%dma_start3A_53 : memref<128xf32, #tpu.memory_space<hbm>>) target(%dma_start3A_50 : memref<128xf32, #tpu.memory_space<vmem>>) target_semaphore(%arg17 : memref<!tpu.dma_semaphore, #tpu.memory_space<semaphore_mem>>)
    %dma_wait3A = arith.constant 0 : i32
    %dma_wait3A_54 = tpu.memref_slice %arg13[%dma_wait3A] : memref<100096xf32, #tpu.memory_space<vmem>> -> memref<25088xf32, #tpu.memory_space<vmem>>
    %dma_wait3A_55 = arith.constant 0 : i32
    %dma_wait3A_56 = tpu.memref_slice %arg8[%add3A_4, %dma_wait3A_55] : memref<64x100001xf32, #tpu.memory_space<hbm>> -> memref<1x25088xf32, #tpu.memory_space<hbm>>
    %dma_wait3A_57 = tpu.memref_squeeze %dma_wait3A_56 : memref<1x25088xf32, #tpu.memory_space<hbm>> -> memref<25088xf32, #tpu.memory_space<hbm>>
    %dma_wait3A_58 = arith.constant 0 : i32
    %dma_wait3A_59 = tpu.memref_slice %arg13[%dma_wait3A_58] : memref<100096xf32, #tpu.memory_space<vmem>> -> memref<25088xf32, #tpu.memory_space<vmem>>
    %dma_wait3A_60 = arith.constant 0 : i32
    %dma_wait3A_61 = tpu.memref_slice %arg8[%add3A_4, %dma_wait3A_60] : memref<64x100001xf32, #tpu.memory_space<hbm>> -> memref<1x25088xf32, #tpu.memory_space<hbm>>
    %dma_wait3A_62 = tpu.memref_squeeze %dma_wait3A_61 : memref<1x25088xf32, #tpu.memory_space<hbm>> -> memref<25088xf32, #tpu.memory_space<hbm>>
    tpu.wait_dma2 semaphore(%arg17 : memref<!tpu.dma_semaphore, #tpu.memory_space<semaphore_mem>>) src(%dma_wait3A_62 : memref<25088xf32, #tpu.memory_space<hbm>>) dst(%dma_wait3A_59 : memref<25088xf32, #tpu.memory_space<vmem>>)
    %dma_wait3A_63 = arith.constant 25088 : i32
    %dma_wait3A_64 = tpu.memref_slice %arg13[%dma_wait3A_63] : memref<100096xf32, #tpu.memory_space<vmem>> -> memref<25088xf32, #tpu.memory_space<vmem>>
    %dma_wait3A_65 = arith.constant 25088 : i32
    %dma_wait3A_66 = tpu.memref_slice %arg8[%add3A_4, %dma_wait3A_65] : memref<64x100001xf32, #tpu.memory_space<hbm>> -> memref<1x25088xf32, #tpu.memory_space<hbm>>
    %dma_wait3A_67 = tpu.memref_squeeze %dma_wait3A_66 : memref<1x25088xf32, #tpu.memory_space<hbm>> -> memref<25088xf32, #tpu.memory_space<hbm>>
    %dma_wait3A_68 = arith.constant 25088 : i32
    %dma_wait3A_69 = tpu.memref_slice %arg13[%dma_wait3A_68] : memref<100096xf32, #tpu.memory_space<vmem>> -> memref<25088xf32, #tpu.memory_space<vmem>>
    %dma_wait3A_70 = arith.constant 25088 : i32
    %dma_wait3A_71 = tpu.memref_slice %arg8[%add3A_4, %dma_wait3A_70] : memref<64x100001xf32, #tpu.memory_space<hbm>> -> memref<1x25088xf32, #tpu.memory_space<hbm>>
    %dma_wait3A_72 = tpu.memref_squeeze %dma_wait3A_71 : memref<1x25088xf32, #tpu.memory_space<hbm>> -> memref<25088xf32, #tpu.memory_space<hbm>>
    tpu.wait_dma2 semaphore(%arg17 : memref<!tpu.dma_semaphore, #tpu.memory_space<semaphore_mem>>) src(%dma_wait3A_72 : memref<25088xf32, #tpu.memory_space<hbm>>) dst(%dma_wait3A_69 : memref<25088xf32, #tpu.memory_space<vmem>>)
    %dma_wait3A_73 = arith.constant 50176 : i32
    %dma_wait3A_74 = tpu.memref_slice %arg13[%dma_wait3A_73] : memref<100096xf32, #tpu.memory_space<vmem>> -> memref<25088xf32, #tpu.memory_space<vmem>>
    %dma_wait3A_75 = arith.constant 50176 : i32
    %dma_wait3A_76 = tpu.memref_slice %arg8[%add3A_4, %dma_wait3A_75] : memref<64x100001xf32, #tpu.memory_space<hbm>> -> memref<1x25088xf32, #tpu.memory_space<hbm>>
    %dma_wait3A_77 = tpu.memref_squeeze %dma_wait3A_76 : memref<1x25088xf32, #tpu.memory_space<hbm>> -> memref<25088xf32, #tpu.memory_space<hbm>>
    %dma_wait3A_78 = arith.constant 50176 : i32
    %dma_wait3A_79 = tpu.memref_slice %arg13[%dma_wait3A_78] : memref<100096xf32, #tpu.memory_space<vmem>> -> memref<25088xf32, #tpu.memory_space<vmem>>
    %dma_wait3A_80 = arith.constant 50176 : i32
    %dma_wait3A_81 = tpu.memref_slice %arg8[%add3A_4, %dma_wait3A_80] : memref<64x100001xf32, #tpu.memory_space<hbm>> -> memref<1x25088xf32, #tpu.memory_space<hbm>>
    %dma_wait3A_82 = tpu.memref_squeeze %dma_wait3A_81 : memref<1x25088xf32, #tpu.memory_space<hbm>> -> memref<25088xf32, #tpu.memory_space<hbm>>
    tpu.wait_dma2 semaphore(%arg17 : memref<!tpu.dma_semaphore, #tpu.memory_space<semaphore_mem>>) src(%dma_wait3A_82 : memref<25088xf32, #tpu.memory_space<hbm>>) dst(%dma_wait3A_79 : memref<25088xf32, #tpu.memory_space<vmem>>)
    %dma_wait3A_83 = arith.constant 75264 : i32
    %dma_wait3A_84 = tpu.memref_slice %arg13[%dma_wait3A_83] : memref<100096xf32, #tpu.memory_space<vmem>> -> memref<24704xf32, #tpu.memory_space<vmem>>
    %dma_wait3A_85 = arith.constant 75264 : i32
    %dma_wait3A_86 = tpu.memref_slice %arg8[%add3A_4, %dma_wait3A_85] : memref<64x100001xf32, #tpu.memory_space<hbm>> -> memref<1x24704xf32, #tpu.memory_space<hbm>>
    %dma_wait3A_87 = tpu.memref_squeeze %dma_wait3A_86 : memref<1x24704xf32, #tpu.memory_space<hbm>> -> memref<24704xf32, #tpu.memory_space<hbm>>
    %dma_wait3A_88 = arith.constant 75264 : i32
    %dma_wait3A_89 = tpu.memref_slice %arg13[%dma_wait3A_88] : memref<100096xf32, #tpu.memory_space<vmem>> -> memref<24704xf32, #tpu.memory_space<vmem>>
    %dma_wait3A_90 = arith.constant 75264 : i32
    %dma_wait3A_91 = tpu.memref_slice %arg8[%add3A_4, %dma_wait3A_90] : memref<64x100001xf32, #tpu.memory_space<hbm>> -> memref<1x24704xf32, #tpu.memory_space<hbm>>
    %dma_wait3A_92 = tpu.memref_squeeze %dma_wait3A_91 : memref<1x24704xf32, #tpu.memory_space<hbm>> -> memref<24704xf32, #tpu.memory_space<hbm>>
    tpu.wait_dma2 semaphore(%arg17 : memref<!tpu.dma_semaphore, #tpu.memory_space<semaphore_mem>>) src(%dma_wait3A_92 : memref<24704xf32, #tpu.memory_space<hbm>>) dst(%dma_wait3A_89 : memref<24704xf32, #tpu.memory_space<vmem>>)
    %dma_wait3A_93 = arith.constant 99968 : i32
    %dma_wait3A_94 = tpu.memref_slice %arg13[%dma_wait3A_93] : memref<100096xf32, #tpu.memory_space<vmem>> -> memref<128xf32, #tpu.memory_space<vmem>>
    %dma_wait3A_95 = arith.constant 0 : i32
    %dma_wait3A_96 = tpu.memref_slice %arg9[%add3A_4, %dma_wait3A_95] : memref<64x128xf32, #tpu.memory_space<hbm>> -> memref<1x128xf32, #tpu.memory_space<hbm>>
    %dma_wait3A_97 = tpu.memref_squeeze %dma_wait3A_96 : memref<1x128xf32, #tpu.memory_space<hbm>> -> memref<128xf32, #tpu.memory_space<hbm>>
    %dma_wait3A_98 = arith.constant 99968 : i32
    %dma_wait3A_99 = tpu.memref_slice %arg13[%dma_wait3A_98] : memref<100096xf32, #tpu.memory_space<vmem>> -> memref<128xf32, #tpu.memory_space<vmem>>
    %dma_wait3A_100 = arith.constant 0 : i32
    %dma_wait3A_101 = tpu.memref_slice %arg9[%add3A_4, %dma_wait3A_100] : memref<64x128xf32, #tpu.memory_space<hbm>> -> memref<1x128xf32, #tpu.memory_space<hbm>>
    %dma_wait3A_102 = tpu.memref_squeeze %dma_wait3A_101 : memref<1x128xf32, #tpu.memory_space<hbm>> -> memref<128xf32, #tpu.memory_space<hbm>>
    tpu.wait_dma2 semaphore(%arg17 : memref<!tpu.dma_semaphore, #tpu.memory_space<semaphore_mem>>) src(%dma_wait3A_102 : memref<128xf32, #tpu.memory_space<hbm>>) dst(%dma_wait3A_99 : memref<128xf32, #tpu.memory_space<vmem>>)
    %scan3A = arith.constant 0 : i32
    %scan3A_103 = arith.constant 0 : i32
    %scan3A_104 = arith.constant 16 : i32
    %scan3A_105 = arith.addi %scan3A_103, %scan3A_104 : i32
    %scan3A_106 = arith.constant 1 : i32
    scf.for %scan3A_371 = %scan3A_103 to %scan3A_105 step %scan3A_106  : i32 {
      %mul3A_372 = arith.constant 256 : i32
      %mul3A_373 = arith.muli %scan3A_371, %mul3A_372 : i32
      %add3A_374 = arith.constant 0 : i32
      %add3A_375 = arith.addi %mul3A_373, %add3A_374 : i32
      %add3A_376 = arith.constant 0 : i32
      %add3A_377 = arith.addi %add3A_376, %add3A_375 : i32
      %get3A = arith.index_cast %add3A_377 : i32 to index
      %get3A_378 = tpu.vector_load %arg12[%get3A] {strides = array<i32>} : memref<16384xi32, #tpu.memory_space<vmem>>, vector<16xi32>,
      %gather3A = tpu.vector_load_idx %arg13[%get3A_378] : memref<100096xf32, #tpu.memory_space<vmem>>[vector<16xi32>], vector<16xf32>,
      %swap3A = arith.index_cast %add3A_375 : i32 to index
      %swap3A_379 = tpu.vector_load %arg14[%swap3A] {strides = array<i32>} : memref<4096xf32, #tpu.memory_space<vmem>>, vector<16xf32>,
      tpu.vector_store %arg14[%swap3A], %gather3A {strides = array<i32>} : memref<4096xf32, #tpu.memory_space<vmem>>, vector<16xf32>,
      %mul3A_380 = arith.constant 256 : i32
      %mul3A_381 = arith.muli %scan3A_371, %mul3A_380 : i32
      %add3A_382 = arith.constant 16 : i32
      %add3A_383 = arith.addi %mul3A_381, %add3A_382 : i32
      %add3A_384 = arith.constant 0 : i32
      %add3A_385 = arith.addi %add3A_384, %add3A_383 : i32
      %get3A_386 = arith.index_cast %add3A_385 : i32 to index
      %get3A_387 = tpu.vector_load %arg12[%get3A_386] {strides = array<i32>} : memref<16384xi32, #tpu.memory_space<vmem>>, vector<16xi32>,
      %gather3A_388 = tpu.vector_load_idx %arg13[%get3A_387] : memref<100096xf32, #tpu.memory_space<vmem>>[vector<16xi32>], vector<16xf32>,
      %swap3A_389 = arith.index_cast %add3A_383 : i32 to index
      %swap3A_390 = tpu.vector_load %arg14[%swap3A_389] {strides = array<i32>} : memref<4096xf32, #tpu.memory_space<vmem>>, vector<16xf32>,
      tpu.vector_store %arg14[%swap3A_389], %gather3A_388 {strides = array<i32>} : memref<4096xf32, #tpu.memory_space<vmem>>, vector<16xf32>,
      %mul3A_391 = arith.constant 256 : i32
      %mul3A_392 = arith.muli %scan3A_371, %mul3A_391 : i32
      %add3A_393 = arith.constant 32 : i32
      %add3A_394 = arith.addi %mul3A_392, %add3A_393 : i32
      %add3A_395 = arith.constant 0 : i32
      %add3A_396 = arith.addi %add3A_395, %add3A_394 : i32
      %get3A_397 = arith.index_cast %add3A_396 : i32 to index
      %get3A_398 = tpu.vector_load %arg12[%get3A_397] {strides = array<i32>} : memref<16384xi32, #tpu.memory_space<vmem>>, vector<16xi32>,
      %gather3A_399 = tpu.vector_load_idx %arg13[%get3A_398] : memref<100096xf32, #tpu.memory_space<vmem>>[vector<16xi32>], vector<16xf32>,
      %swap3A_400 = arith.index_cast %add3A_394 : i32 to index
      %swap3A_401 = tpu.vector_load %arg14[%swap3A_400] {strides = array<i32>} : memref<4096xf32, #tpu.memory_space<vmem>>, vector<16xf32>,
      tpu.vector_store %arg14[%swap3A_400], %gather3A_399 {strides = array<i32>} : memref<4096xf32, #tpu.memory_space<vmem>>, vector<16xf32>,
      %mul3A_402 = arith.constant 256 : i32
      %mul3A_403 = arith.muli %scan3A_371, %mul3A_402 : i32
      %add3A_404 = arith.constant 48 : i32
      %add3A_405 = arith.addi %mul3A_403, %add3A_404 : i32
      %add3A_406 = arith.constant 0 : i32
      %add3A_407 = arith.addi %add3A_406, %add3A_405 : i32
      %get3A_408 = arith.index_cast %add3A_407 : i32 to index
      %get3A_409 = tpu.vector_load %arg12[%get3A_408] {strides = array<i32>} : memref<16384xi32, #tpu.memory_space<vmem>>, vector<16xi32>,
      %gather3A_410 = tpu.vector_load_idx %arg13[%get3A_409] : memref<100096xf32, #tpu.memory_space<vmem>>[vector<16xi32>], vector<16xf32>,
      %swap3A_411 = arith.index_cast %add3A_405 : i32 to index
      %swap3A_412 = tpu.vector_load %arg14[%swap3A_411] {strides = array<i32>} : memref<4096xf32, #tpu.memory_space<vmem>>, vector<16xf32>,
      tpu.vector_store %arg14[%swap3A_411], %gather3A_410 {strides = array<i32>} : memref<4096xf32, #tpu.memory_space<vmem>>, vector<16xf32>,
      %mul3A_413 = arith.constant 256 : i32
      %mul3A_414 = arith.muli %scan3A_371, %mul3A_413 : i32
      %add3A_415 = arith.constant 64 : i32
      %add3A_416 = arith.addi %mul3A_414, %add3A_415 : i32
      %add3A_417 = arith.constant 0 : i32
      %add3A_418 = arith.addi %add3A_417, %add3A_416 : i32
      %get3A_419 = arith.index_cast %add3A_418 : i32 to index
      %get3A_420 = tpu.vector_load %arg12[%get3A_419] {strides = array<i32>} : memref<16384xi32, #tpu.memory_space<vmem>>, vector<16xi32>,
      %gather3A_421 = tpu.vector_load_idx %arg13[%get3A_420] : memref<100096xf32, #tpu.memory_space<vmem>>[vector<16xi32>], vector<16xf32>,
      %swap3A_422 = arith.index_cast %add3A_416 : i32 to index
      %swap3A_423 = tpu.vector_load %arg14[%swap3A_422] {strides = array<i32>} : memref<4096xf32, #tpu.memory_space<vmem>>, vector<16xf32>,
      tpu.vector_store %arg14[%swap3A_422], %gather3A_421 {strides = array<i32>} : memref<4096xf32, #tpu.memory_space<vmem>>, vector<16xf32>,
      %mul3A_424 = arith.constant 256 : i32
      %mul3A_425 = arith.muli %scan3A_371, %mul3A_424 : i32
      %add3A_426 = arith.constant 80 : i32
      %add3A_427 = arith.addi %mul3A_425, %add3A_426 : i32
      %add3A_428 = arith.constant 0 : i32
      %add3A_429 = arith.addi %add3A_428, %add3A_427 : i32
      %get3A_430 = arith.index_cast %add3A_429 : i32 to index
      %get3A_431 = tpu.vector_load %arg12[%get3A_430] {strides = array<i32>} : memref<16384xi32, #tpu.memory_space<vmem>>, vector<16xi32>,
      %gather3A_432 = tpu.vector_load_idx %arg13[%get3A_431] : memref<100096xf32, #tpu.memory_space<vmem>>[vector<16xi32>], vector<16xf32>,
      %swap3A_433 = arith.index_cast %add3A_427 : i32 to index
      %swap3A_434 = tpu.vector_load %arg14[%swap3A_433] {strides = array<i32>} : memref<4096xf32, #tpu.memory_space<vmem>>, vector<16xf32>,
      tpu.vector_store %arg14[%swap3A_433], %gather3A_432 {strides = array<i32>} : memref<4096xf32, #tpu.memory_space<vmem>>, vector<16xf32>,
      %mul3A_435 = arith.constant 256 : i32
      %mul3A_436 = arith.muli %scan3A_371, %mul3A_435 : i32
      %add3A_437 = arith.constant 96 : i32
      %add3A_438 = arith.addi %mul3A_436, %add3A_437 : i32
      %add3A_439 = arith.constant 0 : i32
      %add3A_440 = arith.addi %add3A_439, %add3A_438 : i32
      %get3A_441 = arith.index_cast %add3A_440 : i32 to index
      %get3A_442 = tpu.vector_load %arg12[%get3A_441] {strides = array<i32>} : memref<16384xi32, #tpu.memory_space<vmem>>, vector<16xi32>,
      %gather3A_443 = tpu.vector_load_idx %arg13[%get3A_442] : memref<100096xf32, #tpu.memory_space<vmem>>[vector<16xi32>], vector<16xf32>,
      %swap3A_444 = arith.index_cast %add3A_438 : i32 to index
      %swap3A_445 = tpu.vector_load %arg14[%swap3A_444] {strides = array<i32>} : memref<4096xf32, #tpu.memory_space<vmem>>, vector<16xf32>,
      tpu.vector_store %arg14[%swap3A_444], %gather3A_443 {strides = array<i32>} : memref<4096xf32, #tpu.memory_space<vmem>>, vector<16xf32>,
      %mul3A_446 = arith.constant 256 : i32
      %mul3A_447 = arith.muli %scan3A_371, %mul3A_446 : i32
      %add3A_448 = arith.constant 112 : i32
      %add3A_449 = arith.addi %mul3A_447, %add3A_448 : i32
      %add3A_450 = arith.constant 0 : i32
      %add3A_451 = arith.addi %add3A_450, %add3A_449 : i32
      %get3A_452 = arith.index_cast %add3A_451 : i32 to index
      %get3A_453 = tpu.vector_load %arg12[%get3A_452] {strides = array<i32>} : memref<16384xi32, #tpu.memory_space<vmem>>, vector<16xi32>,
      %gather3A_454 = tpu.vector_load_idx %arg13[%get3A_453] : memref<100096xf32, #tpu.memory_space<vmem>>[vector<16xi32>], vector<16xf32>,
      %swap3A_455 = arith.index_cast %add3A_449 : i32 to index
      %swap3A_456 = tpu.vector_load %arg14[%swap3A_455] {strides = array<i32>} : memref<4096xf32, #tpu.memory_space<vmem>>, vector<16xf32>,
      tpu.vector_store %arg14[%swap3A_455], %gather3A_454 {strides = array<i32>} : memref<4096xf32, #tpu.memory_space<vmem>>, vector<16xf32>,
      %mul3A_457 = arith.constant 256 : i32
      %mul3A_458 = arith.muli %scan3A_371, %mul3A_457 : i32
      %add3A_459 = arith.constant 128 : i32
      %add3A_460 = arith.addi %mul3A_458, %add3A_459 : i32
      %add3A_461 = arith.constant 0 : i32
      %add3A_462 = arith.addi %add3A_461, %add3A_460 : i32
      %get3A_463 = arith.index_cast %add3A_462 : i32 to index
      %get3A_464 = tpu.vector_load %arg12[%get3A_463] {strides = array<i32>} : memref<16384xi32, #tpu.memory_space<vmem>>, vector<16xi32>,
      %gather3A_465 = tpu.vector_load_idx %arg13[%get3A_464] : memref<100096xf32, #tpu.memory_space<vmem>>[vector<16xi32>], vector<16xf32>,
      %swap3A_466 = arith.index_cast %add3A_460 : i32 to index
      %swap3A_467 = tpu.vector_load %arg14[%swap3A_466] {strides = array<i32>} : memref<4096xf32, #tpu.memory_space<vmem>>, vector<16xf32>,
      tpu.vector_store %arg14[%swap3A_466], %gather3A_465 {strides = array<i32>} : memref<4096xf32, #tpu.memory_space<vmem>>, vector<16xf32>,
      %mul3A_468 = arith.constant 256 : i32
      %mul3A_469 = arith.muli %scan3A_371, %mul3A_468 : i32
      %add3A_470 = arith.constant 144 : i32
      %add3A_471 = arith.addi %mul3A_469, %add3A_470 : i32
      %add3A_472 = arith.constant 0 : i32
      %add3A_473 = arith.addi %add3A_472, %add3A_471 : i32
      %get3A_474 = arith.index_cast %add3A_473 : i32 to index
      %get3A_475 = tpu.vector_load %arg12[%get3A_474] {strides = array<i32>} : memref<16384xi32, #tpu.memory_space<vmem>>, vector<16xi32>,
      %gather3A_476 = tpu.vector_load_idx %arg13[%get3A_475] : memref<100096xf32, #tpu.memory_space<vmem>>[vector<16xi32>], vector<16xf32>,
      %swap3A_477 = arith.index_cast %add3A_471 : i32 to index
      %swap3A_478 = tpu.vector_load %arg14[%swap3A_477] {strides = array<i32>} : memref<4096xf32, #tpu.memory_space<vmem>>, vector<16xf32>,
      tpu.vector_store %arg14[%swap3A_477], %gather3A_476 {strides = array<i32>} : memref<4096xf32, #tpu.memory_space<vmem>>, vector<16xf32>,
      %mul3A_479 = arith.constant 256 : i32
      %mul3A_480 = arith.muli %scan3A_371, %mul3A_479 : i32
      %add3A_481 = arith.constant 160 : i32
      %add3A_482 = arith.addi %mul3A_480, %add3A_481 : i32
      %add3A_483 = arith.constant 0 : i32
      %add3A_484 = arith.addi %add3A_483, %add3A_482 : i32
      %get3A_485 = arith.index_cast %add3A_484 : i32 to index
      %get3A_486 = tpu.vector_load %arg12[%get3A_485] {strides = array<i32>} : memref<16384xi32, #tpu.memory_space<vmem>>, vector<16xi32>,
      %gather3A_487 = tpu.vector_load_idx %arg13[%get3A_486] : memref<100096xf32, #tpu.memory_space<vmem>>[vector<16xi32>], vector<16xf32>,
      %swap3A_488 = arith.index_cast %add3A_482 : i32 to index
      %swap3A_489 = tpu.vector_load %arg14[%swap3A_488] {strides = array<i32>} : memref<4096xf32, #tpu.memory_space<vmem>>, vector<16xf32>,
      tpu.vector_store %arg14[%swap3A_488], %gather3A_487 {strides = array<i32>} : memref<4096xf32, #tpu.memory_space<vmem>>, vector<16xf32>,
      %mul3A_490 = arith.constant 256 : i32
      %mul3A_491 = arith.muli %scan3A_371, %mul3A_490 : i32
      %add3A_492 = arith.constant 176 : i32
      %add3A_493 = arith.addi %mul3A_491, %add3A_492 : i32
      %add3A_494 = arith.constant 0 : i32
      %add3A_495 = arith.addi %add3A_494, %add3A_493 : i32
      %get3A_496 = arith.index_cast %add3A_495 : i32 to index
      %get3A_497 = tpu.vector_load %arg12[%get3A_496] {strides = array<i32>} : memref<16384xi32, #tpu.memory_space<vmem>>, vector<16xi32>,
      %gather3A_498 = tpu.vector_load_idx %arg13[%get3A_497] : memref<100096xf32, #tpu.memory_space<vmem>>[vector<16xi32>], vector<16xf32>,
      %swap3A_499 = arith.index_cast %add3A_493 : i32 to index
      %swap3A_500 = tpu.vector_load %arg14[%swap3A_499] {strides = array<i32>} : memref<4096xf32, #tpu.memory_space<vmem>>, vector<16xf32>,
      tpu.vector_store %arg14[%swap3A_499], %gather3A_498 {strides = array<i32>} : memref<4096xf32, #tpu.memory_space<vmem>>, vector<16xf32>,
      %mul3A_501 = arith.constant 256 : i32
      %mul3A_502 = arith.muli %scan3A_371, %mul3A_501 : i32
      %add3A_503 = arith.constant 192 : i32
      %add3A_504 = arith.addi %mul3A_502, %add3A_503 : i32
      %add3A_505 = arith.constant 0 : i32
      %add3A_506 = arith.addi %add3A_505, %add3A_504 : i32
      %get3A_507 = arith.index_cast %add3A_506 : i32 to index
      %get3A_508 = tpu.vector_load %arg12[%get3A_507] {strides = array<i32>} : memref<16384xi32, #tpu.memory_space<vmem>>, vector<16xi32>,
      %gather3A_509 = tpu.vector_load_idx %arg13[%get3A_508] : memref<100096xf32, #tpu.memory_space<vmem>>[vector<16xi32>], vector<16xf32>,
      %swap3A_510 = arith.index_cast %add3A_504 : i32 to index
      %swap3A_511 = tpu.vector_load %arg14[%swap3A_510] {strides = array<i32>} : memref<4096xf32, #tpu.memory_space<vmem>>, vector<16xf32>,
      tpu.vector_store %arg14[%swap3A_510], %gather3A_509 {strides = array<i32>} : memref<4096xf32, #tpu.memory_space<vmem>>, vector<16xf32>,
      %mul3A_512 = arith.constant 256 : i32
      %mul3A_513 = arith.muli %scan3A_371, %mul3A_512 : i32
      %add3A_514 = arith.constant 208 : i32
      %add3A_515 = arith.addi %mul3A_513, %add3A_514 : i32
      %add3A_516 = arith.constant 0 : i32
      %add3A_517 = arith.addi %add3A_516, %add3A_515 : i32
      %get3A_518 = arith.index_cast %add3A_517 : i32 to index
      %get3A_519 = tpu.vector_load %arg12[%get3A_518] {strides = array<i32>} : memref<16384xi32, #tpu.memory_space<vmem>>, vector<16xi32>,
      %gather3A_520 = tpu.vector_load_idx %arg13[%get3A_519] : memref<100096xf32, #tpu.memory_space<vmem>>[vector<16xi32>], vector<16xf32>,
      %swap3A_521 = arith.index_cast %add3A_515 : i32 to index
      %swap3A_522 = tpu.vector_load %arg14[%swap3A_521] {strides = array<i32>} : memref<4096xf32, #tpu.memory_space<vmem>>, vector<16xf32>,
      tpu.vector_store %arg14[%swap3A_521], %gather3A_520 {strides = array<i32>} : memref<4096xf32, #tpu.memory_space<vmem>>, vector<16xf32>,
      %mul3A_523 = arith.constant 256 : i32
      %mul3A_524 = arith.muli %scan3A_371, %mul3A_523 : i32
      %add3A_525 = arith.constant 224 : i32
      %add3A_526 = arith.addi %mul3A_524, %add3A_525 : i32
      %add3A_527 = arith.constant 0 : i32
      %add3A_528 = arith.addi %add3A_527, %add3A_526 : i32
      %get3A_529 = arith.index_cast %add3A_528 : i32 to index
      %get3A_530 = tpu.vector_load %arg12[%get3A_529] {strides = array<i32>} : memref<16384xi32, #tpu.memory_space<vmem>>, vector<16xi32>,
      %gather3A_531 = tpu.vector_load_idx %arg13[%get3A_530] : memref<100096xf32, #tpu.memory_space<vmem>>[vector<16xi32>], vector<16xf32>,
      %swap3A_532 = arith.index_cast %add3A_526 : i32 to index
      %swap3A_533 = tpu.vector_load %arg14[%swap3A_532] {strides = array<i32>} : memref<4096xf32, #tpu.memory_space<vmem>>, vector<16xf32>,
      tpu.vector_store %arg14[%swap3A_532], %gather3A_531 {strides = array<i32>} : memref<4096xf32, #tpu.memory_space<vmem>>, vector<16xf32>,
      %mul3A_534 = arith.constant 256 : i32
      %mul3A_535 = arith.muli %scan3A_371, %mul3A_534 : i32
      %add3A_536 = arith.constant 240 : i32
      %add3A_537 = arith.addi %mul3A_535, %add3A_536 : i32
      %add3A_538 = arith.constant 0 : i32
      %add3A_539 = arith.addi %add3A_538, %add3A_537 : i32
      %get3A_540 = arith.index_cast %add3A_539 : i32 to index
      %get3A_541 = tpu.vector_load %arg12[%get3A_540] {strides = array<i32>} : memref<16384xi32, #tpu.memory_space<vmem>>, vector<16xi32>,
      %gather3A_542 = tpu.vector_load_idx %arg13[%get3A_541] : memref<100096xf32, #tpu.memory_space<vmem>>[vector<16xi32>], vector<16xf32>,
      %swap3A_543 = arith.index_cast %add3A_537 : i32 to index
      %swap3A_544 = tpu.vector_load %arg14[%swap3A_543] {strides = array<i32>} : memref<4096xf32, #tpu.memory_space<vmem>>, vector<16xf32>,
      tpu.vector_store %arg14[%swap3A_543], %gather3A_542 {strides = array<i32>} : memref<4096xf32, #tpu.memory_space<vmem>>, vector<16xf32>,
    }
    %scan3A_107 = arith.constant 16 : i32
    %dma_start3A_108 = arith.constant 0 : i32
    %dma_start3A_109 = tpu.memref_slice %arg11[%add3A_4, %dma_start3A_108] : memref<76x16384xf32, #tpu.memory_space<hbm>> -> memref<1x4096xf32, #tpu.memory_space<hbm>>
    %dma_start3A_110 = tpu.memref_squeeze %dma_start3A_109 : memref<1x4096xf32, #tpu.memory_space<hbm>> -> memref<4096xf32, #tpu.memory_space<hbm>>
    %dma_start3A_111 = arith.constant 0 : i32
    %dma_start3A_112 = tpu.memref_slice %arg11[%add3A_4, %dma_start3A_111] : memref<76x16384xf32, #tpu.memory_space<hbm>> -> memref<1x4096xf32, #tpu.memory_space<hbm>>
    %dma_start3A_113 = tpu.memref_squeeze %dma_start3A_112 : memref<1x4096xf32, #tpu.memory_space<hbm>> -> memref<4096xf32, #tpu.memory_space<hbm>>
    tpu.enqueue_dma source(%arg14 : memref<4096xf32, #tpu.memory_space<vmem>>) target(%dma_start3A_113 : memref<4096xf32, #tpu.memory_space<hbm>>) target_semaphore(%arg18 : memref<!tpu.dma_semaphore, #tpu.memory_space<semaphore_mem>>)
    %scan3A_114 = arith.constant 0 : i32
    %scan3A_115 = arith.constant 0 : i32
    %scan3A_116 = arith.constant 16 : i32
    %scan3A_117 = arith.addi %scan3A_115, %scan3A_116 : i32
    %scan3A_118 = arith.constant 1 : i32
    scf.for %scan3A_371 = %scan3A_115 to %scan3A_117 step %scan3A_118  : i32 {
      %mul3A_372 = arith.constant 256 : i32
      %mul3A_373 = arith.muli %scan3A_371, %mul3A_372 : i32
      %add3A_374 = arith.constant 0 : i32
      %add3A_375 = arith.addi %mul3A_373, %add3A_374 : i32
      %add3A_376 = arith.constant 4096 : i32
      %add3A_377 = arith.addi %add3A_376, %add3A_375 : i32
      %get3A = arith.index_cast %add3A_377 : i32 to index
      %get3A_378 = tpu.vector_load %arg12[%get3A] {strides = array<i32>} : memref<16384xi32, #tpu.memory_space<vmem>>, vector<16xi32>,
      %gather3A = tpu.vector_load_idx %arg13[%get3A_378] : memref<100096xf32, #tpu.memory_space<vmem>>[vector<16xi32>], vector<16xf32>,
      %swap3A = arith.index_cast %add3A_375 : i32 to index
      %swap3A_379 = tpu.vector_load %arg15[%swap3A] {strides = array<i32>} : memref<4096xf32, #tpu.memory_space<vmem>>, vector<16xf32>,
      tpu.vector_store %arg15[%swap3A], %gather3A {strides = array<i32>} : memref<4096xf32, #tpu.memory_space<vmem>>, vector<16xf32>,
      %mul3A_380 = arith.constant 256 : i32
      %mul3A_381 = arith.muli %scan3A_371, %mul3A_380 : i32
      %add3A_382 = arith.constant 16 : i32
      %add3A_383 = arith.addi %mul3A_381, %add3A_382 : i32
      %add3A_384 = arith.constant 4096 : i32
      %add3A_385 = arith.addi %add3A_384, %add3A_383 : i32
      %get3A_386 = arith.index_cast %add3A_385 : i32 to index
      %get3A_387 = tpu.vector_load %arg12[%get3A_386] {strides = array<i32>} : memref<16384xi32, #tpu.memory_space<vmem>>, vector<16xi32>,
      %gather3A_388 = tpu.vector_load_idx %arg13[%get3A_387] : memref<100096xf32, #tpu.memory_space<vmem>>[vector<16xi32>], vector<16xf32>,
      %swap3A_389 = arith.index_cast %add3A_383 : i32 to index
      %swap3A_390 = tpu.vector_load %arg15[%swap3A_389] {strides = array<i32>} : memref<4096xf32, #tpu.memory_space<vmem>>, vector<16xf32>,
      tpu.vector_store %arg15[%swap3A_389], %gather3A_388 {strides = array<i32>} : memref<4096xf32, #tpu.memory_space<vmem>>, vector<16xf32>,
      %mul3A_391 = arith.constant 256 : i32
      %mul3A_392 = arith.muli %scan3A_371, %mul3A_391 : i32
      %add3A_393 = arith.constant 32 : i32
      %add3A_394 = arith.addi %mul3A_392, %add3A_393 : i32
      %add3A_395 = arith.constant 4096 : i32
      %add3A_396 = arith.addi %add3A_395, %add3A_394 : i32
      %get3A_397 = arith.index_cast %add3A_396 : i32 to index
      %get3A_398 = tpu.vector_load %arg12[%get3A_397] {strides = array<i32>} : memref<16384xi32, #tpu.memory_space<vmem>>, vector<16xi32>,
      %gather3A_399 = tpu.vector_load_idx %arg13[%get3A_398] : memref<100096xf32, #tpu.memory_space<vmem>>[vector<16xi32>], vector<16xf32>,
      %swap3A_400 = arith.index_cast %add3A_394 : i32 to index
      %swap3A_401 = tpu.vector_load %arg15[%swap3A_400] {strides = array<i32>} : memref<4096xf32, #tpu.memory_space<vmem>>, vector<16xf32>,
      tpu.vector_store %arg15[%swap3A_400], %gather3A_399 {strides = array<i32>} : memref<4096xf32, #tpu.memory_space<vmem>>, vector<16xf32>,
      %mul3A_402 = arith.constant 256 : i32
      %mul3A_403 = arith.muli %scan3A_371, %mul3A_402 : i32
      %add3A_404 = arith.constant 48 : i32
      %add3A_405 = arith.addi %mul3A_403, %add3A_404 : i32
      %add3A_406 = arith.constant 4096 : i32
      %add3A_407 = arith.addi %add3A_406, %add3A_405 : i32
      %get3A_408 = arith.index_cast %add3A_407 : i32 to index
      %get3A_409 = tpu.vector_load %arg12[%get3A_408] {strides = array<i32>} : memref<16384xi32, #tpu.memory_space<vmem>>, vector<16xi32>,
      %gather3A_410 = tpu.vector_load_idx %arg13[%get3A_409] : memref<100096xf32, #tpu.memory_space<vmem>>[vector<16xi32>], vector<16xf32>,
      %swap3A_411 = arith.index_cast %add3A_405 : i32 to index
      %swap3A_412 = tpu.vector_load %arg15[%swap3A_411] {strides = array<i32>} : memref<4096xf32, #tpu.memory_space<vmem>>, vector<16xf32>,
      tpu.vector_store %arg15[%swap3A_411], %gather3A_410 {strides = array<i32>} : memref<4096xf32, #tpu.memory_space<vmem>>, vector<16xf32>,
      %mul3A_413 = arith.constant 256 : i32
      %mul3A_414 = arith.muli %scan3A_371, %mul3A_413 : i32
      %add3A_415 = arith.constant 64 : i32
      %add3A_416 = arith.addi %mul3A_414, %add3A_415 : i32
      %add3A_417 = arith.constant 4096 : i32
      %add3A_418 = arith.addi %add3A_417, %add3A_416 : i32
      %get3A_419 = arith.index_cast %add3A_418 : i32 to index
      %get3A_420 = tpu.vector_load %arg12[%get3A_419] {strides = array<i32>} : memref<16384xi32, #tpu.memory_space<vmem>>, vector<16xi32>,
      %gather3A_421 = tpu.vector_load_idx %arg13[%get3A_420] : memref<100096xf32, #tpu.memory_space<vmem>>[vector<16xi32>], vector<16xf32>,
      %swap3A_422 = arith.index_cast %add3A_416 : i32 to index
      %swap3A_423 = tpu.vector_load %arg15[%swap3A_422] {strides = array<i32>} : memref<4096xf32, #tpu.memory_space<vmem>>, vector<16xf32>,
      tpu.vector_store %arg15[%swap3A_422], %gather3A_421 {strides = array<i32>} : memref<4096xf32, #tpu.memory_space<vmem>>, vector<16xf32>,
      %mul3A_424 = arith.constant 256 : i32
      %mul3A_425 = arith.muli %scan3A_371, %mul3A_424 : i32
      %add3A_426 = arith.constant 80 : i32
      %add3A_427 = arith.addi %mul3A_425, %add3A_426 : i32
      %add3A_428 = arith.constant 4096 : i32
      %add3A_429 = arith.addi %add3A_428, %add3A_427 : i32
      %get3A_430 = arith.index_cast %add3A_429 : i32 to index
      %get3A_431 = tpu.vector_load %arg12[%get3A_430] {strides = array<i32>} : memref<16384xi32, #tpu.memory_space<vmem>>, vector<16xi32>,
      %gather3A_432 = tpu.vector_load_idx %arg13[%get3A_431] : memref<100096xf32, #tpu.memory_space<vmem>>[vector<16xi32>], vector<16xf32>,
      %swap3A_433 = arith.index_cast %add3A_427 : i32 to index
      %swap3A_434 = tpu.vector_load %arg15[%swap3A_433] {strides = array<i32>} : memref<4096xf32, #tpu.memory_space<vmem>>, vector<16xf32>,
      tpu.vector_store %arg15[%swap3A_433], %gather3A_432 {strides = array<i32>} : memref<4096xf32, #tpu.memory_space<vmem>>, vector<16xf32>,
      %mul3A_435 = arith.constant 256 : i32
      %mul3A_436 = arith.muli %scan3A_371, %mul3A_435 : i32
      %add3A_437 = arith.constant 96 : i32
      %add3A_438 = arith.addi %mul3A_436, %add3A_437 : i32
      %add3A_439 = arith.constant 4096 : i32
      %add3A_440 = arith.addi %add3A_439, %add3A_438 : i32
      %get3A_441 = arith.index_cast %add3A_440 : i32 to index
      %get3A_442 = tpu.vector_load %arg12[%get3A_441] {strides = array<i32>} : memref<16384xi32, #tpu.memory_space<vmem>>, vector<16xi32>,
      %gather3A_443 = tpu.vector_load_idx %arg13[%get3A_442] : memref<100096xf32, #tpu.memory_space<vmem>>[vector<16xi32>], vector<16xf32>,
      %swap3A_444 = arith.index_cast %add3A_438 : i32 to index
      %swap3A_445 = tpu.vector_load %arg15[%swap3A_444] {strides = array<i32>} : memref<4096xf32, #tpu.memory_space<vmem>>, vector<16xf32>,
      tpu.vector_store %arg15[%swap3A_444], %gather3A_443 {strides = array<i32>} : memref<4096xf32, #tpu.memory_space<vmem>>, vector<16xf32>,
      %mul3A_446 = arith.constant 256 : i32
      %mul3A_447 = arith.muli %scan3A_371, %mul3A_446 : i32
      %add3A_448 = arith.constant 112 : i32
      %add3A_449 = arith.addi %mul3A_447, %add3A_448 : i32
      %add3A_450 = arith.constant 4096 : i32
      %add3A_451 = arith.addi %add3A_450, %add3A_449 : i32
      %get3A_452 = arith.index_cast %add3A_451 : i32 to index
      %get3A_453 = tpu.vector_load %arg12[%get3A_452] {strides = array<i32>} : memref<16384xi32, #tpu.memory_space<vmem>>, vector<16xi32>,
      %gather3A_454 = tpu.vector_load_idx %arg13[%get3A_453] : memref<100096xf32, #tpu.memory_space<vmem>>[vector<16xi32>], vector<16xf32>,
      %swap3A_455 = arith.index_cast %add3A_449 : i32 to index
      %swap3A_456 = tpu.vector_load %arg15[%swap3A_455] {strides = array<i32>} : memref<4096xf32, #tpu.memory_space<vmem>>, vector<16xf32>,
      tpu.vector_store %arg15[%swap3A_455], %gather3A_454 {strides = array<i32>} : memref<4096xf32, #tpu.memory_space<vmem>>, vector<16xf32>,
      %mul3A_457 = arith.constant 256 : i32
      %mul3A_458 = arith.muli %scan3A_371, %mul3A_457 : i32
      %add3A_459 = arith.constant 128 : i32
      %add3A_460 = arith.addi %mul3A_458, %add3A_459 : i32
      %add3A_461 = arith.constant 4096 : i32
      %add3A_462 = arith.addi %add3A_461, %add3A_460 : i32
      %get3A_463 = arith.index_cast %add3A_462 : i32 to index
      %get3A_464 = tpu.vector_load %arg12[%get3A_463] {strides = array<i32>} : memref<16384xi32, #tpu.memory_space<vmem>>, vector<16xi32>,
      %gather3A_465 = tpu.vector_load_idx %arg13[%get3A_464] : memref<100096xf32, #tpu.memory_space<vmem>>[vector<16xi32>], vector<16xf32>,
      %swap3A_466 = arith.index_cast %add3A_460 : i32 to index
      %swap3A_467 = tpu.vector_load %arg15[%swap3A_466] {strides = array<i32>} : memref<4096xf32, #tpu.memory_space<vmem>>, vector<16xf32>,
      tpu.vector_store %arg15[%swap3A_466], %gather3A_465 {strides = array<i32>} : memref<4096xf32, #tpu.memory_space<vmem>>, vector<16xf32>,
      %mul3A_468 = arith.constant 256 : i32
      %mul3A_469 = arith.muli %scan3A_371, %mul3A_468 : i32
      %add3A_470 = arith.constant 144 : i32
      %add3A_471 = arith.addi %mul3A_469, %add3A_470 : i32
      %add3A_472 = arith.constant 4096 : i32
      %add3A_473 = arith.addi %add3A_472, %add3A_471 : i32
      %get3A_474 = arith.index_cast %add3A_473 : i32 to index
      %get3A_475 = tpu.vector_load %arg12[%get3A_474] {strides = array<i32>} : memref<16384xi32, #tpu.memory_space<vmem>>, vector<16xi32>,
      %gather3A_476 = tpu.vector_load_idx %arg13[%get3A_475] : memref<100096xf32, #tpu.memory_space<vmem>>[vector<16xi32>], vector<16xf32>,
      %swap3A_477 = arith.index_cast %add3A_471 : i32 to index
      %swap3A_478 = tpu.vector_load %arg15[%swap3A_477] {strides = array<i32>} : memref<4096xf32, #tpu.memory_space<vmem>>, vector<16xf32>,
      tpu.vector_store %arg15[%swap3A_477], %gather3A_476 {strides = array<i32>} : memref<4096xf32, #tpu.memory_space<vmem>>, vector<16xf32>,
      %mul3A_479 = arith.constant 256 : i32
      %mul3A_480 = arith.muli %scan3A_371, %mul3A_479 : i32
      %add3A_481 = arith.constant 160 : i32
      %add3A_482 = arith.addi %mul3A_480, %add3A_481 : i32
      %add3A_483 = arith.constant 4096 : i32
      %add3A_484 = arith.addi %add3A_483, %add3A_482 : i32
      %get3A_485 = arith.index_cast %add3A_484 : i32 to index
      %get3A_486 = tpu.vector_load %arg12[%get3A_485] {strides = array<i32>} : memref<16384xi32, #tpu.memory_space<vmem>>, vector<16xi32>,
      %gather3A_487 = tpu.vector_load_idx %arg13[%get3A_486] : memref<100096xf32, #tpu.memory_space<vmem>>[vector<16xi32>], vector<16xf32>,
      %swap3A_488 = arith.index_cast %add3A_482 : i32 to index
      %swap3A_489 = tpu.vector_load %arg15[%swap3A_488] {strides = array<i32>} : memref<4096xf32, #tpu.memory_space<vmem>>, vector<16xf32>,
      tpu.vector_store %arg15[%swap3A_488], %gather3A_487 {strides = array<i32>} : memref<4096xf32, #tpu.memory_space<vmem>>, vector<16xf32>,
      %mul3A_490 = arith.constant 256 : i32
      %mul3A_491 = arith.muli %scan3A_371, %mul3A_490 : i32
      %add3A_492 = arith.constant 176 : i32
      %add3A_493 = arith.addi %mul3A_491, %add3A_492 : i32
      %add3A_494 = arith.constant 4096 : i32
      %add3A_495 = arith.addi %add3A_494, %add3A_493 : i32
      %get3A_496 = arith.index_cast %add3A_495 : i32 to index
      %get3A_497 = tpu.vector_load %arg12[%get3A_496] {strides = array<i32>} : memref<16384xi32, #tpu.memory_space<vmem>>, vector<16xi32>,
      %gather3A_498 = tpu.vector_load_idx %arg13[%get3A_497] : memref<100096xf32, #tpu.memory_space<vmem>>[vector<16xi32>], vector<16xf32>,
      %swap3A_499 = arith.index_cast %add3A_493 : i32 to index
      %swap3A_500 = tpu.vector_load %arg15[%swap3A_499] {strides = array<i32>} : memref<4096xf32, #tpu.memory_space<vmem>>, vector<16xf32>,
      tpu.vector_store %arg15[%swap3A_499], %gather3A_498 {strides = array<i32>} : memref<4096xf32, #tpu.memory_space<vmem>>, vector<16xf32>,
      %mul3A_501 = arith.constant 256 : i32
      %mul3A_502 = arith.muli %scan3A_371, %mul3A_501 : i32
      %add3A_503 = arith.constant 192 : i32
      %add3A_504 = arith.addi %mul3A_502, %add3A_503 : i32
      %add3A_505 = arith.constant 4096 : i32
      %add3A_506 = arith.addi %add3A_505, %add3A_504 : i32
      %get3A_507 = arith.index_cast %add3A_506 : i32 to index
      %get3A_508 = tpu.vector_load %arg12[%get3A_507] {strides = array<i32>} : memref<16384xi32, #tpu.memory_space<vmem>>, vector<16xi32>,
      %gather3A_509 = tpu.vector_load_idx %arg13[%get3A_508] : memref<100096xf32, #tpu.memory_space<vmem>>[vector<16xi32>], vector<16xf32>,
      %swap3A_510 = arith.index_cast %add3A_504 : i32 to index
      %swap3A_511 = tpu.vector_load %arg15[%swap3A_510] {strides = array<i32>} : memref<4096xf32, #tpu.memory_space<vmem>>, vector<16xf32>,
      tpu.vector_store %arg15[%swap3A_510], %gather3A_509 {strides = array<i32>} : memref<4096xf32, #tpu.memory_space<vmem>>, vector<16xf32>,
      %mul3A_512 = arith.constant 256 : i32
      %mul3A_513 = arith.muli %scan3A_371, %mul3A_512 : i32
      %add3A_514 = arith.constant 208 : i32
      %add3A_515 = arith.addi %mul3A_513, %add3A_514 : i32
      %add3A_516 = arith.constant 4096 : i32
      %add3A_517 = arith.addi %add3A_516, %add3A_515 : i32
      %get3A_518 = arith.index_cast %add3A_517 : i32 to index
      %get3A_519 = tpu.vector_load %arg12[%get3A_518] {strides = array<i32>} : memref<16384xi32, #tpu.memory_space<vmem>>, vector<16xi32>,
      %gather3A_520 = tpu.vector_load_idx %arg13[%get3A_519] : memref<100096xf32, #tpu.memory_space<vmem>>[vector<16xi32>], vector<16xf32>,
      %swap3A_521 = arith.index_cast %add3A_515 : i32 to index
      %swap3A_522 = tpu.vector_load %arg15[%swap3A_521] {strides = array<i32>} : memref<4096xf32, #tpu.memory_space<vmem>>, vector<16xf32>,
      tpu.vector_store %arg15[%swap3A_521], %gather3A_520 {strides = array<i32>} : memref<4096xf32, #tpu.memory_space<vmem>>, vector<16xf32>,
      %mul3A_523 = arith.constant 256 : i32
      %mul3A_524 = arith.muli %scan3A_371, %mul3A_523 : i32
      %add3A_525 = arith.constant 224 : i32
      %add3A_526 = arith.addi %mul3A_524, %add3A_525 : i32
      %add3A_527 = arith.constant 4096 : i32
      %add3A_528 = arith.addi %add3A_527, %add3A_526 : i32
      %get3A_529 = arith.index_cast %add3A_528 : i32 to index
      %get3A_530 = tpu.vector_load %arg12[%get3A_529] {strides = array<i32>} : memref<16384xi32, #tpu.memory_space<vmem>>, vector<16xi32>,
      %gather3A_531 = tpu.vector_load_idx %arg13[%get3A_530] : memref<100096xf32, #tpu.memory_space<vmem>>[vector<16xi32>], vector<16xf32>,
      %swap3A_532 = arith.index_cast %add3A_526 : i32 to index
      %swap3A_533 = tpu.vector_load %arg15[%swap3A_532] {strides = array<i32>} : memref<4096xf32, #tpu.memory_space<vmem>>, vector<16xf32>,
      tpu.vector_store %arg15[%swap3A_532], %gather3A_531 {strides = array<i32>} : memref<4096xf32, #tpu.memory_space<vmem>>, vector<16xf32>,
      %mul3A_534 = arith.constant 256 : i32
      %mul3A_535 = arith.muli %scan3A_371, %mul3A_534 : i32
      %add3A_536 = arith.constant 240 : i32
      %add3A_537 = arith.addi %mul3A_535, %add3A_536 : i32
      %add3A_538 = arith.constant 4096 : i32
      %add3A_539 = arith.addi %add3A_538, %add3A_537 : i32
      %get3A_540 = arith.index_cast %add3A_539 : i32 to index
      %get3A_541 = tpu.vector_load %arg12[%get3A_540] {strides = array<i32>} : memref<16384xi32, #tpu.memory_space<vmem>>, vector<16xi32>,
      %gather3A_542 = tpu.vector_load_idx %arg13[%get3A_541] : memref<100096xf32, #tpu.memory_space<vmem>>[vector<16xi32>], vector<16xf32>,
      %swap3A_543 = arith.index_cast %add3A_537 : i32 to index
      %swap3A_544 = tpu.vector_load %arg15[%swap3A_543] {strides = array<i32>} : memref<4096xf32, #tpu.memory_space<vmem>>, vector<16xf32>,
      tpu.vector_store %arg15[%swap3A_543], %gather3A_542 {strides = array<i32>} : memref<4096xf32, #tpu.memory_space<vmem>>, vector<16xf32>,
    }
    %scan3A_119 = arith.constant 16 : i32
    %dma_start3A_120 = arith.constant 4096 : i32
    %dma_start3A_121 = tpu.memref_slice %arg11[%add3A_4, %dma_start3A_120] : memref<76x16384xf32, #tpu.memory_space<hbm>> -> memref<1x4096xf32, #tpu.memory_space<hbm>>
    %dma_start3A_122 = tpu.memref_squeeze %dma_start3A_121 : memref<1x4096xf32, #tpu.memory_space<hbm>> -> memref<4096xf32, #tpu.memory_space<hbm>>
    %dma_start3A_123 = arith.constant 4096 : i32
    %dma_start3A_124 = tpu.memref_slice %arg11[%add3A_4, %dma_start3A_123] : memref<76x16384xf32, #tpu.memory_space<hbm>> -> memref<1x4096xf32, #tpu.memory_space<hbm>>
    %dma_start3A_125 = tpu.memref_squeeze %dma_start3A_124 : memref<1x4096xf32, #tpu.memory_space<hbm>> -> memref<4096xf32, #tpu.memory_space<hbm>>
    tpu.enqueue_dma source(%arg15 : memref<4096xf32, #tpu.memory_space<vmem>>) target(%dma_start3A_125 : memref<4096xf32, #tpu.memory_space<hbm>>) target_semaphore(%arg19 : memref<!tpu.dma_semaphore, #tpu.memory_space<semaphore_mem>>)
    %dma_wait3A_126 = arith.constant 0 : i32
    %dma_wait3A_127 = tpu.memref_slice %arg11[%add3A_4, %dma_wait3A_126] : memref<76x16384xf32, #tpu.memory_space<hbm>> -> memref<1x4096xf32, #tpu.memory_space<hbm>>
    %dma_wait3A_128 = tpu.memref_squeeze %dma_wait3A_127 : memref<1x4096xf32, #tpu.memory_space<hbm>> -> memref<4096xf32, #tpu.memory_space<hbm>>
    %dma_wait3A_129 = arith.constant 0 : i32
    %dma_wait3A_130 = tpu.memref_slice %arg11[%add3A_4, %dma_wait3A_129] : memref<76x16384xf32, #tpu.memory_space<hbm>> -> memref<1x4096xf32, #tpu.memory_space<hbm>>
    %dma_wait3A_131 = tpu.memref_squeeze %dma_wait3A_130 : memref<1x4096xf32, #tpu.memory_space<hbm>> -> memref<4096xf32, #tpu.memory_space<hbm>>
    tpu.wait_dma2 semaphore(%arg18 : memref<!tpu.dma_semaphore, #tpu.memory_space<semaphore_mem>>) src(%arg14 : memref<4096xf32, #tpu.memory_space<vmem>>) dst(%dma_wait3A_131 : memref<4096xf32, #tpu.memory_space<hbm>>)
    %scan3A_132 = arith.constant 0 : i32
    %scan3A_133 = arith.constant 0 : i32
    %scan3A_134 = arith.constant 16 : i32
    %scan3A_135 = arith.addi %scan3A_133, %scan3A_134 : i32
    %scan3A_136 = arith.constant 1 : i32
    scf.for %scan3A_371 = %scan3A_133 to %scan3A_135 step %scan3A_136  : i32 {
      %mul3A_372 = arith.constant 256 : i32
      %mul3A_373 = arith.muli %scan3A_371, %mul3A_372 : i32
      %add3A_374 = arith.constant 0 : i32
      %add3A_375 = arith.addi %mul3A_373, %add3A_374 : i32
      %add3A_376 = arith.constant 8192 : i32
      %add3A_377 = arith.addi %add3A_376, %add3A_375 : i32
      %get3A = arith.index_cast %add3A_377 : i32 to index
      %get3A_378 = tpu.vector_load %arg12[%get3A] {strides = array<i32>} : memref<16384xi32, #tpu.memory_space<vmem>>, vector<16xi32>,
      %gather3A = tpu.vector_load_idx %arg13[%get3A_378] : memref<100096xf32, #tpu.memory_space<vmem>>[vector<16xi32>], vector<16xf32>,
      %swap3A = arith.index_cast %add3A_375 : i32 to index
      %swap3A_379 = tpu.vector_load %arg14[%swap3A] {strides = array<i32>} : memref<4096xf32, #tpu.memory_space<vmem>>, vector<16xf32>,
      tpu.vector_store %arg14[%swap3A], %gather3A {strides = array<i32>} : memref<4096xf32, #tpu.memory_space<vmem>>, vector<16xf32>,
      %mul3A_380 = arith.constant 256 : i32
      %mul3A_381 = arith.muli %scan3A_371, %mul3A_380 : i32
      %add3A_382 = arith.constant 16 : i32
      %add3A_383 = arith.addi %mul3A_381, %add3A_382 : i32
      %add3A_384 = arith.constant 8192 : i32
      %add3A_385 = arith.addi %add3A_384, %add3A_383 : i32
      %get3A_386 = arith.index_cast %add3A_385 : i32 to index
      %get3A_387 = tpu.vector_load %arg12[%get3A_386] {strides = array<i32>} : memref<16384xi32, #tpu.memory_space<vmem>>, vector<16xi32>,
      %gather3A_388 = tpu.vector_load_idx %arg13[%get3A_387] : memref<100096xf32, #tpu.memory_space<vmem>>[vector<16xi32>], vector<16xf32>,
      %swap3A_389 = arith.index_cast %add3A_383 : i32 to index
      %swap3A_390 = tpu.vector_load %arg14[%swap3A_389] {strides = array<i32>} : memref<4096xf32, #tpu.memory_space<vmem>>, vector<16xf32>,
      tpu.vector_store %arg14[%swap3A_389], %gather3A_388 {strides = array<i32>} : memref<4096xf32, #tpu.memory_space<vmem>>, vector<16xf32>,
      %mul3A_391 = arith.constant 256 : i32
      %mul3A_392 = arith.muli %scan3A_371, %mul3A_391 : i32
      %add3A_393 = arith.constant 32 : i32
      %add3A_394 = arith.addi %mul3A_392, %add3A_393 : i32
      %add3A_395 = arith.constant 8192 : i32
      %add3A_396 = arith.addi %add3A_395, %add3A_394 : i32
      %get3A_397 = arith.index_cast %add3A_396 : i32 to index
      %get3A_398 = tpu.vector_load %arg12[%get3A_397] {strides = array<i32>} : memref<16384xi32, #tpu.memory_space<vmem>>, vector<16xi32>,
      %gather3A_399 = tpu.vector_load_idx %arg13[%get3A_398] : memref<100096xf32, #tpu.memory_space<vmem>>[vector<16xi32>], vector<16xf32>,
      %swap3A_400 = arith.index_cast %add3A_394 : i32 to index
      %swap3A_401 = tpu.vector_load %arg14[%swap3A_400] {strides = array<i32>} : memref<4096xf32, #tpu.memory_space<vmem>>, vector<16xf32>,
      tpu.vector_store %arg14[%swap3A_400], %gather3A_399 {strides = array<i32>} : memref<4096xf32, #tpu.memory_space<vmem>>, vector<16xf32>,
      %mul3A_402 = arith.constant 256 : i32
      %mul3A_403 = arith.muli %scan3A_371, %mul3A_402 : i32
      %add3A_404 = arith.constant 48 : i32
      %add3A_405 = arith.addi %mul3A_403, %add3A_404 : i32
      %add3A_406 = arith.constant 8192 : i32
      %add3A_407 = arith.addi %add3A_406, %add3A_405 : i32
      %get3A_408 = arith.index_cast %add3A_407 : i32 to index
      %get3A_409 = tpu.vector_load %arg12[%get3A_408] {strides = array<i32>} : memref<16384xi32, #tpu.memory_space<vmem>>, vector<16xi32>,
      %gather3A_410 = tpu.vector_load_idx %arg13[%get3A_409] : memref<100096xf32, #tpu.memory_space<vmem>>[vector<16xi32>], vector<16xf32>,
      %swap3A_411 = arith.index_cast %add3A_405 : i32 to index
      %swap3A_412 = tpu.vector_load %arg14[%swap3A_411] {strides = array<i32>} : memref<4096xf32, #tpu.memory_space<vmem>>, vector<16xf32>,
      tpu.vector_store %arg14[%swap3A_411], %gather3A_410 {strides = array<i32>} : memref<4096xf32, #tpu.memory_space<vmem>>, vector<16xf32>,
      %mul3A_413 = arith.constant 256 : i32
      %mul3A_414 = arith.muli %scan3A_371, %mul3A_413 : i32
      %add3A_415 = arith.constant 64 : i32
      %add3A_416 = arith.addi %mul3A_414, %add3A_415 : i32
      %add3A_417 = arith.constant 8192 : i32
      %add3A_418 = arith.addi %add3A_417, %add3A_416 : i32
      %get3A_419 = arith.index_cast %add3A_418 : i32 to index
      %get3A_420 = tpu.vector_load %arg12[%get3A_419] {strides = array<i32>} : memref<16384xi32, #tpu.memory_space<vmem>>, vector<16xi32>,
      %gather3A_421 = tpu.vector_load_idx %arg13[%get3A_420] : memref<100096xf32, #tpu.memory_space<vmem>>[vector<16xi32>], vector<16xf32>,
      %swap3A_422 = arith.index_cast %add3A_416 : i32 to index
      %swap3A_423 = tpu.vector_load %arg14[%swap3A_422] {strides = array<i32>} : memref<4096xf32, #tpu.memory_space<vmem>>, vector<16xf32>,
      tpu.vector_store %arg14[%swap3A_422], %gather3A_421 {strides = array<i32>} : memref<4096xf32, #tpu.memory_space<vmem>>, vector<16xf32>,
      %mul3A_424 = arith.constant 256 : i32
      %mul3A_425 = arith.muli %scan3A_371, %mul3A_424 : i32
      %add3A_426 = arith.constant 80 : i32
      %add3A_427 = arith.addi %mul3A_425, %add3A_426 : i32
      %add3A_428 = arith.constant 8192 : i32
      %add3A_429 = arith.addi %add3A_428, %add3A_427 : i32
      %get3A_430 = arith.index_cast %add3A_429 : i32 to index
      %get3A_431 = tpu.vector_load %arg12[%get3A_430] {strides = array<i32>} : memref<16384xi32, #tpu.memory_space<vmem>>, vector<16xi32>,
      %gather3A_432 = tpu.vector_load_idx %arg13[%get3A_431] : memref<100096xf32, #tpu.memory_space<vmem>>[vector<16xi32>], vector<16xf32>,
      %swap3A_433 = arith.index_cast %add3A_427 : i32 to index
      %swap3A_434 = tpu.vector_load %arg14[%swap3A_433] {strides = array<i32>} : memref<4096xf32, #tpu.memory_space<vmem>>, vector<16xf32>,
      tpu.vector_store %arg14[%swap3A_433], %gather3A_432 {strides = array<i32>} : memref<4096xf32, #tpu.memory_space<vmem>>, vector<16xf32>,
      %mul3A_435 = arith.constant 256 : i32
      %mul3A_436 = arith.muli %scan3A_371, %mul3A_435 : i32
      %add3A_437 = arith.constant 96 : i32
      %add3A_438 = arith.addi %mul3A_436, %add3A_437 : i32
      %add3A_439 = arith.constant 8192 : i32
      %add3A_440 = arith.addi %add3A_439, %add3A_438 : i32
      %get3A_441 = arith.index_cast %add3A_440 : i32 to index
      %get3A_442 = tpu.vector_load %arg12[%get3A_441] {strides = array<i32>} : memref<16384xi32, #tpu.memory_space<vmem>>, vector<16xi32>,
      %gather3A_443 = tpu.vector_load_idx %arg13[%get3A_442] : memref<100096xf32, #tpu.memory_space<vmem>>[vector<16xi32>], vector<16xf32>,
      %swap3A_444 = arith.index_cast %add3A_438 : i32 to index
      %swap3A_445 = tpu.vector_load %arg14[%swap3A_444] {strides = array<i32>} : memref<4096xf32, #tpu.memory_space<vmem>>, vector<16xf32>,
      tpu.vector_store %arg14[%swap3A_444], %gather3A_443 {strides = array<i32>} : memref<4096xf32, #tpu.memory_space<vmem>>, vector<16xf32>,
      %mul3A_446 = arith.constant 256 : i32
      %mul3A_447 = arith.muli %scan3A_371, %mul3A_446 : i32
      %add3A_448 = arith.constant 112 : i32
      %add3A_449 = arith.addi %mul3A_447, %add3A_448 : i32
      %add3A_450 = arith.constant 8192 : i32
      %add3A_451 = arith.addi %add3A_450, %add3A_449 : i32
      %get3A_452 = arith.index_cast %add3A_451 : i32 to index
      %get3A_453 = tpu.vector_load %arg12[%get3A_452] {strides = array<i32>} : memref<16384xi32, #tpu.memory_space<vmem>>, vector<16xi32>,
      %gather3A_454 = tpu.vector_load_idx %arg13[%get3A_453] : memref<100096xf32, #tpu.memory_space<vmem>>[vector<16xi32>], vector<16xf32>,
      %swap3A_455 = arith.index_cast %add3A_449 : i32 to index
      %swap3A_456 = tpu.vector_load %arg14[%swap3A_455] {strides = array<i32>} : memref<4096xf32, #tpu.memory_space<vmem>>, vector<16xf32>,
      tpu.vector_store %arg14[%swap3A_455], %gather3A_454 {strides = array<i32>} : memref<4096xf32, #tpu.memory_space<vmem>>, vector<16xf32>,
      %mul3A_457 = arith.constant 256 : i32
      %mul3A_458 = arith.muli %scan3A_371, %mul3A_457 : i32
      %add3A_459 = arith.constant 128 : i32
      %add3A_460 = arith.addi %mul3A_458, %add3A_459 : i32
      %add3A_461 = arith.constant 8192 : i32
      %add3A_462 = arith.addi %add3A_461, %add3A_460 : i32
      %get3A_463 = arith.index_cast %add3A_462 : i32 to index
      %get3A_464 = tpu.vector_load %arg12[%get3A_463] {strides = array<i32>} : memref<16384xi32, #tpu.memory_space<vmem>>, vector<16xi32>,
      %gather3A_465 = tpu.vector_load_idx %arg13[%get3A_464] : memref<100096xf32, #tpu.memory_space<vmem>>[vector<16xi32>], vector<16xf32>,
      %swap3A_466 = arith.index_cast %add3A_460 : i32 to index
      %swap3A_467 = tpu.vector_load %arg14[%swap3A_466] {strides = array<i32>} : memref<4096xf32, #tpu.memory_space<vmem>>, vector<16xf32>,
      tpu.vector_store %arg14[%swap3A_466], %gather3A_465 {strides = array<i32>} : memref<4096xf32, #tpu.memory_space<vmem>>, vector<16xf32>,
      %mul3A_468 = arith.constant 256 : i32
      %mul3A_469 = arith.muli %scan3A_371, %mul3A_468 : i32
      %add3A_470 = arith.constant 144 : i32
      %add3A_471 = arith.addi %mul3A_469, %add3A_470 : i32
      %add3A_472 = arith.constant 8192 : i32
      %add3A_473 = arith.addi %add3A_472, %add3A_471 : i32
      %get3A_474 = arith.index_cast %add3A_473 : i32 to index
      %get3A_475 = tpu.vector_load %arg12[%get3A_474] {strides = array<i32>} : memref<16384xi32, #tpu.memory_space<vmem>>, vector<16xi32>,
      %gather3A_476 = tpu.vector_load_idx %arg13[%get3A_475] : memref<100096xf32, #tpu.memory_space<vmem>>[vector<16xi32>], vector<16xf32>,
      %swap3A_477 = arith.index_cast %add3A_471 : i32 to index
      %swap3A_478 = tpu.vector_load %arg14[%swap3A_477] {strides = array<i32>} : memref<4096xf32, #tpu.memory_space<vmem>>, vector<16xf32>,
      tpu.vector_store %arg14[%swap3A_477], %gather3A_476 {strides = array<i32>} : memref<4096xf32, #tpu.memory_space<vmem>>, vector<16xf32>,
      %mul3A_479 = arith.constant 256 : i32
      %mul3A_480 = arith.muli %scan3A_371, %mul3A_479 : i32
      %add3A_481 = arith.constant 160 : i32
      %add3A_482 = arith.addi %mul3A_480, %add3A_481 : i32
      %add3A_483 = arith.constant 8192 : i32
      %add3A_484 = arith.addi %add3A_483, %add3A_482 : i32
      %get3A_485 = arith.index_cast %add3A_484 : i32 to index
      %get3A_486 = tpu.vector_load %arg12[%get3A_485] {strides = array<i32>} : memref<16384xi32, #tpu.memory_space<vmem>>, vector<16xi32>,
      %gather3A_487 = tpu.vector_load_idx %arg13[%get3A_486] : memref<100096xf32, #tpu.memory_space<vmem>>[vector<16xi32>], vector<16xf32>,
      %swap3A_488 = arith.index_cast %add3A_482 : i32 to index
      %swap3A_489 = tpu.vector_load %arg14[%swap3A_488] {strides = array<i32>} : memref<4096xf32, #tpu.memory_space<vmem>>, vector<16xf32>,
      tpu.vector_store %arg14[%swap3A_488], %gather3A_487 {strides = array<i32>} : memref<4096xf32, #tpu.memory_space<vmem>>, vector<16xf32>,
      %mul3A_490 = arith.constant 256 : i32
      %mul3A_491 = arith.muli %scan3A_371, %mul3A_490 : i32
      %add3A_492 = arith.constant 176 : i32
      %add3A_493 = arith.addi %mul3A_491, %add3A_492 : i32
      %add3A_494 = arith.constant 8192 : i32
      %add3A_495 = arith.addi %add3A_494, %add3A_493 : i32
      %get3A_496 = arith.index_cast %add3A_495 : i32 to index
      %get3A_497 = tpu.vector_load %arg12[%get3A_496] {strides = array<i32>} : memref<16384xi32, #tpu.memory_space<vmem>>, vector<16xi32>,
      %gather3A_498 = tpu.vector_load_idx %arg13[%get3A_497] : memref<100096xf32, #tpu.memory_space<vmem>>[vector<16xi32>], vector<16xf32>,
      %swap3A_499 = arith.index_cast %add3A_493 : i32 to index
      %swap3A_500 = tpu.vector_load %arg14[%swap3A_499] {strides = array<i32>} : memref<4096xf32, #tpu.memory_space<vmem>>, vector<16xf32>,
      tpu.vector_store %arg14[%swap3A_499], %gather3A_498 {strides = array<i32>} : memref<4096xf32, #tpu.memory_space<vmem>>, vector<16xf32>,
      %mul3A_501 = arith.constant 256 : i32
      %mul3A_502 = arith.muli %scan3A_371, %mul3A_501 : i32
      %add3A_503 = arith.constant 192 : i32
      %add3A_504 = arith.addi %mul3A_502, %add3A_503 : i32
      %add3A_505 = arith.constant 8192 : i32
      %add3A_506 = arith.addi %add3A_505, %add3A_504 : i32
      %get3A_507 = arith.index_cast %add3A_506 : i32 to index
      %get3A_508 = tpu.vector_load %arg12[%get3A_507] {strides = array<i32>} : memref<16384xi32, #tpu.memory_space<vmem>>, vector<16xi32>,
      %gather3A_509 = tpu.vector_load_idx %arg13[%get3A_508] : memref<100096xf32, #tpu.memory_space<vmem>>[vector<16xi32>], vector<16xf32>,
      %swap3A_510 = arith.index_cast %add3A_504 : i32 to index
      %swap3A_511 = tpu.vector_load %arg14[%swap3A_510] {strides = array<i32>} : memref<4096xf32, #tpu.memory_space<vmem>>, vector<16xf32>,
      tpu.vector_store %arg14[%swap3A_510], %gather3A_509 {strides = array<i32>} : memref<4096xf32, #tpu.memory_space<vmem>>, vector<16xf32>,
      %mul3A_512 = arith.constant 256 : i32
      %mul3A_513 = arith.muli %scan3A_371, %mul3A_512 : i32
      %add3A_514 = arith.constant 208 : i32
      %add3A_515 = arith.addi %mul3A_513, %add3A_514 : i32
      %add3A_516 = arith.constant 8192 : i32
      %add3A_517 = arith.addi %add3A_516, %add3A_515 : i32
      %get3A_518 = arith.index_cast %add3A_517 : i32 to index
      %get3A_519 = tpu.vector_load %arg12[%get3A_518] {strides = array<i32>} : memref<16384xi32, #tpu.memory_space<vmem>>, vector<16xi32>,
      %gather3A_520 = tpu.vector_load_idx %arg13[%get3A_519] : memref<100096xf32, #tpu.memory_space<vmem>>[vector<16xi32>], vector<16xf32>,
      %swap3A_521 = arith.index_cast %add3A_515 : i32 to index
      %swap3A_522 = tpu.vector_load %arg14[%swap3A_521] {strides = array<i32>} : memref<4096xf32, #tpu.memory_space<vmem>>, vector<16xf32>,
      tpu.vector_store %arg14[%swap3A_521], %gather3A_520 {strides = array<i32>} : memref<4096xf32, #tpu.memory_space<vmem>>, vector<16xf32>,
      %mul3A_523 = arith.constant 256 : i32
      %mul3A_524 = arith.muli %scan3A_371, %mul3A_523 : i32
      %add3A_525 = arith.constant 224 : i32
      %add3A_526 = arith.addi %mul3A_524, %add3A_525 : i32
      %add3A_527 = arith.constant 8192 : i32
      %add3A_528 = arith.addi %add3A_527, %add3A_526 : i32
      %get3A_529 = arith.index_cast %add3A_528 : i32 to index
      %get3A_530 = tpu.vector_load %arg12[%get3A_529] {strides = array<i32>} : memref<16384xi32, #tpu.memory_space<vmem>>, vector<16xi32>,
      %gather3A_531 = tpu.vector_load_idx %arg13[%get3A_530] : memref<100096xf32, #tpu.memory_space<vmem>>[vector<16xi32>], vector<16xf32>,
      %swap3A_532 = arith.index_cast %add3A_526 : i32 to index
      %swap3A_533 = tpu.vector_load %arg14[%swap3A_532] {strides = array<i32>} : memref<4096xf32, #tpu.memory_space<vmem>>, vector<16xf32>,
      tpu.vector_store %arg14[%swap3A_532], %gather3A_531 {strides = array<i32>} : memref<4096xf32, #tpu.memory_space<vmem>>, vector<16xf32>,
      %mul3A_534 = arith.constant 256 : i32
      %mul3A_535 = arith.muli %scan3A_371, %mul3A_534 : i32
      %add3A_536 = arith.constant 240 : i32
      %add3A_537 = arith.addi %mul3A_535, %add3A_536 : i32
      %add3A_538 = arith.constant 8192 : i32
      %add3A_539 = arith.addi %add3A_538, %add3A_537 : i32
      %get3A_540 = arith.index_cast %add3A_539 : i32 to index
      %get3A_541 = tpu.vector_load %arg12[%get3A_540] {strides = array<i32>} : memref<16384xi32, #tpu.memory_space<vmem>>, vector<16xi32>,
      %gather3A_542 = tpu.vector_load_idx %arg13[%get3A_541] : memref<100096xf32, #tpu.memory_space<vmem>>[vector<16xi32>], vector<16xf32>,
      %swap3A_543 = arith.index_cast %add3A_537 : i32 to index
      %swap3A_544 = tpu.vector_load %arg14[%swap3A_543] {strides = array<i32>} : memref<4096xf32, #tpu.memory_space<vmem>>, vector<16xf32>,
      tpu.vector_store %arg14[%swap3A_543], %gather3A_542 {strides = array<i32>} : memref<4096xf32, #tpu.memory_space<vmem>>, vector<16xf32>,
    }
    %scan3A_137 = arith.constant 16 : i32
    %dma_start3A_138 = arith.constant 8192 : i32
    %dma_start3A_139 = tpu.memref_slice %arg11[%add3A_4, %dma_start3A_138] : memref<76x16384xf32, #tpu.memory_space<hbm>> -> memref<1x4096xf32, #tpu.memory_space<hbm>>
    %dma_start3A_140 = tpu.memref_squeeze %dma_start3A_139 : memref<1x4096xf32, #tpu.memory_space<hbm>> -> memref<4096xf32, #tpu.memory_space<hbm>>
    %dma_start3A_141 = arith.constant 8192 : i32
    %dma_start3A_142 = tpu.memref_slice %arg11[%add3A_4, %dma_start3A_141] : memref<76x16384xf32, #tpu.memory_space<hbm>> -> memref<1x4096xf32, #tpu.memory_space<hbm>>
    %dma_start3A_143 = tpu.memref_squeeze %dma_start3A_142 : memref<1x4096xf32, #tpu.memory_space<hbm>> -> memref<4096xf32, #tpu.memory_space<hbm>>
    tpu.enqueue_dma source(%arg14 : memref<4096xf32, #tpu.memory_space<vmem>>) target(%dma_start3A_143 : memref<4096xf32, #tpu.memory_space<hbm>>) target_semaphore(%arg18 : memref<!tpu.dma_semaphore, #tpu.memory_space<semaphore_mem>>)
    %dma_wait3A_144 = arith.constant 4096 : i32
    %dma_wait3A_145 = tpu.memref_slice %arg11[%add3A_4, %dma_wait3A_144] : memref<76x16384xf32, #tpu.memory_space<hbm>> -> memref<1x4096xf32, #tpu.memory_space<hbm>>
    %dma_wait3A_146 = tpu.memref_squeeze %dma_wait3A_145 : memref<1x4096xf32, #tpu.memory_space<hbm>> -> memref<4096xf32, #tpu.memory_space<hbm>>
    %dma_wait3A_147 = arith.constant 4096 : i32
    %dma_wait3A_148 = tpu.memref_slice %arg11[%add3A_4, %dma_wait3A_147] : memref<76x16384xf32, #tpu.memory_space<hbm>> -> memref<1x4096xf32, #tpu.memory_space<hbm>>
    %dma_wait3A_149 = tpu.memref_squeeze %dma_wait3A_148 : memref<1x4096xf32, #tpu.memory_space<hbm>> -> memref<4096xf32, #tpu.memory_space<hbm>>
    tpu.wait_dma2 semaphore(%arg19 : memref<!tpu.dma_semaphore, #tpu.memory_space<semaphore_mem>>) src(%arg15 : memref<4096xf32, #tpu.memory_space<vmem>>) dst(%dma_wait3A_149 : memref<4096xf32, #tpu.memory_space<hbm>>)
    %scan3A_150 = arith.constant 0 : i32
    %scan3A_151 = arith.constant 0 : i32
    %scan3A_152 = arith.constant 16 : i32
    %scan3A_153 = arith.addi %scan3A_151, %scan3A_152 : i32
    %scan3A_154 = arith.constant 1 : i32
    scf.for %scan3A_371 = %scan3A_151 to %scan3A_153 step %scan3A_154  : i32 {
      %mul3A_372 = arith.constant 256 : i32
      %mul3A_373 = arith.muli %scan3A_371, %mul3A_372 : i32
      %add3A_374 = arith.constant 0 : i32
      %add3A_375 = arith.addi %mul3A_373, %add3A_374 : i32
      %add3A_376 = arith.constant 12288 : i32
      %add3A_377 = arith.addi %add3A_376, %add3A_375 : i32
      %get3A = arith.index_cast %add3A_377 : i32 to index
      %get3A_378 = tpu.vector_load %arg12[%get3A] {strides = array<i32>} : memref<16384xi32, #tpu.memory_space<vmem>>, vector<16xi32>,
      %gather3A = tpu.vector_load_idx %arg13[%get3A_378] : memref<100096xf32, #tpu.memory_space<vmem>>[vector<16xi32>], vector<16xf32>,
      %swap3A = arith.index_cast %add3A_375 : i32 to index
      %swap3A_379 = tpu.vector_load %arg15[%swap3A] {strides = array<i32>} : memref<4096xf32, #tpu.memory_space<vmem>>, vector<16xf32>,
      tpu.vector_store %arg15[%swap3A], %gather3A {strides = array<i32>} : memref<4096xf32, #tpu.memory_space<vmem>>, vector<16xf32>,
      %mul3A_380 = arith.constant 256 : i32
      %mul3A_381 = arith.muli %scan3A_371, %mul3A_380 : i32
      %add3A_382 = arith.constant 16 : i32
      %add3A_383 = arith.addi %mul3A_381, %add3A_382 : i32
      %add3A_384 = arith.constant 12288 : i32
      %add3A_385 = arith.addi %add3A_384, %add3A_383 : i32
      %get3A_386 = arith.index_cast %add3A_385 : i32 to index
      %get3A_387 = tpu.vector_load %arg12[%get3A_386] {strides = array<i32>} : memref<16384xi32, #tpu.memory_space<vmem>>, vector<16xi32>,
      %gather3A_388 = tpu.vector_load_idx %arg13[%get3A_387] : memref<100096xf32, #tpu.memory_space<vmem>>[vector<16xi32>], vector<16xf32>,
      %swap3A_389 = arith.index_cast %add3A_383 : i32 to index
      %swap3A_390 = tpu.vector_load %arg15[%swap3A_389] {strides = array<i32>} : memref<4096xf32, #tpu.memory_space<vmem>>, vector<16xf32>,
      tpu.vector_store %arg15[%swap3A_389], %gather3A_388 {strides = array<i32>} : memref<4096xf32, #tpu.memory_space<vmem>>, vector<16xf32>,
      %mul3A_391 = arith.constant 256 : i32
      %mul3A_392 = arith.muli %scan3A_371, %mul3A_391 : i32
      %add3A_393 = arith.constant 32 : i32
      %add3A_394 = arith.addi %mul3A_392, %add3A_393 : i32
      %add3A_395 = arith.constant 12288 : i32
      %add3A_396 = arith.addi %add3A_395, %add3A_394 : i32
      %get3A_397 = arith.index_cast %add3A_396 : i32 to index
      %get3A_398 = tpu.vector_load %arg12[%get3A_397] {strides = array<i32>} : memref<16384xi32, #tpu.memory_space<vmem>>, vector<16xi32>,
      %gather3A_399 = tpu.vector_load_idx %arg13[%get3A_398] : memref<100096xf32, #tpu.memory_space<vmem>>[vector<16xi32>], vector<16xf32>,
      %swap3A_400 = arith.index_cast %add3A_394 : i32 to index
      %swap3A_401 = tpu.vector_load %arg15[%swap3A_400] {strides = array<i32>} : memref<4096xf32, #tpu.memory_space<vmem>>, vector<16xf32>,
      tpu.vector_store %arg15[%swap3A_400], %gather3A_399 {strides = array<i32>} : memref<4096xf32, #tpu.memory_space<vmem>>, vector<16xf32>,
      %mul3A_402 = arith.constant 256 : i32
      %mul3A_403 = arith.muli %scan3A_371, %mul3A_402 : i32
      %add3A_404 = arith.constant 48 : i32
      %add3A_405 = arith.addi %mul3A_403, %add3A_404 : i32
      %add3A_406 = arith.constant 12288 : i32
      %add3A_407 = arith.addi %add3A_406, %add3A_405 : i32
      %get3A_408 = arith.index_cast %add3A_407 : i32 to index
      %get3A_409 = tpu.vector_load %arg12[%get3A_408] {strides = array<i32>} : memref<16384xi32, #tpu.memory_space<vmem>>, vector<16xi32>,
      %gather3A_410 = tpu.vector_load_idx %arg13[%get3A_409] : memref<100096xf32, #tpu.memory_space<vmem>>[vector<16xi32>], vector<16xf32>,
      %swap3A_411 = arith.index_cast %add3A_405 : i32 to index
      %swap3A_412 = tpu.vector_load %arg15[%swap3A_411] {strides = array<i32>} : memref<4096xf32, #tpu.memory_space<vmem>>, vector<16xf32>,
      tpu.vector_store %arg15[%swap3A_411], %gather3A_410 {strides = array<i32>} : memref<4096xf32, #tpu.memory_space<vmem>>, vector<16xf32>,
      %mul3A_413 = arith.constant 256 : i32
      %mul3A_414 = arith.muli %scan3A_371, %mul3A_413 : i32
      %add3A_415 = arith.constant 64 : i32
      %add3A_416 = arith.addi %mul3A_414, %add3A_415 : i32
      %add3A_417 = arith.constant 12288 : i32
      %add3A_418 = arith.addi %add3A_417, %add3A_416 : i32
      %get3A_419 = arith.index_cast %add3A_418 : i32 to index
      %get3A_420 = tpu.vector_load %arg12[%get3A_419] {strides = array<i32>} : memref<16384xi32, #tpu.memory_space<vmem>>, vector<16xi32>,
      %gather3A_421 = tpu.vector_load_idx %arg13[%get3A_420] : memref<100096xf32, #tpu.memory_space<vmem>>[vector<16xi32>], vector<16xf32>,
      %swap3A_422 = arith.index_cast %add3A_416 : i32 to index
      %swap3A_423 = tpu.vector_load %arg15[%swap3A_422] {strides = array<i32>} : memref<4096xf32, #tpu.memory_space<vmem>>, vector<16xf32>,
      tpu.vector_store %arg15[%swap3A_422], %gather3A_421 {strides = array<i32>} : memref<4096xf32, #tpu.memory_space<vmem>>, vector<16xf32>,
      %mul3A_424 = arith.constant 256 : i32
      %mul3A_425 = arith.muli %scan3A_371, %mul3A_424 : i32
      %add3A_426 = arith.constant 80 : i32
      %add3A_427 = arith.addi %mul3A_425, %add3A_426 : i32
      %add3A_428 = arith.constant 12288 : i32
      %add3A_429 = arith.addi %add3A_428, %add3A_427 : i32
      %get3A_430 = arith.index_cast %add3A_429 : i32 to index
      %get3A_431 = tpu.vector_load %arg12[%get3A_430] {strides = array<i32>} : memref<16384xi32, #tpu.memory_space<vmem>>, vector<16xi32>,
      %gather3A_432 = tpu.vector_load_idx %arg13[%get3A_431] : memref<100096xf32, #tpu.memory_space<vmem>>[vector<16xi32>], vector<16xf32>,
      %swap3A_433 = arith.index_cast %add3A_427 : i32 to index
      %swap3A_434 = tpu.vector_load %arg15[%swap3A_433] {strides = array<i32>} : memref<4096xf32, #tpu.memory_space<vmem>>, vector<16xf32>,
      tpu.vector_store %arg15[%swap3A_433], %gather3A_432 {strides = array<i32>} : memref<4096xf32, #tpu.memory_space<vmem>>, vector<16xf32>,
      %mul3A_435 = arith.constant 256 : i32
      %mul3A_436 = arith.muli %scan3A_371, %mul3A_435 : i32
      %add3A_437 = arith.constant 96 : i32
      %add3A_438 = arith.addi %mul3A_436, %add3A_437 : i32
      %add3A_439 = arith.constant 12288 : i32
      %add3A_440 = arith.addi %add3A_439, %add3A_438 : i32
      %get3A_441 = arith.index_cast %add3A_440 : i32 to index
      %get3A_442 = tpu.vector_load %arg12[%get3A_441] {strides = array<i32>} : memref<16384xi32, #tpu.memory_space<vmem>>, vector<16xi32>,
      %gather3A_443 = tpu.vector_load_idx %arg13[%get3A_442] : memref<100096xf32, #tpu.memory_space<vmem>>[vector<16xi32>], vector<16xf32>,
      %swap3A_444 = arith.index_cast %add3A_438 : i32 to index
      %swap3A_445 = tpu.vector_load %arg15[%swap3A_444] {strides = array<i32>} : memref<4096xf32, #tpu.memory_space<vmem>>, vector<16xf32>,
      tpu.vector_store %arg15[%swap3A_444], %gather3A_443 {strides = array<i32>} : memref<4096xf32, #tpu.memory_space<vmem>>, vector<16xf32>,
      %mul3A_446 = arith.constant 256 : i32
      %mul3A_447 = arith.muli %scan3A_371, %mul3A_446 : i32
      %add3A_448 = arith.constant 112 : i32
      %add3A_449 = arith.addi %mul3A_447, %add3A_448 : i32
      %add3A_450 = arith.constant 12288 : i32
      %add3A_451 = arith.addi %add3A_450, %add3A_449 : i32
      %get3A_452 = arith.index_cast %add3A_451 : i32 to index
      %get3A_453 = tpu.vector_load %arg12[%get3A_452] {strides = array<i32>} : memref<16384xi32, #tpu.memory_space<vmem>>, vector<16xi32>,
      %gather3A_454 = tpu.vector_load_idx %arg13[%get3A_453] : memref<100096xf32, #tpu.memory_space<vmem>>[vector<16xi32>], vector<16xf32>,
      %swap3A_455 = arith.index_cast %add3A_449 : i32 to index
      %swap3A_456 = tpu.vector_load %arg15[%swap3A_455] {strides = array<i32>} : memref<4096xf32, #tpu.memory_space<vmem>>, vector<16xf32>,
      tpu.vector_store %arg15[%swap3A_455], %gather3A_454 {strides = array<i32>} : memref<4096xf32, #tpu.memory_space<vmem>>, vector<16xf32>,
      %mul3A_457 = arith.constant 256 : i32
      %mul3A_458 = arith.muli %scan3A_371, %mul3A_457 : i32
      %add3A_459 = arith.constant 128 : i32
      %add3A_460 = arith.addi %mul3A_458, %add3A_459 : i32
      %add3A_461 = arith.constant 12288 : i32
      %add3A_462 = arith.addi %add3A_461, %add3A_460 : i32
      %get3A_463 = arith.index_cast %add3A_462 : i32 to index
      %get3A_464 = tpu.vector_load %arg12[%get3A_463] {strides = array<i32>} : memref<16384xi32, #tpu.memory_space<vmem>>, vector<16xi32>,
      %gather3A_465 = tpu.vector_load_idx %arg13[%get3A_464] : memref<100096xf32, #tpu.memory_space<vmem>>[vector<16xi32>], vector<16xf32>,
      %swap3A_466 = arith.index_cast %add3A_460 : i32 to index
      %swap3A_467 = tpu.vector_load %arg15[%swap3A_466] {strides = array<i32>} : memref<4096xf32, #tpu.memory_space<vmem>>, vector<16xf32>,
      tpu.vector_store %arg15[%swap3A_466], %gather3A_465 {strides = array<i32>} : memref<4096xf32, #tpu.memory_space<vmem>>, vector<16xf32>,
      %mul3A_468 = arith.constant 256 : i32
      %mul3A_469 = arith.muli %scan3A_371, %mul3A_468 : i32
      %add3A_470 = arith.constant 144 : i32
      %add3A_471 = arith.addi %mul3A_469, %add3A_470 : i32
      %add3A_472 = arith.constant 12288 : i32
      %add3A_473 = arith.addi %add3A_472, %add3A_471 : i32
      %get3A_474 = arith.index_cast %add3A_473 : i32 to index
      %get3A_475 = tpu.vector_load %arg12[%get3A_474] {strides = array<i32>} : memref<16384xi32, #tpu.memory_space<vmem>>, vector<16xi32>,
      %gather3A_476 = tpu.vector_load_idx %arg13[%get3A_475] : memref<100096xf32, #tpu.memory_space<vmem>>[vector<16xi32>], vector<16xf32>,
      %swap3A_477 = arith.index_cast %add3A_471 : i32 to index
      %swap3A_478 = tpu.vector_load %arg15[%swap3A_477] {strides = array<i32>} : memref<4096xf32, #tpu.memory_space<vmem>>, vector<16xf32>,
      tpu.vector_store %arg15[%swap3A_477], %gather3A_476 {strides = array<i32>} : memref<4096xf32, #tpu.memory_space<vmem>>, vector<16xf32>,
      %mul3A_479 = arith.constant 256 : i32
      %mul3A_480 = arith.muli %scan3A_371, %mul3A_479 : i32
      %add3A_481 = arith.constant 160 : i32
      %add3A_482 = arith.addi %mul3A_480, %add3A_481 : i32
      %add3A_483 = arith.constant 12288 : i32
      %add3A_484 = arith.addi %add3A_483, %add3A_482 : i32
      %get3A_485 = arith.index_cast %add3A_484 : i32 to index
      %get3A_486 = tpu.vector_load %arg12[%get3A_485] {strides = array<i32>} : memref<16384xi32, #tpu.memory_space<vmem>>, vector<16xi32>,
      %gather3A_487 = tpu.vector_load_idx %arg13[%get3A_486] : memref<100096xf32, #tpu.memory_space<vmem>>[vector<16xi32>], vector<16xf32>,
      %swap3A_488 = arith.index_cast %add3A_482 : i32 to index
      %swap3A_489 = tpu.vector_load %arg15[%swap3A_488] {strides = array<i32>} : memref<4096xf32, #tpu.memory_space<vmem>>, vector<16xf32>,
      tpu.vector_store %arg15[%swap3A_488], %gather3A_487 {strides = array<i32>} : memref<4096xf32, #tpu.memory_space<vmem>>, vector<16xf32>,
      %mul3A_490 = arith.constant 256 : i32
      %mul3A_491 = arith.muli %scan3A_371, %mul3A_490 : i32
      %add3A_492 = arith.constant 176 : i32
      %add3A_493 = arith.addi %mul3A_491, %add3A_492 : i32
      %add3A_494 = arith.constant 12288 : i32
      %add3A_495 = arith.addi %add3A_494, %add3A_493 : i32
      %get3A_496 = arith.index_cast %add3A_495 : i32 to index
      %get3A_497 = tpu.vector_load %arg12[%get3A_496] {strides = array<i32>} : memref<16384xi32, #tpu.memory_space<vmem>>, vector<16xi32>,
      %gather3A_498 = tpu.vector_load_idx %arg13[%get3A_497] : memref<100096xf32, #tpu.memory_space<vmem>>[vector<16xi32>], vector<16xf32>,
      %swap3A_499 = arith.index_cast %add3A_493 : i32 to index
      %swap3A_500 = tpu.vector_load %arg15[%swap3A_499] {strides = array<i32>} : memref<4096xf32, #tpu.memory_space<vmem>>, vector<16xf32>,
      tpu.vector_store %arg15[%swap3A_499], %gather3A_498 {strides = array<i32>} : memref<4096xf32, #tpu.memory_space<vmem>>, vector<16xf32>,
      %mul3A_501 = arith.constant 256 : i32
      %mul3A_502 = arith.muli %scan3A_371, %mul3A_501 : i32
      %add3A_503 = arith.constant 192 : i32
      %add3A_504 = arith.addi %mul3A_502, %add3A_503 : i32
      %add3A_505 = arith.constant 12288 : i32
      %add3A_506 = arith.addi %add3A_505, %add3A_504 : i32
      %get3A_507 = arith.index_cast %add3A_506 : i32 to index
      %get3A_508 = tpu.vector_load %arg12[%get3A_507] {strides = array<i32>} : memref<16384xi32, #tpu.memory_space<vmem>>, vector<16xi32>,
      %gather3A_509 = tpu.vector_load_idx %arg13[%get3A_508] : memref<100096xf32, #tpu.memory_space<vmem>>[vector<16xi32>], vector<16xf32>,
      %swap3A_510 = arith.index_cast %add3A_504 : i32 to index
      %swap3A_511 = tpu.vector_load %arg15[%swap3A_510] {strides = array<i32>} : memref<4096xf32, #tpu.memory_space<vmem>>, vector<16xf32>,
      tpu.vector_store %arg15[%swap3A_510], %gather3A_509 {strides = array<i32>} : memref<4096xf32, #tpu.memory_space<vmem>>, vector<16xf32>,
      %mul3A_512 = arith.constant 256 : i32
      %mul3A_513 = arith.muli %scan3A_371, %mul3A_512 : i32
      %add3A_514 = arith.constant 208 : i32
      %add3A_515 = arith.addi %mul3A_513, %add3A_514 : i32
      %add3A_516 = arith.constant 12288 : i32
      %add3A_517 = arith.addi %add3A_516, %add3A_515 : i32
      %get3A_518 = arith.index_cast %add3A_517 : i32 to index
      %get3A_519 = tpu.vector_load %arg12[%get3A_518] {strides = array<i32>} : memref<16384xi32, #tpu.memory_space<vmem>>, vector<16xi32>,
      %gather3A_520 = tpu.vector_load_idx %arg13[%get3A_519] : memref<100096xf32, #tpu.memory_space<vmem>>[vector<16xi32>], vector<16xf32>,
      %swap3A_521 = arith.index_cast %add3A_515 : i32 to index
      %swap3A_522 = tpu.vector_load %arg15[%swap3A_521] {strides = array<i32>} : memref<4096xf32, #tpu.memory_space<vmem>>, vector<16xf32>,
      tpu.vector_store %arg15[%swap3A_521], %gather3A_520 {strides = array<i32>} : memref<4096xf32, #tpu.memory_space<vmem>>, vector<16xf32>,
      %mul3A_523 = arith.constant 256 : i32
      %mul3A_524 = arith.muli %scan3A_371, %mul3A_523 : i32
      %add3A_525 = arith.constant 224 : i32
      %add3A_526 = arith.addi %mul3A_524, %add3A_525 : i32
      %add3A_527 = arith.constant 12288 : i32
      %add3A_528 = arith.addi %add3A_527, %add3A_526 : i32
      %get3A_529 = arith.index_cast %add3A_528 : i32 to index
      %get3A_530 = tpu.vector_load %arg12[%get3A_529] {strides = array<i32>} : memref<16384xi32, #tpu.memory_space<vmem>>, vector<16xi32>,
      %gather3A_531 = tpu.vector_load_idx %arg13[%get3A_530] : memref<100096xf32, #tpu.memory_space<vmem>>[vector<16xi32>], vector<16xf32>,
      %swap3A_532 = arith.index_cast %add3A_526 : i32 to index
      %swap3A_533 = tpu.vector_load %arg15[%swap3A_532] {strides = array<i32>} : memref<4096xf32, #tpu.memory_space<vmem>>, vector<16xf32>,
      tpu.vector_store %arg15[%swap3A_532], %gather3A_531 {strides = array<i32>} : memref<4096xf32, #tpu.memory_space<vmem>>, vector<16xf32>,
      %mul3A_534 = arith.constant 256 : i32
      %mul3A_535 = arith.muli %scan3A_371, %mul3A_534 : i32
      %add3A_536 = arith.constant 240 : i32
      %add3A_537 = arith.addi %mul3A_535, %add3A_536 : i32
      %add3A_538 = arith.constant 12288 : i32
      %add3A_539 = arith.addi %add3A_538, %add3A_537 : i32
      %get3A_540 = arith.index_cast %add3A_539 : i32 to index
      %get3A_541 = tpu.vector_load %arg12[%get3A_540] {strides = array<i32>} : memref<16384xi32, #tpu.memory_space<vmem>>, vector<16xi32>,
      %gather3A_542 = tpu.vector_load_idx %arg13[%get3A_541] : memref<100096xf32, #tpu.memory_space<vmem>>[vector<16xi32>], vector<16xf32>,
      %swap3A_543 = arith.index_cast %add3A_537 : i32 to index
      %swap3A_544 = tpu.vector_load %arg15[%swap3A_543] {strides = array<i32>} : memref<4096xf32, #tpu.memory_space<vmem>>, vector<16xf32>,
      tpu.vector_store %arg15[%swap3A_543], %gather3A_542 {strides = array<i32>} : memref<4096xf32, #tpu.memory_space<vmem>>, vector<16xf32>,
    }
    %scan3A_155 = arith.constant 16 : i32
    %dma_start3A_156 = arith.constant 12288 : i32
    %dma_start3A_157 = tpu.memref_slice %arg11[%add3A_4, %dma_start3A_156] : memref<76x16384xf32, #tpu.memory_space<hbm>> -> memref<1x4096xf32, #tpu.memory_space<hbm>>
    %dma_start3A_158 = tpu.memref_squeeze %dma_start3A_157 : memref<1x4096xf32, #tpu.memory_space<hbm>> -> memref<4096xf32, #tpu.memory_space<hbm>>
    %dma_start3A_159 = arith.constant 12288 : i32
    %dma_start3A_160 = tpu.memref_slice %arg11[%add3A_4, %dma_start3A_159] : memref<76x16384xf32, #tpu.memory_space<hbm>> -> memref<1x4096xf32, #tpu.memory_space<hbm>>
    %dma_start3A_161 = tpu.memref_squeeze %dma_start3A_160 : memref<1x4096xf32, #tpu.memory_space<hbm>> -> memref<4096xf32, #tpu.memory_space<hbm>>
    tpu.enqueue_dma source(%arg15 : memref<4096xf32, #tpu.memory_space<vmem>>) target(%dma_start3A_161 : memref<4096xf32, #tpu.memory_space<hbm>>) target_semaphore(%arg19 : memref<!tpu.dma_semaphore, #tpu.memory_space<semaphore_mem>>)
    %mul3A_162 = arith.constant 2 : i32
    %mul3A_163 = arith.muli %mul3A_162, %add3A : i32
    %add3A_164 = arith.constant 1 : i32
    %add3A_165 = arith.addi %mul3A_163, %add3A_164 : i32
    %dma_start3A_166 = arith.constant 0 : i32
    %dma_start3A_167 = tpu.memref_slice %arg13[%dma_start3A_166] : memref<100096xf32, #tpu.memory_space<vmem>> -> memref<25088xf32, #tpu.memory_space<vmem>>
    %dma_start3A_168 = arith.constant 0 : i32
    %dma_start3A_169 = tpu.memref_slice %arg8[%add3A_165, %dma_start3A_168] : memref<64x100001xf32, #tpu.memory_space<hbm>> -> memref<1x25088xf32, #tpu.memory_space<hbm>>
    %dma_start3A_170 = tpu.memref_squeeze %dma_start3A_169 : memref<1x25088xf32, #tpu.memory_space<hbm>> -> memref<25088xf32, #tpu.memory_space<hbm>>
    %dma_start3A_171 = arith.constant 0 : i32
    %dma_start3A_172 = tpu.memref_slice %arg13[%dma_start3A_171] : memref<100096xf32, #tpu.memory_space<vmem>> -> memref<25088xf32, #tpu.memory_space<vmem>>
    %dma_start3A_173 = arith.constant 0 : i32
    %dma_start3A_174 = tpu.memref_slice %arg8[%add3A_165, %dma_start3A_173] : memref<64x100001xf32, #tpu.memory_space<hbm>> -> memref<1x25088xf32, #tpu.memory_space<hbm>>
    %dma_start3A_175 = tpu.memref_squeeze %dma_start3A_174 : memref<1x25088xf32, #tpu.memory_space<hbm>> -> memref<25088xf32, #tpu.memory_space<hbm>>
    tpu.enqueue_dma source(%dma_start3A_175 : memref<25088xf32, #tpu.memory_space<hbm>>) target(%dma_start3A_172 : memref<25088xf32, #tpu.memory_space<vmem>>) target_semaphore(%arg17 : memref<!tpu.dma_semaphore, #tpu.memory_space<semaphore_mem>>)
    %dma_start3A_176 = arith.constant 25088 : i32
    %dma_start3A_177 = tpu.memref_slice %arg13[%dma_start3A_176] : memref<100096xf32, #tpu.memory_space<vmem>> -> memref<25088xf32, #tpu.memory_space<vmem>>
    %dma_start3A_178 = arith.constant 25088 : i32
    %dma_start3A_179 = tpu.memref_slice %arg8[%add3A_165, %dma_start3A_178] : memref<64x100001xf32, #tpu.memory_space<hbm>> -> memref<1x25088xf32, #tpu.memory_space<hbm>>
    %dma_start3A_180 = tpu.memref_squeeze %dma_start3A_179 : memref<1x25088xf32, #tpu.memory_space<hbm>> -> memref<25088xf32, #tpu.memory_space<hbm>>
    %dma_start3A_181 = arith.constant 25088 : i32
    %dma_start3A_182 = tpu.memref_slice %arg13[%dma_start3A_181] : memref<100096xf32, #tpu.memory_space<vmem>> -> memref<25088xf32, #tpu.memory_space<vmem>>
    %dma_start3A_183 = arith.constant 25088 : i32
    %dma_start3A_184 = tpu.memref_slice %arg8[%add3A_165, %dma_start3A_183] : memref<64x100001xf32, #tpu.memory_space<hbm>> -> memref<1x25088xf32, #tpu.memory_space<hbm>>
    %dma_start3A_185 = tpu.memref_squeeze %dma_start3A_184 : memref<1x25088xf32, #tpu.memory_space<hbm>> -> memref<25088xf32, #tpu.memory_space<hbm>>
    tpu.enqueue_dma source(%dma_start3A_185 : memref<25088xf32, #tpu.memory_space<hbm>>) target(%dma_start3A_182 : memref<25088xf32, #tpu.memory_space<vmem>>) target_semaphore(%arg17 : memref<!tpu.dma_semaphore, #tpu.memory_space<semaphore_mem>>)
    %dma_start3A_186 = arith.constant 50176 : i32
    %dma_start3A_187 = tpu.memref_slice %arg13[%dma_start3A_186] : memref<100096xf32, #tpu.memory_space<vmem>> -> memref<25088xf32, #tpu.memory_space<vmem>>
    %dma_start3A_188 = arith.constant 50176 : i32
    %dma_start3A_189 = tpu.memref_slice %arg8[%add3A_165, %dma_start3A_188] : memref<64x100001xf32, #tpu.memory_space<hbm>> -> memref<1x25088xf32, #tpu.memory_space<hbm>>
    %dma_start3A_190 = tpu.memref_squeeze %dma_start3A_189 : memref<1x25088xf32, #tpu.memory_space<hbm>> -> memref<25088xf32, #tpu.memory_space<hbm>>
    %dma_start3A_191 = arith.constant 50176 : i32
    %dma_start3A_192 = tpu.memref_slice %arg13[%dma_start3A_191] : memref<100096xf32, #tpu.memory_space<vmem>> -> memref<25088xf32, #tpu.memory_space<vmem>>
    %dma_start3A_193 = arith.constant 50176 : i32
    %dma_start3A_194 = tpu.memref_slice %arg8[%add3A_165, %dma_start3A_193] : memref<64x100001xf32, #tpu.memory_space<hbm>> -> memref<1x25088xf32, #tpu.memory_space<hbm>>
    %dma_start3A_195 = tpu.memref_squeeze %dma_start3A_194 : memref<1x25088xf32, #tpu.memory_space<hbm>> -> memref<25088xf32, #tpu.memory_space<hbm>>
    tpu.enqueue_dma source(%dma_start3A_195 : memref<25088xf32, #tpu.memory_space<hbm>>) target(%dma_start3A_192 : memref<25088xf32, #tpu.memory_space<vmem>>) target_semaphore(%arg17 : memref<!tpu.dma_semaphore, #tpu.memory_space<semaphore_mem>>)
    %dma_start3A_196 = arith.constant 75264 : i32
    %dma_start3A_197 = tpu.memref_slice %arg13[%dma_start3A_196] : memref<100096xf32, #tpu.memory_space<vmem>> -> memref<24704xf32, #tpu.memory_space<vmem>>
    %dma_start3A_198 = arith.constant 75264 : i32
    %dma_start3A_199 = tpu.memref_slice %arg8[%add3A_165, %dma_start3A_198] : memref<64x100001xf32, #tpu.memory_space<hbm>> -> memref<1x24704xf32, #tpu.memory_space<hbm>>
    %dma_start3A_200 = tpu.memref_squeeze %dma_start3A_199 : memref<1x24704xf32, #tpu.memory_space<hbm>> -> memref<24704xf32, #tpu.memory_space<hbm>>
    %dma_start3A_201 = arith.constant 75264 : i32
    %dma_start3A_202 = tpu.memref_slice %arg13[%dma_start3A_201] : memref<100096xf32, #tpu.memory_space<vmem>> -> memref<24704xf32, #tpu.memory_space<vmem>>
    %dma_start3A_203 = arith.constant 75264 : i32
    %dma_start3A_204 = tpu.memref_slice %arg8[%add3A_165, %dma_start3A_203] : memref<64x100001xf32, #tpu.memory_space<hbm>> -> memref<1x24704xf32, #tpu.memory_space<hbm>>
    %dma_start3A_205 = tpu.memref_squeeze %dma_start3A_204 : memref<1x24704xf32, #tpu.memory_space<hbm>> -> memref<24704xf32, #tpu.memory_space<hbm>>
    tpu.enqueue_dma source(%dma_start3A_205 : memref<24704xf32, #tpu.memory_space<hbm>>) target(%dma_start3A_202 : memref<24704xf32, #tpu.memory_space<vmem>>) target_semaphore(%arg17 : memref<!tpu.dma_semaphore, #tpu.memory_space<semaphore_mem>>)
    %dma_start3A_206 = arith.constant 99968 : i32
    %dma_start3A_207 = tpu.memref_slice %arg13[%dma_start3A_206] : memref<100096xf32, #tpu.memory_space<vmem>> -> memref<128xf32, #tpu.memory_space<vmem>>
    %dma_start3A_208 = arith.constant 0 : i32
    %dma_start3A_209 = tpu.memref_slice %arg9[%add3A_165, %dma_start3A_208] : memref<64x128xf32, #tpu.memory_space<hbm>> -> memref<1x128xf32, #tpu.memory_space<hbm>>
    %dma_start3A_210 = tpu.memref_squeeze %dma_start3A_209 : memref<1x128xf32, #tpu.memory_space<hbm>> -> memref<128xf32, #tpu.memory_space<hbm>>
    %dma_start3A_211 = arith.constant 99968 : i32
    %dma_start3A_212 = tpu.memref_slice %arg13[%dma_start3A_211] : memref<100096xf32, #tpu.memory_space<vmem>> -> memref<128xf32, #tpu.memory_space<vmem>>
    %dma_start3A_213 = arith.constant 0 : i32
    %dma_start3A_214 = tpu.memref_slice %arg9[%add3A_165, %dma_start3A_213] : memref<64x128xf32, #tpu.memory_space<hbm>> -> memref<1x128xf32, #tpu.memory_space<hbm>>
    %dma_start3A_215 = tpu.memref_squeeze %dma_start3A_214 : memref<1x128xf32, #tpu.memory_space<hbm>> -> memref<128xf32, #tpu.memory_space<hbm>>
    tpu.enqueue_dma source(%dma_start3A_215 : memref<128xf32, #tpu.memory_space<hbm>>) target(%dma_start3A_212 : memref<128xf32, #tpu.memory_space<vmem>>) target_semaphore(%arg17 : memref<!tpu.dma_semaphore, #tpu.memory_space<semaphore_mem>>)
    %dma_wait3A_216 = arith.constant 0 : i32
    %dma_wait3A_217 = tpu.memref_slice %arg13[%dma_wait3A_216] : memref<100096xf32, #tpu.memory_space<vmem>> -> memref<25088xf32, #tpu.memory_space<vmem>>
    %dma_wait3A_218 = arith.constant 0 : i32
    %dma_wait3A_219 = tpu.memref_slice %arg8[%add3A_165, %dma_wait3A_218] : memref<64x100001xf32, #tpu.memory_space<hbm>> -> memref<1x25088xf32, #tpu.memory_space<hbm>>
    %dma_wait3A_220 = tpu.memref_squeeze %dma_wait3A_219 : memref<1x25088xf32, #tpu.memory_space<hbm>> -> memref<25088xf32, #tpu.memory_space<hbm>>
    %dma_wait3A_221 = arith.constant 0 : i32
    %dma_wait3A_222 = tpu.memref_slice %arg13[%dma_wait3A_221] : memref<100096xf32, #tpu.memory_space<vmem>> -> memref<25088xf32, #tpu.memory_space<vmem>>
    %dma_wait3A_223 = arith.constant 0 : i32
    %dma_wait3A_224 = tpu.memref_slice %arg8[%add3A_165, %dma_wait3A_223] : memref<64x100001xf32, #tpu.memory_space<hbm>> -> memref<1x25088xf32, #tpu.memory_space<hbm>>
    %dma_wait3A_225 = tpu.memref_squeeze %dma_wait3A_224 : memref<1x25088xf32, #tpu.memory_space<hbm>> -> memref<25088xf32, #tpu.memory_space<hbm>>
    tpu.wait_dma2 semaphore(%arg17 : memref<!tpu.dma_semaphore, #tpu.memory_space<semaphore_mem>>) src(%dma_wait3A_225 : memref<25088xf32, #tpu.memory_space<hbm>>) dst(%dma_wait3A_222 : memref<25088xf32, #tpu.memory_space<vmem>>)
    %dma_wait3A_226 = arith.constant 25088 : i32
    %dma_wait3A_227 = tpu.memref_slice %arg13[%dma_wait3A_226] : memref<100096xf32, #tpu.memory_space<vmem>> -> memref<25088xf32, #tpu.memory_space<vmem>>
    %dma_wait3A_228 = arith.constant 25088 : i32
    %dma_wait3A_229 = tpu.memref_slice %arg8[%add3A_165, %dma_wait3A_228] : memref<64x100001xf32, #tpu.memory_space<hbm>> -> memref<1x25088xf32, #tpu.memory_space<hbm>>
    %dma_wait3A_230 = tpu.memref_squeeze %dma_wait3A_229 : memref<1x25088xf32, #tpu.memory_space<hbm>> -> memref<25088xf32, #tpu.memory_space<hbm>>
    %dma_wait3A_231 = arith.constant 25088 : i32
    %dma_wait3A_232 = tpu.memref_slice %arg13[%dma_wait3A_231] : memref<100096xf32, #tpu.memory_space<vmem>> -> memref<25088xf32, #tpu.memory_space<vmem>>
    %dma_wait3A_233 = arith.constant 25088 : i32
    %dma_wait3A_234 = tpu.memref_slice %arg8[%add3A_165, %dma_wait3A_233] : memref<64x100001xf32, #tpu.memory_space<hbm>> -> memref<1x25088xf32, #tpu.memory_space<hbm>>
    %dma_wait3A_235 = tpu.memref_squeeze %dma_wait3A_234 : memref<1x25088xf32, #tpu.memory_space<hbm>> -> memref<25088xf32, #tpu.memory_space<hbm>>
    tpu.wait_dma2 semaphore(%arg17 : memref<!tpu.dma_semaphore, #tpu.memory_space<semaphore_mem>>) src(%dma_wait3A_235 : memref<25088xf32, #tpu.memory_space<hbm>>) dst(%dma_wait3A_232 : memref<25088xf32, #tpu.memory_space<vmem>>)
    %dma_wait3A_236 = arith.constant 50176 : i32
    %dma_wait3A_237 = tpu.memref_slice %arg13[%dma_wait3A_236] : memref<100096xf32, #tpu.memory_space<vmem>> -> memref<25088xf32, #tpu.memory_space<vmem>>
    %dma_wait3A_238 = arith.constant 50176 : i32
    %dma_wait3A_239 = tpu.memref_slice %arg8[%add3A_165, %dma_wait3A_238] : memref<64x100001xf32, #tpu.memory_space<hbm>> -> memref<1x25088xf32, #tpu.memory_space<hbm>>
    %dma_wait3A_240 = tpu.memref_squeeze %dma_wait3A_239 : memref<1x25088xf32, #tpu.memory_space<hbm>> -> memref<25088xf32, #tpu.memory_space<hbm>>
    %dma_wait3A_241 = arith.constant 50176 : i32
    %dma_wait3A_242 = tpu.memref_slice %arg13[%dma_wait3A_241] : memref<100096xf32, #tpu.memory_space<vmem>> -> memref<25088xf32, #tpu.memory_space<vmem>>
    %dma_wait3A_243 = arith.constant 50176 : i32
    %dma_wait3A_244 = tpu.memref_slice %arg8[%add3A_165, %dma_wait3A_243] : memref<64x100001xf32, #tpu.memory_space<hbm>> -> memref<1x25088xf32, #tpu.memory_space<hbm>>
    %dma_wait3A_245 = tpu.memref_squeeze %dma_wait3A_244 : memref<1x25088xf32, #tpu.memory_space<hbm>> -> memref<25088xf32, #tpu.memory_space<hbm>>
    tpu.wait_dma2 semaphore(%arg17 : memref<!tpu.dma_semaphore, #tpu.memory_space<semaphore_mem>>) src(%dma_wait3A_245 : memref<25088xf32, #tpu.memory_space<hbm>>) dst(%dma_wait3A_242 : memref<25088xf32, #tpu.memory_space<vmem>>)
    %dma_wait3A_246 = arith.constant 75264 : i32
    %dma_wait3A_247 = tpu.memref_slice %arg13[%dma_wait3A_246] : memref<100096xf32, #tpu.memory_space<vmem>> -> memref<24704xf32, #tpu.memory_space<vmem>>
    %dma_wait3A_248 = arith.constant 75264 : i32
    %dma_wait3A_249 = tpu.memref_slice %arg8[%add3A_165, %dma_wait3A_248] : memref<64x100001xf32, #tpu.memory_space<hbm>> -> memref<1x24704xf32, #tpu.memory_space<hbm>>
    %dma_wait3A_250 = tpu.memref_squeeze %dma_wait3A_249 : memref<1x24704xf32, #tpu.memory_space<hbm>> -> memref<24704xf32, #tpu.memory_space<hbm>>
    %dma_wait3A_251 = arith.constant 75264 : i32
    %dma_wait3A_252 = tpu.memref_slice %arg13[%dma_wait3A_251] : memref<100096xf32, #tpu.memory_space<vmem>> -> memref<24704xf32, #tpu.memory_space<vmem>>
    %dma_wait3A_253 = arith.constant 75264 : i32
    %dma_wait3A_254 = tpu.memref_slice %arg8[%add3A_165, %dma_wait3A_253] : memref<64x100001xf32, #tpu.memory_space<hbm>> -> memref<1x24704xf32, #tpu.memory_space<hbm>>
    %dma_wait3A_255 = tpu.memref_squeeze %dma_wait3A_254 : memref<1x24704xf32, #tpu.memory_space<hbm>> -> memref<24704xf32, #tpu.memory_space<hbm>>
    tpu.wait_dma2 semaphore(%arg17 : memref<!tpu.dma_semaphore, #tpu.memory_space<semaphore_mem>>) src(%dma_wait3A_255 : memref<24704xf32, #tpu.memory_space<hbm>>) dst(%dma_wait3A_252 : memref<24704xf32, #tpu.memory_space<vmem>>)
    %dma_wait3A_256 = arith.constant 99968 : i32
    %dma_wait3A_257 = tpu.memref_slice %arg13[%dma_wait3A_256] : memref<100096xf32, #tpu.memory_space<vmem>> -> memref<128xf32, #tpu.memory_space<vmem>>
    %dma_wait3A_258 = arith.constant 0 : i32
    %dma_wait3A_259 = tpu.memref_slice %arg9[%add3A_165, %dma_wait3A_258] : memref<64x128xf32, #tpu.memory_space<hbm>> -> memref<1x128xf32, #tpu.memory_space<hbm>>
    %dma_wait3A_260 = tpu.memref_squeeze %dma_wait3A_259 : memref<1x128xf32, #tpu.memory_space<hbm>> -> memref<128xf32, #tpu.memory_space<hbm>>
    %dma_wait3A_261 = arith.constant 99968 : i32
    %dma_wait3A_262 = tpu.memref_slice %arg13[%dma_wait3A_261] : memref<100096xf32, #tpu.memory_space<vmem>> -> memref<128xf32, #tpu.memory_space<vmem>>
    %dma_wait3A_263 = arith.constant 0 : i32
    %dma_wait3A_264 = tpu.memref_slice %arg9[%add3A_165, %dma_wait3A_263] : memref<64x128xf32, #tpu.memory_space<hbm>> -> memref<1x128xf32, #tpu.memory_space<hbm>>
    %dma_wait3A_265 = tpu.memref_squeeze %dma_wait3A_264 : memref<1x128xf32, #tpu.memory_space<hbm>> -> memref<128xf32, #tpu.memory_space<hbm>>
    tpu.wait_dma2 semaphore(%arg17 : memref<!tpu.dma_semaphore, #tpu.memory_space<semaphore_mem>>) src(%dma_wait3A_265 : memref<128xf32, #tpu.memory_space<hbm>>) dst(%dma_wait3A_262 : memref<128xf32, #tpu.memory_space<vmem>>)
    %dma_wait3A_266 = arith.constant 8192 : i32
    %dma_wait3A_267 = tpu.memref_slice %arg11[%add3A_4, %dma_wait3A_266] : memref<76x16384xf32, #tpu.memory_space<hbm>> -> memref<1x4096xf32, #tpu.memory_space<hbm>>
    %dma_wait3A_268 = tpu.memref_squeeze %dma_wait3A_267 : memref<1x4096xf32, #tpu.memory_space<hbm>> -> memref<4096xf32, #tpu.memory_space<hbm>>
    %dma_wait3A_269 = arith.constant 8192 : i32
    %dma_wait3A_270 = tpu.memref_slice %arg11[%add3A_4, %dma_wait3A_269] : memref<76x16384xf32, #tpu.memory_space<hbm>> -> memref<1x4096xf32, #tpu.memory_space<hbm>>
    %dma_wait3A_271 = tpu.memref_squeeze %dma_wait3A_270 : memref<1x4096xf32, #tpu.memory_space<hbm>> -> memref<4096xf32, #tpu.memory_space<hbm>>
    tpu.wait_dma2 semaphore(%arg18 : memref<!tpu.dma_semaphore, #tpu.memory_space<semaphore_mem>>) src(%arg14 : memref<4096xf32, #tpu.memory_space<vmem>>) dst(%dma_wait3A_271 : memref<4096xf32, #tpu.memory_space<hbm>>)
    %scan3A_272 = arith.constant 0 : i32
    %scan3A_273 = arith.constant 0 : i32
    %scan3A_274 = arith.constant 16 : i32
    %scan3A_275 = arith.addi %scan3A_273, %scan3A_274 : i32
    %scan3A_276 = arith.constant 1 : i32
    scf.for %scan3A_371 = %scan3A_273 to %scan3A_275 step %scan3A_276  : i32 {
      %mul3A_372 = arith.constant 256 : i32
      %mul3A_373 = arith.muli %scan3A_371, %mul3A_372 : i32
      %add3A_374 = arith.constant 0 : i32
      %add3A_375 = arith.addi %mul3A_373, %add3A_374 : i32
      %add3A_376 = arith.constant 0 : i32
      %add3A_377 = arith.addi %add3A_376, %add3A_375 : i32
      %get3A = arith.index_cast %add3A_377 : i32 to index
      %get3A_378 = tpu.vector_load %arg12[%get3A] {strides = array<i32>} : memref<16384xi32, #tpu.memory_space<vmem>>, vector<16xi32>,
      %gather3A = tpu.vector_load_idx %arg13[%get3A_378] : memref<100096xf32, #tpu.memory_space<vmem>>[vector<16xi32>], vector<16xf32>,
      %swap3A = arith.index_cast %add3A_375 : i32 to index
      %swap3A_379 = tpu.vector_load %arg14[%swap3A] {strides = array<i32>} : memref<4096xf32, #tpu.memory_space<vmem>>, vector<16xf32>,
      tpu.vector_store %arg14[%swap3A], %gather3A {strides = array<i32>} : memref<4096xf32, #tpu.memory_space<vmem>>, vector<16xf32>,
      %mul3A_380 = arith.constant 256 : i32
      %mul3A_381 = arith.muli %scan3A_371, %mul3A_380 : i32
      %add3A_382 = arith.constant 16 : i32
      %add3A_383 = arith.addi %mul3A_381, %add3A_382 : i32
      %add3A_384 = arith.constant 0 : i32
      %add3A_385 = arith.addi %add3A_384, %add3A_383 : i32
      %get3A_386 = arith.index_cast %add3A_385 : i32 to index
      %get3A_387 = tpu.vector_load %arg12[%get3A_386] {strides = array<i32>} : memref<16384xi32, #tpu.memory_space<vmem>>, vector<16xi32>,
      %gather3A_388 = tpu.vector_load_idx %arg13[%get3A_387] : memref<100096xf32, #tpu.memory_space<vmem>>[vector<16xi32>], vector<16xf32>,
      %swap3A_389 = arith.index_cast %add3A_383 : i32 to index
      %swap3A_390 = tpu.vector_load %arg14[%swap3A_389] {strides = array<i32>} : memref<4096xf32, #tpu.memory_space<vmem>>, vector<16xf32>,
      tpu.vector_store %arg14[%swap3A_389], %gather3A_388 {strides = array<i32>} : memref<4096xf32, #tpu.memory_space<vmem>>, vector<16xf32>,
      %mul3A_391 = arith.constant 256 : i32
      %mul3A_392 = arith.muli %scan3A_371, %mul3A_391 : i32
      %add3A_393 = arith.constant 32 : i32
      %add3A_394 = arith.addi %mul3A_392, %add3A_393 : i32
      %add3A_395 = arith.constant 0 : i32
      %add3A_396 = arith.addi %add3A_395, %add3A_394 : i32
      %get3A_397 = arith.index_cast %add3A_396 : i32 to index
      %get3A_398 = tpu.vector_load %arg12[%get3A_397] {strides = array<i32>} : memref<16384xi32, #tpu.memory_space<vmem>>, vector<16xi32>,
      %gather3A_399 = tpu.vector_load_idx %arg13[%get3A_398] : memref<100096xf32, #tpu.memory_space<vmem>>[vector<16xi32>], vector<16xf32>,
      %swap3A_400 = arith.index_cast %add3A_394 : i32 to index
      %swap3A_401 = tpu.vector_load %arg14[%swap3A_400] {strides = array<i32>} : memref<4096xf32, #tpu.memory_space<vmem>>, vector<16xf32>,
      tpu.vector_store %arg14[%swap3A_400], %gather3A_399 {strides = array<i32>} : memref<4096xf32, #tpu.memory_space<vmem>>, vector<16xf32>,
      %mul3A_402 = arith.constant 256 : i32
      %mul3A_403 = arith.muli %scan3A_371, %mul3A_402 : i32
      %add3A_404 = arith.constant 48 : i32
      %add3A_405 = arith.addi %mul3A_403, %add3A_404 : i32
      %add3A_406 = arith.constant 0 : i32
      %add3A_407 = arith.addi %add3A_406, %add3A_405 : i32
      %get3A_408 = arith.index_cast %add3A_407 : i32 to index
      %get3A_409 = tpu.vector_load %arg12[%get3A_408] {strides = array<i32>} : memref<16384xi32, #tpu.memory_space<vmem>>, vector<16xi32>,
      %gather3A_410 = tpu.vector_load_idx %arg13[%get3A_409] : memref<100096xf32, #tpu.memory_space<vmem>>[vector<16xi32>], vector<16xf32>,
      %swap3A_411 = arith.index_cast %add3A_405 : i32 to index
      %swap3A_412 = tpu.vector_load %arg14[%swap3A_411] {strides = array<i32>} : memref<4096xf32, #tpu.memory_space<vmem>>, vector<16xf32>,
      tpu.vector_store %arg14[%swap3A_411], %gather3A_410 {strides = array<i32>} : memref<4096xf32, #tpu.memory_space<vmem>>, vector<16xf32>,
      %mul3A_413 = arith.constant 256 : i32
      %mul3A_414 = arith.muli %scan3A_371, %mul3A_413 : i32
      %add3A_415 = arith.constant 64 : i32
      %add3A_416 = arith.addi %mul3A_414, %add3A_415 : i32
      %add3A_417 = arith.constant 0 : i32
      %add3A_418 = arith.addi %add3A_417, %add3A_416 : i32
      %get3A_419 = arith.index_cast %add3A_418 : i32 to index
      %get3A_420 = tpu.vector_load %arg12[%get3A_419] {strides = array<i32>} : memref<16384xi32, #tpu.memory_space<vmem>>, vector<16xi32>,
      %gather3A_421 = tpu.vector_load_idx %arg13[%get3A_420] : memref<100096xf32, #tpu.memory_space<vmem>>[vector<16xi32>], vector<16xf32>,
      %swap3A_422 = arith.index_cast %add3A_416 : i32 to index
      %swap3A_423 = tpu.vector_load %arg14[%swap3A_422] {strides = array<i32>} : memref<4096xf32, #tpu.memory_space<vmem>>, vector<16xf32>,
      tpu.vector_store %arg14[%swap3A_422], %gather3A_421 {strides = array<i32>} : memref<4096xf32, #tpu.memory_space<vmem>>, vector<16xf32>,
      %mul3A_424 = arith.constant 256 : i32
      %mul3A_425 = arith.muli %scan3A_371, %mul3A_424 : i32
      %add3A_426 = arith.constant 80 : i32
      %add3A_427 = arith.addi %mul3A_425, %add3A_426 : i32
      %add3A_428 = arith.constant 0 : i32
      %add3A_429 = arith.addi %add3A_428, %add3A_427 : i32
      %get3A_430 = arith.index_cast %add3A_429 : i32 to index
      %get3A_431 = tpu.vector_load %arg12[%get3A_430] {strides = array<i32>} : memref<16384xi32, #tpu.memory_space<vmem>>, vector<16xi32>,
      %gather3A_432 = tpu.vector_load_idx %arg13[%get3A_431] : memref<100096xf32, #tpu.memory_space<vmem>>[vector<16xi32>], vector<16xf32>,
      %swap3A_433 = arith.index_cast %add3A_427 : i32 to index
      %swap3A_434 = tpu.vector_load %arg14[%swap3A_433] {strides = array<i32>} : memref<4096xf32, #tpu.memory_space<vmem>>, vector<16xf32>,
      tpu.vector_store %arg14[%swap3A_433], %gather3A_432 {strides = array<i32>} : memref<4096xf32, #tpu.memory_space<vmem>>, vector<16xf32>,
      %mul3A_435 = arith.constant 256 : i32
      %mul3A_436 = arith.muli %scan3A_371, %mul3A_435 : i32
      %add3A_437 = arith.constant 96 : i32
      %add3A_438 = arith.addi %mul3A_436, %add3A_437 : i32
      %add3A_439 = arith.constant 0 : i32
      %add3A_440 = arith.addi %add3A_439, %add3A_438 : i32
      %get3A_441 = arith.index_cast %add3A_440 : i32 to index
      %get3A_442 = tpu.vector_load %arg12[%get3A_441] {strides = array<i32>} : memref<16384xi32, #tpu.memory_space<vmem>>, vector<16xi32>,
      %gather3A_443 = tpu.vector_load_idx %arg13[%get3A_442] : memref<100096xf32, #tpu.memory_space<vmem>>[vector<16xi32>], vector<16xf32>,
      %swap3A_444 = arith.index_cast %add3A_438 : i32 to index
      %swap3A_445 = tpu.vector_load %arg14[%swap3A_444] {strides = array<i32>} : memref<4096xf32, #tpu.memory_space<vmem>>, vector<16xf32>,
      tpu.vector_store %arg14[%swap3A_444], %gather3A_443 {strides = array<i32>} : memref<4096xf32, #tpu.memory_space<vmem>>, vector<16xf32>,
      %mul3A_446 = arith.constant 256 : i32
      %mul3A_447 = arith.muli %scan3A_371, %mul3A_446 : i32
      %add3A_448 = arith.constant 112 : i32
      %add3A_449 = arith.addi %mul3A_447, %add3A_448 : i32
      %add3A_450 = arith.constant 0 : i32
      %add3A_451 = arith.addi %add3A_450, %add3A_449 : i32
      %get3A_452 = arith.index_cast %add3A_451 : i32 to index
      %get3A_453 = tpu.vector_load %arg12[%get3A_452] {strides = array<i32>} : memref<16384xi32, #tpu.memory_space<vmem>>, vector<16xi32>,
      %gather3A_454 = tpu.vector_load_idx %arg13[%get3A_453] : memref<100096xf32, #tpu.memory_space<vmem>>[vector<16xi32>], vector<16xf32>,
      %swap3A_455 = arith.index_cast %add3A_449 : i32 to index
      %swap3A_456 = tpu.vector_load %arg14[%swap3A_455] {strides = array<i32>} : memref<4096xf32, #tpu.memory_space<vmem>>, vector<16xf32>,
      tpu.vector_store %arg14[%swap3A_455], %gather3A_454 {strides = array<i32>} : memref<4096xf32, #tpu.memory_space<vmem>>, vector<16xf32>,
      %mul3A_457 = arith.constant 256 : i32
      %mul3A_458 = arith.muli %scan3A_371, %mul3A_457 : i32
      %add3A_459 = arith.constant 128 : i32
      %add3A_460 = arith.addi %mul3A_458, %add3A_459 : i32
      %add3A_461 = arith.constant 0 : i32
      %add3A_462 = arith.addi %add3A_461, %add3A_460 : i32
      %get3A_463 = arith.index_cast %add3A_462 : i32 to index
      %get3A_464 = tpu.vector_load %arg12[%get3A_463] {strides = array<i32>} : memref<16384xi32, #tpu.memory_space<vmem>>, vector<16xi32>,
      %gather3A_465 = tpu.vector_load_idx %arg13[%get3A_464] : memref<100096xf32, #tpu.memory_space<vmem>>[vector<16xi32>], vector<16xf32>,
      %swap3A_466 = arith.index_cast %add3A_460 : i32 to index
      %swap3A_467 = tpu.vector_load %arg14[%swap3A_466] {strides = array<i32>} : memref<4096xf32, #tpu.memory_space<vmem>>, vector<16xf32>,
      tpu.vector_store %arg14[%swap3A_466], %gather3A_465 {strides = array<i32>} : memref<4096xf32, #tpu.memory_space<vmem>>, vector<16xf32>,
      %mul3A_468 = arith.constant 256 : i32
      %mul3A_469 = arith.muli %scan3A_371, %mul3A_468 : i32
      %add3A_470 = arith.constant 144 : i32
      %add3A_471 = arith.addi %mul3A_469, %add3A_470 : i32
      %add3A_472 = arith.constant 0 : i32
      %add3A_473 = arith.addi %add3A_472, %add3A_471 : i32
      %get3A_474 = arith.index_cast %add3A_473 : i32 to index
      %get3A_475 = tpu.vector_load %arg12[%get3A_474] {strides = array<i32>} : memref<16384xi32, #tpu.memory_space<vmem>>, vector<16xi32>,
      %gather3A_476 = tpu.vector_load_idx %arg13[%get3A_475] : memref<100096xf32, #tpu.memory_space<vmem>>[vector<16xi32>], vector<16xf32>,
      %swap3A_477 = arith.index_cast %add3A_471 : i32 to index
      %swap3A_478 = tpu.vector_load %arg14[%swap3A_477] {strides = array<i32>} : memref<4096xf32, #tpu.memory_space<vmem>>, vector<16xf32>,
      tpu.vector_store %arg14[%swap3A_477], %gather3A_476 {strides = array<i32>} : memref<4096xf32, #tpu.memory_space<vmem>>, vector<16xf32>,
      %mul3A_479 = arith.constant 256 : i32
      %mul3A_480 = arith.muli %scan3A_371, %mul3A_479 : i32
      %add3A_481 = arith.constant 160 : i32
      %add3A_482 = arith.addi %mul3A_480, %add3A_481 : i32
      %add3A_483 = arith.constant 0 : i32
      %add3A_484 = arith.addi %add3A_483, %add3A_482 : i32
      %get3A_485 = arith.index_cast %add3A_484 : i32 to index
      %get3A_486 = tpu.vector_load %arg12[%get3A_485] {strides = array<i32>} : memref<16384xi32, #tpu.memory_space<vmem>>, vector<16xi32>,
      %gather3A_487 = tpu.vector_load_idx %arg13[%get3A_486] : memref<100096xf32, #tpu.memory_space<vmem>>[vector<16xi32>], vector<16xf32>,
      %swap3A_488 = arith.index_cast %add3A_482 : i32 to index
      %swap3A_489 = tpu.vector_load %arg14[%swap3A_488] {strides = array<i32>} : memref<4096xf32, #tpu.memory_space<vmem>>, vector<16xf32>,
      tpu.vector_store %arg14[%swap3A_488], %gather3A_487 {strides = array<i32>} : memref<4096xf32, #tpu.memory_space<vmem>>, vector<16xf32>,
      %mul3A_490 = arith.constant 256 : i32
      %mul3A_491 = arith.muli %scan3A_371, %mul3A_490 : i32
      %add3A_492 = arith.constant 176 : i32
      %add3A_493 = arith.addi %mul3A_491, %add3A_492 : i32
      %add3A_494 = arith.constant 0 : i32
      %add3A_495 = arith.addi %add3A_494, %add3A_493 : i32
      %get3A_496 = arith.index_cast %add3A_495 : i32 to index
      %get3A_497 = tpu.vector_load %arg12[%get3A_496] {strides = array<i32>} : memref<16384xi32, #tpu.memory_space<vmem>>, vector<16xi32>,
      %gather3A_498 = tpu.vector_load_idx %arg13[%get3A_497] : memref<100096xf32, #tpu.memory_space<vmem>>[vector<16xi32>], vector<16xf32>,
      %swap3A_499 = arith.index_cast %add3A_493 : i32 to index
      %swap3A_500 = tpu.vector_load %arg14[%swap3A_499] {strides = array<i32>} : memref<4096xf32, #tpu.memory_space<vmem>>, vector<16xf32>,
      tpu.vector_store %arg14[%swap3A_499], %gather3A_498 {strides = array<i32>} : memref<4096xf32, #tpu.memory_space<vmem>>, vector<16xf32>,
      %mul3A_501 = arith.constant 256 : i32
      %mul3A_502 = arith.muli %scan3A_371, %mul3A_501 : i32
      %add3A_503 = arith.constant 192 : i32
      %add3A_504 = arith.addi %mul3A_502, %add3A_503 : i32
      %add3A_505 = arith.constant 0 : i32
      %add3A_506 = arith.addi %add3A_505, %add3A_504 : i32
      %get3A_507 = arith.index_cast %add3A_506 : i32 to index
      %get3A_508 = tpu.vector_load %arg12[%get3A_507] {strides = array<i32>} : memref<16384xi32, #tpu.memory_space<vmem>>, vector<16xi32>,
      %gather3A_509 = tpu.vector_load_idx %arg13[%get3A_508] : memref<100096xf32, #tpu.memory_space<vmem>>[vector<16xi32>], vector<16xf32>,
      %swap3A_510 = arith.index_cast %add3A_504 : i32 to index
      %swap3A_511 = tpu.vector_load %arg14[%swap3A_510] {strides = array<i32>} : memref<4096xf32, #tpu.memory_space<vmem>>, vector<16xf32>,
      tpu.vector_store %arg14[%swap3A_510], %gather3A_509 {strides = array<i32>} : memref<4096xf32, #tpu.memory_space<vmem>>, vector<16xf32>,
      %mul3A_512 = arith.constant 256 : i32
      %mul3A_513 = arith.muli %scan3A_371, %mul3A_512 : i32
      %add3A_514 = arith.constant 208 : i32
      %add3A_515 = arith.addi %mul3A_513, %add3A_514 : i32
      %add3A_516 = arith.constant 0 : i32
      %add3A_517 = arith.addi %add3A_516, %add3A_515 : i32
      %get3A_518 = arith.index_cast %add3A_517 : i32 to index
      %get3A_519 = tpu.vector_load %arg12[%get3A_518] {strides = array<i32>} : memref<16384xi32, #tpu.memory_space<vmem>>, vector<16xi32>,
      %gather3A_520 = tpu.vector_load_idx %arg13[%get3A_519] : memref<100096xf32, #tpu.memory_space<vmem>>[vector<16xi32>], vector<16xf32>,
      %swap3A_521 = arith.index_cast %add3A_515 : i32 to index
      %swap3A_522 = tpu.vector_load %arg14[%swap3A_521] {strides = array<i32>} : memref<4096xf32, #tpu.memory_space<vmem>>, vector<16xf32>,
      tpu.vector_store %arg14[%swap3A_521], %gather3A_520 {strides = array<i32>} : memref<4096xf32, #tpu.memory_space<vmem>>, vector<16xf32>,
      %mul3A_523 = arith.constant 256 : i32
      %mul3A_524 = arith.muli %scan3A_371, %mul3A_523 : i32
      %add3A_525 = arith.constant 224 : i32
      %add3A_526 = arith.addi %mul3A_524, %add3A_525 : i32
      %add3A_527 = arith.constant 0 : i32
      %add3A_528 = arith.addi %add3A_527, %add3A_526 : i32
      %get3A_529 = arith.index_cast %add3A_528 : i32 to index
      %get3A_530 = tpu.vector_load %arg12[%get3A_529] {strides = array<i32>} : memref<16384xi32, #tpu.memory_space<vmem>>, vector<16xi32>,
      %gather3A_531 = tpu.vector_load_idx %arg13[%get3A_530] : memref<100096xf32, #tpu.memory_space<vmem>>[vector<16xi32>], vector<16xf32>,
      %swap3A_532 = arith.index_cast %add3A_526 : i32 to index
      %swap3A_533 = tpu.vector_load %arg14[%swap3A_532] {strides = array<i32>} : memref<4096xf32, #tpu.memory_space<vmem>>, vector<16xf32>,
      tpu.vector_store %arg14[%swap3A_532], %gather3A_531 {strides = array<i32>} : memref<4096xf32, #tpu.memory_space<vmem>>, vector<16xf32>,
      %mul3A_534 = arith.constant 256 : i32
      %mul3A_535 = arith.muli %scan3A_371, %mul3A_534 : i32
      %add3A_536 = arith.constant 240 : i32
      %add3A_537 = arith.addi %mul3A_535, %add3A_536 : i32
      %add3A_538 = arith.constant 0 : i32
      %add3A_539 = arith.addi %add3A_538, %add3A_537 : i32
      %get3A_540 = arith.index_cast %add3A_539 : i32 to index
      %get3A_541 = tpu.vector_load %arg12[%get3A_540] {strides = array<i32>} : memref<16384xi32, #tpu.memory_space<vmem>>, vector<16xi32>,
      %gather3A_542 = tpu.vector_load_idx %arg13[%get3A_541] : memref<100096xf32, #tpu.memory_space<vmem>>[vector<16xi32>], vector<16xf32>,
      %swap3A_543 = arith.index_cast %add3A_537 : i32 to index
      %swap3A_544 = tpu.vector_load %arg14[%swap3A_543] {strides = array<i32>} : memref<4096xf32, #tpu.memory_space<vmem>>, vector<16xf32>,
      tpu.vector_store %arg14[%swap3A_543], %gather3A_542 {strides = array<i32>} : memref<4096xf32, #tpu.memory_space<vmem>>, vector<16xf32>,
    }
    %scan3A_277 = arith.constant 16 : i32
    %dma_start3A_278 = arith.constant 0 : i32
    %dma_start3A_279 = tpu.memref_slice %arg11[%add3A_165, %dma_start3A_278] : memref<76x16384xf32, #tpu.memory_space<hbm>> -> memref<1x4096xf32, #tpu.memory_space<hbm>>
    %dma_start3A_280 = tpu.memref_squeeze %dma_start3A_279 : memref<1x4096xf32, #tpu.memory_space<hbm>> -> memref<4096xf32, #tpu.memory_space<hbm>>
    %dma_start3A_281 = arith.constant 0 : i32
    %dma_start3A_282 = tpu.memref_slice %arg11[%add3A_165, %dma_start3A_281] : memref<76x16384xf32, #tpu.memory_space<hbm>> -> memref<1x4096xf32, #tpu.memory_space<hbm>>
    %dma_start3A_283 = tpu.memref_squeeze %dma_start3A_282 : memref<1x4096xf32, #tpu.memory_space<hbm>> -> memref<4096xf32, #tpu.memory_space<hbm>>
    tpu.enqueue_dma source(%arg14 : memref<4096xf32, #tpu.memory_space<vmem>>) target(%dma_start3A_283 : memref<4096xf32, #tpu.memory_space<hbm>>) target_semaphore(%arg18 : memref<!tpu.dma_semaphore, #tpu.memory_space<semaphore_mem>>)
    %dma_wait3A_284 = arith.constant 12288 : i32
    %dma_wait3A_285 = tpu.memref_slice %arg11[%add3A_4, %dma_wait3A_284] : memref<76x16384xf32, #tpu.memory_space<hbm>> -> memref<1x4096xf32, #tpu.memory_space<hbm>>
    %dma_wait3A_286 = tpu.memref_squeeze %dma_wait3A_285 : memref<1x4096xf32, #tpu.memory_space<hbm>> -> memref<4096xf32, #tpu.memory_space<hbm>>
    %dma_wait3A_287 = arith.constant 12288 : i32
    %dma_wait3A_288 = tpu.memref_slice %arg11[%add3A_4, %dma_wait3A_287] : memref<76x16384xf32, #tpu.memory_space<hbm>> -> memref<1x4096xf32, #tpu.memory_space<hbm>>
    %dma_wait3A_289 = tpu.memref_squeeze %dma_wait3A_288 : memref<1x4096xf32, #tpu.memory_space<hbm>> -> memref<4096xf32, #tpu.memory_space<hbm>>
    tpu.wait_dma2 semaphore(%arg19 : memref<!tpu.dma_semaphore, #tpu.memory_space<semaphore_mem>>) src(%arg15 : memref<4096xf32, #tpu.memory_space<vmem>>) dst(%dma_wait3A_289 : memref<4096xf32, #tpu.memory_space<hbm>>)
    %scan3A_290 = arith.constant 0 : i32
    %scan3A_291 = arith.constant 0 : i32
    %scan3A_292 = arith.constant 16 : i32
    %scan3A_293 = arith.addi %scan3A_291, %scan3A_292 : i32
    %scan3A_294 = arith.constant 1 : i32
    scf.for %scan3A_371 = %scan3A_291 to %scan3A_293 step %scan3A_294  : i32 {
      %mul3A_372 = arith.constant 256 : i32
      %mul3A_373 = arith.muli %scan3A_371, %mul3A_372 : i32
      %add3A_374 = arith.constant 0 : i32
      %add3A_375 = arith.addi %mul3A_373, %add3A_374 : i32
      %add3A_376 = arith.constant 4096 : i32
      %add3A_377 = arith.addi %add3A_376, %add3A_375 : i32
      %get3A = arith.index_cast %add3A_377 : i32 to index
      %get3A_378 = tpu.vector_load %arg12[%get3A] {strides = array<i32>} : memref<16384xi32, #tpu.memory_space<vmem>>, vector<16xi32>,
      %gather3A = tpu.vector_load_idx %arg13[%get3A_378] : memref<100096xf32, #tpu.memory_space<vmem>>[vector<16xi32>], vector<16xf32>,
      %swap3A = arith.index_cast %add3A_375 : i32 to index
      %swap3A_379 = tpu.vector_load %arg15[%swap3A] {strides = array<i32>} : memref<4096xf32, #tpu.memory_space<vmem>>, vector<16xf32>,
      tpu.vector_store %arg15[%swap3A], %gather3A {strides = array<i32>} : memref<4096xf32, #tpu.memory_space<vmem>>, vector<16xf32>,
      %mul3A_380 = arith.constant 256 : i32
      %mul3A_381 = arith.muli %scan3A_371, %mul3A_380 : i32
      %add3A_382 = arith.constant 16 : i32
      %add3A_383 = arith.addi %mul3A_381, %add3A_382 : i32
      %add3A_384 = arith.constant 4096 : i32
      %add3A_385 = arith.addi %add3A_384, %add3A_383 : i32
      %get3A_386 = arith.index_cast %add3A_385 : i32 to index
      %get3A_387 = tpu.vector_load %arg12[%get3A_386] {strides = array<i32>} : memref<16384xi32, #tpu.memory_space<vmem>>, vector<16xi32>,
      %gather3A_388 = tpu.vector_load_idx %arg13[%get3A_387] : memref<100096xf32, #tpu.memory_space<vmem>>[vector<16xi32>], vector<16xf32>,
      %swap3A_389 = arith.index_cast %add3A_383 : i32 to index
      %swap3A_390 = tpu.vector_load %arg15[%swap3A_389] {strides = array<i32>} : memref<4096xf32, #tpu.memory_space<vmem>>, vector<16xf32>,
      tpu.vector_store %arg15[%swap3A_389], %gather3A_388 {strides = array<i32>} : memref<4096xf32, #tpu.memory_space<vmem>>, vector<16xf32>,
      %mul3A_391 = arith.constant 256 : i32
      %mul3A_392 = arith.muli %scan3A_371, %mul3A_391 : i32
      %add3A_393 = arith.constant 32 : i32
      %add3A_394 = arith.addi %mul3A_392, %add3A_393 : i32
      %add3A_395 = arith.constant 4096 : i32
      %add3A_396 = arith.addi %add3A_395, %add3A_394 : i32
      %get3A_397 = arith.index_cast %add3A_396 : i32 to index
      %get3A_398 = tpu.vector_load %arg12[%get3A_397] {strides = array<i32>} : memref<16384xi32, #tpu.memory_space<vmem>>, vector<16xi32>,
      %gather3A_399 = tpu.vector_load_idx %arg13[%get3A_398] : memref<100096xf32, #tpu.memory_space<vmem>>[vector<16xi32>], vector<16xf32>,
      %swap3A_400 = arith.index_cast %add3A_394 : i32 to index
      %swap3A_401 = tpu.vector_load %arg15[%swap3A_400] {strides = array<i32>} : memref<4096xf32, #tpu.memory_space<vmem>>, vector<16xf32>,
      tpu.vector_store %arg15[%swap3A_400], %gather3A_399 {strides = array<i32>} : memref<4096xf32, #tpu.memory_space<vmem>>, vector<16xf32>,
      %mul3A_402 = arith.constant 256 : i32
      %mul3A_403 = arith.muli %scan3A_371, %mul3A_402 : i32
      %add3A_404 = arith.constant 48 : i32
      %add3A_405 = arith.addi %mul3A_403, %add3A_404 : i32
      %add3A_406 = arith.constant 4096 : i32
      %add3A_407 = arith.addi %add3A_406, %add3A_405 : i32
      %get3A_408 = arith.index_cast %add3A_407 : i32 to index
      %get3A_409 = tpu.vector_load %arg12[%get3A_408] {strides = array<i32>} : memref<16384xi32, #tpu.memory_space<vmem>>, vector<16xi32>,
      %gather3A_410 = tpu.vector_load_idx %arg13[%get3A_409] : memref<100096xf32, #tpu.memory_space<vmem>>[vector<16xi32>], vector<16xf32>,
      %swap3A_411 = arith.index_cast %add3A_405 : i32 to index
      %swap3A_412 = tpu.vector_load %arg15[%swap3A_411] {strides = array<i32>} : memref<4096xf32, #tpu.memory_space<vmem>>, vector<16xf32>,
      tpu.vector_store %arg15[%swap3A_411], %gather3A_410 {strides = array<i32>} : memref<4096xf32, #tpu.memory_space<vmem>>, vector<16xf32>,
      %mul3A_413 = arith.constant 256 : i32
      %mul3A_414 = arith.muli %scan3A_371, %mul3A_413 : i32
      %add3A_415 = arith.constant 64 : i32
      %add3A_416 = arith.addi %mul3A_414, %add3A_415 : i32
      %add3A_417 = arith.constant 4096 : i32
      %add3A_418 = arith.addi %add3A_417, %add3A_416 : i32
      %get3A_419 = arith.index_cast %add3A_418 : i32 to index
      %get3A_420 = tpu.vector_load %arg12[%get3A_419] {strides = array<i32>} : memref<16384xi32, #tpu.memory_space<vmem>>, vector<16xi32>,
      %gather3A_421 = tpu.vector_load_idx %arg13[%get3A_420] : memref<100096xf32, #tpu.memory_space<vmem>>[vector<16xi32>], vector<16xf32>,
      %swap3A_422 = arith.index_cast %add3A_416 : i32 to index
      %swap3A_423 = tpu.vector_load %arg15[%swap3A_422] {strides = array<i32>} : memref<4096xf32, #tpu.memory_space<vmem>>, vector<16xf32>,
      tpu.vector_store %arg15[%swap3A_422], %gather3A_421 {strides = array<i32>} : memref<4096xf32, #tpu.memory_space<vmem>>, vector<16xf32>,
      %mul3A_424 = arith.constant 256 : i32
      %mul3A_425 = arith.muli %scan3A_371, %mul3A_424 : i32
      %add3A_426 = arith.constant 80 : i32
      %add3A_427 = arith.addi %mul3A_425, %add3A_426 : i32
      %add3A_428 = arith.constant 4096 : i32
      %add3A_429 = arith.addi %add3A_428, %add3A_427 : i32
      %get3A_430 = arith.index_cast %add3A_429 : i32 to index
      %get3A_431 = tpu.vector_load %arg12[%get3A_430] {strides = array<i32>} : memref<16384xi32, #tpu.memory_space<vmem>>, vector<16xi32>,
      %gather3A_432 = tpu.vector_load_idx %arg13[%get3A_431] : memref<100096xf32, #tpu.memory_space<vmem>>[vector<16xi32>], vector<16xf32>,
      %swap3A_433 = arith.index_cast %add3A_427 : i32 to index
      %swap3A_434 = tpu.vector_load %arg15[%swap3A_433] {strides = array<i32>} : memref<4096xf32, #tpu.memory_space<vmem>>, vector<16xf32>,
      tpu.vector_store %arg15[%swap3A_433], %gather3A_432 {strides = array<i32>} : memref<4096xf32, #tpu.memory_space<vmem>>, vector<16xf32>,
      %mul3A_435 = arith.constant 256 : i32
      %mul3A_436 = arith.muli %scan3A_371, %mul3A_435 : i32
      %add3A_437 = arith.constant 96 : i32
      %add3A_438 = arith.addi %mul3A_436, %add3A_437 : i32
      %add3A_439 = arith.constant 4096 : i32
      %add3A_440 = arith.addi %add3A_439, %add3A_438 : i32
      %get3A_441 = arith.index_cast %add3A_440 : i32 to index
      %get3A_442 = tpu.vector_load %arg12[%get3A_441] {strides = array<i32>} : memref<16384xi32, #tpu.memory_space<vmem>>, vector<16xi32>,
      %gather3A_443 = tpu.vector_load_idx %arg13[%get3A_442] : memref<100096xf32, #tpu.memory_space<vmem>>[vector<16xi32>], vector<16xf32>,
      %swap3A_444 = arith.index_cast %add3A_438 : i32 to index
      %swap3A_445 = tpu.vector_load %arg15[%swap3A_444] {strides = array<i32>} : memref<4096xf32, #tpu.memory_space<vmem>>, vector<16xf32>,
      tpu.vector_store %arg15[%swap3A_444], %gather3A_443 {strides = array<i32>} : memref<4096xf32, #tpu.memory_space<vmem>>, vector<16xf32>,
      %mul3A_446 = arith.constant 256 : i32
      %mul3A_447 = arith.muli %scan3A_371, %mul3A_446 : i32
      %add3A_448 = arith.constant 112 : i32
      %add3A_449 = arith.addi %mul3A_447, %add3A_448 : i32
      %add3A_450 = arith.constant 4096 : i32
      %add3A_451 = arith.addi %add3A_450, %add3A_449 : i32
      %get3A_452 = arith.index_cast %add3A_451 : i32 to index
      %get3A_453 = tpu.vector_load %arg12[%get3A_452] {strides = array<i32>} : memref<16384xi32, #tpu.memory_space<vmem>>, vector<16xi32>,
      %gather3A_454 = tpu.vector_load_idx %arg13[%get3A_453] : memref<100096xf32, #tpu.memory_space<vmem>>[vector<16xi32>], vector<16xf32>,
      %swap3A_455 = arith.index_cast %add3A_449 : i32 to index
      %swap3A_456 = tpu.vector_load %arg15[%swap3A_455] {strides = array<i32>} : memref<4096xf32, #tpu.memory_space<vmem>>, vector<16xf32>,
      tpu.vector_store %arg15[%swap3A_455], %gather3A_454 {strides = array<i32>} : memref<4096xf32, #tpu.memory_space<vmem>>, vector<16xf32>,
      %mul3A_457 = arith.constant 256 : i32
      %mul3A_458 = arith.muli %scan3A_371, %mul3A_457 : i32
      %add3A_459 = arith.constant 128 : i32
      %add3A_460 = arith.addi %mul3A_458, %add3A_459 : i32
      %add3A_461 = arith.constant 4096 : i32
      %add3A_462 = arith.addi %add3A_461, %add3A_460 : i32
      %get3A_463 = arith.index_cast %add3A_462 : i32 to index
      %get3A_464 = tpu.vector_load %arg12[%get3A_463] {strides = array<i32>} : memref<16384xi32, #tpu.memory_space<vmem>>, vector<16xi32>,
      %gather3A_465 = tpu.vector_load_idx %arg13[%get3A_464] : memref<100096xf32, #tpu.memory_space<vmem>>[vector<16xi32>], vector<16xf32>,
      %swap3A_466 = arith.index_cast %add3A_460 : i32 to index
      %swap3A_467 = tpu.vector_load %arg15[%swap3A_466] {strides = array<i32>} : memref<4096xf32, #tpu.memory_space<vmem>>, vector<16xf32>,
      tpu.vector_store %arg15[%swap3A_466], %gather3A_465 {strides = array<i32>} : memref<4096xf32, #tpu.memory_space<vmem>>, vector<16xf32>,
      %mul3A_468 = arith.constant 256 : i32
      %mul3A_469 = arith.muli %scan3A_371, %mul3A_468 : i32
      %add3A_470 = arith.constant 144 : i32
      %add3A_471 = arith.addi %mul3A_469, %add3A_470 : i32
      %add3A_472 = arith.constant 4096 : i32
      %add3A_473 = arith.addi %add3A_472, %add3A_471 : i32
      %get3A_474 = arith.index_cast %add3A_473 : i32 to index
      %get3A_475 = tpu.vector_load %arg12[%get3A_474] {strides = array<i32>} : memref<16384xi32, #tpu.memory_space<vmem>>, vector<16xi32>,
      %gather3A_476 = tpu.vector_load_idx %arg13[%get3A_475] : memref<100096xf32, #tpu.memory_space<vmem>>[vector<16xi32>], vector<16xf32>,
      %swap3A_477 = arith.index_cast %add3A_471 : i32 to index
      %swap3A_478 = tpu.vector_load %arg15[%swap3A_477] {strides = array<i32>} : memref<4096xf32, #tpu.memory_space<vmem>>, vector<16xf32>,
      tpu.vector_store %arg15[%swap3A_477], %gather3A_476 {strides = array<i32>} : memref<4096xf32, #tpu.memory_space<vmem>>, vector<16xf32>,
      %mul3A_479 = arith.constant 256 : i32
      %mul3A_480 = arith.muli %scan3A_371, %mul3A_479 : i32
      %add3A_481 = arith.constant 160 : i32
      %add3A_482 = arith.addi %mul3A_480, %add3A_481 : i32
      %add3A_483 = arith.constant 4096 : i32
      %add3A_484 = arith.addi %add3A_483, %add3A_482 : i32
      %get3A_485 = arith.index_cast %add3A_484 : i32 to index
      %get3A_486 = tpu.vector_load %arg12[%get3A_485] {strides = array<i32>} : memref<16384xi32, #tpu.memory_space<vmem>>, vector<16xi32>,
      %gather3A_487 = tpu.vector_load_idx %arg13[%get3A_486] : memref<100096xf32, #tpu.memory_space<vmem>>[vector<16xi32>], vector<16xf32>,
      %swap3A_488 = arith.index_cast %add3A_482 : i32 to index
      %swap3A_489 = tpu.vector_load %arg15[%swap3A_488] {strides = array<i32>} : memref<4096xf32, #tpu.memory_space<vmem>>, vector<16xf32>,
      tpu.vector_store %arg15[%swap3A_488], %gather3A_487 {strides = array<i32>} : memref<4096xf32, #tpu.memory_space<vmem>>, vector<16xf32>,
      %mul3A_490 = arith.constant 256 : i32
      %mul3A_491 = arith.muli %scan3A_371, %mul3A_490 : i32
      %add3A_492 = arith.constant 176 : i32
      %add3A_493 = arith.addi %mul3A_491, %add3A_492 : i32
      %add3A_494 = arith.constant 4096 : i32
      %add3A_495 = arith.addi %add3A_494, %add3A_493 : i32
      %get3A_496 = arith.index_cast %add3A_495 : i32 to index
      %get3A_497 = tpu.vector_load %arg12[%get3A_496] {strides = array<i32>} : memref<16384xi32, #tpu.memory_space<vmem>>, vector<16xi32>,
      %gather3A_498 = tpu.vector_load_idx %arg13[%get3A_497] : memref<100096xf32, #tpu.memory_space<vmem>>[vector<16xi32>], vector<16xf32>,
      %swap3A_499 = arith.index_cast %add3A_493 : i32 to index
      %swap3A_500 = tpu.vector_load %arg15[%swap3A_499] {strides = array<i32>} : memref<4096xf32, #tpu.memory_space<vmem>>, vector<16xf32>,
      tpu.vector_store %arg15[%swap3A_499], %gather3A_498 {strides = array<i32>} : memref<4096xf32, #tpu.memory_space<vmem>>, vector<16xf32>,
      %mul3A_501 = arith.constant 256 : i32
      %mul3A_502 = arith.muli %scan3A_371, %mul3A_501 : i32
      %add3A_503 = arith.constant 192 : i32
      %add3A_504 = arith.addi %mul3A_502, %add3A_503 : i32
      %add3A_505 = arith.constant 4096 : i32
      %add3A_506 = arith.addi %add3A_505, %add3A_504 : i32
      %get3A_507 = arith.index_cast %add3A_506 : i32 to index
      %get3A_508 = tpu.vector_load %arg12[%get3A_507] {strides = array<i32>} : memref<16384xi32, #tpu.memory_space<vmem>>, vector<16xi32>,
      %gather3A_509 = tpu.vector_load_idx %arg13[%get3A_508] : memref<100096xf32, #tpu.memory_space<vmem>>[vector<16xi32>], vector<16xf32>,
      %swap3A_510 = arith.index_cast %add3A_504 : i32 to index
      %swap3A_511 = tpu.vector_load %arg15[%swap3A_510] {strides = array<i32>} : memref<4096xf32, #tpu.memory_space<vmem>>, vector<16xf32>,
      tpu.vector_store %arg15[%swap3A_510], %gather3A_509 {strides = array<i32>} : memref<4096xf32, #tpu.memory_space<vmem>>, vector<16xf32>,
      %mul3A_512 = arith.constant 256 : i32
      %mul3A_513 = arith.muli %scan3A_371, %mul3A_512 : i32
      %add3A_514 = arith.constant 208 : i32
      %add3A_515 = arith.addi %mul3A_513, %add3A_514 : i32
      %add3A_516 = arith.constant 4096 : i32
      %add3A_517 = arith.addi %add3A_516, %add3A_515 : i32
      %get3A_518 = arith.index_cast %add3A_517 : i32 to index
      %get3A_519 = tpu.vector_load %arg12[%get3A_518] {strides = array<i32>} : memref<16384xi32, #tpu.memory_space<vmem>>, vector<16xi32>,
      %gather3A_520 = tpu.vector_load_idx %arg13[%get3A_519] : memref<100096xf32, #tpu.memory_space<vmem>>[vector<16xi32>], vector<16xf32>,
      %swap3A_521 = arith.index_cast %add3A_515 : i32 to index
      %swap3A_522 = tpu.vector_load %arg15[%swap3A_521] {strides = array<i32>} : memref<4096xf32, #tpu.memory_space<vmem>>, vector<16xf32>,
      tpu.vector_store %arg15[%swap3A_521], %gather3A_520 {strides = array<i32>} : memref<4096xf32, #tpu.memory_space<vmem>>, vector<16xf32>,
      %mul3A_523 = arith.constant 256 : i32
      %mul3A_524 = arith.muli %scan3A_371, %mul3A_523 : i32
      %add3A_525 = arith.constant 224 : i32
      %add3A_526 = arith.addi %mul3A_524, %add3A_525 : i32
      %add3A_527 = arith.constant 4096 : i32
      %add3A_528 = arith.addi %add3A_527, %add3A_526 : i32
      %get3A_529 = arith.index_cast %add3A_528 : i32 to index
      %get3A_530 = tpu.vector_load %arg12[%get3A_529] {strides = array<i32>} : memref<16384xi32, #tpu.memory_space<vmem>>, vector<16xi32>,
      %gather3A_531 = tpu.vector_load_idx %arg13[%get3A_530] : memref<100096xf32, #tpu.memory_space<vmem>>[vector<16xi32>], vector<16xf32>,
      %swap3A_532 = arith.index_cast %add3A_526 : i32 to index
      %swap3A_533 = tpu.vector_load %arg15[%swap3A_532] {strides = array<i32>} : memref<4096xf32, #tpu.memory_space<vmem>>, vector<16xf32>,
      tpu.vector_store %arg15[%swap3A_532], %gather3A_531 {strides = array<i32>} : memref<4096xf32, #tpu.memory_space<vmem>>, vector<16xf32>,
      %mul3A_534 = arith.constant 256 : i32
      %mul3A_535 = arith.muli %scan3A_371, %mul3A_534 : i32
      %add3A_536 = arith.constant 240 : i32
      %add3A_537 = arith.addi %mul3A_535, %add3A_536 : i32
      %add3A_538 = arith.constant 4096 : i32
      %add3A_539 = arith.addi %add3A_538, %add3A_537 : i32
      %get3A_540 = arith.index_cast %add3A_539 : i32 to index
      %get3A_541 = tpu.vector_load %arg12[%get3A_540] {strides = array<i32>} : memref<16384xi32, #tpu.memory_space<vmem>>, vector<16xi32>,
      %gather3A_542 = tpu.vector_load_idx %arg13[%get3A_541] : memref<100096xf32, #tpu.memory_space<vmem>>[vector<16xi32>], vector<16xf32>,
      %swap3A_543 = arith.index_cast %add3A_537 : i32 to index
      %swap3A_544 = tpu.vector_load %arg15[%swap3A_543] {strides = array<i32>} : memref<4096xf32, #tpu.memory_space<vmem>>, vector<16xf32>,
      tpu.vector_store %arg15[%swap3A_543], %gather3A_542 {strides = array<i32>} : memref<4096xf32, #tpu.memory_space<vmem>>, vector<16xf32>,
    }
    %scan3A_295 = arith.constant 16 : i32
    %dma_start3A_296 = arith.constant 4096 : i32
    %dma_start3A_297 = tpu.memref_slice %arg11[%add3A_165, %dma_start3A_296] : memref<76x16384xf32, #tpu.memory_space<hbm>> -> memref<1x4096xf32, #tpu.memory_space<hbm>>
    %dma_start3A_298 = tpu.memref_squeeze %dma_start3A_297 : memref<1x4096xf32, #tpu.memory_space<hbm>> -> memref<4096xf32, #tpu.memory_space<hbm>>
    %dma_start3A_299 = arith.constant 4096 : i32
    %dma_start3A_300 = tpu.memref_slice %arg11[%add3A_165, %dma_start3A_299] : memref<76x16384xf32, #tpu.memory_space<hbm>> -> memref<1x4096xf32, #tpu.memory_space<hbm>>
    %dma_start3A_301 = tpu.memref_squeeze %dma_start3A_300 : memref<1x4096xf32, #tpu.memory_space<hbm>> -> memref<4096xf32, #tpu.memory_space<hbm>>
    tpu.enqueue_dma source(%arg15 : memref<4096xf32, #tpu.memory_space<vmem>>) target(%dma_start3A_301 : memref<4096xf32, #tpu.memory_space<hbm>>) target_semaphore(%arg19 : memref<!tpu.dma_semaphore, #tpu.memory_space<semaphore_mem>>)
    %dma_wait3A_302 = arith.constant 0 : i32
    %dma_wait3A_303 = tpu.memref_slice %arg11[%add3A_165, %dma_wait3A_302] : memref<76x16384xf32, #tpu.memory_space<hbm>> -> memref<1x4096xf32, #tpu.memory_space<hbm>>
    %dma_wait3A_304 = tpu.memref_squeeze %dma_wait3A_303 : memref<1x4096xf32, #tpu.memory_space<hbm>> -> memref<4096xf32, #tpu.memory_space<hbm>>
    %dma_wait3A_305 = arith.constant 0 : i32
    %dma_wait3A_306 = tpu.memref_slice %arg11[%add3A_165, %dma_wait3A_305] : memref<76x16384xf32, #tpu.memory_space<hbm>> -> memref<1x4096xf32, #tpu.memory_space<hbm>>
    %dma_wait3A_307 = tpu.memref_squeeze %dma_wait3A_306 : memref<1x4096xf32, #tpu.memory_space<hbm>> -> memref<4096xf32, #tpu.memory_space<hbm>>
    tpu.wait_dma2 semaphore(%arg18 : memref<!tpu.dma_semaphore, #tpu.memory_space<semaphore_mem>>) src(%arg14 : memref<4096xf32, #tpu.memory_space<vmem>>) dst(%dma_wait3A_307 : memref<4096xf32, #tpu.memory_space<hbm>>)
    %scan3A_308 = arith.constant 0 : i32
    %scan3A_309 = arith.constant 0 : i32
    %scan3A_310 = arith.constant 16 : i32
    %scan3A_311 = arith.addi %scan3A_309, %scan3A_310 : i32
    %scan3A_312 = arith.constant 1 : i32
    scf.for %scan3A_371 = %scan3A_309 to %scan3A_311 step %scan3A_312  : i32 {
      %mul3A_372 = arith.constant 256 : i32
      %mul3A_373 = arith.muli %scan3A_371, %mul3A_372 : i32
      %add3A_374 = arith.constant 0 : i32
      %add3A_375 = arith.addi %mul3A_373, %add3A_374 : i32
      %add3A_376 = arith.constant 8192 : i32
      %add3A_377 = arith.addi %add3A_376, %add3A_375 : i32
      %get3A = arith.index_cast %add3A_377 : i32 to index
      %get3A_378 = tpu.vector_load %arg12[%get3A] {strides = array<i32>} : memref<16384xi32, #tpu.memory_space<vmem>>, vector<16xi32>,
      %gather3A = tpu.vector_load_idx %arg13[%get3A_378] : memref<100096xf32, #tpu.memory_space<vmem>>[vector<16xi32>], vector<16xf32>,
      %swap3A = arith.index_cast %add3A_375 : i32 to index
      %swap3A_379 = tpu.vector_load %arg14[%swap3A] {strides = array<i32>} : memref<4096xf32, #tpu.memory_space<vmem>>, vector<16xf32>,
      tpu.vector_store %arg14[%swap3A], %gather3A {strides = array<i32>} : memref<4096xf32, #tpu.memory_space<vmem>>, vector<16xf32>,
      %mul3A_380 = arith.constant 256 : i32
      %mul3A_381 = arith.muli %scan3A_371, %mul3A_380 : i32
      %add3A_382 = arith.constant 16 : i32
      %add3A_383 = arith.addi %mul3A_381, %add3A_382 : i32
      %add3A_384 = arith.constant 8192 : i32
      %add3A_385 = arith.addi %add3A_384, %add3A_383 : i32
      %get3A_386 = arith.index_cast %add3A_385 : i32 to index
      %get3A_387 = tpu.vector_load %arg12[%get3A_386] {strides = array<i32>} : memref<16384xi32, #tpu.memory_space<vmem>>, vector<16xi32>,
      %gather3A_388 = tpu.vector_load_idx %arg13[%get3A_387] : memref<100096xf32, #tpu.memory_space<vmem>>[vector<16xi32>], vector<16xf32>,
      %swap3A_389 = arith.index_cast %add3A_383 : i32 to index
      %swap3A_390 = tpu.vector_load %arg14[%swap3A_389] {strides = array<i32>} : memref<4096xf32, #tpu.memory_space<vmem>>, vector<16xf32>,
      tpu.vector_store %arg14[%swap3A_389], %gather3A_388 {strides = array<i32>} : memref<4096xf32, #tpu.memory_space<vmem>>, vector<16xf32>,
      %mul3A_391 = arith.constant 256 : i32
      %mul3A_392 = arith.muli %scan3A_371, %mul3A_391 : i32
      %add3A_393 = arith.constant 32 : i32
      %add3A_394 = arith.addi %mul3A_392, %add3A_393 : i32
      %add3A_395 = arith.constant 8192 : i32
      %add3A_396 = arith.addi %add3A_395, %add3A_394 : i32
      %get3A_397 = arith.index_cast %add3A_396 : i32 to index
      %get3A_398 = tpu.vector_load %arg12[%get3A_397] {strides = array<i32>} : memref<16384xi32, #tpu.memory_space<vmem>>, vector<16xi32>,
      %gather3A_399 = tpu.vector_load_idx %arg13[%get3A_398] : memref<100096xf32, #tpu.memory_space<vmem>>[vector<16xi32>], vector<16xf32>,
      %swap3A_400 = arith.index_cast %add3A_394 : i32 to index
      %swap3A_401 = tpu.vector_load %arg14[%swap3A_400] {strides = array<i32>} : memref<4096xf32, #tpu.memory_space<vmem>>, vector<16xf32>,
      tpu.vector_store %arg14[%swap3A_400], %gather3A_399 {strides = array<i32>} : memref<4096xf32, #tpu.memory_space<vmem>>, vector<16xf32>,
      %mul3A_402 = arith.constant 256 : i32
      %mul3A_403 = arith.muli %scan3A_371, %mul3A_402 : i32
      %add3A_404 = arith.constant 48 : i32
      %add3A_405 = arith.addi %mul3A_403, %add3A_404 : i32
      %add3A_406 = arith.constant 8192 : i32
      %add3A_407 = arith.addi %add3A_406, %add3A_405 : i32
      %get3A_408 = arith.index_cast %add3A_407 : i32 to index
      %get3A_409 = tpu.vector_load %arg12[%get3A_408] {strides = array<i32>} : memref<16384xi32, #tpu.memory_space<vmem>>, vector<16xi32>,
      %gather3A_410 = tpu.vector_load_idx %arg13[%get3A_409] : memref<100096xf32, #tpu.memory_space<vmem>>[vector<16xi32>], vector<16xf32>,
      %swap3A_411 = arith.index_cast %add3A_405 : i32 to index
      %swap3A_412 = tpu.vector_load %arg14[%swap3A_411] {strides = array<i32>} : memref<4096xf32, #tpu.memory_space<vmem>>, vector<16xf32>,
      tpu.vector_store %arg14[%swap3A_411], %gather3A_410 {strides = array<i32>} : memref<4096xf32, #tpu.memory_space<vmem>>, vector<16xf32>,
      %mul3A_413 = arith.constant 256 : i32
      %mul3A_414 = arith.muli %scan3A_371, %mul3A_413 : i32
      %add3A_415 = arith.constant 64 : i32
      %add3A_416 = arith.addi %mul3A_414, %add3A_415 : i32
      %add3A_417 = arith.constant 8192 : i32
      %add3A_418 = arith.addi %add3A_417, %add3A_416 : i32
      %get3A_419 = arith.index_cast %add3A_418 : i32 to index
      %get3A_420 = tpu.vector_load %arg12[%get3A_419] {strides = array<i32>} : memref<16384xi32, #tpu.memory_space<vmem>>, vector<16xi32>,
      %gather3A_421 = tpu.vector_load_idx %arg13[%get3A_420] : memref<100096xf32, #tpu.memory_space<vmem>>[vector<16xi32>], vector<16xf32>,
      %swap3A_422 = arith.index_cast %add3A_416 : i32 to index
      %swap3A_423 = tpu.vector_load %arg14[%swap3A_422] {strides = array<i32>} : memref<4096xf32, #tpu.memory_space<vmem>>, vector<16xf32>,
      tpu.vector_store %arg14[%swap3A_422], %gather3A_421 {strides = array<i32>} : memref<4096xf32, #tpu.memory_space<vmem>>, vector<16xf32>,
      %mul3A_424 = arith.constant 256 : i32
      %mul3A_425 = arith.muli %scan3A_371, %mul3A_424 : i32
      %add3A_426 = arith.constant 80 : i32
      %add3A_427 = arith.addi %mul3A_425, %add3A_426 : i32
      %add3A_428 = arith.constant 8192 : i32
      %add3A_429 = arith.addi %add3A_428, %add3A_427 : i32
      %get3A_430 = arith.index_cast %add3A_429 : i32 to index
      %get3A_431 = tpu.vector_load %arg12[%get3A_430] {strides = array<i32>} : memref<16384xi32, #tpu.memory_space<vmem>>, vector<16xi32>,
      %gather3A_432 = tpu.vector_load_idx %arg13[%get3A_431] : memref<100096xf32, #tpu.memory_space<vmem>>[vector<16xi32>], vector<16xf32>,
      %swap3A_433 = arith.index_cast %add3A_427 : i32 to index
      %swap3A_434 = tpu.vector_load %arg14[%swap3A_433] {strides = array<i32>} : memref<4096xf32, #tpu.memory_space<vmem>>, vector<16xf32>,
      tpu.vector_store %arg14[%swap3A_433], %gather3A_432 {strides = array<i32>} : memref<4096xf32, #tpu.memory_space<vmem>>, vector<16xf32>,
      %mul3A_435 = arith.constant 256 : i32
      %mul3A_436 = arith.muli %scan3A_371, %mul3A_435 : i32
      %add3A_437 = arith.constant 96 : i32
      %add3A_438 = arith.addi %mul3A_436, %add3A_437 : i32
      %add3A_439 = arith.constant 8192 : i32
      %add3A_440 = arith.addi %add3A_439, %add3A_438 : i32
      %get3A_441 = arith.index_cast %add3A_440 : i32 to index
      %get3A_442 = tpu.vector_load %arg12[%get3A_441] {strides = array<i32>} : memref<16384xi32, #tpu.memory_space<vmem>>, vector<16xi32>,
      %gather3A_443 = tpu.vector_load_idx %arg13[%get3A_442] : memref<100096xf32, #tpu.memory_space<vmem>>[vector<16xi32>], vector<16xf32>,
      %swap3A_444 = arith.index_cast %add3A_438 : i32 to index
      %swap3A_445 = tpu.vector_load %arg14[%swap3A_444] {strides = array<i32>} : memref<4096xf32, #tpu.memory_space<vmem>>, vector<16xf32>,
      tpu.vector_store %arg14[%swap3A_444], %gather3A_443 {strides = array<i32>} : memref<4096xf32, #tpu.memory_space<vmem>>, vector<16xf32>,
      %mul3A_446 = arith.constant 256 : i32
      %mul3A_447 = arith.muli %scan3A_371, %mul3A_446 : i32
      %add3A_448 = arith.constant 112 : i32
      %add3A_449 = arith.addi %mul3A_447, %add3A_448 : i32
      %add3A_450 = arith.constant 8192 : i32
      %add3A_451 = arith.addi %add3A_450, %add3A_449 : i32
      %get3A_452 = arith.index_cast %add3A_451 : i32 to index
      %get3A_453 = tpu.vector_load %arg12[%get3A_452] {strides = array<i32>} : memref<16384xi32, #tpu.memory_space<vmem>>, vector<16xi32>,
      %gather3A_454 = tpu.vector_load_idx %arg13[%get3A_453] : memref<100096xf32, #tpu.memory_space<vmem>>[vector<16xi32>], vector<16xf32>,
      %swap3A_455 = arith.index_cast %add3A_449 : i32 to index
      %swap3A_456 = tpu.vector_load %arg14[%swap3A_455] {strides = array<i32>} : memref<4096xf32, #tpu.memory_space<vmem>>, vector<16xf32>,
      tpu.vector_store %arg14[%swap3A_455], %gather3A_454 {strides = array<i32>} : memref<4096xf32, #tpu.memory_space<vmem>>, vector<16xf32>,
      %mul3A_457 = arith.constant 256 : i32
      %mul3A_458 = arith.muli %scan3A_371, %mul3A_457 : i32
      %add3A_459 = arith.constant 128 : i32
      %add3A_460 = arith.addi %mul3A_458, %add3A_459 : i32
      %add3A_461 = arith.constant 8192 : i32
      %add3A_462 = arith.addi %add3A_461, %add3A_460 : i32
      %get3A_463 = arith.index_cast %add3A_462 : i32 to index
      %get3A_464 = tpu.vector_load %arg12[%get3A_463] {strides = array<i32>} : memref<16384xi32, #tpu.memory_space<vmem>>, vector<16xi32>,
      %gather3A_465 = tpu.vector_load_idx %arg13[%get3A_464] : memref<100096xf32, #tpu.memory_space<vmem>>[vector<16xi32>], vector<16xf32>,
      %swap3A_466 = arith.index_cast %add3A_460 : i32 to index
      %swap3A_467 = tpu.vector_load %arg14[%swap3A_466] {strides = array<i32>} : memref<4096xf32, #tpu.memory_space<vmem>>, vector<16xf32>,
      tpu.vector_store %arg14[%swap3A_466], %gather3A_465 {strides = array<i32>} : memref<4096xf32, #tpu.memory_space<vmem>>, vector<16xf32>,
      %mul3A_468 = arith.constant 256 : i32
      %mul3A_469 = arith.muli %scan3A_371, %mul3A_468 : i32
      %add3A_470 = arith.constant 144 : i32
      %add3A_471 = arith.addi %mul3A_469, %add3A_470 : i32
      %add3A_472 = arith.constant 8192 : i32
      %add3A_473 = arith.addi %add3A_472, %add3A_471 : i32
      %get3A_474 = arith.index_cast %add3A_473 : i32 to index
      %get3A_475 = tpu.vector_load %arg12[%get3A_474] {strides = array<i32>} : memref<16384xi32, #tpu.memory_space<vmem>>, vector<16xi32>,
      %gather3A_476 = tpu.vector_load_idx %arg13[%get3A_475] : memref<100096xf32, #tpu.memory_space<vmem>>[vector<16xi32>], vector<16xf32>,
      %swap3A_477 = arith.index_cast %add3A_471 : i32 to index
      %swap3A_478 = tpu.vector_load %arg14[%swap3A_477] {strides = array<i32>} : memref<4096xf32, #tpu.memory_space<vmem>>, vector<16xf32>,
      tpu.vector_store %arg14[%swap3A_477], %gather3A_476 {strides = array<i32>} : memref<4096xf32, #tpu.memory_space<vmem>>, vector<16xf32>,
      %mul3A_479 = arith.constant 256 : i32
      %mul3A_480 = arith.muli %scan3A_371, %mul3A_479 : i32
      %add3A_481 = arith.constant 160 : i32
      %add3A_482 = arith.addi %mul3A_480, %add3A_481 : i32
      %add3A_483 = arith.constant 8192 : i32
      %add3A_484 = arith.addi %add3A_483, %add3A_482 : i32
      %get3A_485 = arith.index_cast %add3A_484 : i32 to index
      %get3A_486 = tpu.vector_load %arg12[%get3A_485] {strides = array<i32>} : memref<16384xi32, #tpu.memory_space<vmem>>, vector<16xi32>,
      %gather3A_487 = tpu.vector_load_idx %arg13[%get3A_486] : memref<100096xf32, #tpu.memory_space<vmem>>[vector<16xi32>], vector<16xf32>,
      %swap3A_488 = arith.index_cast %add3A_482 : i32 to index
      %swap3A_489 = tpu.vector_load %arg14[%swap3A_488] {strides = array<i32>} : memref<4096xf32, #tpu.memory_space<vmem>>, vector<16xf32>,
      tpu.vector_store %arg14[%swap3A_488], %gather3A_487 {strides = array<i32>} : memref<4096xf32, #tpu.memory_space<vmem>>, vector<16xf32>,
      %mul3A_490 = arith.constant 256 : i32
      %mul3A_491 = arith.muli %scan3A_371, %mul3A_490 : i32
      %add3A_492 = arith.constant 176 : i32
      %add3A_493 = arith.addi %mul3A_491, %add3A_492 : i32
      %add3A_494 = arith.constant 8192 : i32
      %add3A_495 = arith.addi %add3A_494, %add3A_493 : i32
      %get3A_496 = arith.index_cast %add3A_495 : i32 to index
      %get3A_497 = tpu.vector_load %arg12[%get3A_496] {strides = array<i32>} : memref<16384xi32, #tpu.memory_space<vmem>>, vector<16xi32>,
      %gather3A_498 = tpu.vector_load_idx %arg13[%get3A_497] : memref<100096xf32, #tpu.memory_space<vmem>>[vector<16xi32>], vector<16xf32>,
      %swap3A_499 = arith.index_cast %add3A_493 : i32 to index
      %swap3A_500 = tpu.vector_load %arg14[%swap3A_499] {strides = array<i32>} : memref<4096xf32, #tpu.memory_space<vmem>>, vector<16xf32>,
      tpu.vector_store %arg14[%swap3A_499], %gather3A_498 {strides = array<i32>} : memref<4096xf32, #tpu.memory_space<vmem>>, vector<16xf32>,
      %mul3A_501 = arith.constant 256 : i32
      %mul3A_502 = arith.muli %scan3A_371, %mul3A_501 : i32
      %add3A_503 = arith.constant 192 : i32
      %add3A_504 = arith.addi %mul3A_502, %add3A_503 : i32
      %add3A_505 = arith.constant 8192 : i32
      %add3A_506 = arith.addi %add3A_505, %add3A_504 : i32
      %get3A_507 = arith.index_cast %add3A_506 : i32 to index
      %get3A_508 = tpu.vector_load %arg12[%get3A_507] {strides = array<i32>} : memref<16384xi32, #tpu.memory_space<vmem>>, vector<16xi32>,
      %gather3A_509 = tpu.vector_load_idx %arg13[%get3A_508] : memref<100096xf32, #tpu.memory_space<vmem>>[vector<16xi32>], vector<16xf32>,
      %swap3A_510 = arith.index_cast %add3A_504 : i32 to index
      %swap3A_511 = tpu.vector_load %arg14[%swap3A_510] {strides = array<i32>} : memref<4096xf32, #tpu.memory_space<vmem>>, vector<16xf32>,
      tpu.vector_store %arg14[%swap3A_510], %gather3A_509 {strides = array<i32>} : memref<4096xf32, #tpu.memory_space<vmem>>, vector<16xf32>,
      %mul3A_512 = arith.constant 256 : i32
      %mul3A_513 = arith.muli %scan3A_371, %mul3A_512 : i32
      %add3A_514 = arith.constant 208 : i32
      %add3A_515 = arith.addi %mul3A_513, %add3A_514 : i32
      %add3A_516 = arith.constant 8192 : i32
      %add3A_517 = arith.addi %add3A_516, %add3A_515 : i32
      %get3A_518 = arith.index_cast %add3A_517 : i32 to index
      %get3A_519 = tpu.vector_load %arg12[%get3A_518] {strides = array<i32>} : memref<16384xi32, #tpu.memory_space<vmem>>, vector<16xi32>,
      %gather3A_520 = tpu.vector_load_idx %arg13[%get3A_519] : memref<100096xf32, #tpu.memory_space<vmem>>[vector<16xi32>], vector<16xf32>,
      %swap3A_521 = arith.index_cast %add3A_515 : i32 to index
      %swap3A_522 = tpu.vector_load %arg14[%swap3A_521] {strides = array<i32>} : memref<4096xf32, #tpu.memory_space<vmem>>, vector<16xf32>,
      tpu.vector_store %arg14[%swap3A_521], %gather3A_520 {strides = array<i32>} : memref<4096xf32, #tpu.memory_space<vmem>>, vector<16xf32>,
      %mul3A_523 = arith.constant 256 : i32
      %mul3A_524 = arith.muli %scan3A_371, %mul3A_523 : i32
      %add3A_525 = arith.constant 224 : i32
      %add3A_526 = arith.addi %mul3A_524, %add3A_525 : i32
      %add3A_527 = arith.constant 8192 : i32
      %add3A_528 = arith.addi %add3A_527, %add3A_526 : i32
      %get3A_529 = arith.index_cast %add3A_528 : i32 to index
      %get3A_530 = tpu.vector_load %arg12[%get3A_529] {strides = array<i32>} : memref<16384xi32, #tpu.memory_space<vmem>>, vector<16xi32>,
      %gather3A_531 = tpu.vector_load_idx %arg13[%get3A_530] : memref<100096xf32, #tpu.memory_space<vmem>>[vector<16xi32>], vector<16xf32>,
      %swap3A_532 = arith.index_cast %add3A_526 : i32 to index
      %swap3A_533 = tpu.vector_load %arg14[%swap3A_532] {strides = array<i32>} : memref<4096xf32, #tpu.memory_space<vmem>>, vector<16xf32>,
      tpu.vector_store %arg14[%swap3A_532], %gather3A_531 {strides = array<i32>} : memref<4096xf32, #tpu.memory_space<vmem>>, vector<16xf32>,
      %mul3A_534 = arith.constant 256 : i32
      %mul3A_535 = arith.muli %scan3A_371, %mul3A_534 : i32
      %add3A_536 = arith.constant 240 : i32
      %add3A_537 = arith.addi %mul3A_535, %add3A_536 : i32
      %add3A_538 = arith.constant 8192 : i32
      %add3A_539 = arith.addi %add3A_538, %add3A_537 : i32
      %get3A_540 = arith.index_cast %add3A_539 : i32 to index
      %get3A_541 = tpu.vector_load %arg12[%get3A_540] {strides = array<i32>} : memref<16384xi32, #tpu.memory_space<vmem>>, vector<16xi32>,
      %gather3A_542 = tpu.vector_load_idx %arg13[%get3A_541] : memref<100096xf32, #tpu.memory_space<vmem>>[vector<16xi32>], vector<16xf32>,
      %swap3A_543 = arith.index_cast %add3A_537 : i32 to index
      %swap3A_544 = tpu.vector_load %arg14[%swap3A_543] {strides = array<i32>} : memref<4096xf32, #tpu.memory_space<vmem>>, vector<16xf32>,
      tpu.vector_store %arg14[%swap3A_543], %gather3A_542 {strides = array<i32>} : memref<4096xf32, #tpu.memory_space<vmem>>, vector<16xf32>,
    }
    %scan3A_313 = arith.constant 16 : i32
    %dma_start3A_314 = arith.constant 8192 : i32
    %dma_start3A_315 = tpu.memref_slice %arg11[%add3A_165, %dma_start3A_314] : memref<76x16384xf32, #tpu.memory_space<hbm>> -> memref<1x4096xf32, #tpu.memory_space<hbm>>
    %dma_start3A_316 = tpu.memref_squeeze %dma_start3A_315 : memref<1x4096xf32, #tpu.memory_space<hbm>> -> memref<4096xf32, #tpu.memory_space<hbm>>
    %dma_start3A_317 = arith.constant 8192 : i32
    %dma_start3A_318 = tpu.memref_slice %arg11[%add3A_165, %dma_start3A_317] : memref<76x16384xf32, #tpu.memory_space<hbm>> -> memref<1x4096xf32, #tpu.memory_space<hbm>>
    %dma_start3A_319 = tpu.memref_squeeze %dma_start3A_318 : memref<1x4096xf32, #tpu.memory_space<hbm>> -> memref<4096xf32, #tpu.memory_space<hbm>>
    tpu.enqueue_dma source(%arg14 : memref<4096xf32, #tpu.memory_space<vmem>>) target(%dma_start3A_319 : memref<4096xf32, #tpu.memory_space<hbm>>) target_semaphore(%arg18 : memref<!tpu.dma_semaphore, #tpu.memory_space<semaphore_mem>>)
    %dma_wait3A_320 = arith.constant 4096 : i32
    %dma_wait3A_321 = tpu.memref_slice %arg11[%add3A_165, %dma_wait3A_320] : memref<76x16384xf32, #tpu.memory_space<hbm>> -> memref<1x4096xf32, #tpu.memory_space<hbm>>
    %dma_wait3A_322 = tpu.memref_squeeze %dma_wait3A_321 : memref<1x4096xf32, #tpu.memory_space<hbm>> -> memref<4096xf32, #tpu.memory_space<hbm>>
    %dma_wait3A_323 = arith.constant 4096 : i32
    %dma_wait3A_324 = tpu.memref_slice %arg11[%add3A_165, %dma_wait3A_323] : memref<76x16384xf32, #tpu.memory_space<hbm>> -> memref<1x4096xf32, #tpu.memory_space<hbm>>
    %dma_wait3A_325 = tpu.memref_squeeze %dma_wait3A_324 : memref<1x4096xf32, #tpu.memory_space<hbm>> -> memref<4096xf32, #tpu.memory_space<hbm>>
    tpu.wait_dma2 semaphore(%arg19 : memref<!tpu.dma_semaphore, #tpu.memory_space<semaphore_mem>>) src(%arg15 : memref<4096xf32, #tpu.memory_space<vmem>>) dst(%dma_wait3A_325 : memref<4096xf32, #tpu.memory_space<hbm>>)
    %scan3A_326 = arith.constant 0 : i32
    %scan3A_327 = arith.constant 0 : i32
    %scan3A_328 = arith.constant 16 : i32
    %scan3A_329 = arith.addi %scan3A_327, %scan3A_328 : i32
    %scan3A_330 = arith.constant 1 : i32
    scf.for %scan3A_371 = %scan3A_327 to %scan3A_329 step %scan3A_330  : i32 {
      %mul3A_372 = arith.constant 256 : i32
      %mul3A_373 = arith.muli %scan3A_371, %mul3A_372 : i32
      %add3A_374 = arith.constant 0 : i32
      %add3A_375 = arith.addi %mul3A_373, %add3A_374 : i32
      %add3A_376 = arith.constant 12288 : i32
      %add3A_377 = arith.addi %add3A_376, %add3A_375 : i32
      %get3A = arith.index_cast %add3A_377 : i32 to index
      %get3A_378 = tpu.vector_load %arg12[%get3A] {strides = array<i32>} : memref<16384xi32, #tpu.memory_space<vmem>>, vector<16xi32>,
      %gather3A = tpu.vector_load_idx %arg13[%get3A_378] : memref<100096xf32, #tpu.memory_space<vmem>>[vector<16xi32>], vector<16xf32>,
      %swap3A = arith.index_cast %add3A_375 : i32 to index
      %swap3A_379 = tpu.vector_load %arg15[%swap3A] {strides = array<i32>} : memref<4096xf32, #tpu.memory_space<vmem>>, vector<16xf32>,
      tpu.vector_store %arg15[%swap3A], %gather3A {strides = array<i32>} : memref<4096xf32, #tpu.memory_space<vmem>>, vector<16xf32>,
      %mul3A_380 = arith.constant 256 : i32
      %mul3A_381 = arith.muli %scan3A_371, %mul3A_380 : i32
      %add3A_382 = arith.constant 16 : i32
      %add3A_383 = arith.addi %mul3A_381, %add3A_382 : i32
      %add3A_384 = arith.constant 12288 : i32
      %add3A_385 = arith.addi %add3A_384, %add3A_383 : i32
      %get3A_386 = arith.index_cast %add3A_385 : i32 to index
      %get3A_387 = tpu.vector_load %arg12[%get3A_386] {strides = array<i32>} : memref<16384xi32, #tpu.memory_space<vmem>>, vector<16xi32>,
      %gather3A_388 = tpu.vector_load_idx %arg13[%get3A_387] : memref<100096xf32, #tpu.memory_space<vmem>>[vector<16xi32>], vector<16xf32>,
      %swap3A_389 = arith.index_cast %add3A_383 : i32 to index
      %swap3A_390 = tpu.vector_load %arg15[%swap3A_389] {strides = array<i32>} : memref<4096xf32, #tpu.memory_space<vmem>>, vector<16xf32>,
      tpu.vector_store %arg15[%swap3A_389], %gather3A_388 {strides = array<i32>} : memref<4096xf32, #tpu.memory_space<vmem>>, vector<16xf32>,
      %mul3A_391 = arith.constant 256 : i32
      %mul3A_392 = arith.muli %scan3A_371, %mul3A_391 : i32
      %add3A_393 = arith.constant 32 : i32
      %add3A_394 = arith.addi %mul3A_392, %add3A_393 : i32
      %add3A_395 = arith.constant 12288 : i32
      %add3A_396 = arith.addi %add3A_395, %add3A_394 : i32
      %get3A_397 = arith.index_cast %add3A_396 : i32 to index
      %get3A_398 = tpu.vector_load %arg12[%get3A_397] {strides = array<i32>} : memref<16384xi32, #tpu.memory_space<vmem>>, vector<16xi32>,
      %gather3A_399 = tpu.vector_load_idx %arg13[%get3A_398] : memref<100096xf32, #tpu.memory_space<vmem>>[vector<16xi32>], vector<16xf32>,
      %swap3A_400 = arith.index_cast %add3A_394 : i32 to index
      %swap3A_401 = tpu.vector_load %arg15[%swap3A_400] {strides = array<i32>} : memref<4096xf32, #tpu.memory_space<vmem>>, vector<16xf32>,
      tpu.vector_store %arg15[%swap3A_400], %gather3A_399 {strides = array<i32>} : memref<4096xf32, #tpu.memory_space<vmem>>, vector<16xf32>,
      %mul3A_402 = arith.constant 256 : i32
      %mul3A_403 = arith.muli %scan3A_371, %mul3A_402 : i32
      %add3A_404 = arith.constant 48 : i32
      %add3A_405 = arith.addi %mul3A_403, %add3A_404 : i32
      %add3A_406 = arith.constant 12288 : i32
      %add3A_407 = arith.addi %add3A_406, %add3A_405 : i32
      %get3A_408 = arith.index_cast %add3A_407 : i32 to index
      %get3A_409 = tpu.vector_load %arg12[%get3A_408] {strides = array<i32>} : memref<16384xi32, #tpu.memory_space<vmem>>, vector<16xi32>,
      %gather3A_410 = tpu.vector_load_idx %arg13[%get3A_409] : memref<100096xf32, #tpu.memory_space<vmem>>[vector<16xi32>], vector<16xf32>,
      %swap3A_411 = arith.index_cast %add3A_405 : i32 to index
      %swap3A_412 = tpu.vector_load %arg15[%swap3A_411] {strides = array<i32>} : memref<4096xf32, #tpu.memory_space<vmem>>, vector<16xf32>,
      tpu.vector_store %arg15[%swap3A_411], %gather3A_410 {strides = array<i32>} : memref<4096xf32, #tpu.memory_space<vmem>>, vector<16xf32>,
      %mul3A_413 = arith.constant 256 : i32
      %mul3A_414 = arith.muli %scan3A_371, %mul3A_413 : i32
      %add3A_415 = arith.constant 64 : i32
      %add3A_416 = arith.addi %mul3A_414, %add3A_415 : i32
      %add3A_417 = arith.constant 12288 : i32
      %add3A_418 = arith.addi %add3A_417, %add3A_416 : i32
      %get3A_419 = arith.index_cast %add3A_418 : i32 to index
      %get3A_420 = tpu.vector_load %arg12[%get3A_419] {strides = array<i32>} : memref<16384xi32, #tpu.memory_space<vmem>>, vector<16xi32>,
      %gather3A_421 = tpu.vector_load_idx %arg13[%get3A_420] : memref<100096xf32, #tpu.memory_space<vmem>>[vector<16xi32>], vector<16xf32>,
      %swap3A_422 = arith.index_cast %add3A_416 : i32 to index
      %swap3A_423 = tpu.vector_load %arg15[%swap3A_422] {strides = array<i32>} : memref<4096xf32, #tpu.memory_space<vmem>>, vector<16xf32>,
      tpu.vector_store %arg15[%swap3A_422], %gather3A_421 {strides = array<i32>} : memref<4096xf32, #tpu.memory_space<vmem>>, vector<16xf32>,
      %mul3A_424 = arith.constant 256 : i32
      %mul3A_425 = arith.muli %scan3A_371, %mul3A_424 : i32
      %add3A_426 = arith.constant 80 : i32
      %add3A_427 = arith.addi %mul3A_425, %add3A_426 : i32
      %add3A_428 = arith.constant 12288 : i32
      %add3A_429 = arith.addi %add3A_428, %add3A_427 : i32
      %get3A_430 = arith.index_cast %add3A_429 : i32 to index
      %get3A_431 = tpu.vector_load %arg12[%get3A_430] {strides = array<i32>} : memref<16384xi32, #tpu.memory_space<vmem>>, vector<16xi32>,
      %gather3A_432 = tpu.vector_load_idx %arg13[%get3A_431] : memref<100096xf32, #tpu.memory_space<vmem>>[vector<16xi32>], vector<16xf32>,
      %swap3A_433 = arith.index_cast %add3A_427 : i32 to index
      %swap3A_434 = tpu.vector_load %arg15[%swap3A_433] {strides = array<i32>} : memref<4096xf32, #tpu.memory_space<vmem>>, vector<16xf32>,
      tpu.vector_store %arg15[%swap3A_433], %gather3A_432 {strides = array<i32>} : memref<4096xf32, #tpu.memory_space<vmem>>, vector<16xf32>,
      %mul3A_435 = arith.constant 256 : i32
      %mul3A_436 = arith.muli %scan3A_371, %mul3A_435 : i32
      %add3A_437 = arith.constant 96 : i32
      %add3A_438 = arith.addi %mul3A_436, %add3A_437 : i32
      %add3A_439 = arith.constant 12288 : i32
      %add3A_440 = arith.addi %add3A_439, %add3A_438 : i32
      %get3A_441 = arith.index_cast %add3A_440 : i32 to index
      %get3A_442 = tpu.vector_load %arg12[%get3A_441] {strides = array<i32>} : memref<16384xi32, #tpu.memory_space<vmem>>, vector<16xi32>,
      %gather3A_443 = tpu.vector_load_idx %arg13[%get3A_442] : memref<100096xf32, #tpu.memory_space<vmem>>[vector<16xi32>], vector<16xf32>,
      %swap3A_444 = arith.index_cast %add3A_438 : i32 to index
      %swap3A_445 = tpu.vector_load %arg15[%swap3A_444] {strides = array<i32>} : memref<4096xf32, #tpu.memory_space<vmem>>, vector<16xf32>,
      tpu.vector_store %arg15[%swap3A_444], %gather3A_443 {strides = array<i32>} : memref<4096xf32, #tpu.memory_space<vmem>>, vector<16xf32>,
      %mul3A_446 = arith.constant 256 : i32
      %mul3A_447 = arith.muli %scan3A_371, %mul3A_446 : i32
      %add3A_448 = arith.constant 112 : i32
      %add3A_449 = arith.addi %mul3A_447, %add3A_448 : i32
      %add3A_450 = arith.constant 12288 : i32
      %add3A_451 = arith.addi %add3A_450, %add3A_449 : i32
      %get3A_452 = arith.index_cast %add3A_451 : i32 to index
      %get3A_453 = tpu.vector_load %arg12[%get3A_452] {strides = array<i32>} : memref<16384xi32, #tpu.memory_space<vmem>>, vector<16xi32>,
      %gather3A_454 = tpu.vector_load_idx %arg13[%get3A_453] : memref<100096xf32, #tpu.memory_space<vmem>>[vector<16xi32>], vector<16xf32>,
      %swap3A_455 = arith.index_cast %add3A_449 : i32 to index
      %swap3A_456 = tpu.vector_load %arg15[%swap3A_455] {strides = array<i32>} : memref<4096xf32, #tpu.memory_space<vmem>>, vector<16xf32>,
      tpu.vector_store %arg15[%swap3A_455], %gather3A_454 {strides = array<i32>} : memref<4096xf32, #tpu.memory_space<vmem>>, vector<16xf32>,
      %mul3A_457 = arith.constant 256 : i32
      %mul3A_458 = arith.muli %scan3A_371, %mul3A_457 : i32
      %add3A_459 = arith.constant 128 : i32
      %add3A_460 = arith.addi %mul3A_458, %add3A_459 : i32
      %add3A_461 = arith.constant 12288 : i32
      %add3A_462 = arith.addi %add3A_461, %add3A_460 : i32
      %get3A_463 = arith.index_cast %add3A_462 : i32 to index
      %get3A_464 = tpu.vector_load %arg12[%get3A_463] {strides = array<i32>} : memref<16384xi32, #tpu.memory_space<vmem>>, vector<16xi32>,
      %gather3A_465 = tpu.vector_load_idx %arg13[%get3A_464] : memref<100096xf32, #tpu.memory_space<vmem>>[vector<16xi32>], vector<16xf32>,
      %swap3A_466 = arith.index_cast %add3A_460 : i32 to index
      %swap3A_467 = tpu.vector_load %arg15[%swap3A_466] {strides = array<i32>} : memref<4096xf32, #tpu.memory_space<vmem>>, vector<16xf32>,
      tpu.vector_store %arg15[%swap3A_466], %gather3A_465 {strides = array<i32>} : memref<4096xf32, #tpu.memory_space<vmem>>, vector<16xf32>,
      %mul3A_468 = arith.constant 256 : i32
      %mul3A_469 = arith.muli %scan3A_371, %mul3A_468 : i32
      %add3A_470 = arith.constant 144 : i32
      %add3A_471 = arith.addi %mul3A_469, %add3A_470 : i32
      %add3A_472 = arith.constant 12288 : i32
      %add3A_473 = arith.addi %add3A_472, %add3A_471 : i32
      %get3A_474 = arith.index_cast %add3A_473 : i32 to index
      %get3A_475 = tpu.vector_load %arg12[%get3A_474] {strides = array<i32>} : memref<16384xi32, #tpu.memory_space<vmem>>, vector<16xi32>,
      %gather3A_476 = tpu.vector_load_idx %arg13[%get3A_475] : memref<100096xf32, #tpu.memory_space<vmem>>[vector<16xi32>], vector<16xf32>,
      %swap3A_477 = arith.index_cast %add3A_471 : i32 to index
      %swap3A_478 = tpu.vector_load %arg15[%swap3A_477] {strides = array<i32>} : memref<4096xf32, #tpu.memory_space<vmem>>, vector<16xf32>,
      tpu.vector_store %arg15[%swap3A_477], %gather3A_476 {strides = array<i32>} : memref<4096xf32, #tpu.memory_space<vmem>>, vector<16xf32>,
      %mul3A_479 = arith.constant 256 : i32
      %mul3A_480 = arith.muli %scan3A_371, %mul3A_479 : i32
      %add3A_481 = arith.constant 160 : i32
      %add3A_482 = arith.addi %mul3A_480, %add3A_481 : i32
      %add3A_483 = arith.constant 12288 : i32
      %add3A_484 = arith.addi %add3A_483, %add3A_482 : i32
      %get3A_485 = arith.index_cast %add3A_484 : i32 to index
      %get3A_486 = tpu.vector_load %arg12[%get3A_485] {strides = array<i32>} : memref<16384xi32, #tpu.memory_space<vmem>>, vector<16xi32>,
      %gather3A_487 = tpu.vector_load_idx %arg13[%get3A_486] : memref<100096xf32, #tpu.memory_space<vmem>>[vector<16xi32>], vector<16xf32>,
      %swap3A_488 = arith.index_cast %add3A_482 : i32 to index
      %swap3A_489 = tpu.vector_load %arg15[%swap3A_488] {strides = array<i32>} : memref<4096xf32, #tpu.memory_space<vmem>>, vector<16xf32>,
      tpu.vector_store %arg15[%swap3A_488], %gather3A_487 {strides = array<i32>} : memref<4096xf32, #tpu.memory_space<vmem>>, vector<16xf32>,
      %mul3A_490 = arith.constant 256 : i32
      %mul3A_491 = arith.muli %scan3A_371, %mul3A_490 : i32
      %add3A_492 = arith.constant 176 : i32
      %add3A_493 = arith.addi %mul3A_491, %add3A_492 : i32
      %add3A_494 = arith.constant 12288 : i32
      %add3A_495 = arith.addi %add3A_494, %add3A_493 : i32
      %get3A_496 = arith.index_cast %add3A_495 : i32 to index
      %get3A_497 = tpu.vector_load %arg12[%get3A_496] {strides = array<i32>} : memref<16384xi32, #tpu.memory_space<vmem>>, vector<16xi32>,
      %gather3A_498 = tpu.vector_load_idx %arg13[%get3A_497] : memref<100096xf32, #tpu.memory_space<vmem>>[vector<16xi32>], vector<16xf32>,
      %swap3A_499 = arith.index_cast %add3A_493 : i32 to index
      %swap3A_500 = tpu.vector_load %arg15[%swap3A_499] {strides = array<i32>} : memref<4096xf32, #tpu.memory_space<vmem>>, vector<16xf32>,
      tpu.vector_store %arg15[%swap3A_499], %gather3A_498 {strides = array<i32>} : memref<4096xf32, #tpu.memory_space<vmem>>, vector<16xf32>,
      %mul3A_501 = arith.constant 256 : i32
      %mul3A_502 = arith.muli %scan3A_371, %mul3A_501 : i32
      %add3A_503 = arith.constant 192 : i32
      %add3A_504 = arith.addi %mul3A_502, %add3A_503 : i32
      %add3A_505 = arith.constant 12288 : i32
      %add3A_506 = arith.addi %add3A_505, %add3A_504 : i32
      %get3A_507 = arith.index_cast %add3A_506 : i32 to index
      %get3A_508 = tpu.vector_load %arg12[%get3A_507] {strides = array<i32>} : memref<16384xi32, #tpu.memory_space<vmem>>, vector<16xi32>,
      %gather3A_509 = tpu.vector_load_idx %arg13[%get3A_508] : memref<100096xf32, #tpu.memory_space<vmem>>[vector<16xi32>], vector<16xf32>,
      %swap3A_510 = arith.index_cast %add3A_504 : i32 to index
      %swap3A_511 = tpu.vector_load %arg15[%swap3A_510] {strides = array<i32>} : memref<4096xf32, #tpu.memory_space<vmem>>, vector<16xf32>,
      tpu.vector_store %arg15[%swap3A_510], %gather3A_509 {strides = array<i32>} : memref<4096xf32, #tpu.memory_space<vmem>>, vector<16xf32>,
      %mul3A_512 = arith.constant 256 : i32
      %mul3A_513 = arith.muli %scan3A_371, %mul3A_512 : i32
      %add3A_514 = arith.constant 208 : i32
      %add3A_515 = arith.addi %mul3A_513, %add3A_514 : i32
      %add3A_516 = arith.constant 12288 : i32
      %add3A_517 = arith.addi %add3A_516, %add3A_515 : i32
      %get3A_518 = arith.index_cast %add3A_517 : i32 to index
      %get3A_519 = tpu.vector_load %arg12[%get3A_518] {strides = array<i32>} : memref<16384xi32, #tpu.memory_space<vmem>>, vector<16xi32>,
      %gather3A_520 = tpu.vector_load_idx %arg13[%get3A_519] : memref<100096xf32, #tpu.memory_space<vmem>>[vector<16xi32>], vector<16xf32>,
      %swap3A_521 = arith.index_cast %add3A_515 : i32 to index
      %swap3A_522 = tpu.vector_load %arg15[%swap3A_521] {strides = array<i32>} : memref<4096xf32, #tpu.memory_space<vmem>>, vector<16xf32>,
      tpu.vector_store %arg15[%swap3A_521], %gather3A_520 {strides = array<i32>} : memref<4096xf32, #tpu.memory_space<vmem>>, vector<16xf32>,
      %mul3A_523 = arith.constant 256 : i32
      %mul3A_524 = arith.muli %scan3A_371, %mul3A_523 : i32
      %add3A_525 = arith.constant 224 : i32
      %add3A_526 = arith.addi %mul3A_524, %add3A_525 : i32
      %add3A_527 = arith.constant 12288 : i32
      %add3A_528 = arith.addi %add3A_527, %add3A_526 : i32
      %get3A_529 = arith.index_cast %add3A_528 : i32 to index
      %get3A_530 = tpu.vector_load %arg12[%get3A_529] {strides = array<i32>} : memref<16384xi32, #tpu.memory_space<vmem>>, vector<16xi32>,
      %gather3A_531 = tpu.vector_load_idx %arg13[%get3A_530] : memref<100096xf32, #tpu.memory_space<vmem>>[vector<16xi32>], vector<16xf32>,
      %swap3A_532 = arith.index_cast %add3A_526 : i32 to index
      %swap3A_533 = tpu.vector_load %arg15[%swap3A_532] {strides = array<i32>} : memref<4096xf32, #tpu.memory_space<vmem>>, vector<16xf32>,
      tpu.vector_store %arg15[%swap3A_532], %gather3A_531 {strides = array<i32>} : memref<4096xf32, #tpu.memory_space<vmem>>, vector<16xf32>,
      %mul3A_534 = arith.constant 256 : i32
      %mul3A_535 = arith.muli %scan3A_371, %mul3A_534 : i32
      %add3A_536 = arith.constant 240 : i32
      %add3A_537 = arith.addi %mul3A_535, %add3A_536 : i32
      %add3A_538 = arith.constant 12288 : i32
      %add3A_539 = arith.addi %add3A_538, %add3A_537 : i32
      %get3A_540 = arith.index_cast %add3A_539 : i32 to index
      %get3A_541 = tpu.vector_load %arg12[%get3A_540] {strides = array<i32>} : memref<16384xi32, #tpu.memory_space<vmem>>, vector<16xi32>,
      %gather3A_542 = tpu.vector_load_idx %arg13[%get3A_541] : memref<100096xf32, #tpu.memory_space<vmem>>[vector<16xi32>], vector<16xf32>,
      %swap3A_543 = arith.index_cast %add3A_537 : i32 to index
      %swap3A_544 = tpu.vector_load %arg15[%swap3A_543] {strides = array<i32>} : memref<4096xf32, #tpu.memory_space<vmem>>, vector<16xf32>,
      tpu.vector_store %arg15[%swap3A_543], %gather3A_542 {strides = array<i32>} : memref<4096xf32, #tpu.memory_space<vmem>>, vector<16xf32>,
    }
    %scan3A_331 = arith.constant 16 : i32
    %dma_start3A_332 = arith.constant 12288 : i32
    %dma_start3A_333 = tpu.memref_slice %arg11[%add3A_165, %dma_start3A_332] : memref<76x16384xf32, #tpu.memory_space<hbm>> -> memref<1x4096xf32, #tpu.memory_space<hbm>>
    %dma_start3A_334 = tpu.memref_squeeze %dma_start3A_333 : memref<1x4096xf32, #tpu.memory_space<hbm>> -> memref<4096xf32, #tpu.memory_space<hbm>>
    %dma_start3A_335 = arith.constant 12288 : i32
    %dma_start3A_336 = tpu.memref_slice %arg11[%add3A_165, %dma_start3A_335] : memref<76x16384xf32, #tpu.memory_space<hbm>> -> memref<1x4096xf32, #tpu.memory_space<hbm>>
    %dma_start3A_337 = tpu.memref_squeeze %dma_start3A_336 : memref<1x4096xf32, #tpu.memory_space<hbm>> -> memref<4096xf32, #tpu.memory_space<hbm>>
    tpu.enqueue_dma source(%arg15 : memref<4096xf32, #tpu.memory_space<vmem>>) target(%dma_start3A_337 : memref<4096xf32, #tpu.memory_space<hbm>>) target_semaphore(%arg19 : memref<!tpu.dma_semaphore, #tpu.memory_space<semaphore_mem>>)
    %dma_wait3A_338 = arith.constant 8192 : i32
    %dma_wait3A_339 = tpu.memref_slice %arg11[%add3A_165, %dma_wait3A_338] : memref<76x16384xf32, #tpu.memory_space<hbm>> -> memref<1x4096xf32, #tpu.memory_space<hbm>>
    %dma_wait3A_340 = tpu.memref_squeeze %dma_wait3A_339 : memref<1x4096xf32, #tpu.memory_space<hbm>> -> memref<4096xf32, #tpu.memory_space<hbm>>
    %dma_wait3A_341 = arith.constant 8192 : i32
    %dma_wait3A_342 = tpu.memref_slice %arg11[%add3A_165, %dma_wait3A_341] : memref<76x16384xf32, #tpu.memory_space<hbm>> -> memref<1x4096xf32, #tpu.memory_space<hbm>>
    %dma_wait3A_343 = tpu.memref_squeeze %dma_wait3A_342 : memref<1x4096xf32, #tpu.memory_space<hbm>> -> memref<4096xf32, #tpu.memory_space<hbm>>
    tpu.wait_dma2 semaphore(%arg18 : memref<!tpu.dma_semaphore, #tpu.memory_space<semaphore_mem>>) src(%arg14 : memref<4096xf32, #tpu.memory_space<vmem>>) dst(%dma_wait3A_343 : memref<4096xf32, #tpu.memory_space<hbm>>)
    %dma_wait3A_344 = arith.constant 12288 : i32
    %dma_wait3A_345 = tpu.memref_slice %arg11[%add3A_165, %dma_wait3A_344] : memref<76x16384xf32, #tpu.memory_space<hbm>> -> memref<1x4096xf32, #tpu.memory_space<hbm>>
    %dma_wait3A_346 = tpu.memref_squeeze %dma_wait3A_345 : memref<1x4096xf32, #tpu.memory_space<hbm>> -> memref<4096xf32, #tpu.memory_space<hbm>>
    %dma_wait3A_347 = arith.constant 12288 : i32
    %dma_wait3A_348 = tpu.memref_slice %arg11[%add3A_165, %dma_wait3A_347] : memref<76x16384xf32, #tpu.memory_space<hbm>> -> memref<1x4096xf32, #tpu.memory_space<hbm>>
    %dma_wait3A_349 = tpu.memref_squeeze %dma_wait3A_348 : memref<1x4096xf32, #tpu.memory_space<hbm>> -> memref<4096xf32, #tpu.memory_space<hbm>>
    tpu.wait_dma2 semaphore(%arg19 : memref<!tpu.dma_semaphore, #tpu.memory_space<semaphore_mem>>) src(%arg15 : memref<4096xf32, #tpu.memory_space<vmem>>) dst(%dma_wait3A_349 : memref<4096xf32, #tpu.memory_space<hbm>>)
    %ge3A = arith.constant 12 : i32
    %ge3A_350 = arith.cmpi sge, %add3A, %ge3A : i32
    %jit3A = arith.constant 12 : i32
    %jit3A_351 = arith.constant 0 : i32
    %select_n3A = arith.select %ge3A_350, %jit3A, %jit3A_351 : i32
    %sub3A = arith.subi %add3A, %select_n3A : i32
    %add3A_352 = arith.constant 64 : i32
    %add3A_353 = arith.addi %add3A_352, %sub3A : i32
    %ge3A_354 = arith.constant 12 : i32
    %ge3A_355 = arith.cmpi sge, %add3A, %ge3A_354 : i32
    %jit3A_356 = arith.constant 8192 : i32
    %jit3A_357 = arith.constant 0 : i32
    %select_n3A_358 = arith.select %ge3A_355, %jit3A_356, %jit3A_357 : i32
    %lt3A = arith.constant 24 : i32
    %lt3A_359 = arith.cmpi slt, %add3A, %lt3A : i32
    %lt3A_360 = arith.constant 4 : i32
    %lt3A_361 = arith.cmpi slt, %sub3A, %lt3A_360 : i32
    %and3A = arith.andi %lt3A_359, %lt3A_361 : i1
    %convert_element_type3A = arith.extui %and3A : i1 to i32
    %cond3A = arith.constant 0 : i32
    %cond3A_362 = arith.cmpi ne, %convert_element_type3A, %cond3A : i32
    scf.if %cond3A_362 {
      %mul3A_371 = arith.constant 16 : i32
      %mul3A_372 = arith.muli %mul3A_371, %sub3A : i32
      %get3A = arith.index_cast %mul3A_372 : i32 to index
      %get3A_373 = tpu.vector_load %arg16[%get3A] {strides = array<i32>} : memref<256xf32, #tpu.memory_space<vmem>>, vector<16xf32>,
      %mul3A_374 = arith.constant 16 : i32
      %mul3A_375 = arith.muli %mul3A_374, %sub3A : i32
      %add3A_376 = arith.constant 64 : i32
      %add3A_377 = arith.addi %add3A_376, %mul3A_375 : i32
      %get3A_378 = arith.index_cast %add3A_377 : i32 to index
      %get3A_379 = tpu.vector_load %arg16[%get3A_378] {strides = array<i32>} : memref<256xf32, #tpu.memory_space<vmem>>, vector<16xf32>,
      %eq3A = arith.constant 0 : i32
      %eq3A_380 = arith.cmpi eq, %sub3A, %eq3A : i32
      %convert_element_type3A_381 = arith.extui %eq3A_380 : i1 to i32
      %cond3A_382 = arith.constant 0 : i32
      %cond3A_383 = arith.cmpi ne, %convert_element_type3A_381, %cond3A_382 : i32
      scf.if %cond3A_383 {
        "tpu.region"() ({
          %run_scoped3A = tpu.sem_alloc : memref<!tpu.dma_semaphore, #tpu.memory_space<semaphore_mem>>
          %dma_start3A_415 = arith.constant 0 : i32
          %dma_start3A_416 = tpu.memref_slice %arg13[%dma_start3A_415] : memref<100096xf32, #tpu.memory_space<vmem>> -> memref<8192xf32, #tpu.memory_space<vmem>>
          %dma_start3A_417 = tpu.memref_slice %arg3[%select_n3A_358] : memref<16384xf32, #tpu.memory_space<hbm>> -> memref<8192xf32, #tpu.memory_space<hbm>>
          %dma_start3A_418 = arith.constant 0 : i32
          %dma_start3A_419 = tpu.memref_slice %arg13[%dma_start3A_418] : memref<100096xf32, #tpu.memory_space<vmem>> -> memref<8192xf32, #tpu.memory_space<vmem>>
          %dma_start3A_420 = tpu.memref_slice %arg3[%select_n3A_358] : memref<16384xf32, #tpu.memory_space<hbm>> -> memref<8192xf32, #tpu.memory_space<hbm>>
          tpu.enqueue_dma source(%dma_start3A_420 : memref<8192xf32, #tpu.memory_space<hbm>>) target(%dma_start3A_419 : memref<8192xf32, #tpu.memory_space<vmem>>) target_semaphore(%run_scoped3A : memref<!tpu.dma_semaphore, #tpu.memory_space<semaphore_mem>>)
          %dma_wait3A_421 = arith.constant 0 : i32
          %dma_wait3A_422 = tpu.memref_slice %arg13[%dma_wait3A_421] : memref<100096xf32, #tpu.memory_space<vmem>> -> memref<8192xf32, #tpu.memory_space<vmem>>
          %dma_wait3A_423 = tpu.memref_slice %arg3[%select_n3A_358] : memref<16384xf32, #tpu.memory_space<hbm>> -> memref<8192xf32, #tpu.memory_space<hbm>>
          %dma_wait3A_424 = arith.constant 0 : i32
          %dma_wait3A_425 = tpu.memref_slice %arg13[%dma_wait3A_424] : memref<100096xf32, #tpu.memory_space<vmem>> -> memref<8192xf32, #tpu.memory_space<vmem>>
          %dma_wait3A_426 = tpu.memref_slice %arg3[%select_n3A_358] : memref<16384xf32, #tpu.memory_space<hbm>> -> memref<8192xf32, #tpu.memory_space<hbm>>
          tpu.wait_dma2 semaphore(%run_scoped3A : memref<!tpu.dma_semaphore, #tpu.memory_space<semaphore_mem>>) src(%dma_wait3A_426 : memref<8192xf32, #tpu.memory_space<hbm>>) dst(%dma_wait3A_425 : memref<8192xf32, #tpu.memory_space<vmem>>)
          tpu.yield
        }) : () -> ()
      } else {
      }
      %eq3A_384 = arith.constant 1 : i32
      %eq3A_385 = arith.cmpi eq, %sub3A, %eq3A_384 : i32
      %convert_element_type3A_386 = arith.extui %eq3A_385 : i1 to i32
      %cond3A_387 = arith.constant 0 : i32
      %cond3A_388 = arith.cmpi ne, %convert_element_type3A_386, %cond3A_387 : i32
      scf.if %cond3A_388 {
        "tpu.region"() ({
          %run_scoped3A = tpu.sem_alloc : memref<!tpu.dma_semaphore, #tpu.memory_space<semaphore_mem>>
          %dma_start3A_415 = arith.constant 0 : i32
          %dma_start3A_416 = tpu.memref_slice %arg13[%dma_start3A_415] : memref<100096xf32, #tpu.memory_space<vmem>> -> memref<8192xf32, #tpu.memory_space<vmem>>
          %dma_start3A_417 = tpu.memref_slice %arg4[%select_n3A_358] : memref<16384xf32, #tpu.memory_space<hbm>> -> memref<8192xf32, #tpu.memory_space<hbm>>
          %dma_start3A_418 = arith.constant 0 : i32
          %dma_start3A_419 = tpu.memref_slice %arg13[%dma_start3A_418] : memref<100096xf32, #tpu.memory_space<vmem>> -> memref<8192xf32, #tpu.memory_space<vmem>>
          %dma_start3A_420 = tpu.memref_slice %arg4[%select_n3A_358] : memref<16384xf32, #tpu.memory_space<hbm>> -> memref<8192xf32, #tpu.memory_space<hbm>>
          tpu.enqueue_dma source(%dma_start3A_420 : memref<8192xf32, #tpu.memory_space<hbm>>) target(%dma_start3A_419 : memref<8192xf32, #tpu.memory_space<vmem>>) target_semaphore(%run_scoped3A : memref<!tpu.dma_semaphore, #tpu.memory_space<semaphore_mem>>)
          %dma_wait3A_421 = arith.constant 0 : i32
          %dma_wait3A_422 = tpu.memref_slice %arg13[%dma_wait3A_421] : memref<100096xf32, #tpu.memory_space<vmem>> -> memref<8192xf32, #tpu.memory_space<vmem>>
          %dma_wait3A_423 = tpu.memref_slice %arg4[%select_n3A_358] : memref<16384xf32, #tpu.memory_space<hbm>> -> memref<8192xf32, #tpu.memory_space<hbm>>
          %dma_wait3A_424 = arith.constant 0 : i32
          %dma_wait3A_425 = tpu.memref_slice %arg13[%dma_wait3A_424] : memref<100096xf32, #tpu.memory_space<vmem>> -> memref<8192xf32, #tpu.memory_space<vmem>>
          %dma_wait3A_426 = tpu.memref_slice %arg4[%select_n3A_358] : memref<16384xf32, #tpu.memory_space<hbm>> -> memref<8192xf32, #tpu.memory_space<hbm>>
          tpu.wait_dma2 semaphore(%run_scoped3A : memref<!tpu.dma_semaphore, #tpu.memory_space<semaphore_mem>>) src(%dma_wait3A_426 : memref<8192xf32, #tpu.memory_space<hbm>>) dst(%dma_wait3A_425 : memref<8192xf32, #tpu.memory_space<vmem>>)
          tpu.yield
        }) : () -> ()
      } else {
      }
      %eq3A_389 = arith.constant 2 : i32
      %eq3A_390 = arith.cmpi eq, %sub3A, %eq3A_389 : i32
      %convert_element_type3A_391 = arith.extui %eq3A_390 : i1 to i32
      %cond3A_392 = arith.constant 0 : i32
      %cond3A_393 = arith.cmpi ne, %convert_element_type3A_391, %cond3A_392 : i32
      scf.if %cond3A_393 {
        "tpu.region"() ({
          %run_scoped3A = tpu.sem_alloc : memref<!tpu.dma_semaphore, #tpu.memory_space<semaphore_mem>>
          %dma_start3A_415 = arith.constant 0 : i32
          %dma_start3A_416 = tpu.memref_slice %arg13[%dma_start3A_415] : memref<100096xf32, #tpu.memory_space<vmem>> -> memref<8192xf32, #tpu.memory_space<vmem>>
          %dma_start3A_417 = tpu.memref_slice %arg5[%select_n3A_358] : memref<16384xf32, #tpu.memory_space<hbm>> -> memref<8192xf32, #tpu.memory_space<hbm>>
          %dma_start3A_418 = arith.constant 0 : i32
          %dma_start3A_419 = tpu.memref_slice %arg13[%dma_start3A_418] : memref<100096xf32, #tpu.memory_space<vmem>> -> memref<8192xf32, #tpu.memory_space<vmem>>
          %dma_start3A_420 = tpu.memref_slice %arg5[%select_n3A_358] : memref<16384xf32, #tpu.memory_space<hbm>> -> memref<8192xf32, #tpu.memory_space<hbm>>
          tpu.enqueue_dma source(%dma_start3A_420 : memref<8192xf32, #tpu.memory_space<hbm>>) target(%dma_start3A_419 : memref<8192xf32, #tpu.memory_space<vmem>>) target_semaphore(%run_scoped3A : memref<!tpu.dma_semaphore, #tpu.memory_space<semaphore_mem>>)
          %dma_wait3A_421 = arith.constant 0 : i32
          %dma_wait3A_422 = tpu.memref_slice %arg13[%dma_wait3A_421] : memref<100096xf32, #tpu.memory_space<vmem>> -> memref<8192xf32, #tpu.memory_space<vmem>>
          %dma_wait3A_423 = tpu.memref_slice %arg5[%select_n3A_358] : memref<16384xf32, #tpu.memory_space<hbm>> -> memref<8192xf32, #tpu.memory_space<hbm>>
          %dma_wait3A_424 = arith.constant 0 : i32
          %dma_wait3A_425 = tpu.memref_slice %arg13[%dma_wait3A_424] : memref<100096xf32, #tpu.memory_space<vmem>> -> memref<8192xf32, #tpu.memory_space<vmem>>
          %dma_wait3A_426 = tpu.memref_slice %arg5[%select_n3A_358] : memref<16384xf32, #tpu.memory_space<hbm>> -> memref<8192xf32, #tpu.memory_space<hbm>>
          tpu.wait_dma2 semaphore(%run_scoped3A : memref<!tpu.dma_semaphore, #tpu.memory_space<semaphore_mem>>) src(%dma_wait3A_426 : memref<8192xf32, #tpu.memory_space<hbm>>) dst(%dma_wait3A_425 : memref<8192xf32, #tpu.memory_space<vmem>>)
          tpu.yield
        }) : () -> ()
      } else {
      }
      %eq3A_394 = arith.constant 3 : i32
      %eq3A_395 = arith.cmpi eq, %sub3A, %eq3A_394 : i32
      %convert_element_type3A_396 = arith.extui %eq3A_395 : i1 to i32
      %cond3A_397 = arith.constant 0 : i32
      %cond3A_398 = arith.cmpi ne, %convert_element_type3A_396, %cond3A_397 : i32
      scf.if %cond3A_398 {
        "tpu.region"() ({
          %run_scoped3A = tpu.sem_alloc : memref<!tpu.dma_semaphore, #tpu.memory_space<semaphore_mem>>
          %dma_start3A_415 = arith.constant 0 : i32
          %dma_start3A_416 = tpu.memref_slice %arg13[%dma_start3A_415] : memref<100096xf32, #tpu.memory_space<vmem>> -> memref<8192xf32, #tpu.memory_space<vmem>>
          %dma_start3A_417 = tpu.memref_slice %arg6[%select_n3A_358] : memref<16384xf32, #tpu.memory_space<hbm>> -> memref<8192xf32, #tpu.memory_space<hbm>>
          %dma_start3A_418 = arith.constant 0 : i32
          %dma_start3A_419 = tpu.memref_slice %arg13[%dma_start3A_418] : memref<100096xf32, #tpu.memory_space<vmem>> -> memref<8192xf32, #tpu.memory_space<vmem>>
          %dma_start3A_420 = tpu.memref_slice %arg6[%select_n3A_358] : memref<16384xf32, #tpu.memory_space<hbm>> -> memref<8192xf32, #tpu.memory_space<hbm>>
          tpu.enqueue_dma source(%dma_start3A_420 : memref<8192xf32, #tpu.memory_space<hbm>>) target(%dma_start3A_419 : memref<8192xf32, #tpu.memory_space<vmem>>) target_semaphore(%run_scoped3A : memref<!tpu.dma_semaphore, #tpu.memory_space<semaphore_mem>>)
          %dma_wait3A_421 = arith.constant 0 : i32
          %dma_wait3A_422 = tpu.memref_slice %arg13[%dma_wait3A_421] : memref<100096xf32, #tpu.memory_space<vmem>> -> memref<8192xf32, #tpu.memory_space<vmem>>
          %dma_wait3A_423 = tpu.memref_slice %arg6[%select_n3A_358] : memref<16384xf32, #tpu.memory_space<hbm>> -> memref<8192xf32, #tpu.memory_space<hbm>>
          %dma_wait3A_424 = arith.constant 0 : i32
          %dma_wait3A_425 = tpu.memref_slice %arg13[%dma_wait3A_424] : memref<100096xf32, #tpu.memory_space<vmem>> -> memref<8192xf32, #tpu.memory_space<vmem>>
          %dma_wait3A_426 = tpu.memref_slice %arg6[%select_n3A_358] : memref<16384xf32, #tpu.memory_space<hbm>> -> memref<8192xf32, #tpu.memory_space<hbm>>
          tpu.wait_dma2 semaphore(%run_scoped3A : memref<!tpu.dma_semaphore, #tpu.memory_space<semaphore_mem>>) src(%dma_wait3A_426 : memref<8192xf32, #tpu.memory_space<hbm>>) dst(%dma_wait3A_425 : memref<8192xf32, #tpu.memory_space<vmem>>)
          tpu.yield
        }) : () -> ()
      } else {
      }
      %scan3A_399 = arith.constant 0 : i32
      %scan3A_400 = arith.constant 0 : i32
      %scan3A_401 = arith.constant 16 : i32
      %scan3A_402 = arith.addi %scan3A_400, %scan3A_401 : i32
      %scan3A_403 = arith.constant 1 : i32
      scf.for %scan3A_415 = %scan3A_400 to %scan3A_402 step %scan3A_403  : i32 {
        %mul3A_416 = arith.constant 256 : i32
        %mul3A_417 = arith.muli %scan3A_415, %mul3A_416 : i32
        %add3A_418 = arith.constant 0 : i32
        %add3A_419 = arith.addi %mul3A_417, %add3A_418 : i32
        %add3A_420 = arith.constant 0 : i32
        %add3A_421 = arith.addi %add3A_420, %add3A_419 : i32
        %get3A_422 = arith.index_cast %add3A_421 : i32 to index
        %get3A_423 = tpu.vector_load %arg13[%get3A_422] {strides = array<i32>} : memref<100096xf32, #tpu.memory_space<vmem>>, vector<16xf32>,
        %sub3A_424 = arith.subf %get3A_423, %get3A_373 : vector<16xf32>
        %mul3A_425 = arith.mulf %sub3A_424, %get3A_379 : vector<16xf32>
        %swap3A = arith.index_cast %add3A_419 : i32 to index
        %swap3A_426 = tpu.vector_load %arg14[%swap3A] {strides = array<i32>} : memref<4096xf32, #tpu.memory_space<vmem>>, vector<16xf32>,
        tpu.vector_store %arg14[%swap3A], %mul3A_425 {strides = array<i32>} : memref<4096xf32, #tpu.memory_space<vmem>>, vector<16xf32>,
        %mul3A_427 = arith.constant 256 : i32
        %mul3A_428 = arith.muli %scan3A_415, %mul3A_427 : i32
        %add3A_429 = arith.constant 16 : i32
        %add3A_430 = arith.addi %mul3A_428, %add3A_429 : i32
        %add3A_431 = arith.constant 0 : i32
        %add3A_432 = arith.addi %add3A_431, %add3A_430 : i32
        %get3A_433 = arith.index_cast %add3A_432 : i32 to index
        %get3A_434 = tpu.vector_load %arg13[%get3A_433] {strides = array<i32>} : memref<100096xf32, #tpu.memory_space<vmem>>, vector<16xf32>,
        %sub3A_435 = arith.subf %get3A_434, %get3A_373 : vector<16xf32>
        %mul3A_436 = arith.mulf %sub3A_435, %get3A_379 : vector<16xf32>
        %swap3A_437 = arith.index_cast %add3A_430 : i32 to index
        %swap3A_438 = tpu.vector_load %arg14[%swap3A_437] {strides = array<i32>} : memref<4096xf32, #tpu.memory_space<vmem>>, vector<16xf32>,
        tpu.vector_store %arg14[%swap3A_437], %mul3A_436 {strides = array<i32>} : memref<4096xf32, #tpu.memory_space<vmem>>, vector<16xf32>,
        %mul3A_439 = arith.constant 256 : i32
        %mul3A_440 = arith.muli %scan3A_415, %mul3A_439 : i32
        %add3A_441 = arith.constant 32 : i32
        %add3A_442 = arith.addi %mul3A_440, %add3A_441 : i32
        %add3A_443 = arith.constant 0 : i32
        %add3A_444 = arith.addi %add3A_443, %add3A_442 : i32
        %get3A_445 = arith.index_cast %add3A_444 : i32 to index
        %get3A_446 = tpu.vector_load %arg13[%get3A_445] {strides = array<i32>} : memref<100096xf32, #tpu.memory_space<vmem>>, vector<16xf32>,
        %sub3A_447 = arith.subf %get3A_446, %get3A_373 : vector<16xf32>
        %mul3A_448 = arith.mulf %sub3A_447, %get3A_379 : vector<16xf32>
        %swap3A_449 = arith.index_cast %add3A_442 : i32 to index
        %swap3A_450 = tpu.vector_load %arg14[%swap3A_449] {strides = array<i32>} : memref<4096xf32, #tpu.memory_space<vmem>>, vector<16xf32>,
        tpu.vector_store %arg14[%swap3A_449], %mul3A_448 {strides = array<i32>} : memref<4096xf32, #tpu.memory_space<vmem>>, vector<16xf32>,
        %mul3A_451 = arith.constant 256 : i32
        %mul3A_452 = arith.muli %scan3A_415, %mul3A_451 : i32
        %add3A_453 = arith.constant 48 : i32
        %add3A_454 = arith.addi %mul3A_452, %add3A_453 : i32
        %add3A_455 = arith.constant 0 : i32
        %add3A_456 = arith.addi %add3A_455, %add3A_454 : i32
        %get3A_457 = arith.index_cast %add3A_456 : i32 to index
        %get3A_458 = tpu.vector_load %arg13[%get3A_457] {strides = array<i32>} : memref<100096xf32, #tpu.memory_space<vmem>>, vector<16xf32>,
        %sub3A_459 = arith.subf %get3A_458, %get3A_373 : vector<16xf32>
        %mul3A_460 = arith.mulf %sub3A_459, %get3A_379 : vector<16xf32>
        %swap3A_461 = arith.index_cast %add3A_454 : i32 to index
        %swap3A_462 = tpu.vector_load %arg14[%swap3A_461] {strides = array<i32>} : memref<4096xf32, #tpu.memory_space<vmem>>, vector<16xf32>,
        tpu.vector_store %arg14[%swap3A_461], %mul3A_460 {strides = array<i32>} : memref<4096xf32, #tpu.memory_space<vmem>>, vector<16xf32>,
        %mul3A_463 = arith.constant 256 : i32
        %mul3A_464 = arith.muli %scan3A_415, %mul3A_463 : i32
        %add3A_465 = arith.constant 64 : i32
        %add3A_466 = arith.addi %mul3A_464, %add3A_465 : i32
        %add3A_467 = arith.constant 0 : i32
        %add3A_468 = arith.addi %add3A_467, %add3A_466 : i32
        %get3A_469 = arith.index_cast %add3A_468 : i32 to index
        %get3A_470 = tpu.vector_load %arg13[%get3A_469] {strides = array<i32>} : memref<100096xf32, #tpu.memory_space<vmem>>, vector<16xf32>,
        %sub3A_471 = arith.subf %get3A_470, %get3A_373 : vector<16xf32>
        %mul3A_472 = arith.mulf %sub3A_471, %get3A_379 : vector<16xf32>
        %swap3A_473 = arith.index_cast %add3A_466 : i32 to index
        %swap3A_474 = tpu.vector_load %arg14[%swap3A_473] {strides = array<i32>} : memref<4096xf32, #tpu.memory_space<vmem>>, vector<16xf32>,
        tpu.vector_store %arg14[%swap3A_473], %mul3A_472 {strides = array<i32>} : memref<4096xf32, #tpu.memory_space<vmem>>, vector<16xf32>,
        %mul3A_475 = arith.constant 256 : i32
        %mul3A_476 = arith.muli %scan3A_415, %mul3A_475 : i32
        %add3A_477 = arith.constant 80 : i32
        %add3A_478 = arith.addi %mul3A_476, %add3A_477 : i32
        %add3A_479 = arith.constant 0 : i32
        %add3A_480 = arith.addi %add3A_479, %add3A_478 : i32
        %get3A_481 = arith.index_cast %add3A_480 : i32 to index
        %get3A_482 = tpu.vector_load %arg13[%get3A_481] {strides = array<i32>} : memref<100096xf32, #tpu.memory_space<vmem>>, vector<16xf32>,
        %sub3A_483 = arith.subf %get3A_482, %get3A_373 : vector<16xf32>
        %mul3A_484 = arith.mulf %sub3A_483, %get3A_379 : vector<16xf32>
        %swap3A_485 = arith.index_cast %add3A_478 : i32 to index
        %swap3A_486 = tpu.vector_load %arg14[%swap3A_485] {strides = array<i32>} : memref<4096xf32, #tpu.memory_space<vmem>>, vector<16xf32>,
        tpu.vector_store %arg14[%swap3A_485], %mul3A_484 {strides = array<i32>} : memref<4096xf32, #tpu.memory_space<vmem>>, vector<16xf32>,
        %mul3A_487 = arith.constant 256 : i32
        %mul3A_488 = arith.muli %scan3A_415, %mul3A_487 : i32
        %add3A_489 = arith.constant 96 : i32
        %add3A_490 = arith.addi %mul3A_488, %add3A_489 : i32
        %add3A_491 = arith.constant 0 : i32
        %add3A_492 = arith.addi %add3A_491, %add3A_490 : i32
        %get3A_493 = arith.index_cast %add3A_492 : i32 to index
        %get3A_494 = tpu.vector_load %arg13[%get3A_493] {strides = array<i32>} : memref<100096xf32, #tpu.memory_space<vmem>>, vector<16xf32>,
        %sub3A_495 = arith.subf %get3A_494, %get3A_373 : vector<16xf32>
        %mul3A_496 = arith.mulf %sub3A_495, %get3A_379 : vector<16xf32>
        %swap3A_497 = arith.index_cast %add3A_490 : i32 to index
        %swap3A_498 = tpu.vector_load %arg14[%swap3A_497] {strides = array<i32>} : memref<4096xf32, #tpu.memory_space<vmem>>, vector<16xf32>,
        tpu.vector_store %arg14[%swap3A_497], %mul3A_496 {strides = array<i32>} : memref<4096xf32, #tpu.memory_space<vmem>>, vector<16xf32>,
        %mul3A_499 = arith.constant 256 : i32
        %mul3A_500 = arith.muli %scan3A_415, %mul3A_499 : i32
        %add3A_501 = arith.constant 112 : i32
        %add3A_502 = arith.addi %mul3A_500, %add3A_501 : i32
        %add3A_503 = arith.constant 0 : i32
        %add3A_504 = arith.addi %add3A_503, %add3A_502 : i32
        %get3A_505 = arith.index_cast %add3A_504 : i32 to index
        %get3A_506 = tpu.vector_load %arg13[%get3A_505] {strides = array<i32>} : memref<100096xf32, #tpu.memory_space<vmem>>, vector<16xf32>,
        %sub3A_507 = arith.subf %get3A_506, %get3A_373 : vector<16xf32>
        %mul3A_508 = arith.mulf %sub3A_507, %get3A_379 : vector<16xf32>
        %swap3A_509 = arith.index_cast %add3A_502 : i32 to index
        %swap3A_510 = tpu.vector_load %arg14[%swap3A_509] {strides = array<i32>} : memref<4096xf32, #tpu.memory_space<vmem>>, vector<16xf32>,
        tpu.vector_store %arg14[%swap3A_509], %mul3A_508 {strides = array<i32>} : memref<4096xf32, #tpu.memory_space<vmem>>, vector<16xf32>,
        %mul3A_511 = arith.constant 256 : i32
        %mul3A_512 = arith.muli %scan3A_415, %mul3A_511 : i32
        %add3A_513 = arith.constant 128 : i32
        %add3A_514 = arith.addi %mul3A_512, %add3A_513 : i32
        %add3A_515 = arith.constant 0 : i32
        %add3A_516 = arith.addi %add3A_515, %add3A_514 : i32
        %get3A_517 = arith.index_cast %add3A_516 : i32 to index
        %get3A_518 = tpu.vector_load %arg13[%get3A_517] {strides = array<i32>} : memref<100096xf32, #tpu.memory_space<vmem>>, vector<16xf32>,
        %sub3A_519 = arith.subf %get3A_518, %get3A_373 : vector<16xf32>
        %mul3A_520 = arith.mulf %sub3A_519, %get3A_379 : vector<16xf32>
        %swap3A_521 = arith.index_cast %add3A_514 : i32 to index
        %swap3A_522 = tpu.vector_load %arg14[%swap3A_521] {strides = array<i32>} : memref<4096xf32, #tpu.memory_space<vmem>>, vector<16xf32>,
        tpu.vector_store %arg14[%swap3A_521], %mul3A_520 {strides = array<i32>} : memref<4096xf32, #tpu.memory_space<vmem>>, vector<16xf32>,
        %mul3A_523 = arith.constant 256 : i32
        %mul3A_524 = arith.muli %scan3A_415, %mul3A_523 : i32
        %add3A_525 = arith.constant 144 : i32
        %add3A_526 = arith.addi %mul3A_524, %add3A_525 : i32
        %add3A_527 = arith.constant 0 : i32
        %add3A_528 = arith.addi %add3A_527, %add3A_526 : i32
        %get3A_529 = arith.index_cast %add3A_528 : i32 to index
        %get3A_530 = tpu.vector_load %arg13[%get3A_529] {strides = array<i32>} : memref<100096xf32, #tpu.memory_space<vmem>>, vector<16xf32>,
        %sub3A_531 = arith.subf %get3A_530, %get3A_373 : vector<16xf32>
        %mul3A_532 = arith.mulf %sub3A_531, %get3A_379 : vector<16xf32>
        %swap3A_533 = arith.index_cast %add3A_526 : i32 to index
        %swap3A_534 = tpu.vector_load %arg14[%swap3A_533] {strides = array<i32>} : memref<4096xf32, #tpu.memory_space<vmem>>, vector<16xf32>,
        tpu.vector_store %arg14[%swap3A_533], %mul3A_532 {strides = array<i32>} : memref<4096xf32, #tpu.memory_space<vmem>>, vector<16xf32>,
        %mul3A_535 = arith.constant 256 : i32
        %mul3A_536 = arith.muli %scan3A_415, %mul3A_535 : i32
        %add3A_537 = arith.constant 160 : i32
        %add3A_538 = arith.addi %mul3A_536, %add3A_537 : i32
        %add3A_539 = arith.constant 0 : i32
        %add3A_540 = arith.addi %add3A_539, %add3A_538 : i32
        %get3A_541 = arith.index_cast %add3A_540 : i32 to index
        %get3A_542 = tpu.vector_load %arg13[%get3A_541] {strides = array<i32>} : memref<100096xf32, #tpu.memory_space<vmem>>, vector<16xf32>,
        %sub3A_543 = arith.subf %get3A_542, %get3A_373 : vector<16xf32>
        %mul3A_544 = arith.mulf %sub3A_543, %get3A_379 : vector<16xf32>
        %swap3A_545 = arith.index_cast %add3A_538 : i32 to index
        %swap3A_546 = tpu.vector_load %arg14[%swap3A_545] {strides = array<i32>} : memref<4096xf32, #tpu.memory_space<vmem>>, vector<16xf32>,
        tpu.vector_store %arg14[%swap3A_545], %mul3A_544 {strides = array<i32>} : memref<4096xf32, #tpu.memory_space<vmem>>, vector<16xf32>,
        %mul3A_547 = arith.constant 256 : i32
        %mul3A_548 = arith.muli %scan3A_415, %mul3A_547 : i32
        %add3A_549 = arith.constant 176 : i32
        %add3A_550 = arith.addi %mul3A_548, %add3A_549 : i32
        %add3A_551 = arith.constant 0 : i32
        %add3A_552 = arith.addi %add3A_551, %add3A_550 : i32
        %get3A_553 = arith.index_cast %add3A_552 : i32 to index
        %get3A_554 = tpu.vector_load %arg13[%get3A_553] {strides = array<i32>} : memref<100096xf32, #tpu.memory_space<vmem>>, vector<16xf32>,
        %sub3A_555 = arith.subf %get3A_554, %get3A_373 : vector<16xf32>
        %mul3A_556 = arith.mulf %sub3A_555, %get3A_379 : vector<16xf32>
        %swap3A_557 = arith.index_cast %add3A_550 : i32 to index
        %swap3A_558 = tpu.vector_load %arg14[%swap3A_557] {strides = array<i32>} : memref<4096xf32, #tpu.memory_space<vmem>>, vector<16xf32>,
        tpu.vector_store %arg14[%swap3A_557], %mul3A_556 {strides = array<i32>} : memref<4096xf32, #tpu.memory_space<vmem>>, vector<16xf32>,
        %mul3A_559 = arith.constant 256 : i32
        %mul3A_560 = arith.muli %scan3A_415, %mul3A_559 : i32
        %add3A_561 = arith.constant 192 : i32
        %add3A_562 = arith.addi %mul3A_560, %add3A_561 : i32
        %add3A_563 = arith.constant 0 : i32
        %add3A_564 = arith.addi %add3A_563, %add3A_562 : i32
        %get3A_565 = arith.index_cast %add3A_564 : i32 to index
        %get3A_566 = tpu.vector_load %arg13[%get3A_565] {strides = array<i32>} : memref<100096xf32, #tpu.memory_space<vmem>>, vector<16xf32>,
        %sub3A_567 = arith.subf %get3A_566, %get3A_373 : vector<16xf32>
        %mul3A_568 = arith.mulf %sub3A_567, %get3A_379 : vector<16xf32>
        %swap3A_569 = arith.index_cast %add3A_562 : i32 to index
        %swap3A_570 = tpu.vector_load %arg14[%swap3A_569] {strides = array<i32>} : memref<4096xf32, #tpu.memory_space<vmem>>, vector<16xf32>,
        tpu.vector_store %arg14[%swap3A_569], %mul3A_568 {strides = array<i32>} : memref<4096xf32, #tpu.memory_space<vmem>>, vector<16xf32>,
        %mul3A_571 = arith.constant 256 : i32
        %mul3A_572 = arith.muli %scan3A_415, %mul3A_571 : i32
        %add3A_573 = arith.constant 208 : i32
        %add3A_574 = arith.addi %mul3A_572, %add3A_573 : i32
        %add3A_575 = arith.constant 0 : i32
        %add3A_576 = arith.addi %add3A_575, %add3A_574 : i32
        %get3A_577 = arith.index_cast %add3A_576 : i32 to index
        %get3A_578 = tpu.vector_load %arg13[%get3A_577] {strides = array<i32>} : memref<100096xf32, #tpu.memory_space<vmem>>, vector<16xf32>,
        %sub3A_579 = arith.subf %get3A_578, %get3A_373 : vector<16xf32>
        %mul3A_580 = arith.mulf %sub3A_579, %get3A_379 : vector<16xf32>
        %swap3A_581 = arith.index_cast %add3A_574 : i32 to index
        %swap3A_582 = tpu.vector_load %arg14[%swap3A_581] {strides = array<i32>} : memref<4096xf32, #tpu.memory_space<vmem>>, vector<16xf32>,
        tpu.vector_store %arg14[%swap3A_581], %mul3A_580 {strides = array<i32>} : memref<4096xf32, #tpu.memory_space<vmem>>, vector<16xf32>,
        %mul3A_583 = arith.constant 256 : i32
        %mul3A_584 = arith.muli %scan3A_415, %mul3A_583 : i32
        %add3A_585 = arith.constant 224 : i32
        %add3A_586 = arith.addi %mul3A_584, %add3A_585 : i32
        %add3A_587 = arith.constant 0 : i32
        %add3A_588 = arith.addi %add3A_587, %add3A_586 : i32
        %get3A_589 = arith.index_cast %add3A_588 : i32 to index
        %get3A_590 = tpu.vector_load %arg13[%get3A_589] {strides = array<i32>} : memref<100096xf32, #tpu.memory_space<vmem>>, vector<16xf32>,
        %sub3A_591 = arith.subf %get3A_590, %get3A_373 : vector<16xf32>
        %mul3A_592 = arith.mulf %sub3A_591, %get3A_379 : vector<16xf32>
        %swap3A_593 = arith.index_cast %add3A_586 : i32 to index
        %swap3A_594 = tpu.vector_load %arg14[%swap3A_593] {strides = array<i32>} : memref<4096xf32, #tpu.memory_space<vmem>>, vector<16xf32>,
        tpu.vector_store %arg14[%swap3A_593], %mul3A_592 {strides = array<i32>} : memref<4096xf32, #tpu.memory_space<vmem>>, vector<16xf32>,
        %mul3A_595 = arith.constant 256 : i32
        %mul3A_596 = arith.muli %scan3A_415, %mul3A_595 : i32
        %add3A_597 = arith.constant 240 : i32
        %add3A_598 = arith.addi %mul3A_596, %add3A_597 : i32
        %add3A_599 = arith.constant 0 : i32
        %add3A_600 = arith.addi %add3A_599, %add3A_598 : i32
        %get3A_601 = arith.index_cast %add3A_600 : i32 to index
        %get3A_602 = tpu.vector_load %arg13[%get3A_601] {strides = array<i32>} : memref<100096xf32, #tpu.memory_space<vmem>>, vector<16xf32>,
        %sub3A_603 = arith.subf %get3A_602, %get3A_373 : vector<16xf32>
        %mul3A_604 = arith.mulf %sub3A_603, %get3A_379 : vector<16xf32>
        %swap3A_605 = arith.index_cast %add3A_598 : i32 to index
        %swap3A_606 = tpu.vector_load %arg14[%swap3A_605] {strides = array<i32>} : memref<4096xf32, #tpu.memory_space<vmem>>, vector<16xf32>,
        tpu.vector_store %arg14[%swap3A_605], %mul3A_604 {strides = array<i32>} : memref<4096xf32, #tpu.memory_space<vmem>>, vector<16xf32>,
      }
      %scan3A_404 = arith.constant 16 : i32
      %add3A_405 = arith.constant 0 : i32
      %add3A_406 = arith.addi %select_n3A_358, %add3A_405 : i32
      "tpu.region"() ({
        %run_scoped3A = tpu.sem_alloc : memref<!tpu.dma_semaphore, #tpu.memory_space<semaphore_mem>>
        %dma_start3A_415 = tpu.memref_slice %arg11[%add3A_353, %add3A_406] : memref<76x16384xf32, #tpu.memory_space<hbm>> -> memref<1x4096xf32, #tpu.memory_space<hbm>>
        %dma_start3A_416 = tpu.memref_squeeze %dma_start3A_415 : memref<1x4096xf32, #tpu.memory_space<hbm>> -> memref<4096xf32, #tpu.memory_space<hbm>>
        %dma_start3A_417 = tpu.memref_slice %arg11[%add3A_353, %add3A_406] : memref<76x16384xf32, #tpu.memory_space<hbm>> -> memref<1x4096xf32, #tpu.memory_space<hbm>>
        %dma_start3A_418 = tpu.memref_squeeze %dma_start3A_417 : memref<1x4096xf32, #tpu.memory_space<hbm>> -> memref<4096xf32, #tpu.memory_space<hbm>>
        tpu.enqueue_dma source(%arg14 : memref<4096xf32, #tpu.memory_space<vmem>>) target(%dma_start3A_418 : memref<4096xf32, #tpu.memory_space<hbm>>) target_semaphore(%run_scoped3A : memref<!tpu.dma_semaphore, #tpu.memory_space<semaphore_mem>>)
        %dma_wait3A_419 = tpu.memref_slice %arg11[%add3A_353, %add3A_406] : memref<76x16384xf32, #tpu.memory_space<hbm>> -> memref<1x4096xf32, #tpu.memory_space<hbm>>
        %dma_wait3A_420 = tpu.memref_squeeze %dma_wait3A_419 : memref<1x4096xf32, #tpu.memory_space<hbm>> -> memref<4096xf32, #tpu.memory_space<hbm>>
        %dma_wait3A_421 = tpu.memref_slice %arg11[%add3A_353, %add3A_406] : memref<76x16384xf32, #tpu.memory_space<hbm>> -> memref<1x4096xf32, #tpu.memory_space<hbm>>
        %dma_wait3A_422 = tpu.memref_squeeze %dma_wait3A_421 : memref<1x4096xf32, #tpu.memory_space<hbm>> -> memref<4096xf32, #tpu.memory_space<hbm>>
        tpu.wait_dma2 semaphore(%run_scoped3A : memref<!tpu.dma_semaphore, #tpu.memory_space<semaphore_mem>>) src(%arg14 : memref<4096xf32, #tpu.memory_space<vmem>>) dst(%dma_wait3A_422 : memref<4096xf32, #tpu.memory_space<hbm>>)
        tpu.yield
      }) : () -> ()
      %scan3A_407 = arith.constant 0 : i32
      %scan3A_408 = arith.constant 0 : i32
      %scan3A_409 = arith.constant 16 : i32
      %scan3A_410 = arith.addi %scan3A_408, %scan3A_409 : i32
      %scan3A_411 = arith.constant 1 : i32
      scf.for %scan3A_415 = %scan3A_408 to %scan3A_410 step %scan3A_411  : i32 {
        %mul3A_416 = arith.constant 256 : i32
        %mul3A_417 = arith.muli %scan3A_415, %mul3A_416 : i32
        %add3A_418 = arith.constant 0 : i32
        %add3A_419 = arith.addi %mul3A_417, %add3A_418 : i32
        %add3A_420 = arith.constant 4096 : i32
        %add3A_421 = arith.addi %add3A_420, %add3A_419 : i32
        %get3A_422 = arith.index_cast %add3A_421 : i32 to index
        %get3A_423 = tpu.vector_load %arg13[%get3A_422] {strides = array<i32>} : memref<100096xf32, #tpu.memory_space<vmem>>, vector<16xf32>,
        %sub3A_424 = arith.subf %get3A_423, %get3A_373 : vector<16xf32>
        %mul3A_425 = arith.mulf %sub3A_424, %get3A_379 : vector<16xf32>
        %swap3A = arith.index_cast %add3A_419 : i32 to index
        %swap3A_426 = tpu.vector_load %arg14[%swap3A] {strides = array<i32>} : memref<4096xf32, #tpu.memory_space<vmem>>, vector<16xf32>,
        tpu.vector_store %arg14[%swap3A], %mul3A_425 {strides = array<i32>} : memref<4096xf32, #tpu.memory_space<vmem>>, vector<16xf32>,
        %mul3A_427 = arith.constant 256 : i32
        %mul3A_428 = arith.muli %scan3A_415, %mul3A_427 : i32
        %add3A_429 = arith.constant 16 : i32
        %add3A_430 = arith.addi %mul3A_428, %add3A_429 : i32
        %add3A_431 = arith.constant 4096 : i32
        %add3A_432 = arith.addi %add3A_431, %add3A_430 : i32
        %get3A_433 = arith.index_cast %add3A_432 : i32 to index
        %get3A_434 = tpu.vector_load %arg13[%get3A_433] {strides = array<i32>} : memref<100096xf32, #tpu.memory_space<vmem>>, vector<16xf32>,
        %sub3A_435 = arith.subf %get3A_434, %get3A_373 : vector<16xf32>
        %mul3A_436 = arith.mulf %sub3A_435, %get3A_379 : vector<16xf32>
        %swap3A_437 = arith.index_cast %add3A_430 : i32 to index
        %swap3A_438 = tpu.vector_load %arg14[%swap3A_437] {strides = array<i32>} : memref<4096xf32, #tpu.memory_space<vmem>>, vector<16xf32>,
        tpu.vector_store %arg14[%swap3A_437], %mul3A_436 {strides = array<i32>} : memref<4096xf32, #tpu.memory_space<vmem>>, vector<16xf32>,
        %mul3A_439 = arith.constant 256 : i32
        %mul3A_440 = arith.muli %scan3A_415, %mul3A_439 : i32
        %add3A_441 = arith.constant 32 : i32
        %add3A_442 = arith.addi %mul3A_440, %add3A_441 : i32
        %add3A_443 = arith.constant 4096 : i32
        %add3A_444 = arith.addi %add3A_443, %add3A_442 : i32
        %get3A_445 = arith.index_cast %add3A_444 : i32 to index
        %get3A_446 = tpu.vector_load %arg13[%get3A_445] {strides = array<i32>} : memref<100096xf32, #tpu.memory_space<vmem>>, vector<16xf32>,
        %sub3A_447 = arith.subf %get3A_446, %get3A_373 : vector<16xf32>
        %mul3A_448 = arith.mulf %sub3A_447, %get3A_379 : vector<16xf32>
        %swap3A_449 = arith.index_cast %add3A_442 : i32 to index
        %swap3A_450 = tpu.vector_load %arg14[%swap3A_449] {strides = array<i32>} : memref<4096xf32, #tpu.memory_space<vmem>>, vector<16xf32>,
        tpu.vector_store %arg14[%swap3A_449], %mul3A_448 {strides = array<i32>} : memref<4096xf32, #tpu.memory_space<vmem>>, vector<16xf32>,
        %mul3A_451 = arith.constant 256 : i32
        %mul3A_452 = arith.muli %scan3A_415, %mul3A_451 : i32
        %add3A_453 = arith.constant 48 : i32
        %add3A_454 = arith.addi %mul3A_452, %add3A_453 : i32
        %add3A_455 = arith.constant 4096 : i32
        %add3A_456 = arith.addi %add3A_455, %add3A_454 : i32
        %get3A_457 = arith.index_cast %add3A_456 : i32 to index
        %get3A_458 = tpu.vector_load %arg13[%get3A_457] {strides = array<i32>} : memref<100096xf32, #tpu.memory_space<vmem>>, vector<16xf32>,
        %sub3A_459 = arith.subf %get3A_458, %get3A_373 : vector<16xf32>
        %mul3A_460 = arith.mulf %sub3A_459, %get3A_379 : vector<16xf32>
        %swap3A_461 = arith.index_cast %add3A_454 : i32 to index
        %swap3A_462 = tpu.vector_load %arg14[%swap3A_461] {strides = array<i32>} : memref<4096xf32, #tpu.memory_space<vmem>>, vector<16xf32>,
        tpu.vector_store %arg14[%swap3A_461], %mul3A_460 {strides = array<i32>} : memref<4096xf32, #tpu.memory_space<vmem>>, vector<16xf32>,
        %mul3A_463 = arith.constant 256 : i32
        %mul3A_464 = arith.muli %scan3A_415, %mul3A_463 : i32
        %add3A_465 = arith.constant 64 : i32
        %add3A_466 = arith.addi %mul3A_464, %add3A_465 : i32
        %add3A_467 = arith.constant 4096 : i32
        %add3A_468 = arith.addi %add3A_467, %add3A_466 : i32
        %get3A_469 = arith.index_cast %add3A_468 : i32 to index
        %get3A_470 = tpu.vector_load %arg13[%get3A_469] {strides = array<i32>} : memref<100096xf32, #tpu.memory_space<vmem>>, vector<16xf32>,
        %sub3A_471 = arith.subf %get3A_470, %get3A_373 : vector<16xf32>
        %mul3A_472 = arith.mulf %sub3A_471, %get3A_379 : vector<16xf32>
        %swap3A_473 = arith.index_cast %add3A_466 : i32 to index
        %swap3A_474 = tpu.vector_load %arg14[%swap3A_473] {strides = array<i32>} : memref<4096xf32, #tpu.memory_space<vmem>>, vector<16xf32>,
        tpu.vector_store %arg14[%swap3A_473], %mul3A_472 {strides = array<i32>} : memref<4096xf32, #tpu.memory_space<vmem>>, vector<16xf32>,
        %mul3A_475 = arith.constant 256 : i32
        %mul3A_476 = arith.muli %scan3A_415, %mul3A_475 : i32
        %add3A_477 = arith.constant 80 : i32
        %add3A_478 = arith.addi %mul3A_476, %add3A_477 : i32
        %add3A_479 = arith.constant 4096 : i32
        %add3A_480 = arith.addi %add3A_479, %add3A_478 : i32
        %get3A_481 = arith.index_cast %add3A_480 : i32 to index
        %get3A_482 = tpu.vector_load %arg13[%get3A_481] {strides = array<i32>} : memref<100096xf32, #tpu.memory_space<vmem>>, vector<16xf32>,
        %sub3A_483 = arith.subf %get3A_482, %get3A_373 : vector<16xf32>
        %mul3A_484 = arith.mulf %sub3A_483, %get3A_379 : vector<16xf32>
        %swap3A_485 = arith.index_cast %add3A_478 : i32 to index
        %swap3A_486 = tpu.vector_load %arg14[%swap3A_485] {strides = array<i32>} : memref<4096xf32, #tpu.memory_space<vmem>>, vector<16xf32>,
        tpu.vector_store %arg14[%swap3A_485], %mul3A_484 {strides = array<i32>} : memref<4096xf32, #tpu.memory_space<vmem>>, vector<16xf32>,
        %mul3A_487 = arith.constant 256 : i32
        %mul3A_488 = arith.muli %scan3A_415, %mul3A_487 : i32
        %add3A_489 = arith.constant 96 : i32
        %add3A_490 = arith.addi %mul3A_488, %add3A_489 : i32
        %add3A_491 = arith.constant 4096 : i32
        %add3A_492 = arith.addi %add3A_491, %add3A_490 : i32
        %get3A_493 = arith.index_cast %add3A_492 : i32 to index
        %get3A_494 = tpu.vector_load %arg13[%get3A_493] {strides = array<i32>} : memref<100096xf32, #tpu.memory_space<vmem>>, vector<16xf32>,
        %sub3A_495 = arith.subf %get3A_494, %get3A_373 : vector<16xf32>
        %mul3A_496 = arith.mulf %sub3A_495, %get3A_379 : vector<16xf32>
        %swap3A_497 = arith.index_cast %add3A_490 : i32 to index
        %swap3A_498 = tpu.vector_load %arg14[%swap3A_497] {strides = array<i32>} : memref<4096xf32, #tpu.memory_space<vmem>>, vector<16xf32>,
        tpu.vector_store %arg14[%swap3A_497], %mul3A_496 {strides = array<i32>} : memref<4096xf32, #tpu.memory_space<vmem>>, vector<16xf32>,
        %mul3A_499 = arith.constant 256 : i32
        %mul3A_500 = arith.muli %scan3A_415, %mul3A_499 : i32
        %add3A_501 = arith.constant 112 : i32
        %add3A_502 = arith.addi %mul3A_500, %add3A_501 : i32
        %add3A_503 = arith.constant 4096 : i32
        %add3A_504 = arith.addi %add3A_503, %add3A_502 : i32
        %get3A_505 = arith.index_cast %add3A_504 : i32 to index
        %get3A_506 = tpu.vector_load %arg13[%get3A_505] {strides = array<i32>} : memref<100096xf32, #tpu.memory_space<vmem>>, vector<16xf32>,
        %sub3A_507 = arith.subf %get3A_506, %get3A_373 : vector<16xf32>
        %mul3A_508 = arith.mulf %sub3A_507, %get3A_379 : vector<16xf32>
        %swap3A_509 = arith.index_cast %add3A_502 : i32 to index
        %swap3A_510 = tpu.vector_load %arg14[%swap3A_509] {strides = array<i32>} : memref<4096xf32, #tpu.memory_space<vmem>>, vector<16xf32>,
        tpu.vector_store %arg14[%swap3A_509], %mul3A_508 {strides = array<i32>} : memref<4096xf32, #tpu.memory_space<vmem>>, vector<16xf32>,
        %mul3A_511 = arith.constant 256 : i32
        %mul3A_512 = arith.muli %scan3A_415, %mul3A_511 : i32
        %add3A_513 = arith.constant 128 : i32
        %add3A_514 = arith.addi %mul3A_512, %add3A_513 : i32
        %add3A_515 = arith.constant 4096 : i32
        %add3A_516 = arith.addi %add3A_515, %add3A_514 : i32
        %get3A_517 = arith.index_cast %add3A_516 : i32 to index
        %get3A_518 = tpu.vector_load %arg13[%get3A_517] {strides = array<i32>} : memref<100096xf32, #tpu.memory_space<vmem>>, vector<16xf32>,
        %sub3A_519 = arith.subf %get3A_518, %get3A_373 : vector<16xf32>
        %mul3A_520 = arith.mulf %sub3A_519, %get3A_379 : vector<16xf32>
        %swap3A_521 = arith.index_cast %add3A_514 : i32 to index
        %swap3A_522 = tpu.vector_load %arg14[%swap3A_521] {strides = array<i32>} : memref<4096xf32, #tpu.memory_space<vmem>>, vector<16xf32>,
        tpu.vector_store %arg14[%swap3A_521], %mul3A_520 {strides = array<i32>} : memref<4096xf32, #tpu.memory_space<vmem>>, vector<16xf32>,
        %mul3A_523 = arith.constant 256 : i32
        %mul3A_524 = arith.muli %scan3A_415, %mul3A_523 : i32
        %add3A_525 = arith.constant 144 : i32
        %add3A_526 = arith.addi %mul3A_524, %add3A_525 : i32
        %add3A_527 = arith.constant 4096 : i32
        %add3A_528 = arith.addi %add3A_527, %add3A_526 : i32
        %get3A_529 = arith.index_cast %add3A_528 : i32 to index
        %get3A_530 = tpu.vector_load %arg13[%get3A_529] {strides = array<i32>} : memref<100096xf32, #tpu.memory_space<vmem>>, vector<16xf32>,
        %sub3A_531 = arith.subf %get3A_530, %get3A_373 : vector<16xf32>
        %mul3A_532 = arith.mulf %sub3A_531, %get3A_379 : vector<16xf32>
        %swap3A_533 = arith.index_cast %add3A_526 : i32 to index
        %swap3A_534 = tpu.vector_load %arg14[%swap3A_533] {strides = array<i32>} : memref<4096xf32, #tpu.memory_space<vmem>>, vector<16xf32>,
        tpu.vector_store %arg14[%swap3A_533], %mul3A_532 {strides = array<i32>} : memref<4096xf32, #tpu.memory_space<vmem>>, vector<16xf32>,
        %mul3A_535 = arith.constant 256 : i32
        %mul3A_536 = arith.muli %scan3A_415, %mul3A_535 : i32
        %add3A_537 = arith.constant 160 : i32
        %add3A_538 = arith.addi %mul3A_536, %add3A_537 : i32
        %add3A_539 = arith.constant 4096 : i32
        %add3A_540 = arith.addi %add3A_539, %add3A_538 : i32
        %get3A_541 = arith.index_cast %add3A_540 : i32 to index
        %get3A_542 = tpu.vector_load %arg13[%get3A_541] {strides = array<i32>} : memref<100096xf32, #tpu.memory_space<vmem>>, vector<16xf32>,
        %sub3A_543 = arith.subf %get3A_542, %get3A_373 : vector<16xf32>
        %mul3A_544 = arith.mulf %sub3A_543, %get3A_379 : vector<16xf32>
        %swap3A_545 = arith.index_cast %add3A_538 : i32 to index
        %swap3A_546 = tpu.vector_load %arg14[%swap3A_545] {strides = array<i32>} : memref<4096xf32, #tpu.memory_space<vmem>>, vector<16xf32>,
        tpu.vector_store %arg14[%swap3A_545], %mul3A_544 {strides = array<i32>} : memref<4096xf32, #tpu.memory_space<vmem>>, vector<16xf32>,
        %mul3A_547 = arith.constant 256 : i32
        %mul3A_548 = arith.muli %scan3A_415, %mul3A_547 : i32
        %add3A_549 = arith.constant 176 : i32
        %add3A_550 = arith.addi %mul3A_548, %add3A_549 : i32
        %add3A_551 = arith.constant 4096 : i32
        %add3A_552 = arith.addi %add3A_551, %add3A_550 : i32
        %get3A_553 = arith.index_cast %add3A_552 : i32 to index
        %get3A_554 = tpu.vector_load %arg13[%get3A_553] {strides = array<i32>} : memref<100096xf32, #tpu.memory_space<vmem>>, vector<16xf32>,
        %sub3A_555 = arith.subf %get3A_554, %get3A_373 : vector<16xf32>
        %mul3A_556 = arith.mulf %sub3A_555, %get3A_379 : vector<16xf32>
        %swap3A_557 = arith.index_cast %add3A_550 : i32 to index
        %swap3A_558 = tpu.vector_load %arg14[%swap3A_557] {strides = array<i32>} : memref<4096xf32, #tpu.memory_space<vmem>>, vector<16xf32>,
        tpu.vector_store %arg14[%swap3A_557], %mul3A_556 {strides = array<i32>} : memref<4096xf32, #tpu.memory_space<vmem>>, vector<16xf32>,
        %mul3A_559 = arith.constant 256 : i32
        %mul3A_560 = arith.muli %scan3A_415, %mul3A_559 : i32
        %add3A_561 = arith.constant 192 : i32
        %add3A_562 = arith.addi %mul3A_560, %add3A_561 : i32
        %add3A_563 = arith.constant 4096 : i32
        %add3A_564 = arith.addi %add3A_563, %add3A_562 : i32
        %get3A_565 = arith.index_cast %add3A_564 : i32 to index
        %get3A_566 = tpu.vector_load %arg13[%get3A_565] {strides = array<i32>} : memref<100096xf32, #tpu.memory_space<vmem>>, vector<16xf32>,
        %sub3A_567 = arith.subf %get3A_566, %get3A_373 : vector<16xf32>
        %mul3A_568 = arith.mulf %sub3A_567, %get3A_379 : vector<16xf32>
        %swap3A_569 = arith.index_cast %add3A_562 : i32 to index
        %swap3A_570 = tpu.vector_load %arg14[%swap3A_569] {strides = array<i32>} : memref<4096xf32, #tpu.memory_space<vmem>>, vector<16xf32>,
        tpu.vector_store %arg14[%swap3A_569], %mul3A_568 {strides = array<i32>} : memref<4096xf32, #tpu.memory_space<vmem>>, vector<16xf32>,
        %mul3A_571 = arith.constant 256 : i32
        %mul3A_572 = arith.muli %scan3A_415, %mul3A_571 : i32
        %add3A_573 = arith.constant 208 : i32
        %add3A_574 = arith.addi %mul3A_572, %add3A_573 : i32
        %add3A_575 = arith.constant 4096 : i32
        %add3A_576 = arith.addi %add3A_575, %add3A_574 : i32
        %get3A_577 = arith.index_cast %add3A_576 : i32 to index
        %get3A_578 = tpu.vector_load %arg13[%get3A_577] {strides = array<i32>} : memref<100096xf32, #tpu.memory_space<vmem>>, vector<16xf32>,
        %sub3A_579 = arith.subf %get3A_578, %get3A_373 : vector<16xf32>
        %mul3A_580 = arith.mulf %sub3A_579, %get3A_379 : vector<16xf32>
        %swap3A_581 = arith.index_cast %add3A_574 : i32 to index
        %swap3A_582 = tpu.vector_load %arg14[%swap3A_581] {strides = array<i32>} : memref<4096xf32, #tpu.memory_space<vmem>>, vector<16xf32>,
        tpu.vector_store %arg14[%swap3A_581], %mul3A_580 {strides = array<i32>} : memref<4096xf32, #tpu.memory_space<vmem>>, vector<16xf32>,
        %mul3A_583 = arith.constant 256 : i32
        %mul3A_584 = arith.muli %scan3A_415, %mul3A_583 : i32
        %add3A_585 = arith.constant 224 : i32
        %add3A_586 = arith.addi %mul3A_584, %add3A_585 : i32
        %add3A_587 = arith.constant 4096 : i32
        %add3A_588 = arith.addi %add3A_587, %add3A_586 : i32
        %get3A_589 = arith.index_cast %add3A_588 : i32 to index
        %get3A_590 = tpu.vector_load %arg13[%get3A_589] {strides = array<i32>} : memref<100096xf32, #tpu.memory_space<vmem>>, vector<16xf32>,
        %sub3A_591 = arith.subf %get3A_590, %get3A_373 : vector<16xf32>
        %mul3A_592 = arith.mulf %sub3A_591, %get3A_379 : vector<16xf32>
        %swap3A_593 = arith.index_cast %add3A_586 : i32 to index
        %swap3A_594 = tpu.vector_load %arg14[%swap3A_593] {strides = array<i32>} : memref<4096xf32, #tpu.memory_space<vmem>>, vector<16xf32>,
        tpu.vector_store %arg14[%swap3A_593], %mul3A_592 {strides = array<i32>} : memref<4096xf32, #tpu.memory_space<vmem>>, vector<16xf32>,
        %mul3A_595 = arith.constant 256 : i32
        %mul3A_596 = arith.muli %scan3A_415, %mul3A_595 : i32
        %add3A_597 = arith.constant 240 : i32
        %add3A_598 = arith.addi %mul3A_596, %add3A_597 : i32
        %add3A_599 = arith.constant 4096 : i32
        %add3A_600 = arith.addi %add3A_599, %add3A_598 : i32
        %get3A_601 = arith.index_cast %add3A_600 : i32 to index
        %get3A_602 = tpu.vector_load %arg13[%get3A_601] {strides = array<i32>} : memref<100096xf32, #tpu.memory_space<vmem>>, vector<16xf32>,
        %sub3A_603 = arith.subf %get3A_602, %get3A_373 : vector<16xf32>
        %mul3A_604 = arith.mulf %sub3A_603, %get3A_379 : vector<16xf32>
        %swap3A_605 = arith.index_cast %add3A_598 : i32 to index
        %swap3A_606 = tpu.vector_load %arg14[%swap3A_605] {strides = array<i32>} : memref<4096xf32, #tpu.memory_space<vmem>>, vector<16xf32>,
        tpu.vector_store %arg14[%swap3A_605], %mul3A_604 {strides = array<i32>} : memref<4096xf32, #tpu.memory_space<vmem>>, vector<16xf32>,
      }
      %scan3A_412 = arith.constant 16 : i32
      %add3A_413 = arith.constant 4096 : i32
      %add3A_414 = arith.addi %select_n3A_358, %add3A_413 : i32
      "tpu.region"() ({
        %run_scoped3A = tpu.sem_alloc : memref<!tpu.dma_semaphore, #tpu.memory_space<semaphore_mem>>
        %dma_start3A_415 = tpu.memref_slice %arg11[%add3A_353, %add3A_414] : memref<76x16384xf32, #tpu.memory_space<hbm>> -> memref<1x4096xf32, #tpu.memory_space<hbm>>
        %dma_start3A_416 = tpu.memref_squeeze %dma_start3A_415 : memref<1x4096xf32, #tpu.memory_space<hbm>> -> memref<4096xf32, #tpu.memory_space<hbm>>
        %dma_start3A_417 = tpu.memref_slice %arg11[%add3A_353, %add3A_414] : memref<76x16384xf32, #tpu.memory_space<hbm>> -> memref<1x4096xf32, #tpu.memory_space<hbm>>
        %dma_start3A_418 = tpu.memref_squeeze %dma_start3A_417 : memref<1x4096xf32, #tpu.memory_space<hbm>> -> memref<4096xf32, #tpu.memory_space<hbm>>
        tpu.enqueue_dma source(%arg14 : memref<4096xf32, #tpu.memory_space<vmem>>) target(%dma_start3A_418 : memref<4096xf32, #tpu.memory_space<hbm>>) target_semaphore(%run_scoped3A : memref<!tpu.dma_semaphore, #tpu.memory_space<semaphore_mem>>)
        %dma_wait3A_419 = tpu.memref_slice %arg11[%add3A_353, %add3A_414] : memref<76x16384xf32, #tpu.memory_space<hbm>> -> memref<1x4096xf32, #tpu.memory_space<hbm>>
        %dma_wait3A_420 = tpu.memref_squeeze %dma_wait3A_419 : memref<1x4096xf32, #tpu.memory_space<hbm>> -> memref<4096xf32, #tpu.memory_space<hbm>>
        %dma_wait3A_421 = tpu.memref_slice %arg11[%add3A_353, %add3A_414] : memref<76x16384xf32, #tpu.memory_space<hbm>> -> memref<1x4096xf32, #tpu.memory_space<hbm>>
        %dma_wait3A_422 = tpu.memref_squeeze %dma_wait3A_421 : memref<1x4096xf32, #tpu.memory_space<hbm>> -> memref<4096xf32, #tpu.memory_space<hbm>>
        tpu.wait_dma2 semaphore(%run_scoped3A : memref<!tpu.dma_semaphore, #tpu.memory_space<semaphore_mem>>) src(%arg14 : memref<4096xf32, #tpu.memory_space<vmem>>) dst(%dma_wait3A_422 : memref<4096xf32, #tpu.memory_space<hbm>>)
        tpu.yield
      }) : () -> ()
    } else {
    }
    %lt3A_363 = arith.constant 24 : i32
    %lt3A_364 = arith.cmpi slt, %add3A, %lt3A_363 : i32
    %ge3A_365 = arith.constant 4 : i32
    %ge3A_366 = arith.cmpi sge, %sub3A, %ge3A_365 : i32
    %and3A_367 = arith.andi %lt3A_364, %ge3A_366 : i1
    %convert_element_type3A_368 = arith.extui %and3A_367 : i1 to i32
    %cond3A_369 = arith.constant 0 : i32
    %cond3A_370 = arith.cmpi ne, %convert_element_type3A_368, %cond3A_369 : i32
    scf.if %cond3A_370 {
      %sub3A_371 = arith.constant 4 : i32
      %sub3A_372 = arith.subi %sub3A, %sub3A_371 : i32
      "tpu.region"() ({
        %run_scoped3A = tpu.sem_alloc : memref<!tpu.dma_semaphore, #tpu.memory_space<semaphore_mem>>
        %dma_start3A_389 = arith.constant 0 : i32
        %dma_start3A_390 = tpu.memref_slice %arg12[%dma_start3A_389] : memref<16384xi32, #tpu.memory_space<vmem>> -> memref<8192xi32, #tpu.memory_space<vmem>>
        %dma_start3A_391 = tpu.memref_slice %arg7[%select_n3A_358] : memref<16384xi32, #tpu.memory_space<hbm>> -> memref<8192xi32, #tpu.memory_space<hbm>>
        %dma_start3A_392 = arith.constant 0 : i32
        %dma_start3A_393 = tpu.memref_slice %arg12[%dma_start3A_392] : memref<16384xi32, #tpu.memory_space<vmem>> -> memref<8192xi32, #tpu.memory_space<vmem>>
        %dma_start3A_394 = tpu.memref_slice %arg7[%select_n3A_358] : memref<16384xi32, #tpu.memory_space<hbm>> -> memref<8192xi32, #tpu.memory_space<hbm>>
        tpu.enqueue_dma source(%dma_start3A_394 : memref<8192xi32, #tpu.memory_space<hbm>>) target(%dma_start3A_393 : memref<8192xi32, #tpu.memory_space<vmem>>) target_semaphore(%run_scoped3A : memref<!tpu.dma_semaphore, #tpu.memory_space<semaphore_mem>>)
        %dma_wait3A_395 = arith.constant 0 : i32
        %dma_wait3A_396 = tpu.memref_slice %arg12[%dma_wait3A_395] : memref<16384xi32, #tpu.memory_space<vmem>> -> memref<8192xi32, #tpu.memory_space<vmem>>
        %dma_wait3A_397 = tpu.memref_slice %arg7[%select_n3A_358] : memref<16384xi32, #tpu.memory_space<hbm>> -> memref<8192xi32, #tpu.memory_space<hbm>>
        %dma_wait3A_398 = arith.constant 0 : i32
        %dma_wait3A_399 = tpu.memref_slice %arg12[%dma_wait3A_398] : memref<16384xi32, #tpu.memory_space<vmem>> -> memref<8192xi32, #tpu.memory_space<vmem>>
        %dma_wait3A_400 = tpu.memref_slice %arg7[%select_n3A_358] : memref<16384xi32, #tpu.memory_space<hbm>> -> memref<8192xi32, #tpu.memory_space<hbm>>
        tpu.wait_dma2 semaphore(%run_scoped3A : memref<!tpu.dma_semaphore, #tpu.memory_space<semaphore_mem>>) src(%dma_wait3A_400 : memref<8192xi32, #tpu.memory_space<hbm>>) dst(%dma_wait3A_399 : memref<8192xi32, #tpu.memory_space<vmem>>)
        tpu.yield
      }) : () -> ()
      %scan3A_373 = arith.constant 0 : i32
      %scan3A_374 = arith.constant 0 : i32
      %scan3A_375 = arith.constant 16 : i32
      %scan3A_376 = arith.addi %scan3A_374, %scan3A_375 : i32
      %scan3A_377 = arith.constant 1 : i32
      scf.for %scan3A_389 = %scan3A_374 to %scan3A_376 step %scan3A_377  : i32 {
        %mul3A_390 = arith.constant 256 : i32
        %mul3A_391 = arith.muli %scan3A_389, %mul3A_390 : i32
        %add3A_392 = arith.constant 0 : i32
        %add3A_393 = arith.addi %mul3A_391, %add3A_392 : i32
        %add3A_394 = arith.constant 0 : i32
        %add3A_395 = arith.addi %add3A_394, %add3A_393 : i32
        %get3A = arith.index_cast %add3A_395 : i32 to index
        %get3A_396 = tpu.vector_load %arg12[%get3A] {strides = array<i32>} : memref<16384xi32, #tpu.memory_space<vmem>>, vector<16xi32>,
        %mul3A_397 = arith.constant 8 : i32
        %mul3A_398 = vector.broadcast %mul3A_397 : i32 to vector<16xi32>
        %mul3A_399 = arith.muli %get3A_396, %mul3A_398 : vector<16xi32>
        %add3A_400 = arith.constant 128 : i32
        %add3A_401 = vector.broadcast %add3A_400 : i32 to vector<16xi32>
        %add3A_402 = arith.addi %add3A_401, %mul3A_399 : vector<16xi32>
        %add3A_403 = vector.broadcast %sub3A_372 : i32 to vector<16xi32>
        %add3A_404 = arith.addi %add3A_402, %add3A_403 : vector<16xi32>
        %gather3A = tpu.vector_load_idx %arg16[%add3A_404] : memref<256xf32, #tpu.memory_space<vmem>>[vector<16xi32>], vector<16xf32>,
        %swap3A = arith.index_cast %add3A_393 : i32 to index
        %swap3A_405 = tpu.vector_load %arg14[%swap3A] {strides = array<i32>} : memref<4096xf32, #tpu.memory_space<vmem>>, vector<16xf32>,
        tpu.vector_store %arg14[%swap3A], %gather3A {strides = array<i32>} : memref<4096xf32, #tpu.memory_space<vmem>>, vector<16xf32>,
        %mul3A_406 = arith.constant 256 : i32
        %mul3A_407 = arith.muli %scan3A_389, %mul3A_406 : i32
        %add3A_408 = arith.constant 16 : i32
        %add3A_409 = arith.addi %mul3A_407, %add3A_408 : i32
        %add3A_410 = arith.constant 0 : i32
        %add3A_411 = arith.addi %add3A_410, %add3A_409 : i32
        %get3A_412 = arith.index_cast %add3A_411 : i32 to index
        %get3A_413 = tpu.vector_load %arg12[%get3A_412] {strides = array<i32>} : memref<16384xi32, #tpu.memory_space<vmem>>, vector<16xi32>,
        %mul3A_414 = arith.constant 8 : i32
        %mul3A_415 = vector.broadcast %mul3A_414 : i32 to vector<16xi32>
        %mul3A_416 = arith.muli %get3A_413, %mul3A_415 : vector<16xi32>
        %add3A_417 = arith.constant 128 : i32
        %add3A_418 = vector.broadcast %add3A_417 : i32 to vector<16xi32>
        %add3A_419 = arith.addi %add3A_418, %mul3A_416 : vector<16xi32>
        %add3A_420 = vector.broadcast %sub3A_372 : i32 to vector<16xi32>
        %add3A_421 = arith.addi %add3A_419, %add3A_420 : vector<16xi32>
        %gather3A_422 = tpu.vector_load_idx %arg16[%add3A_421] : memref<256xf32, #tpu.memory_space<vmem>>[vector<16xi32>], vector<16xf32>,
        %swap3A_423 = arith.index_cast %add3A_409 : i32 to index
        %swap3A_424 = tpu.vector_load %arg14[%swap3A_423] {strides = array<i32>} : memref<4096xf32, #tpu.memory_space<vmem>>, vector<16xf32>,
        tpu.vector_store %arg14[%swap3A_423], %gather3A_422 {strides = array<i32>} : memref<4096xf32, #tpu.memory_space<vmem>>, vector<16xf32>,
        %mul3A_425 = arith.constant 256 : i32
        %mul3A_426 = arith.muli %scan3A_389, %mul3A_425 : i32
        %add3A_427 = arith.constant 32 : i32
        %add3A_428 = arith.addi %mul3A_426, %add3A_427 : i32
        %add3A_429 = arith.constant 0 : i32
        %add3A_430 = arith.addi %add3A_429, %add3A_428 : i32
        %get3A_431 = arith.index_cast %add3A_430 : i32 to index
        %get3A_432 = tpu.vector_load %arg12[%get3A_431] {strides = array<i32>} : memref<16384xi32, #tpu.memory_space<vmem>>, vector<16xi32>,
        %mul3A_433 = arith.constant 8 : i32
        %mul3A_434 = vector.broadcast %mul3A_433 : i32 to vector<16xi32>
        %mul3A_435 = arith.muli %get3A_432, %mul3A_434 : vector<16xi32>
        %add3A_436 = arith.constant 128 : i32
        %add3A_437 = vector.broadcast %add3A_436 : i32 to vector<16xi32>
        %add3A_438 = arith.addi %add3A_437, %mul3A_435 : vector<16xi32>
        %add3A_439 = vector.broadcast %sub3A_372 : i32 to vector<16xi32>
        %add3A_440 = arith.addi %add3A_438, %add3A_439 : vector<16xi32>
        %gather3A_441 = tpu.vector_load_idx %arg16[%add3A_440] : memref<256xf32, #tpu.memory_space<vmem>>[vector<16xi32>], vector<16xf32>,
        %swap3A_442 = arith.index_cast %add3A_428 : i32 to index
        %swap3A_443 = tpu.vector_load %arg14[%swap3A_442] {strides = array<i32>} : memref<4096xf32, #tpu.memory_space<vmem>>, vector<16xf32>,
        tpu.vector_store %arg14[%swap3A_442], %gather3A_441 {strides = array<i32>} : memref<4096xf32, #tpu.memory_space<vmem>>, vector<16xf32>,
        %mul3A_444 = arith.constant 256 : i32
        %mul3A_445 = arith.muli %scan3A_389, %mul3A_444 : i32
        %add3A_446 = arith.constant 48 : i32
        %add3A_447 = arith.addi %mul3A_445, %add3A_446 : i32
        %add3A_448 = arith.constant 0 : i32
        %add3A_449 = arith.addi %add3A_448, %add3A_447 : i32
        %get3A_450 = arith.index_cast %add3A_449 : i32 to index
        %get3A_451 = tpu.vector_load %arg12[%get3A_450] {strides = array<i32>} : memref<16384xi32, #tpu.memory_space<vmem>>, vector<16xi32>,
        %mul3A_452 = arith.constant 8 : i32
        %mul3A_453 = vector.broadcast %mul3A_452 : i32 to vector<16xi32>
        %mul3A_454 = arith.muli %get3A_451, %mul3A_453 : vector<16xi32>
        %add3A_455 = arith.constant 128 : i32
        %add3A_456 = vector.broadcast %add3A_455 : i32 to vector<16xi32>
        %add3A_457 = arith.addi %add3A_456, %mul3A_454 : vector<16xi32>
        %add3A_458 = vector.broadcast %sub3A_372 : i32 to vector<16xi32>
        %add3A_459 = arith.addi %add3A_457, %add3A_458 : vector<16xi32>
        %gather3A_460 = tpu.vector_load_idx %arg16[%add3A_459] : memref<256xf32, #tpu.memory_space<vmem>>[vector<16xi32>], vector<16xf32>,
        %swap3A_461 = arith.index_cast %add3A_447 : i32 to index
        %swap3A_462 = tpu.vector_load %arg14[%swap3A_461] {strides = array<i32>} : memref<4096xf32, #tpu.memory_space<vmem>>, vector<16xf32>,
        tpu.vector_store %arg14[%swap3A_461], %gather3A_460 {strides = array<i32>} : memref<4096xf32, #tpu.memory_space<vmem>>, vector<16xf32>,
        %mul3A_463 = arith.constant 256 : i32
        %mul3A_464 = arith.muli %scan3A_389, %mul3A_463 : i32
        %add3A_465 = arith.constant 64 : i32
        %add3A_466 = arith.addi %mul3A_464, %add3A_465 : i32
        %add3A_467 = arith.constant 0 : i32
        %add3A_468 = arith.addi %add3A_467, %add3A_466 : i32
        %get3A_469 = arith.index_cast %add3A_468 : i32 to index
        %get3A_470 = tpu.vector_load %arg12[%get3A_469] {strides = array<i32>} : memref<16384xi32, #tpu.memory_space<vmem>>, vector<16xi32>,
        %mul3A_471 = arith.constant 8 : i32
        %mul3A_472 = vector.broadcast %mul3A_471 : i32 to vector<16xi32>
        %mul3A_473 = arith.muli %get3A_470, %mul3A_472 : vector<16xi32>
        %add3A_474 = arith.constant 128 : i32
        %add3A_475 = vector.broadcast %add3A_474 : i32 to vector<16xi32>
        %add3A_476 = arith.addi %add3A_475, %mul3A_473 : vector<16xi32>
        %add3A_477 = vector.broadcast %sub3A_372 : i32 to vector<16xi32>
        %add3A_478 = arith.addi %add3A_476, %add3A_477 : vector<16xi32>
        %gather3A_479 = tpu.vector_load_idx %arg16[%add3A_478] : memref<256xf32, #tpu.memory_space<vmem>>[vector<16xi32>], vector<16xf32>,
        %swap3A_480 = arith.index_cast %add3A_466 : i32 to index
        %swap3A_481 = tpu.vector_load %arg14[%swap3A_480] {strides = array<i32>} : memref<4096xf32, #tpu.memory_space<vmem>>, vector<16xf32>,
        tpu.vector_store %arg14[%swap3A_480], %gather3A_479 {strides = array<i32>} : memref<4096xf32, #tpu.memory_space<vmem>>, vector<16xf32>,
        %mul3A_482 = arith.constant 256 : i32
        %mul3A_483 = arith.muli %scan3A_389, %mul3A_482 : i32
        %add3A_484 = arith.constant 80 : i32
        %add3A_485 = arith.addi %mul3A_483, %add3A_484 : i32
        %add3A_486 = arith.constant 0 : i32
        %add3A_487 = arith.addi %add3A_486, %add3A_485 : i32
        %get3A_488 = arith.index_cast %add3A_487 : i32 to index
        %get3A_489 = tpu.vector_load %arg12[%get3A_488] {strides = array<i32>} : memref<16384xi32, #tpu.memory_space<vmem>>, vector<16xi32>,
        %mul3A_490 = arith.constant 8 : i32
        %mul3A_491 = vector.broadcast %mul3A_490 : i32 to vector<16xi32>
        %mul3A_492 = arith.muli %get3A_489, %mul3A_491 : vector<16xi32>
        %add3A_493 = arith.constant 128 : i32
        %add3A_494 = vector.broadcast %add3A_493 : i32 to vector<16xi32>
        %add3A_495 = arith.addi %add3A_494, %mul3A_492 : vector<16xi32>
        %add3A_496 = vector.broadcast %sub3A_372 : i32 to vector<16xi32>
        %add3A_497 = arith.addi %add3A_495, %add3A_496 : vector<16xi32>
        %gather3A_498 = tpu.vector_load_idx %arg16[%add3A_497] : memref<256xf32, #tpu.memory_space<vmem>>[vector<16xi32>], vector<16xf32>,
        %swap3A_499 = arith.index_cast %add3A_485 : i32 to index
        %swap3A_500 = tpu.vector_load %arg14[%swap3A_499] {strides = array<i32>} : memref<4096xf32, #tpu.memory_space<vmem>>, vector<16xf32>,
        tpu.vector_store %arg14[%swap3A_499], %gather3A_498 {strides = array<i32>} : memref<4096xf32, #tpu.memory_space<vmem>>, vector<16xf32>,
        %mul3A_501 = arith.constant 256 : i32
        %mul3A_502 = arith.muli %scan3A_389, %mul3A_501 : i32
        %add3A_503 = arith.constant 96 : i32
        %add3A_504 = arith.addi %mul3A_502, %add3A_503 : i32
        %add3A_505 = arith.constant 0 : i32
        %add3A_506 = arith.addi %add3A_505, %add3A_504 : i32
        %get3A_507 = arith.index_cast %add3A_506 : i32 to index
        %get3A_508 = tpu.vector_load %arg12[%get3A_507] {strides = array<i32>} : memref<16384xi32, #tpu.memory_space<vmem>>, vector<16xi32>,
        %mul3A_509 = arith.constant 8 : i32
        %mul3A_510 = vector.broadcast %mul3A_509 : i32 to vector<16xi32>
        %mul3A_511 = arith.muli %get3A_508, %mul3A_510 : vector<16xi32>
        %add3A_512 = arith.constant 128 : i32
        %add3A_513 = vector.broadcast %add3A_512 : i32 to vector<16xi32>
        %add3A_514 = arith.addi %add3A_513, %mul3A_511 : vector<16xi32>
        %add3A_515 = vector.broadcast %sub3A_372 : i32 to vector<16xi32>
        %add3A_516 = arith.addi %add3A_514, %add3A_515 : vector<16xi32>
        %gather3A_517 = tpu.vector_load_idx %arg16[%add3A_516] : memref<256xf32, #tpu.memory_space<vmem>>[vector<16xi32>], vector<16xf32>,
        %swap3A_518 = arith.index_cast %add3A_504 : i32 to index
        %swap3A_519 = tpu.vector_load %arg14[%swap3A_518] {strides = array<i32>} : memref<4096xf32, #tpu.memory_space<vmem>>, vector<16xf32>,
        tpu.vector_store %arg14[%swap3A_518], %gather3A_517 {strides = array<i32>} : memref<4096xf32, #tpu.memory_space<vmem>>, vector<16xf32>,
        %mul3A_520 = arith.constant 256 : i32
        %mul3A_521 = arith.muli %scan3A_389, %mul3A_520 : i32
        %add3A_522 = arith.constant 112 : i32
        %add3A_523 = arith.addi %mul3A_521, %add3A_522 : i32
        %add3A_524 = arith.constant 0 : i32
        %add3A_525 = arith.addi %add3A_524, %add3A_523 : i32
        %get3A_526 = arith.index_cast %add3A_525 : i32 to index
        %get3A_527 = tpu.vector_load %arg12[%get3A_526] {strides = array<i32>} : memref<16384xi32, #tpu.memory_space<vmem>>, vector<16xi32>,
        %mul3A_528 = arith.constant 8 : i32
        %mul3A_529 = vector.broadcast %mul3A_528 : i32 to vector<16xi32>
        %mul3A_530 = arith.muli %get3A_527, %mul3A_529 : vector<16xi32>
        %add3A_531 = arith.constant 128 : i32
        %add3A_532 = vector.broadcast %add3A_531 : i32 to vector<16xi32>
        %add3A_533 = arith.addi %add3A_532, %mul3A_530 : vector<16xi32>
        %add3A_534 = vector.broadcast %sub3A_372 : i32 to vector<16xi32>
        %add3A_535 = arith.addi %add3A_533, %add3A_534 : vector<16xi32>
        %gather3A_536 = tpu.vector_load_idx %arg16[%add3A_535] : memref<256xf32, #tpu.memory_space<vmem>>[vector<16xi32>], vector<16xf32>,
        %swap3A_537 = arith.index_cast %add3A_523 : i32 to index
        %swap3A_538 = tpu.vector_load %arg14[%swap3A_537] {strides = array<i32>} : memref<4096xf32, #tpu.memory_space<vmem>>, vector<16xf32>,
        tpu.vector_store %arg14[%swap3A_537], %gather3A_536 {strides = array<i32>} : memref<4096xf32, #tpu.memory_space<vmem>>, vector<16xf32>,
        %mul3A_539 = arith.constant 256 : i32
        %mul3A_540 = arith.muli %scan3A_389, %mul3A_539 : i32
        %add3A_541 = arith.constant 128 : i32
        %add3A_542 = arith.addi %mul3A_540, %add3A_541 : i32
        %add3A_543 = arith.constant 0 : i32
        %add3A_544 = arith.addi %add3A_543, %add3A_542 : i32
        %get3A_545 = arith.index_cast %add3A_544 : i32 to index
        %get3A_546 = tpu.vector_load %arg12[%get3A_545] {strides = array<i32>} : memref<16384xi32, #tpu.memory_space<vmem>>, vector<16xi32>,
        %mul3A_547 = arith.constant 8 : i32
        %mul3A_548 = vector.broadcast %mul3A_547 : i32 to vector<16xi32>
        %mul3A_549 = arith.muli %get3A_546, %mul3A_548 : vector<16xi32>
        %add3A_550 = arith.constant 128 : i32
        %add3A_551 = vector.broadcast %add3A_550 : i32 to vector<16xi32>
        %add3A_552 = arith.addi %add3A_551, %mul3A_549 : vector<16xi32>
        %add3A_553 = vector.broadcast %sub3A_372 : i32 to vector<16xi32>
        %add3A_554 = arith.addi %add3A_552, %add3A_553 : vector<16xi32>
        %gather3A_555 = tpu.vector_load_idx %arg16[%add3A_554] : memref<256xf32, #tpu.memory_space<vmem>>[vector<16xi32>], vector<16xf32>,
        %swap3A_556 = arith.index_cast %add3A_542 : i32 to index
        %swap3A_557 = tpu.vector_load %arg14[%swap3A_556] {strides = array<i32>} : memref<4096xf32, #tpu.memory_space<vmem>>, vector<16xf32>,
        tpu.vector_store %arg14[%swap3A_556], %gather3A_555 {strides = array<i32>} : memref<4096xf32, #tpu.memory_space<vmem>>, vector<16xf32>,
        %mul3A_558 = arith.constant 256 : i32
        %mul3A_559 = arith.muli %scan3A_389, %mul3A_558 : i32
        %add3A_560 = arith.constant 144 : i32
        %add3A_561 = arith.addi %mul3A_559, %add3A_560 : i32
        %add3A_562 = arith.constant 0 : i32
        %add3A_563 = arith.addi %add3A_562, %add3A_561 : i32
        %get3A_564 = arith.index_cast %add3A_563 : i32 to index
        %get3A_565 = tpu.vector_load %arg12[%get3A_564] {strides = array<i32>} : memref<16384xi32, #tpu.memory_space<vmem>>, vector<16xi32>,
        %mul3A_566 = arith.constant 8 : i32
        %mul3A_567 = vector.broadcast %mul3A_566 : i32 to vector<16xi32>
        %mul3A_568 = arith.muli %get3A_565, %mul3A_567 : vector<16xi32>
        %add3A_569 = arith.constant 128 : i32
        %add3A_570 = vector.broadcast %add3A_569 : i32 to vector<16xi32>
        %add3A_571 = arith.addi %add3A_570, %mul3A_568 : vector<16xi32>
        %add3A_572 = vector.broadcast %sub3A_372 : i32 to vector<16xi32>
        %add3A_573 = arith.addi %add3A_571, %add3A_572 : vector<16xi32>
        %gather3A_574 = tpu.vector_load_idx %arg16[%add3A_573] : memref<256xf32, #tpu.memory_space<vmem>>[vector<16xi32>], vector<16xf32>,
        %swap3A_575 = arith.index_cast %add3A_561 : i32 to index
        %swap3A_576 = tpu.vector_load %arg14[%swap3A_575] {strides = array<i32>} : memref<4096xf32, #tpu.memory_space<vmem>>, vector<16xf32>,
        tpu.vector_store %arg14[%swap3A_575], %gather3A_574 {strides = array<i32>} : memref<4096xf32, #tpu.memory_space<vmem>>, vector<16xf32>,
        %mul3A_577 = arith.constant 256 : i32
        %mul3A_578 = arith.muli %scan3A_389, %mul3A_577 : i32
        %add3A_579 = arith.constant 160 : i32
        %add3A_580 = arith.addi %mul3A_578, %add3A_579 : i32
        %add3A_581 = arith.constant 0 : i32
        %add3A_582 = arith.addi %add3A_581, %add3A_580 : i32
        %get3A_583 = arith.index_cast %add3A_582 : i32 to index
        %get3A_584 = tpu.vector_load %arg12[%get3A_583] {strides = array<i32>} : memref<16384xi32, #tpu.memory_space<vmem>>, vector<16xi32>,
        %mul3A_585 = arith.constant 8 : i32
        %mul3A_586 = vector.broadcast %mul3A_585 : i32 to vector<16xi32>
        %mul3A_587 = arith.muli %get3A_584, %mul3A_586 : vector<16xi32>
        %add3A_588 = arith.constant 128 : i32
        %add3A_589 = vector.broadcast %add3A_588 : i32 to vector<16xi32>
        %add3A_590 = arith.addi %add3A_589, %mul3A_587 : vector<16xi32>
        %add3A_591 = vector.broadcast %sub3A_372 : i32 to vector<16xi32>
        %add3A_592 = arith.addi %add3A_590, %add3A_591 : vector<16xi32>
        %gather3A_593 = tpu.vector_load_idx %arg16[%add3A_592] : memref<256xf32, #tpu.memory_space<vmem>>[vector<16xi32>], vector<16xf32>,
        %swap3A_594 = arith.index_cast %add3A_580 : i32 to index
        %swap3A_595 = tpu.vector_load %arg14[%swap3A_594] {strides = array<i32>} : memref<4096xf32, #tpu.memory_space<vmem>>, vector<16xf32>,
        tpu.vector_store %arg14[%swap3A_594], %gather3A_593 {strides = array<i32>} : memref<4096xf32, #tpu.memory_space<vmem>>, vector<16xf32>,
        %mul3A_596 = arith.constant 256 : i32
        %mul3A_597 = arith.muli %scan3A_389, %mul3A_596 : i32
        %add3A_598 = arith.constant 176 : i32
        %add3A_599 = arith.addi %mul3A_597, %add3A_598 : i32
        %add3A_600 = arith.constant 0 : i32
        %add3A_601 = arith.addi %add3A_600, %add3A_599 : i32
        %get3A_602 = arith.index_cast %add3A_601 : i32 to index
        %get3A_603 = tpu.vector_load %arg12[%get3A_602] {strides = array<i32>} : memref<16384xi32, #tpu.memory_space<vmem>>, vector<16xi32>,
        %mul3A_604 = arith.constant 8 : i32
        %mul3A_605 = vector.broadcast %mul3A_604 : i32 to vector<16xi32>
        %mul3A_606 = arith.muli %get3A_603, %mul3A_605 : vector<16xi32>
        %add3A_607 = arith.constant 128 : i32
        %add3A_608 = vector.broadcast %add3A_607 : i32 to vector<16xi32>
        %add3A_609 = arith.addi %add3A_608, %mul3A_606 : vector<16xi32>
        %add3A_610 = vector.broadcast %sub3A_372 : i32 to vector<16xi32>
        %add3A_611 = arith.addi %add3A_609, %add3A_610 : vector<16xi32>
        %gather3A_612 = tpu.vector_load_idx %arg16[%add3A_611] : memref<256xf32, #tpu.memory_space<vmem>>[vector<16xi32>], vector<16xf32>,
        %swap3A_613 = arith.index_cast %add3A_599 : i32 to index
        %swap3A_614 = tpu.vector_load %arg14[%swap3A_613] {strides = array<i32>} : memref<4096xf32, #tpu.memory_space<vmem>>, vector<16xf32>,
        tpu.vector_store %arg14[%swap3A_613], %gather3A_612 {strides = array<i32>} : memref<4096xf32, #tpu.memory_space<vmem>>, vector<16xf32>,
        %mul3A_615 = arith.constant 256 : i32
        %mul3A_616 = arith.muli %scan3A_389, %mul3A_615 : i32
        %add3A_617 = arith.constant 192 : i32
        %add3A_618 = arith.addi %mul3A_616, %add3A_617 : i32
        %add3A_619 = arith.constant 0 : i32
        %add3A_620 = arith.addi %add3A_619, %add3A_618 : i32
        %get3A_621 = arith.index_cast %add3A_620 : i32 to index
        %get3A_622 = tpu.vector_load %arg12[%get3A_621] {strides = array<i32>} : memref<16384xi32, #tpu.memory_space<vmem>>, vector<16xi32>,
        %mul3A_623 = arith.constant 8 : i32
        %mul3A_624 = vector.broadcast %mul3A_623 : i32 to vector<16xi32>
        %mul3A_625 = arith.muli %get3A_622, %mul3A_624 : vector<16xi32>
        %add3A_626 = arith.constant 128 : i32
        %add3A_627 = vector.broadcast %add3A_626 : i32 to vector<16xi32>
        %add3A_628 = arith.addi %add3A_627, %mul3A_625 : vector<16xi32>
        %add3A_629 = vector.broadcast %sub3A_372 : i32 to vector<16xi32>
        %add3A_630 = arith.addi %add3A_628, %add3A_629 : vector<16xi32>
        %gather3A_631 = tpu.vector_load_idx %arg16[%add3A_630] : memref<256xf32, #tpu.memory_space<vmem>>[vector<16xi32>], vector<16xf32>,
        %swap3A_632 = arith.index_cast %add3A_618 : i32 to index
        %swap3A_633 = tpu.vector_load %arg14[%swap3A_632] {strides = array<i32>} : memref<4096xf32, #tpu.memory_space<vmem>>, vector<16xf32>,
        tpu.vector_store %arg14[%swap3A_632], %gather3A_631 {strides = array<i32>} : memref<4096xf32, #tpu.memory_space<vmem>>, vector<16xf32>,
        %mul3A_634 = arith.constant 256 : i32
        %mul3A_635 = arith.muli %scan3A_389, %mul3A_634 : i32
        %add3A_636 = arith.constant 208 : i32
        %add3A_637 = arith.addi %mul3A_635, %add3A_636 : i32
        %add3A_638 = arith.constant 0 : i32
        %add3A_639 = arith.addi %add3A_638, %add3A_637 : i32
        %get3A_640 = arith.index_cast %add3A_639 : i32 to index
        %get3A_641 = tpu.vector_load %arg12[%get3A_640] {strides = array<i32>} : memref<16384xi32, #tpu.memory_space<vmem>>, vector<16xi32>,
        %mul3A_642 = arith.constant 8 : i32
        %mul3A_643 = vector.broadcast %mul3A_642 : i32 to vector<16xi32>
        %mul3A_644 = arith.muli %get3A_641, %mul3A_643 : vector<16xi32>
        %add3A_645 = arith.constant 128 : i32
        %add3A_646 = vector.broadcast %add3A_645 : i32 to vector<16xi32>
        %add3A_647 = arith.addi %add3A_646, %mul3A_644 : vector<16xi32>
        %add3A_648 = vector.broadcast %sub3A_372 : i32 to vector<16xi32>
        %add3A_649 = arith.addi %add3A_647, %add3A_648 : vector<16xi32>
        %gather3A_650 = tpu.vector_load_idx %arg16[%add3A_649] : memref<256xf32, #tpu.memory_space<vmem>>[vector<16xi32>], vector<16xf32>,
        %swap3A_651 = arith.index_cast %add3A_637 : i32 to index
        %swap3A_652 = tpu.vector_load %arg14[%swap3A_651] {strides = array<i32>} : memref<4096xf32, #tpu.memory_space<vmem>>, vector<16xf32>,
        tpu.vector_store %arg14[%swap3A_651], %gather3A_650 {strides = array<i32>} : memref<4096xf32, #tpu.memory_space<vmem>>, vector<16xf32>,
        %mul3A_653 = arith.constant 256 : i32
        %mul3A_654 = arith.muli %scan3A_389, %mul3A_653 : i32
        %add3A_655 = arith.constant 224 : i32
        %add3A_656 = arith.addi %mul3A_654, %add3A_655 : i32
        %add3A_657 = arith.constant 0 : i32
        %add3A_658 = arith.addi %add3A_657, %add3A_656 : i32
        %get3A_659 = arith.index_cast %add3A_658 : i32 to index
        %get3A_660 = tpu.vector_load %arg12[%get3A_659] {strides = array<i32>} : memref<16384xi32, #tpu.memory_space<vmem>>, vector<16xi32>,
        %mul3A_661 = arith.constant 8 : i32
        %mul3A_662 = vector.broadcast %mul3A_661 : i32 to vector<16xi32>
        %mul3A_663 = arith.muli %get3A_660, %mul3A_662 : vector<16xi32>
        %add3A_664 = arith.constant 128 : i32
        %add3A_665 = vector.broadcast %add3A_664 : i32 to vector<16xi32>
        %add3A_666 = arith.addi %add3A_665, %mul3A_663 : vector<16xi32>
        %add3A_667 = vector.broadcast %sub3A_372 : i32 to vector<16xi32>
        %add3A_668 = arith.addi %add3A_666, %add3A_667 : vector<16xi32>
        %gather3A_669 = tpu.vector_load_idx %arg16[%add3A_668] : memref<256xf32, #tpu.memory_space<vmem>>[vector<16xi32>], vector<16xf32>,
        %swap3A_670 = arith.index_cast %add3A_656 : i32 to index
        %swap3A_671 = tpu.vector_load %arg14[%swap3A_670] {strides = array<i32>} : memref<4096xf32, #tpu.memory_space<vmem>>, vector<16xf32>,
        tpu.vector_store %arg14[%swap3A_670], %gather3A_669 {strides = array<i32>} : memref<4096xf32, #tpu.memory_space<vmem>>, vector<16xf32>,
        %mul3A_672 = arith.constant 256 : i32
        %mul3A_673 = arith.muli %scan3A_389, %mul3A_672 : i32
        %add3A_674 = arith.constant 240 : i32
        %add3A_675 = arith.addi %mul3A_673, %add3A_674 : i32
        %add3A_676 = arith.constant 0 : i32
        %add3A_677 = arith.addi %add3A_676, %add3A_675 : i32
        %get3A_678 = arith.index_cast %add3A_677 : i32 to index
        %get3A_679 = tpu.vector_load %arg12[%get3A_678] {strides = array<i32>} : memref<16384xi32, #tpu.memory_space<vmem>>, vector<16xi32>,
        %mul3A_680 = arith.constant 8 : i32
        %mul3A_681 = vector.broadcast %mul3A_680 : i32 to vector<16xi32>
        %mul3A_682 = arith.muli %get3A_679, %mul3A_681 : vector<16xi32>
        %add3A_683 = arith.constant 128 : i32
        %add3A_684 = vector.broadcast %add3A_683 : i32 to vector<16xi32>
        %add3A_685 = arith.addi %add3A_684, %mul3A_682 : vector<16xi32>
        %add3A_686 = vector.broadcast %sub3A_372 : i32 to vector<16xi32>
        %add3A_687 = arith.addi %add3A_685, %add3A_686 : vector<16xi32>
        %gather3A_688 = tpu.vector_load_idx %arg16[%add3A_687] : memref<256xf32, #tpu.memory_space<vmem>>[vector<16xi32>], vector<16xf32>,
        %swap3A_689 = arith.index_cast %add3A_675 : i32 to index
        %swap3A_690 = tpu.vector_load %arg14[%swap3A_689] {strides = array<i32>} : memref<4096xf32, #tpu.memory_space<vmem>>, vector<16xf32>,
        tpu.vector_store %arg14[%swap3A_689], %gather3A_688 {strides = array<i32>} : memref<4096xf32, #tpu.memory_space<vmem>>, vector<16xf32>,
      }
      %scan3A_378 = arith.constant 16 : i32
      %add3A_379 = arith.constant 0 : i32
      %add3A_380 = arith.addi %select_n3A_358, %add3A_379 : i32
      "tpu.region"() ({
        %run_scoped3A = tpu.sem_alloc : memref<!tpu.dma_semaphore, #tpu.memory_space<semaphore_mem>>
        %dma_start3A_389 = tpu.memref_slice %arg11[%add3A_353, %add3A_380] : memref<76x16384xf32, #tpu.memory_space<hbm>> -> memref<1x4096xf32, #tpu.memory_space<hbm>>
        %dma_start3A_390 = tpu.memref_squeeze %dma_start3A_389 : memref<1x4096xf32, #tpu.memory_space<hbm>> -> memref<4096xf32, #tpu.memory_space<hbm>>
        %dma_start3A_391 = tpu.memref_slice %arg11[%add3A_353, %add3A_380] : memref<76x16384xf32, #tpu.memory_space<hbm>> -> memref<1x4096xf32, #tpu.memory_space<hbm>>
        %dma_start3A_392 = tpu.memref_squeeze %dma_start3A_391 : memref<1x4096xf32, #tpu.memory_space<hbm>> -> memref<4096xf32, #tpu.memory_space<hbm>>
        tpu.enqueue_dma source(%arg14 : memref<4096xf32, #tpu.memory_space<vmem>>) target(%dma_start3A_392 : memref<4096xf32, #tpu.memory_space<hbm>>) target_semaphore(%run_scoped3A : memref<!tpu.dma_semaphore, #tpu.memory_space<semaphore_mem>>)
        %dma_wait3A_393 = tpu.memref_slice %arg11[%add3A_353, %add3A_380] : memref<76x16384xf32, #tpu.memory_space<hbm>> -> memref<1x4096xf32, #tpu.memory_space<hbm>>
        %dma_wait3A_394 = tpu.memref_squeeze %dma_wait3A_393 : memref<1x4096xf32, #tpu.memory_space<hbm>> -> memref<4096xf32, #tpu.memory_space<hbm>>
        %dma_wait3A_395 = tpu.memref_slice %arg11[%add3A_353, %add3A_380] : memref<76x16384xf32, #tpu.memory_space<hbm>> -> memref<1x4096xf32, #tpu.memory_space<hbm>>
        %dma_wait3A_396 = tpu.memref_squeeze %dma_wait3A_395 : memref<1x4096xf32, #tpu.memory_space<hbm>> -> memref<4096xf32, #tpu.memory_space<hbm>>
        tpu.wait_dma2 semaphore(%run_scoped3A : memref<!tpu.dma_semaphore, #tpu.memory_space<semaphore_mem>>) src(%arg14 : memref<4096xf32, #tpu.memory_space<vmem>>) dst(%dma_wait3A_396 : memref<4096xf32, #tpu.memory_space<hbm>>)
        tpu.yield
      }) : () -> ()
      %scan3A_381 = arith.constant 0 : i32
      %scan3A_382 = arith.constant 0 : i32
      %scan3A_383 = arith.constant 16 : i32
      %scan3A_384 = arith.addi %scan3A_382, %scan3A_383 : i32
      %scan3A_385 = arith.constant 1 : i32
      scf.for %scan3A_389 = %scan3A_382 to %scan3A_384 step %scan3A_385  : i32 {
        %mul3A_390 = arith.constant 256 : i32
        %mul3A_391 = arith.muli %scan3A_389, %mul3A_390 : i32
        %add3A_392 = arith.constant 0 : i32
        %add3A_393 = arith.addi %mul3A_391, %add3A_392 : i32
        %add3A_394 = arith.constant 4096 : i32
        %add3A_395 = arith.addi %add3A_394, %add3A_393 : i32
        %get3A = arith.index_cast %add3A_395 : i32 to index
        %get3A_396 = tpu.vector_load %arg12[%get3A] {strides = array<i32>} : memref<16384xi32, #tpu.memory_space<vmem>>, vector<16xi32>,
        %mul3A_397 = arith.constant 8 : i32
        %mul3A_398 = vector.broadcast %mul3A_397 : i32 to vector<16xi32>
        %mul3A_399 = arith.muli %get3A_396, %mul3A_398 : vector<16xi32>
        %add3A_400 = arith.constant 128 : i32
        %add3A_401 = vector.broadcast %add3A_400 : i32 to vector<16xi32>
        %add3A_402 = arith.addi %add3A_401, %mul3A_399 : vector<16xi32>
        %add3A_403 = vector.broadcast %sub3A_372 : i32 to vector<16xi32>
        %add3A_404 = arith.addi %add3A_402, %add3A_403 : vector<16xi32>
        %gather3A = tpu.vector_load_idx %arg16[%add3A_404] : memref<256xf32, #tpu.memory_space<vmem>>[vector<16xi32>], vector<16xf32>,
        %swap3A = arith.index_cast %add3A_393 : i32 to index
        %swap3A_405 = tpu.vector_load %arg14[%swap3A] {strides = array<i32>} : memref<4096xf32, #tpu.memory_space<vmem>>, vector<16xf32>,
        tpu.vector_store %arg14[%swap3A], %gather3A {strides = array<i32>} : memref<4096xf32, #tpu.memory_space<vmem>>, vector<16xf32>,
        %mul3A_406 = arith.constant 256 : i32
        %mul3A_407 = arith.muli %scan3A_389, %mul3A_406 : i32
        %add3A_408 = arith.constant 16 : i32
        %add3A_409 = arith.addi %mul3A_407, %add3A_408 : i32
        %add3A_410 = arith.constant 4096 : i32
        %add3A_411 = arith.addi %add3A_410, %add3A_409 : i32
        %get3A_412 = arith.index_cast %add3A_411 : i32 to index
        %get3A_413 = tpu.vector_load %arg12[%get3A_412] {strides = array<i32>} : memref<16384xi32, #tpu.memory_space<vmem>>, vector<16xi32>,
        %mul3A_414 = arith.constant 8 : i32
        %mul3A_415 = vector.broadcast %mul3A_414 : i32 to vector<16xi32>
        %mul3A_416 = arith.muli %get3A_413, %mul3A_415 : vector<16xi32>
        %add3A_417 = arith.constant 128 : i32
        %add3A_418 = vector.broadcast %add3A_417 : i32 to vector<16xi32>
        %add3A_419 = arith.addi %add3A_418, %mul3A_416 : vector<16xi32>
        %add3A_420 = vector.broadcast %sub3A_372 : i32 to vector<16xi32>
        %add3A_421 = arith.addi %add3A_419, %add3A_420 : vector<16xi32>
        %gather3A_422 = tpu.vector_load_idx %arg16[%add3A_421] : memref<256xf32, #tpu.memory_space<vmem>>[vector<16xi32>], vector<16xf32>,
        %swap3A_423 = arith.index_cast %add3A_409 : i32 to index
        %swap3A_424 = tpu.vector_load %arg14[%swap3A_423] {strides = array<i32>} : memref<4096xf32, #tpu.memory_space<vmem>>, vector<16xf32>,
        tpu.vector_store %arg14[%swap3A_423], %gather3A_422 {strides = array<i32>} : memref<4096xf32, #tpu.memory_space<vmem>>, vector<16xf32>,
        %mul3A_425 = arith.constant 256 : i32
        %mul3A_426 = arith.muli %scan3A_389, %mul3A_425 : i32
        %add3A_427 = arith.constant 32 : i32
        %add3A_428 = arith.addi %mul3A_426, %add3A_427 : i32
        %add3A_429 = arith.constant 4096 : i32
        %add3A_430 = arith.addi %add3A_429, %add3A_428 : i32
        %get3A_431 = arith.index_cast %add3A_430 : i32 to index
        %get3A_432 = tpu.vector_load %arg12[%get3A_431] {strides = array<i32>} : memref<16384xi32, #tpu.memory_space<vmem>>, vector<16xi32>,
        %mul3A_433 = arith.constant 8 : i32
        %mul3A_434 = vector.broadcast %mul3A_433 : i32 to vector<16xi32>
        %mul3A_435 = arith.muli %get3A_432, %mul3A_434 : vector<16xi32>
        %add3A_436 = arith.constant 128 : i32
        %add3A_437 = vector.broadcast %add3A_436 : i32 to vector<16xi32>
        %add3A_438 = arith.addi %add3A_437, %mul3A_435 : vector<16xi32>
        %add3A_439 = vector.broadcast %sub3A_372 : i32 to vector<16xi32>
        %add3A_440 = arith.addi %add3A_438, %add3A_439 : vector<16xi32>
        %gather3A_441 = tpu.vector_load_idx %arg16[%add3A_440] : memref<256xf32, #tpu.memory_space<vmem>>[vector<16xi32>], vector<16xf32>,
        %swap3A_442 = arith.index_cast %add3A_428 : i32 to index
        %swap3A_443 = tpu.vector_load %arg14[%swap3A_442] {strides = array<i32>} : memref<4096xf32, #tpu.memory_space<vmem>>, vector<16xf32>,
        tpu.vector_store %arg14[%swap3A_442], %gather3A_441 {strides = array<i32>} : memref<4096xf32, #tpu.memory_space<vmem>>, vector<16xf32>,
        %mul3A_444 = arith.constant 256 : i32
        %mul3A_445 = arith.muli %scan3A_389, %mul3A_444 : i32
        %add3A_446 = arith.constant 48 : i32
        %add3A_447 = arith.addi %mul3A_445, %add3A_446 : i32
        %add3A_448 = arith.constant 4096 : i32
        %add3A_449 = arith.addi %add3A_448, %add3A_447 : i32
        %get3A_450 = arith.index_cast %add3A_449 : i32 to index
        %get3A_451 = tpu.vector_load %arg12[%get3A_450] {strides = array<i32>} : memref<16384xi32, #tpu.memory_space<vmem>>, vector<16xi32>,
        %mul3A_452 = arith.constant 8 : i32
        %mul3A_453 = vector.broadcast %mul3A_452 : i32 to vector<16xi32>
        %mul3A_454 = arith.muli %get3A_451, %mul3A_453 : vector<16xi32>
        %add3A_455 = arith.constant 128 : i32
        %add3A_456 = vector.broadcast %add3A_455 : i32 to vector<16xi32>
        %add3A_457 = arith.addi %add3A_456, %mul3A_454 : vector<16xi32>
        %add3A_458 = vector.broadcast %sub3A_372 : i32 to vector<16xi32>
        %add3A_459 = arith.addi %add3A_457, %add3A_458 : vector<16xi32>
        %gather3A_460 = tpu.vector_load_idx %arg16[%add3A_459] : memref<256xf32, #tpu.memory_space<vmem>>[vector<16xi32>], vector<16xf32>,
        %swap3A_461 = arith.index_cast %add3A_447 : i32 to index
        %swap3A_462 = tpu.vector_load %arg14[%swap3A_461] {strides = array<i32>} : memref<4096xf32, #tpu.memory_space<vmem>>, vector<16xf32>,
        tpu.vector_store %arg14[%swap3A_461], %gather3A_460 {strides = array<i32>} : memref<4096xf32, #tpu.memory_space<vmem>>, vector<16xf32>,
        %mul3A_463 = arith.constant 256 : i32
        %mul3A_464 = arith.muli %scan3A_389, %mul3A_463 : i32
        %add3A_465 = arith.constant 64 : i32
        %add3A_466 = arith.addi %mul3A_464, %add3A_465 : i32
        %add3A_467 = arith.constant 4096 : i32
        %add3A_468 = arith.addi %add3A_467, %add3A_466 : i32
        %get3A_469 = arith.index_cast %add3A_468 : i32 to index
        %get3A_470 = tpu.vector_load %arg12[%get3A_469] {strides = array<i32>} : memref<16384xi32, #tpu.memory_space<vmem>>, vector<16xi32>,
        %mul3A_471 = arith.constant 8 : i32
        %mul3A_472 = vector.broadcast %mul3A_471 : i32 to vector<16xi32>
        %mul3A_473 = arith.muli %get3A_470, %mul3A_472 : vector<16xi32>
        %add3A_474 = arith.constant 128 : i32
        %add3A_475 = vector.broadcast %add3A_474 : i32 to vector<16xi32>
        %add3A_476 = arith.addi %add3A_475, %mul3A_473 : vector<16xi32>
        %add3A_477 = vector.broadcast %sub3A_372 : i32 to vector<16xi32>
        %add3A_478 = arith.addi %add3A_476, %add3A_477 : vector<16xi32>
        %gather3A_479 = tpu.vector_load_idx %arg16[%add3A_478] : memref<256xf32, #tpu.memory_space<vmem>>[vector<16xi32>], vector<16xf32>,
        %swap3A_480 = arith.index_cast %add3A_466 : i32 to index
        %swap3A_481 = tpu.vector_load %arg14[%swap3A_480] {strides = array<i32>} : memref<4096xf32, #tpu.memory_space<vmem>>, vector<16xf32>,
        tpu.vector_store %arg14[%swap3A_480], %gather3A_479 {strides = array<i32>} : memref<4096xf32, #tpu.memory_space<vmem>>, vector<16xf32>,
        %mul3A_482 = arith.constant 256 : i32
        %mul3A_483 = arith.muli %scan3A_389, %mul3A_482 : i32
        %add3A_484 = arith.constant 80 : i32
        %add3A_485 = arith.addi %mul3A_483, %add3A_484 : i32
        %add3A_486 = arith.constant 4096 : i32
        %add3A_487 = arith.addi %add3A_486, %add3A_485 : i32
        %get3A_488 = arith.index_cast %add3A_487 : i32 to index
        %get3A_489 = tpu.vector_load %arg12[%get3A_488] {strides = array<i32>} : memref<16384xi32, #tpu.memory_space<vmem>>, vector<16xi32>,
        %mul3A_490 = arith.constant 8 : i32
        %mul3A_491 = vector.broadcast %mul3A_490 : i32 to vector<16xi32>
        %mul3A_492 = arith.muli %get3A_489, %mul3A_491 : vector<16xi32>
        %add3A_493 = arith.constant 128 : i32
        %add3A_494 = vector.broadcast %add3A_493 : i32 to vector<16xi32>
        %add3A_495 = arith.addi %add3A_494, %mul3A_492 : vector<16xi32>
        %add3A_496 = vector.broadcast %sub3A_372 : i32 to vector<16xi32>
        %add3A_497 = arith.addi %add3A_495, %add3A_496 : vector<16xi32>
        %gather3A_498 = tpu.vector_load_idx %arg16[%add3A_497] : memref<256xf32, #tpu.memory_space<vmem>>[vector<16xi32>], vector<16xf32>,
        %swap3A_499 = arith.index_cast %add3A_485 : i32 to index
        %swap3A_500 = tpu.vector_load %arg14[%swap3A_499] {strides = array<i32>} : memref<4096xf32, #tpu.memory_space<vmem>>, vector<16xf32>,
        tpu.vector_store %arg14[%swap3A_499], %gather3A_498 {strides = array<i32>} : memref<4096xf32, #tpu.memory_space<vmem>>, vector<16xf32>,
        %mul3A_501 = arith.constant 256 : i32
        %mul3A_502 = arith.muli %scan3A_389, %mul3A_501 : i32
        %add3A_503 = arith.constant 96 : i32
        %add3A_504 = arith.addi %mul3A_502, %add3A_503 : i32
        %add3A_505 = arith.constant 4096 : i32
        %add3A_506 = arith.addi %add3A_505, %add3A_504 : i32
        %get3A_507 = arith.index_cast %add3A_506 : i32 to index
        %get3A_508 = tpu.vector_load %arg12[%get3A_507] {strides = array<i32>} : memref<16384xi32, #tpu.memory_space<vmem>>, vector<16xi32>,
        %mul3A_509 = arith.constant 8 : i32
        %mul3A_510 = vector.broadcast %mul3A_509 : i32 to vector<16xi32>
        %mul3A_511 = arith.muli %get3A_508, %mul3A_510 : vector<16xi32>
        %add3A_512 = arith.constant 128 : i32
        %add3A_513 = vector.broadcast %add3A_512 : i32 to vector<16xi32>
        %add3A_514 = arith.addi %add3A_513, %mul3A_511 : vector<16xi32>
        %add3A_515 = vector.broadcast %sub3A_372 : i32 to vector<16xi32>
        %add3A_516 = arith.addi %add3A_514, %add3A_515 : vector<16xi32>
        %gather3A_517 = tpu.vector_load_idx %arg16[%add3A_516] : memref<256xf32, #tpu.memory_space<vmem>>[vector<16xi32>], vector<16xf32>,
        %swap3A_518 = arith.index_cast %add3A_504 : i32 to index
        %swap3A_519 = tpu.vector_load %arg14[%swap3A_518] {strides = array<i32>} : memref<4096xf32, #tpu.memory_space<vmem>>, vector<16xf32>,
        tpu.vector_store %arg14[%swap3A_518], %gather3A_517 {strides = array<i32>} : memref<4096xf32, #tpu.memory_space<vmem>>, vector<16xf32>,
        %mul3A_520 = arith.constant 256 : i32
        %mul3A_521 = arith.muli %scan3A_389, %mul3A_520 : i32
        %add3A_522 = arith.constant 112 : i32
        %add3A_523 = arith.addi %mul3A_521, %add3A_522 : i32
        %add3A_524 = arith.constant 4096 : i32
        %add3A_525 = arith.addi %add3A_524, %add3A_523 : i32
        %get3A_526 = arith.index_cast %add3A_525 : i32 to index
        %get3A_527 = tpu.vector_load %arg12[%get3A_526] {strides = array<i32>} : memref<16384xi32, #tpu.memory_space<vmem>>, vector<16xi32>,
        %mul3A_528 = arith.constant 8 : i32
        %mul3A_529 = vector.broadcast %mul3A_528 : i32 to vector<16xi32>
        %mul3A_530 = arith.muli %get3A_527, %mul3A_529 : vector<16xi32>
        %add3A_531 = arith.constant 128 : i32
        %add3A_532 = vector.broadcast %add3A_531 : i32 to vector<16xi32>
        %add3A_533 = arith.addi %add3A_532, %mul3A_530 : vector<16xi32>
        %add3A_534 = vector.broadcast %sub3A_372 : i32 to vector<16xi32>
        %add3A_535 = arith.addi %add3A_533, %add3A_534 : vector<16xi32>
        %gather3A_536 = tpu.vector_load_idx %arg16[%add3A_535] : memref<256xf32, #tpu.memory_space<vmem>>[vector<16xi32>], vector<16xf32>,
        %swap3A_537 = arith.index_cast %add3A_523 : i32 to index
        %swap3A_538 = tpu.vector_load %arg14[%swap3A_537] {strides = array<i32>} : memref<4096xf32, #tpu.memory_space<vmem>>, vector<16xf32>,
        tpu.vector_store %arg14[%swap3A_537], %gather3A_536 {strides = array<i32>} : memref<4096xf32, #tpu.memory_space<vmem>>, vector<16xf32>,
        %mul3A_539 = arith.constant 256 : i32
        %mul3A_540 = arith.muli %scan3A_389, %mul3A_539 : i32
        %add3A_541 = arith.constant 128 : i32
        %add3A_542 = arith.addi %mul3A_540, %add3A_541 : i32
        %add3A_543 = arith.constant 4096 : i32
        %add3A_544 = arith.addi %add3A_543, %add3A_542 : i32
        %get3A_545 = arith.index_cast %add3A_544 : i32 to index
        %get3A_546 = tpu.vector_load %arg12[%get3A_545] {strides = array<i32>} : memref<16384xi32, #tpu.memory_space<vmem>>, vector<16xi32>,
        %mul3A_547 = arith.constant 8 : i32
        %mul3A_548 = vector.broadcast %mul3A_547 : i32 to vector<16xi32>
        %mul3A_549 = arith.muli %get3A_546, %mul3A_548 : vector<16xi32>
        %add3A_550 = arith.constant 128 : i32
        %add3A_551 = vector.broadcast %add3A_550 : i32 to vector<16xi32>
        %add3A_552 = arith.addi %add3A_551, %mul3A_549 : vector<16xi32>
        %add3A_553 = vector.broadcast %sub3A_372 : i32 to vector<16xi32>
        %add3A_554 = arith.addi %add3A_552, %add3A_553 : vector<16xi32>
        %gather3A_555 = tpu.vector_load_idx %arg16[%add3A_554] : memref<256xf32, #tpu.memory_space<vmem>>[vector<16xi32>], vector<16xf32>,
        %swap3A_556 = arith.index_cast %add3A_542 : i32 to index
        %swap3A_557 = tpu.vector_load %arg14[%swap3A_556] {strides = array<i32>} : memref<4096xf32, #tpu.memory_space<vmem>>, vector<16xf32>,
        tpu.vector_store %arg14[%swap3A_556], %gather3A_555 {strides = array<i32>} : memref<4096xf32, #tpu.memory_space<vmem>>, vector<16xf32>,
        %mul3A_558 = arith.constant 256 : i32
        %mul3A_559 = arith.muli %scan3A_389, %mul3A_558 : i32
        %add3A_560 = arith.constant 144 : i32
        %add3A_561 = arith.addi %mul3A_559, %add3A_560 : i32
        %add3A_562 = arith.constant 4096 : i32
        %add3A_563 = arith.addi %add3A_562, %add3A_561 : i32
        %get3A_564 = arith.index_cast %add3A_563 : i32 to index
        %get3A_565 = tpu.vector_load %arg12[%get3A_564] {strides = array<i32>} : memref<16384xi32, #tpu.memory_space<vmem>>, vector<16xi32>,
        %mul3A_566 = arith.constant 8 : i32
        %mul3A_567 = vector.broadcast %mul3A_566 : i32 to vector<16xi32>
        %mul3A_568 = arith.muli %get3A_565, %mul3A_567 : vector<16xi32>
        %add3A_569 = arith.constant 128 : i32
        %add3A_570 = vector.broadcast %add3A_569 : i32 to vector<16xi32>
        %add3A_571 = arith.addi %add3A_570, %mul3A_568 : vector<16xi32>
        %add3A_572 = vector.broadcast %sub3A_372 : i32 to vector<16xi32>
        %add3A_573 = arith.addi %add3A_571, %add3A_572 : vector<16xi32>
        %gather3A_574 = tpu.vector_load_idx %arg16[%add3A_573] : memref<256xf32, #tpu.memory_space<vmem>>[vector<16xi32>], vector<16xf32>,
        %swap3A_575 = arith.index_cast %add3A_561 : i32 to index
        %swap3A_576 = tpu.vector_load %arg14[%swap3A_575] {strides = array<i32>} : memref<4096xf32, #tpu.memory_space<vmem>>, vector<16xf32>,
        tpu.vector_store %arg14[%swap3A_575], %gather3A_574 {strides = array<i32>} : memref<4096xf32, #tpu.memory_space<vmem>>, vector<16xf32>,
        %mul3A_577 = arith.constant 256 : i32
        %mul3A_578 = arith.muli %scan3A_389, %mul3A_577 : i32
        %add3A_579 = arith.constant 160 : i32
        %add3A_580 = arith.addi %mul3A_578, %add3A_579 : i32
        %add3A_581 = arith.constant 4096 : i32
        %add3A_582 = arith.addi %add3A_581, %add3A_580 : i32
        %get3A_583 = arith.index_cast %add3A_582 : i32 to index
        %get3A_584 = tpu.vector_load %arg12[%get3A_583] {strides = array<i32>} : memref<16384xi32, #tpu.memory_space<vmem>>, vector<16xi32>,
        %mul3A_585 = arith.constant 8 : i32
        %mul3A_586 = vector.broadcast %mul3A_585 : i32 to vector<16xi32>
        %mul3A_587 = arith.muli %get3A_584, %mul3A_586 : vector<16xi32>
        %add3A_588 = arith.constant 128 : i32
        %add3A_589 = vector.broadcast %add3A_588 : i32 to vector<16xi32>
        %add3A_590 = arith.addi %add3A_589, %mul3A_587 : vector<16xi32>
        %add3A_591 = vector.broadcast %sub3A_372 : i32 to vector<16xi32>
        %add3A_592 = arith.addi %add3A_590, %add3A_591 : vector<16xi32>
        %gather3A_593 = tpu.vector_load_idx %arg16[%add3A_592] : memref<256xf32, #tpu.memory_space<vmem>>[vector<16xi32>], vector<16xf32>,
        %swap3A_594 = arith.index_cast %add3A_580 : i32 to index
        %swap3A_595 = tpu.vector_load %arg14[%swap3A_594] {strides = array<i32>} : memref<4096xf32, #tpu.memory_space<vmem>>, vector<16xf32>,
        tpu.vector_store %arg14[%swap3A_594], %gather3A_593 {strides = array<i32>} : memref<4096xf32, #tpu.memory_space<vmem>>, vector<16xf32>,
        %mul3A_596 = arith.constant 256 : i32
        %mul3A_597 = arith.muli %scan3A_389, %mul3A_596 : i32
        %add3A_598 = arith.constant 176 : i32
        %add3A_599 = arith.addi %mul3A_597, %add3A_598 : i32
        %add3A_600 = arith.constant 4096 : i32
        %add3A_601 = arith.addi %add3A_600, %add3A_599 : i32
        %get3A_602 = arith.index_cast %add3A_601 : i32 to index
        %get3A_603 = tpu.vector_load %arg12[%get3A_602] {strides = array<i32>} : memref<16384xi32, #tpu.memory_space<vmem>>, vector<16xi32>,
        %mul3A_604 = arith.constant 8 : i32
        %mul3A_605 = vector.broadcast %mul3A_604 : i32 to vector<16xi32>
        %mul3A_606 = arith.muli %get3A_603, %mul3A_605 : vector<16xi32>
        %add3A_607 = arith.constant 128 : i32
        %add3A_608 = vector.broadcast %add3A_607 : i32 to vector<16xi32>
        %add3A_609 = arith.addi %add3A_608, %mul3A_606 : vector<16xi32>
        %add3A_610 = vector.broadcast %sub3A_372 : i32 to vector<16xi32>
        %add3A_611 = arith.addi %add3A_609, %add3A_610 : vector<16xi32>
        %gather3A_612 = tpu.vector_load_idx %arg16[%add3A_611] : memref<256xf32, #tpu.memory_space<vmem>>[vector<16xi32>], vector<16xf32>,
        %swap3A_613 = arith.index_cast %add3A_599 : i32 to index
        %swap3A_614 = tpu.vector_load %arg14[%swap3A_613] {strides = array<i32>} : memref<4096xf32, #tpu.memory_space<vmem>>, vector<16xf32>,
        tpu.vector_store %arg14[%swap3A_613], %gather3A_612 {strides = array<i32>} : memref<4096xf32, #tpu.memory_space<vmem>>, vector<16xf32>,
        %mul3A_615 = arith.constant 256 : i32
        %mul3A_616 = arith.muli %scan3A_389, %mul3A_615 : i32
        %add3A_617 = arith.constant 192 : i32
        %add3A_618 = arith.addi %mul3A_616, %add3A_617 : i32
        %add3A_619 = arith.constant 4096 : i32
        %add3A_620 = arith.addi %add3A_619, %add3A_618 : i32
        %get3A_621 = arith.index_cast %add3A_620 : i32 to index
        %get3A_622 = tpu.vector_load %arg12[%get3A_621] {strides = array<i32>} : memref<16384xi32, #tpu.memory_space<vmem>>, vector<16xi32>,
        %mul3A_623 = arith.constant 8 : i32
        %mul3A_624 = vector.broadcast %mul3A_623 : i32 to vector<16xi32>
        %mul3A_625 = arith.muli %get3A_622, %mul3A_624 : vector<16xi32>
        %add3A_626 = arith.constant 128 : i32
        %add3A_627 = vector.broadcast %add3A_626 : i32 to vector<16xi32>
        %add3A_628 = arith.addi %add3A_627, %mul3A_625 : vector<16xi32>
        %add3A_629 = vector.broadcast %sub3A_372 : i32 to vector<16xi32>
        %add3A_630 = arith.addi %add3A_628, %add3A_629 : vector<16xi32>
        %gather3A_631 = tpu.vector_load_idx %arg16[%add3A_630] : memref<256xf32, #tpu.memory_space<vmem>>[vector<16xi32>], vector<16xf32>,
        %swap3A_632 = arith.index_cast %add3A_618 : i32 to index
        %swap3A_633 = tpu.vector_load %arg14[%swap3A_632] {strides = array<i32>} : memref<4096xf32, #tpu.memory_space<vmem>>, vector<16xf32>,
        tpu.vector_store %arg14[%swap3A_632], %gather3A_631 {strides = array<i32>} : memref<4096xf32, #tpu.memory_space<vmem>>, vector<16xf32>,
        %mul3A_634 = arith.constant 256 : i32
        %mul3A_635 = arith.muli %scan3A_389, %mul3A_634 : i32
        %add3A_636 = arith.constant 208 : i32
        %add3A_637 = arith.addi %mul3A_635, %add3A_636 : i32
        %add3A_638 = arith.constant 4096 : i32
        %add3A_639 = arith.addi %add3A_638, %add3A_637 : i32
        %get3A_640 = arith.index_cast %add3A_639 : i32 to index
        %get3A_641 = tpu.vector_load %arg12[%get3A_640] {strides = array<i32>} : memref<16384xi32, #tpu.memory_space<vmem>>, vector<16xi32>,
        %mul3A_642 = arith.constant 8 : i32
        %mul3A_643 = vector.broadcast %mul3A_642 : i32 to vector<16xi32>
        %mul3A_644 = arith.muli %get3A_641, %mul3A_643 : vector<16xi32>
        %add3A_645 = arith.constant 128 : i32
        %add3A_646 = vector.broadcast %add3A_645 : i32 to vector<16xi32>
        %add3A_647 = arith.addi %add3A_646, %mul3A_644 : vector<16xi32>
        %add3A_648 = vector.broadcast %sub3A_372 : i32 to vector<16xi32>
        %add3A_649 = arith.addi %add3A_647, %add3A_648 : vector<16xi32>
        %gather3A_650 = tpu.vector_load_idx %arg16[%add3A_649] : memref<256xf32, #tpu.memory_space<vmem>>[vector<16xi32>], vector<16xf32>,
        %swap3A_651 = arith.index_cast %add3A_637 : i32 to index
        %swap3A_652 = tpu.vector_load %arg14[%swap3A_651] {strides = array<i32>} : memref<4096xf32, #tpu.memory_space<vmem>>, vector<16xf32>,
        tpu.vector_store %arg14[%swap3A_651], %gather3A_650 {strides = array<i32>} : memref<4096xf32, #tpu.memory_space<vmem>>, vector<16xf32>,
        %mul3A_653 = arith.constant 256 : i32
        %mul3A_654 = arith.muli %scan3A_389, %mul3A_653 : i32
        %add3A_655 = arith.constant 224 : i32
        %add3A_656 = arith.addi %mul3A_654, %add3A_655 : i32
        %add3A_657 = arith.constant 4096 : i32
        %add3A_658 = arith.addi %add3A_657, %add3A_656 : i32
        %get3A_659 = arith.index_cast %add3A_658 : i32 to index
        %get3A_660 = tpu.vector_load %arg12[%get3A_659] {strides = array<i32>} : memref<16384xi32, #tpu.memory_space<vmem>>, vector<16xi32>,
        %mul3A_661 = arith.constant 8 : i32
        %mul3A_662 = vector.broadcast %mul3A_661 : i32 to vector<16xi32>
        %mul3A_663 = arith.muli %get3A_660, %mul3A_662 : vector<16xi32>
        %add3A_664 = arith.constant 128 : i32
        %add3A_665 = vector.broadcast %add3A_664 : i32 to vector<16xi32>
        %add3A_666 = arith.addi %add3A_665, %mul3A_663 : vector<16xi32>
        %add3A_667 = vector.broadcast %sub3A_372 : i32 to vector<16xi32>
        %add3A_668 = arith.addi %add3A_666, %add3A_667 : vector<16xi32>
        %gather3A_669 = tpu.vector_load_idx %arg16[%add3A_668] : memref<256xf32, #tpu.memory_space<vmem>>[vector<16xi32>], vector<16xf32>,
        %swap3A_670 = arith.index_cast %add3A_656 : i32 to index
        %swap3A_671 = tpu.vector_load %arg14[%swap3A_670] {strides = array<i32>} : memref<4096xf32, #tpu.memory_space<vmem>>, vector<16xf32>,
        tpu.vector_store %arg14[%swap3A_670], %gather3A_669 {strides = array<i32>} : memref<4096xf32, #tpu.memory_space<vmem>>, vector<16xf32>,
        %mul3A_672 = arith.constant 256 : i32
        %mul3A_673 = arith.muli %scan3A_389, %mul3A_672 : i32
        %add3A_674 = arith.constant 240 : i32
        %add3A_675 = arith.addi %mul3A_673, %add3A_674 : i32
        %add3A_676 = arith.constant 4096 : i32
        %add3A_677 = arith.addi %add3A_676, %add3A_675 : i32
        %get3A_678 = arith.index_cast %add3A_677 : i32 to index
        %get3A_679 = tpu.vector_load %arg12[%get3A_678] {strides = array<i32>} : memref<16384xi32, #tpu.memory_space<vmem>>, vector<16xi32>,
        %mul3A_680 = arith.constant 8 : i32
        %mul3A_681 = vector.broadcast %mul3A_680 : i32 to vector<16xi32>
        %mul3A_682 = arith.muli %get3A_679, %mul3A_681 : vector<16xi32>
        %add3A_683 = arith.constant 128 : i32
        %add3A_684 = vector.broadcast %add3A_683 : i32 to vector<16xi32>
        %add3A_685 = arith.addi %add3A_684, %mul3A_682 : vector<16xi32>
        %add3A_686 = vector.broadcast %sub3A_372 : i32 to vector<16xi32>
        %add3A_687 = arith.addi %add3A_685, %add3A_686 : vector<16xi32>
        %gather3A_688 = tpu.vector_load_idx %arg16[%add3A_687] : memref<256xf32, #tpu.memory_space<vmem>>[vector<16xi32>], vector<16xf32>,
        %swap3A_689 = arith.index_cast %add3A_675 : i32 to index
        %swap3A_690 = tpu.vector_load %arg14[%swap3A_689] {strides = array<i32>} : memref<4096xf32, #tpu.memory_space<vmem>>, vector<16xf32>,
        tpu.vector_store %arg14[%swap3A_689], %gather3A_688 {strides = array<i32>} : memref<4096xf32, #tpu.memory_space<vmem>>, vector<16xf32>,
      }
      %scan3A_386 = arith.constant 16 : i32
      %add3A_387 = arith.constant 4096 : i32
      %add3A_388 = arith.addi %select_n3A_358, %add3A_387 : i32
      "tpu.region"() ({
        %run_scoped3A = tpu.sem_alloc : memref<!tpu.dma_semaphore, #tpu.memory_space<semaphore_mem>>
        %dma_start3A_389 = tpu.memref_slice %arg11[%add3A_353, %add3A_388] : memref<76x16384xf32, #tpu.memory_space<hbm>> -> memref<1x4096xf32, #tpu.memory_space<hbm>>
        %dma_start3A_390 = tpu.memref_squeeze %dma_start3A_389 : memref<1x4096xf32, #tpu.memory_space<hbm>> -> memref<4096xf32, #tpu.memory_space<hbm>>
        %dma_start3A_391 = tpu.memref_slice %arg11[%add3A_353, %add3A_388] : memref<76x16384xf32, #tpu.memory_space<hbm>> -> memref<1x4096xf32, #tpu.memory_space<hbm>>
        %dma_start3A_392 = tpu.memref_squeeze %dma_start3A_391 : memref<1x4096xf32, #tpu.memory_space<hbm>> -> memref<4096xf32, #tpu.memory_space<hbm>>
        tpu.enqueue_dma source(%arg14 : memref<4096xf32, #tpu.memory_space<vmem>>) target(%dma_start3A_392 : memref<4096xf32, #tpu.memory_space<hbm>>) target_semaphore(%run_scoped3A : memref<!tpu.dma_semaphore, #tpu.memory_space<semaphore_mem>>)
        %dma_wait3A_393 = tpu.memref_slice %arg11[%add3A_353, %add3A_388] : memref<76x16384xf32, #tpu.memory_space<hbm>> -> memref<1x4096xf32, #tpu.memory_space<hbm>>
        %dma_wait3A_394 = tpu.memref_squeeze %dma_wait3A_393 : memref<1x4096xf32, #tpu.memory_space<hbm>> -> memref<4096xf32, #tpu.memory_space<hbm>>
        %dma_wait3A_395 = tpu.memref_slice %arg11[%add3A_353, %add3A_388] : memref<76x16384xf32, #tpu.memory_space<hbm>> -> memref<1x4096xf32, #tpu.memory_space<hbm>>
        %dma_wait3A_396 = tpu.memref_squeeze %dma_wait3A_395 : memref<1x4096xf32, #tpu.memory_space<hbm>> -> memref<4096xf32, #tpu.memory_space<hbm>>
        tpu.wait_dma2 semaphore(%run_scoped3A : memref<!tpu.dma_semaphore, #tpu.memory_space<semaphore_mem>>) src(%arg14 : memref<4096xf32, #tpu.memory_space<vmem>>) dst(%dma_wait3A_396 : memref<4096xf32, #tpu.memory_space<hbm>>)
        tpu.yield
      }) : () -> ()
    } else {
    }
    return
  }
}

</mosaic_0001>

<sc_bundles>
// kernel: _run.3.cloned.1.call-start
scs
__scs_entry_jumppad:
0x0: {  	(pc) =	sbr.rel $0x88, $3  }
0x1: {  	(tag) =	ssettag $0x0;
	lr =	simm.s32 $0x1  }
0x2: {  	[smem:$0x3F98] =	sst lr;
	_ =	strace $0xD0000000  }
0x3: {  	_ = 	snop  }
0x4: {  	_ = 	snop  }
0x5: {  	_ = 	snop  }
0x6: {  	_ = 	snop  }
0x7: {  	_ = 	snop  }
__scs_overlays_trampoline_lowered:
0x8: {  	[smem:$0x3FA7] =	sst s0  }
0x9: {  	[smem:$0x3FA8] =	sst s1  }
0xa: {  	[smem:$0x3FA9] =	sst s2  }
0xb: {  	[smem:$0x3FAA] =	sst s3  }
0xc: {  	[smem:$0x3FAB] =	sst s4  }
0xd: {  	[smem:$0x3FAC] =	sst s5  }
0xe: {  	[smem:$0x3FAD] =	sst s6  }
0xf: {  	[smem:$0x3FAE] =	sst s7  }
0x10: {  	[smem:$0x3FAF] =	sst s8  }
0x11: {  	[smem:$0x3FB0] =	sst s9;
	s0 =	simm.s32 @!p0 $0x0  }
0x12: {  	s1 =	sld [smem:$0x3F96];
	s0 =	simm.s32 @p0 $0x1  }
0x13: {  	[smem:$0x3FB1] =	sst s0;
	s0 =	simm.s32 @!p1 $0x0  }
0x14: {  	s2 =	sld [smem:$0x3F95];
	s0 =	simm.s32 @p1 $0x1  }
0x15: {  	[smem:$0x3FB2] =	sst s0;
	s0 =	simm.s32 @!p2 $0x0  }
0x16: {  	s3 =	sld [smem:$0x3FDB];
	s0 =	simm.s32 @p2 $0x1  }
0x17: {  	s4 =	simm.s32 $0x1BF5;
	[smem:$0x3FB4] =	sst s0  }
0x18: {  	s0 =	sld [smem:$0x3F97];
	_ =	swait.ge [sflag:s4], $0x0  }
0x19: {  	s7 =	sld [smem:$0x3F98]  }
0x1a: {  	s8 =	sadd.s32 $0xFFFFE003, lr  }
0x1b: {  	s9 =	sadd.s32 $0xFFFFFEF7, lr;
	s5 =	simm.s32 $0xFFFFFFFF;
	p2 =	slt.u32 s8, $0xFFFFF086  }
0x1c: {  	p1 =	slt.u32 s9, $0xF7A;
	s5 =	simm.s32 @!p2 $0x0  }
0x1d: {  	s5 =	simm.s32 @p1 $0x1;
	p0 =	seq.s32 s7, s2  }
0x1e: {  	s7 =	smul.u32 @!p0 $0xF7A, s2;
	p2 =	seq.s32 @!p0 s5, $0x0  }
0x1f: {  	s9 =	smul.u32 $0xF7A, s1;
	s8 =	simm.s32 @!p0 $0x1BF5;
	p2 =	por !p2, p0  }
0x20: {  	[sflag:s8] =	ssyncset.s32 @!p0 $0xFFFFF086;
	s6 =	sadd.s32 @!p0 s3, s7;
	s7 =	simm.s32 @!p0 $0x108  }
0x21: {  	s3 =	sadd.s32 s3, s9;
	s6 =	sadd.s32 @!p0 $0x88, s6;
	s7 =	simm.s32 @p2 $0x1082  }
0x22: {  	[simem:s7], [sflag:s8] =	dma.local @!p0 [hbm:s6], $0xF7A  }
0x23: {  	s9 =	sor.u32 $0xD0000000, s2;
	s6 =	simm.s32 $0x108;
	_ =	swait.ge @!p0 [sflag:s8], $0x0  }
0x24: {  	s3 =	sadd.s32 $0x88, s3;
	s6 =	simm.s32 @!p1 $0x1082;
	[sflag:s4] =	ssyncset.s32 $0xFFFFF086  }
0x25: {  	[simem:s6], [sflag:s4] =	dma.local [hbm:s3], $0xF7A  }
0x26: {  	[smem:$0x3F98] =	sst s1;
	(tag) =	ssettag s2;
	_ =	strace s9  }
0x27: {  	s1 =	sld [smem:$0x3FA8]  }
0x28: {  	s2 =	sld [smem:$0x3FA9]  }
0x29: {  	s4 =	sld [smem:$0x3FAB]  }
0x2a: {  	p0 =	seq.s32 s5, $0x0;
	s5 =	sld [smem:$0x3FAC]  }
0x2b: {  	s6 =	sld [smem:$0x3FAD]  }
0x2c: {  	s7 =	sld [smem:$0x3FAE]  }
0x2d: {  	s3 =	simm.s32 $0x108;
	s8 =	sld [smem:$0x3FAF]  }
0x2e: {  	s3 =	simm.s32 @!p0 $0x1082;
	s9 =	sld [smem:$0x3FB0]  }
0x2f: {  	lr =	sadd.s32 s0, s3;
	s0 =	sld [smem:$0x3FA7]  }
0x30: {  	s3 =	sld [smem:$0x3FAA]  }
0x31: {  	[smem:$0x3FB3] =	sst s10  }
0x32: {  	s10 =	sld [smem:$0x3FB1];
	_ =	sdelay $0x3  }
0x33: {  	p0 =	seq.s32 s10, $0x1;
	s10 =	sld [smem:$0x3FB3];
	_ =	sdelay $0x3  }
0x34: {  	[smem:$0x3FB3] =	sst s10  }
0x35: {  	s10 =	sld [smem:$0x3FB2];
	_ =	sdelay $0x3  }
0x36: {  	p1 =	seq.s32 s10, $0x1;
	s10 =	sld [smem:$0x3FB3];
	_ =	sdelay $0x3  }
0x37: {  	[smem:$0x3FB3] =	sst s10  }
0x38: {  	s10 =	sld [smem:$0x3FB4]  }
0x39: {  	_ = 	snop;
	(pc) =	sbr.ind lr, $3  }
0x3a: {  	_ = 	snop  }
0x3b: {  	_ = 	snop  }
0x3c: {  	p2 =	seq.s32 s10, $0x1;
	s10 =	sld [smem:$0x3FB3]  }
0x3d: {  	_ =	shalt  }
0x3e: {  	_ =	shalt  }
0x3f: {  	_ =	shalt  }
0x40: {  	_ =	shalt  }
0x41: {  	_ =	shalt  }
0x42: {  	_ =	shalt  }
0x43: {  	_ =	shalt  }
0x44: {  	_ =	shalt  }
0x45: {  	_ =	shalt  }
0x46: {  	_ =	shalt  }
0x47: {  	_ =	shalt  }
0x48: {  	_ =	shalt  }
0x49: {  	_ =	shalt  }
0x4a: {  	_ =	shalt  }
0x4b: {  	_ =	shalt  }
0x4c: {  	_ =	shalt  }
0x4d: {  	_ =	shalt  }
0x4e: {  	_ =	shalt  }
0x4f: {  	_ =	shalt  }
0x50: {  	_ =	shalt  }
0x51: {  	_ =	shalt  }
0x52: {  	_ =	shalt  }
0x53: {  	_ =	shalt  }
0x54: {  	_ =	shalt  }
0x55: {  	_ =	shalt  }
0x56: {  	_ =	shalt  }
0x57: {  	_ =	shalt  }
0x58: {  	_ =	shalt  }
0x59: {  	_ =	shalt  }
0x5a: {  	_ =	shalt  }
0x5b: {  	_ =	shalt  }
0x5c: {  	_ =	shalt  }
0x5d: {  	_ =	shalt  }
0x5e: {  	_ =	shalt  }
0x5f: {  	_ =	shalt  }
0x60: {  	_ =	shalt  }
0x61: {  	_ =	shalt  }
0x62: {  	_ =	shalt  }
0x63: {  	_ =	shalt  }
0x64: {  	_ =	shalt  }
0x65: {  	_ =	shalt  }
0x66: {  	_ =	shalt  }
0x67: {  	_ =	shalt  }
0x68: {  	_ =	shalt  }
0x69: {  	_ =	shalt  }
0x6a: {  	_ =	shalt  }
0x6b: {  	_ =	shalt  }
0x6c: {  	_ =	shalt  }
0x6d: {  	_ =	shalt  }
0x6e: {  	_ =	shalt  }
0x6f: {  	_ =	shalt  }
0x70: {  	_ =	shalt  }
0x71: {  	_ =	shalt  }
0x72: {  	_ =	shalt  }
0x73: {  	_ =	shalt  }
0x74: {  	_ =	shalt  }
0x75: {  	_ =	shalt  }
0x76: {  	_ =	shalt  }
0x77: {  	_ =	shalt  }
0x78: {  	_ =	shalt  }
0x79: {  	_ =	shalt  }
0x7a: {  	_ =	shalt  }
0x7b: {  	_ =	shalt  }
0x7c: {  	_ =	shalt  }
0x7d: {  	_ =	shalt  }
0x7e: {  	_ =	shalt  }
0x7f: {  	_ =	shalt  }
0x80: {  	_ =	shalt  }
0x81: {  	_ =	shalt  }
0x82: {  	_ =	shalt  }
0x83: {  	_ =	shalt  }
0x84: {  	_ =	shalt  }
0x85: {  	_ =	shalt  }
0x86: {  	_ =	shalt  }
0x87: {  	_ =	shalt  }
.Lfunc_end0:
.L_simem_size_0:
called_computation_lowered:
.L_overlay_start_0:
0x88: {  	s2 =	sld [smem:$0x3FD9]  }
0x89: {  	s3 =	sld [smem:$0x3FFE];
	_ =	sdelay $0x1  }
0x8a: {  	s1 =	srdreg.scid  }
0x8b: {  	s0 =	sand.u32 $0x1, s1  }
0x8c: {  	s18 =	sshll.u32 s0, $0xA;
	s2 =	sadd.s32 s3, s2  }
0x8d: {  	s2 =	sadd.s32 s2, s18  }
0x8e: {  	[smem:$0x3FBF] =	sst s2  }
0x8f: {  	_ = 	snop  }
0x90: {  	s2 =	sld [smem:$0x3FC9]  }
0x91: {  	s19 =	sld [smem:$0x3FC8]  }
0x92: {  	s4 =	sld [smem:$0x3FC7]  }
0x93: {  	s5 =	sld [smem:$0x3FC6]  }
0x94: {  	s6 =	sld [smem:$0x3FC5]  }
0x95: {  	s7 =	sld [smem:$0x3FC4]  }
0x96: {  	s8 =	sld [smem:$0x3FC3]  }
0x97: {  	s9 =	sld [smem:$0x3FC2]  }
0x98: {  	s10 =	sld [smem:$0x3FC1]  }
0x99: {  	s11 =	sld [smem:$0x3FD0];
	(tm) =	ssettm $0x1  }
0x9a: {  	s12 =	sld [smem:$0x3FFB];
	_ =	sdelay $0x3  }
0x9b: {  	_ =	strace s12  }
0x9c: {  	s12 =	sld [smem:$0x3FFC];
	_ =	sdelay $0x3  }
0x9d: {  	_ =	strace s12  }
0x9e: {  	s12 =	sld [smem:$0x3FFD];
	_ =	sdelay $0x3  }
0x9f: {  	_ =	strace s12  }
0xa0: {  	_ =	strace $0x8FFFFFFF  }
0xa1: {  	s20 =	sld [smem:$0x3FDB];
	_ =	sdelay $0x1  }
0xa2: {  	s13 =	simm.s32 $_scs_section_size  }
0xa3: {  	s14 =	simm.s32 $_size__tile_overlayer_lowered;
	s15 =	simm.s32 $_tile_overlayer_lowered  }
0xa4: {  	s23 =	simm.s32 $0x1BFF;
	s22 =	sshll.u32 s15, $0x1;
	s12 =	sadd.s32 s13, s20  }
0xa5: {  	s16 =	simm.s32 $0x0;
	s21 =	sshll.u32 s14, $0x1;
	s14 =	sadd.s32 s22, s12  }
0xa6: {  	[timem:s16], [sflag:s23] =	dma.local [hbm:s14], s21  }
0xa7: {  	_ =	swait.ge [sflag:s23], s21  }
0xa8: {  	s13 =	ssub.s32 $0x0, s21;
	[sflag:s23] =	ssyncset.done $0x0  }
0xa9: {  	[sflag:s23] =	ssyncadd.s32 s13;
	_ =	sdelay $0x1  }
0xaa: {  	s24 =	simm.s32 $0x1B8B  }
0xab: {  	_ =	swait.ge [sflag:s24], $0x1  }
0xac: {  	[sflag:s24] =	ssyncset.done $0x0  }
0xad: {  	s25 =	simm.s32 $0x1B8E;
	[sflag:s24] =	ssyncadd.s32 $0xFFFFFFFF  }
0xae: {  	s26 =	simm.s32 $execute0_lowered;
	[smem:$0x3FD2] =	sst s25  }
0xaf: {  	s13 =	sshll.u32 s26, $0x1;
	_ =	strace $0x80000046;
	[dreg:$0x1] =	wrdreg $0xFFFFFFFF  }
0xb0: {  	s28 =	simm.s32 $_size_execute0_lowered;
	s12 =	sadd.s32 s12, s13;
	[dreg:$0x0] =	wrdreg $0x0  }
0xb1: {  	s13 =	sshll.u32 s28, $0x1;
	[dreg:$0x2] =	wrdreg s12  }
0xb2: {  	[dreg:$0x3] =	wrdreg s13  }
0xb3: {  	[dreg:$0x4] =	wrdreg $0xC0  }
0xb4: {  	_ =	task [dreg:s16], $0x5FFFF  }
0xb5: {  	[dreg:$0x1] =	wrdreg $0xFFFFFFFF  }
0xb6: {  	[dreg:$0x0] =	wrdreg $0x60  }
0xb7: {  	[dreg:$0x2] =	wrdreg s2  }
0xb8: {  	[dreg:$0x3] =	wrdreg s19  }
0xb9: {  	[dreg:$0x4] =	wrdreg s4  }
0xba: {  	[dreg:$0x5] =	wrdreg s5  }
0xbb: {  	[dreg:$0x6] =	wrdreg s6  }
0xbc: {  	[dreg:$0x7] =	wrdreg s7  }
0xbd: {  	[dreg:$0x8] =	wrdreg s8  }
0xbe: {  	[dreg:$0x9] =	wrdreg s9  }
0xbf: {  	[dreg:$0xa] =	wrdreg s10  }
0xc0: {  	[dreg:$0xb] =	wrdreg s11  }
0xc1: {  	[dreg:$0xc] =	wrdreg $0x9  }
0xc2: {  	_ =	task.clear_ibuf [dreg:s16], $0xDFFFF;
	_ =	strace $0x90000046  }
0xc3: {  	s29 =	simm.s32 $0x9;
	_ =	strace $0x80000048  }
0xc4: {  	_ =	swait.ge [sflag:s29], $0x1  }
0xc5: {  	[sflag:s29] =	ssyncadd.s32 $0xFFFFFFFF  }
0xc6: {  	_ =	strace $0x90000048  }
0xc7: {  	_ =	sfence  }
0xc8: {  	s30 =	sld [smem:$0x0];
	_ =	sdelay $0x2  }
0xc9: {  	s31 =	sshll.u32 s1, $0xD;
	s1 =	sshrl.u32 s1, $0x2  }
0xca: {  	s3 =	sand.u32 $0x4000, s31;
	s1 =	sadd.s32 s1, s30  }
0xcb: {  	s0 =	sor.u32 s3, s0;
	s1 =	sshll.u32 s1, $0x11  }
0xcc: {  	s0 =	sor.u32 s1, s0  }
0xcd: {  	s0 =	sadd.s32 $0x8F2B, s0  }
0xce: {  	[sflag:s0] =	ssyncadd.remote.s32 $0x1  }
0xcf: {  	_ =	sfence.sel $0xFFFF  }
0xd0: {  	[dreg:$0x0] =	wrdreg $0xFFFFFFFF;
	(pc) =	sbr.abs _section_cstart, $3  }
0xd1: {  	[dreg:$0x1] =	wrdreg $0xFFFFFFFF  }
0xd2: {  	_ =	task.clear_ibuf [dreg:s16], $0x2FFFF;
	_ =	strace $0x9FFFFFFF  }
0xd3: {  	(tm) =	ssettm $0x7FFFFFFF  }
tec
execute0_lowered:
.L_overlay_start_1:
0x0: {  	(tag) =	ssettag $0x1  }
0x1: {  	s0 =	rddreg [dreg:$0x1]  }
0x2: {  	s4 =	rddreg [dreg:$0x6]  }
0x3: {  	s5 =	rddreg [dreg:$0x7];
	s1 =	srdreg.scid  }
0x4: {  	s20 =	stileid.u32;
	s3 =	rddreg [dreg:$0x9]  }
0x5: {  	s2 =	simm.s32 $0x0;
	s30 =	simm.s32 $0x4000;
	s28 =	simm.s32 $0x10400  }
0x6: {  	s31 =	simm.s32 $0x16600;
	s1 =	sand.u32 $0x1, s1;
	s6 =	sshll.u32 s20, $0x1  }
0x7: {  	s7 =	sshrl.u32 s20, $0x1;
	[smem:$0x7FF] =	sst s2;
	p0 =	sgt.u32 s20, $0x5  }
0x8: {  	p1 =	slt.u32 s20, $0xC;
	s20 =	simm.s32 $0x80;
	s6 =	sor.u32 s1, s6  }
0x9: {  	s1 =	ssub.s32 $0x2, s1;
	s8 =	smul.u32 $0xC3800, s7;
	s14 =	sshll.u32 s7, $0xA  }
0xa: {  	s7 =	sshll.u32 s7, $0x11;
	s9 =	sshll.u32 s6, $0x8;
	s10 =	sshrl.u32 s1, $0x1  }
0xb: {  	s9 =	sand.u32 $0x300, s9;
	s1 =	ssub.s32 s1, s10;
	s11 =	sadd.s32 $0x31000, s8  }
0xc: {  	s13 =	sadd.s32 $0x62000, s8;
	s22 =	sadd.s32 $0x93000, s8;
	s17 =	sor.u32 s8, s9  }
0xd: {  	s12 =	sor.u32 s11, s9;
	s19 =	sor.u32 s13, s9;
	s23 =	sor.u32 s22, s9  }
0xe: {  	s15 =	sor.u32 s14, s9;
	s25 =	sor.u32 s7, s9;
	s9 =	sor.u32 $0x80, s9  }
0xf: {  	s10 =	sshrl.u32 s17, $0x3;
	s18 =	sshrl.u32 s12, $0x3;
	s21 =	sshrl.u32 s19, $0x3  }
0x10: {  	s24 =	sshrl.u32 s15, $0x3;
	s17 =	sadd.s32 $0x1000, s3;
	s8 =	sor.u32 s8, s9  }
0x11: {  	s11 =	sor.u32 s11, s9;
	s13 =	sor.u32 s13, s9;
	s16 =	sor.u32 s22, s9  }
0x12: {  	s19 =	sor.u32 s14, s9;
	s12 =	simm.s32 $0xFFFFFFF4;
	s10 =	sadd.s32 s4, s10  }
0x13: {  	s8 =	sshrl.u32 s8, $0x3;
	[dreg:$0xb] =	wrdreg s10;
	s10 =	sadd.s32 s4, s18  }
0x14: {  	s11 =	sshrl.u32 s11, $0x3;
	s8 =	sadd.s32 s4, s8;
	[dreg:$0xc] =	wrdreg s10  }
0x15: {  	s12 =	simm.s32 @!p0 $0x0;
	s18 =	sshrl.u32 s16, $0x3;
	[dreg:$0x12] =	wrdreg s8  }
0x16: {  	s10 =	sadd.s32 s4, s21;
	s21 =	sor.u32 s7, s9;
	s9 =	rddreg [dreg:$0x5]  }
0x17: {  	s8 =	sadd.s32 s4, s11;
	[dreg:$0xd] =	wrdreg s10;
	s10 =	sshrl.u32 s23, $0x3  }
0x18: {  	s11 =	sshrl.u32 s19, $0x3;
	[dreg:$0x13] =	wrdreg s8;
	s10 =	sadd.s32 s4, s10  }
0x19: {  	s14 =	sadd.s32 s5, s11;
	[dreg:$0xe] =	wrdreg s10;
	s10 =	sadd.s32 s5, s24  }
0x1a: {  	s5 =	sadd.s32 s6, s12;
	s6 =	simm.s32 $0x2000;
	[dreg:$0xf] =	wrdreg s10  }
0x1b: {  	s10 =	sshrl.u32 s25, $0x3;
	s6 =	simm.s32 @!p0 $0x0;
	s22 =	sshll.u32 s5, $0xE  }
0x1c: {  	s23 =	sshll.u32 s5, $0x7;
	s25 =	sadd.s32 $0x2000, s3;
	p6 =	slt.s32 s5, $0x4  }
0x1d: {  	p3 =	seq.s32 s5, $0x0;
	p2 =	sgt.s32 s5, $0x3;
	p5 =	seq.s32 s5, $0x3  }
0x1e: {  	s12 =	sadd.s32 $0xFFFFFFFC, s5;
	s15 =	sadd.s32 s3, s10;
	s26 =	sadd.s32 s10, s17  }
0x1f: {  	s7 =	sadd.s32 $0x100000, s22;
	s24 =	sshll.u32 s6, $0x3;
	p0 =	por !p1, !p6  }
0x20: {  	s11 =	sshrl.u32 s6, $0x3;
	p1 =	por !p1, !p2;
	p2 =	sgt.s32 s5, $0x1  }
0x21: {  	p4 =	seq.s32 @!p3 s5, $0x1;
	s6 =	simm.s32 $0x1D700;
	[dreg:$0x10] =	wrdreg s15  }
0x22: {  	[dreg:$0x11] =	wrdreg s26;
	s15 =	sshrl.u32 s13, $0x3;
	s13 =	sadd.s32 s4, s18  }
0x23: {  	s7 =	sand.u32 $0x7FFE0000, s7;
	s26 =	sadd.s32 $0x3000, s3;
	p0 =	por !p0, !p0  }
0x24: {  	p1 =	por !p1, !p1;
	s8 =	sadd.s32 s4, s15;
	s15 =	sadd.s32 s10, s25  }
0x25: {  	s16 =	sadd.s32 s10, s26;
	s4 =	sshrl.u32 s21, $0x3;
	s10 =	rddreg [dreg:$0x2]  }
0x26: {  	s21 =	simm.s32 $0x1E700;
	[dreg:$0x14] =	wrdreg s8;
	s8 =	sand.u32 $0x380, s23  }
0x27: {  	s18 =	sadd.s32 s4, s25;
	s19 =	sadd.s32 s4, s26;
	s22 =	sadd.s32 s3, s4  }
0x28: {  	s23 =	sadd.s32 s4, s17;
	s10 =	smov.u32 @p3 s0;
	p3 =	por p3, p4  }
0x29: {  	p4 =	seq.s32 s5, $0x2;
	s0 =	sadd.s32 s9, s11;
	s25 =	smax.u32 s1, $0x1  }
0x2a: {  	s1 =	simm.s32 $0x4;
	s4 =	simm.s32 $0x1;
	s9 =	simm.s32 $0x0  }
0x2b: {  	s8 =	sor.u32 s24, s8;
	[dreg:$0x15] =	wrdreg s10;
	s10 =	sshll.u32 s5, $0x6  }
.Ltmp0:
0x2c: {  	s5 =	simm.s32 $0x1C700;
	s7 =	sor.u32 s7, s8;
	(pc) =	sbr.rel .LBB2_1-.Ltmp0, $4  }
0x2d: {  	_ =	strace $0x80000047;
	s29 =	sshra.s32 s10, $0x2;
	[dreg:$0x16] =	wrdreg s11  }
0x2e: {  	v0 =	vmov s12;
	[dreg:$0x17] =	wrdreg s0;
	s0 =	simm.s32 $0xA200;
	s7 =	sshrl.u32 s7, $0x3  }
0x2f: {  	v0 =	vadd.s32 $0x80, v0;
	s8 =	simm.s32 $0x3;
	s24 =	sadd.s32 s3, s7;
	s26 =	sadd.s32 s7, s17  }
0x30: {  	v0 =	vbroadcast v0, $0x0;
	s17 =	simm.s32 $0x400;
	s3 =	simm.s32 $0x1C680;
	s7 =	simm.s32 $0x2  }
.LBB2_34:
0x31: {  	v3 =	vld [tilespmem:s12+$0x1000];
	_ =	sdelay $0x3  }
0x32: {  	[tilespmem:s10+$0x1C7E0] =	vst v1  }
0x33: {  	v1 =	vld.idx.msk [tilespmem:v2+s21+$0x0], $0xffff;
	v2 =	vshll.u32 v3, $0x3  }
0x34: {  	v3 =	vld [tilespmem:s12+$0x1010];
	v2 =	vadd.s32 v2, v0;
	_ =	sdelay $0x3  }
0x35: {  	[tilespmem:s10+$0x1C7F0] =	vst v1  }
0x36: {  	v1 =	vld.idx.msk [tilespmem:v2+s21+$0x0], $0xffff;
	v2 =	vshll.u32 v3, $0x3  }
0x37: {  	v3 =	vld [tilespmem:s12+$0x1020];
	v2 =	vadd.s32 v2, v0;
	_ =	sdelay $0x3  }
0x38: {  	[tilespmem:s12+$0x1C700] =	vst v1  }
0x39: {  	v1 =	vld.idx.msk [tilespmem:v2+s21+$0x0], $0xffff;
	v2 =	vshll.u32 v3, $0x3  }
0x3a: {  	v3 =	vld [tilespmem:s12+$0x1030];
	v2 =	vadd.s32 v2, v0;
	_ =	sdelay $0x3  }
0x3b: {  	[tilespmem:s12+$0x1C710] =	vst v1  }
0x3c: {  	v1 =	vld.idx.msk [tilespmem:v2+s21+$0x0], $0xffff;
	v2 =	vshll.u32 v3, $0x3  }
0x3d: {  	v3 =	vld [tilespmem:s12+$0x1040];
	v2 =	vadd.s32 v2, v0;
	_ =	sdelay $0x3  }
0x3e: {  	[tilespmem:s12+$0x1C720] =	vst v1  }
0x3f: {  	v1 =	vld.idx.msk [tilespmem:v2+s21+$0x0], $0xffff;
	v2 =	vshll.u32 v3, $0x3  }
0x40: {  	v3 =	vld [tilespmem:s12+$0x1050];
	v2 =	vadd.s32 v2, v0;
	_ =	sdelay $0x3  }
0x41: {  	[tilespmem:s12+$0x1C730] =	vst v1  }
0x42: {  	v1 =	vld.idx.msk [tilespmem:v2+s21+$0x0], $0xffff;
	v2 =	vshll.u32 v3, $0x3  }
0x43: {  	v3 =	vld [tilespmem:s12+$0x1060];
	v2 =	vadd.s32 v2, v0;
	_ =	sdelay $0x3  }
0x44: {  	[tilespmem:s12+$0x1C740] =	vst v1  }
0x45: {  	v1 =	vld.idx.msk [tilespmem:v2+s21+$0x0], $0xffff;
	v2 =	vshll.u32 v3, $0x3  }
0x46: {  	v3 =	vld [tilespmem:s12+$0x1070];
	v2 =	vadd.s32 v2, v0;
	_ =	sdelay $0x3  }
0x47: {  	[tilespmem:s12+$0x1C750] =	vst v1  }
0x48: {  	v1 =	vld.idx.msk [tilespmem:v2+s21+$0x0], $0xffff;
	v2 =	vshll.u32 v3, $0x3  }
0x49: {  	v3 =	vld [tilespmem:s12+$0x1080];
	v2 =	vadd.s32 v2, v0;
	_ =	sdelay $0x3  }
0x4a: {  	[tilespmem:s12+$0x1C760] =	vst v1  }
0x4b: {  	v1 =	vld.idx.msk [tilespmem:v2+s21+$0x0], $0xffff;
	v2 =	vshll.u32 v3, $0x3  }
0x4c: {  	v3 =	vld [tilespmem:s12+$0x1090];
	v2 =	vadd.s32 v2, v0;
	_ =	sdelay $0x3  }
0x4d: {  	[tilespmem:s12+$0x1C770] =	vst v1  }
0x4e: {  	v1 =	vld.idx.msk [tilespmem:v2+s21+$0x0], $0xffff;
	v2 =	vshll.u32 v3, $0x3  }
0x4f: {  	v3 =	vld [tilespmem:s12+$0x10A0];
	v2 =	vadd.s32 v2, v0;
	_ =	sdelay $0x3  }
0x50: {  	[tilespmem:s12+$0x1C780] =	vst v1  }
0x51: {  	v1 =	vld.idx.msk [tilespmem:v2+s21+$0x0], $0xffff;
	v2 =	vshll.u32 v3, $0x3  }
0x52: {  	v3 =	vld [tilespmem:s12+$0x10B0];
	v2 =	vadd.s32 v2, v0;
	_ =	sdelay $0x3  }
0x53: {  	[tilespmem:s12+$0x1C790] =	vst v1  }
0x54: {  	v1 =	vld.idx.msk [tilespmem:v2+s21+$0x0], $0xffff;
	v2 =	vshll.u32 v3, $0x3  }
0x55: {  	v3 =	vld [tilespmem:s12+$0x10C0];
	v2 =	vadd.s32 v2, v0;
	_ =	sdelay $0x3  }
0x56: {  	[tilespmem:s12+$0x1C7A0] =	vst v1  }
0x57: {  	v1 =	vld.idx.msk [tilespmem:v2+s21+$0x0], $0xffff;
	v2 =	vshll.u32 v3, $0x3  }
0x58: {  	v3 =	vld [tilespmem:s12+$0x10D0];
	v2 =	vadd.s32 v2, v0;
	_ =	sdelay $0x3  }
0x59: {  	[tilespmem:s12+$0x1C7B0] =	vst v1  }
0x5a: {  	v1 =	vld.idx.msk [tilespmem:v2+s21+$0x0], $0xffff;
	v2 =	vshll.u32 v3, $0x3  }
0x5b: {  	v3 =	vld [tilespmem:s12+$0x10E0];
	v2 =	vadd.s32 v2, v0;
	_ =	sdelay $0x3  }
0x5c: {  	[tilespmem:s12+$0x1C7C0] =	vst v1  }
0x5d: {  	v1 =	vld.idx.msk [tilespmem:v2+s21+$0x0], $0xffff;
	v2 =	vshll.u32 v3, $0x3  }
0x5e: {  	v3 =	vld [tilespmem:s12+$0x10F0];
	v2 =	vadd.s32 v2, v0;
	_ =	sdelay $0x3  }
0x5f: {  	[tilespmem:s12+$0x1C7D0] =	vst v1  }
0x60: {  	v1 =	vld.idx.msk [tilespmem:v2+s21+$0x0], $0xffff;
	v2 =	vshll.u32 v3, $0x3  }
0x61: {  	v2 =	vadd.s32 v2, v0;
	_ =	sdelay $0x3  }
0x62: {  	[tilespmem:s12+$0x1C7E0] =	vst v1  }
0x63: {  	v1 =	vld.idx.msk [tilespmem:v2+s21+$0x0], $0xffff;
	_ =	sdelay $0x4  }
0x64: {  	[tilespmem:s12+$0x1C7F0] =	vst v1  }
0x65: {  	[hbm4b:s26+s20] =	stream.strided.scatter [tilespmem:s5], [sflag:$0x4], $0x1000, s17, s20, $0x38;
	[tilespmem:$0x1E800] =	vst v63  }
0x66: {  	_ =	swait.ge [sflag:s1], $0x1000  }
0x67: {  	[sflag:s1] =	ssyncset.done $0x0  }
0x68: {  	[sflag:s1] =	ssyncadd.s32 $0xFFFFF000  }
.LBB2_35:
0x69: {  	s9 =	sadd.s32 $0x1, s9  }
0x6a: {  	p6 =	sne.s32 s9, s25  }
.Ltmp1:
0x6b: {  	_ = 	snop;
	(pc) =	sbr.rel @!p6 .LBB2_36-.Ltmp1, $1  }
0x6c: {  	_ =	sdelay $0x3  }
.LBB2_1:
0x6d: {  	s10 =	rddreg [dreg:$0x8]  }
0x6e: {  	[tilespmem:s21], [sflag:$0x4] =	stream.linear.gather [hbm4b:s10+s2], $0x100, $0x38;
	[tilespmem:$0x1E800] =	vst v63  }
0x6f: {  	_ =	swait.ge [sflag:s1], $0x100  }
0x70: {  	[sflag:s1] =	ssyncset.done $0x0  }
0x71: {  	[sflag:s1] =	ssyncadd.s32 $0xFFFFFF00  }
0x72: {  	s11 =	rddreg [dreg:$0x0]  }
0x73: {  	[tilespmem:s2], [sflag:$0x4] =	stream.linear.gather [hbm4b:s11+s2], $0x4000, $0x38;
	[tilespmem:$0x1E800] =	vst v63  }
0x74: {  	_ =	swait.ge [sflag:s1], $0x4000  }
0x75: {  	[sflag:s1] =	ssyncset.done $0x0  }
0x76: {  	s12 =	rddreg [dreg:$0xb];
	[sflag:s1] =	ssyncadd.s32 $0xFFFFC000  }
0x77: {  	[tilespmem:s30], [sflag:$0x1] =	stream.strided.gather [hbm4b:s12+s20], $0x6200, s17, s20, $0x38;
	[tilespmem:$0x1E800] =	vst v63  }
0x78: {  	s11 =	rddreg [dreg:$0xc]  }
0x79: {  	[tilespmem:s0], [sflag:$0x1] =	stream.strided.gather [hbm4b:s11+s20], $0x6200, s17, s20, $0x38;
	[tilespmem:$0x1E800] =	vst v63  }
0x7a: {  	s12 =	rddreg [dreg:$0xd]  }
0x7b: {  	[tilespmem:s28], [sflag:$0x1] =	stream.strided.gather [hbm4b:s12+s20], $0x6200, s17, s20, $0x38;
	[tilespmem:$0x1E800] =	vst v63  }
0x7c: {  	s11 =	rddreg [dreg:$0xe]  }
0x7d: {  	[tilespmem:s31], [sflag:$0x1] =	stream.strided.gather [hbm4b:s11+s20], $0x6080, s17, s20, $0x38;
	[tilespmem:$0x1E800] =	vst v63  }
0x7e: {  	s12 =	rddreg [dreg:$0xf]  }
0x7f: {  	[tilespmem:s3], [sflag:$0x1] =	stream.linear.gather [hbm4b:s12+s2], $0x80, $0x38;
	[tilespmem:$0x1E800] =	vst v63  }
0x80: {  	_ =	swait.ge [sflag:s4], $0x6200  }
0x81: {  	[sflag:s4] =	ssyncset.done $0x0  }
0x82: {  	[sflag:s4] =	ssyncadd.s32 $0xFFFF9E00  }
0x83: {  	_ =	swait.ge [sflag:s4], $0x6200  }
0x84: {  	[sflag:s4] =	ssyncset.done $0x0  }
0x85: {  	[sflag:s4] =	ssyncadd.s32 $0xFFFF9E00  }
0x86: {  	_ =	swait.ge [sflag:s4], $0x6200  }
0x87: {  	[sflag:s4] =	ssyncset.done $0x0  }
0x88: {  	[sflag:s4] =	ssyncadd.s32 $0xFFFF9E00  }
0x89: {  	_ =	swait.ge [sflag:s4], $0x6080  }
0x8a: {  	[sflag:s4] =	ssyncset.done $0x0  }
0x8b: {  	[sflag:s4] =	ssyncadd.s32 $0xFFFF9F80  }
0x8c: {  	_ =	swait.ge [sflag:s4], $0x80  }
0x8d: {  	[sflag:s4] =	ssyncset.done $0x0  }
0x8e: {  	s10 =	simm.s32 $0x0;
	[sflag:s4] =	ssyncadd.s32 $0xFFFFFF80  }
0x8f: {  	v1 =	vld [tilespmem:s10+$0x0];
	_ =	sdelay $0x5  }
0x90: {  	v2 =	vld [tilespmem:s10+$0x10];
	_ =	sdelay $0x1  }
0x91: {  	v1 =	vld.idx.msk [tilespmem:v1+s30+$0x0], $0xffff;
	_ =	sdelay $0x4  }
0x92: {  	[tilespmem:s10+$0x1C700] =	vst v1;
	v1 =	vld [tilespmem:s10+$0x20]  }
0x93: {  	v2 =	vld.idx.msk [tilespmem:v2+s30+$0x0], $0xffff;
	_ =	sdelay $0x4  }
0x94: {  	[tilespmem:s10+$0x1C710] =	vst v2;
	v2 =	vld [tilespmem:s10+$0x30];
	_ =	sdelay $0x1  }
0x95: {  	v1 =	vld.idx.msk [tilespmem:v1+s30+$0x0], $0xffff;
	_ =	sdelay $0x4  }
0x96: {  	[tilespmem:s10+$0x1C720] =	vst v1;
	v1 =	vld [tilespmem:s10+$0x40]  }
0x97: {  	v2 =	vld.idx.msk [tilespmem:v2+s30+$0x0], $0xffff;
	_ =	sdelay $0x4  }
0x98: {  	[tilespmem:s10+$0x1C730] =	vst v2;
	v2 =	vld [tilespmem:s10+$0x50];
	_ =	sdelay $0x1  }
0x99: {  	v1 =	vld.idx.msk [tilespmem:v1+s30+$0x0], $0xffff;
	_ =	sdelay $0x4  }
0x9a: {  	[tilespmem:s10+$0x1C740] =	vst v1;
	v1 =	vld [tilespmem:s10+$0x60]  }
0x9b: {  	v2 =	vld.idx.msk [tilespmem:v2+s30+$0x0], $0xffff;
	_ =	sdelay $0x4  }
0x9c: {  	[tilespmem:s10+$0x1C750] =	vst v2;
	v2 =	vld [tilespmem:s10+$0x70];
	_ =	sdelay $0x1  }
0x9d: {  	v1 =	vld.idx.msk [tilespmem:v1+s30+$0x0], $0xffff;
	_ =	sdelay $0x4  }
0x9e: {  	[tilespmem:s10+$0x1C760] =	vst v1;
	v1 =	vld [tilespmem:s10+$0x80]  }
0x9f: {  	v2 =	vld.idx.msk [tilespmem:v2+s30+$0x0], $0xffff;
	_ =	sdelay $0x4  }
0xa0: {  	[tilespmem:s10+$0x1C770] =	vst v2;
	v2 =	vld [tilespmem:s10+$0x90];
	_ =	sdelay $0x1  }
0xa1: {  	v1 =	vld.idx.msk [tilespmem:v1+s30+$0x0], $0xffff;
	_ =	sdelay $0x4  }
0xa2: {  	[tilespmem:s10+$0x1C780] =	vst v1;
	v1 =	vld [tilespmem:s10+$0xA0]  }
0xa3: {  	v2 =	vld.idx.msk [tilespmem:v2+s30+$0x0], $0xffff;
	_ =	sdelay $0x4  }
0xa4: {  	[tilespmem:s10+$0x1C790] =	vst v2;
	v2 =	vld [tilespmem:s10+$0xB0];
	_ =	sdelay $0x1  }
0xa5: {  	v1 =	vld.idx.msk [tilespmem:v1+s30+$0x0], $0xffff;
	_ =	sdelay $0x4  }
0xa6: {  	[tilespmem:s10+$0x1C7A0] =	vst v1;
	v1 =	vld [tilespmem:s10+$0xC0]  }
0xa7: {  	v2 =	vld.idx.msk [tilespmem:v2+s30+$0x0], $0xffff;
	_ =	sdelay $0x4  }
0xa8: {  	[tilespmem:s10+$0x1C7B0] =	vst v2;
	v2 =	vld [tilespmem:s10+$0xD0];
	_ =	sdelay $0x1  }
0xa9: {  	v1 =	vld.idx.msk [tilespmem:v1+s30+$0x0], $0xffff;
	_ =	sdelay $0x4  }
0xaa: {  	v3 =	vld [tilespmem:s10+$0xE0];
	[tilespmem:s10+$0x1C7C0] =	vst v1  }
0xab: {  	v1 =	vld.idx.msk [tilespmem:v2+s30+$0x0], $0xffff;
	_ =	sdelay $0x4  }
0xac: {  	[tilespmem:s10+$0x1C7D0] =	vst v1;
	v1 =	vld [tilespmem:s10+$0xF0];
	_ =	sdelay $0x1  }
0xad: {  	v2 =	vld.idx.msk [tilespmem:v3+s30+$0x0], $0xffff;
	_ =	sdelay $0x3  }
0xae: {  	s11 =	simm.s32 $0x800;
	s12 =	simm.s32 $0x100  }
.LBB2_2:
0xaf: {  	p6 =	sne.s32 s11, $0x3C00;
	v3 =	vld [tilespmem:s12+$0x0];
	[tilespmem:s10+$0x1C7E0] =	vst v2  }
0xb0: {  	v1 =	vld.idx.msk [tilespmem:v1+s30+$0x0], $0xffff;
	_ =	sdelay $0x5  }
0xb1: {  	v2 =	vld [tilespmem:s12+$0x10];
	[tilespmem:s10+$0x1C7F0] =	vst v1;
	s10 =	smov.u32 s12  }
0xb2: {  	v1 =	vld.idx.msk [tilespmem:v3+s30+$0x0], $0xffff;
	_ =	sdelay $0x5  }
0xb3: {  	[tilespmem:s10+$0x1C700] =	vst v1;
	v1 =	vld [tilespmem:s10+$0x20]  }
0xb4: {  	v2 =	vld.idx.msk [tilespmem:v2+s30+$0x0], $0xffff;
	_ =	sdelay $0x5  }
0xb5: {  	[tilespmem:s10+$0x1C710] =	vst v2;
	v2 =	vld [tilespmem:s10+$0x30]  }
0xb6: {  	v1 =	vld.idx.msk [tilespmem:v1+s30+$0x0], $0xffff;
	_ =	sdelay $0x5  }
0xb7: {  	[tilespmem:s10+$0x1C720] =	vst v1;
	v1 =	vld [tilespmem:s10+$0x40]  }
0xb8: {  	v2 =	vld.idx.msk [tilespmem:v2+s30+$0x0], $0xffff;
	_ =	sdelay $0x5  }
0xb9: {  	[tilespmem:s10+$0x1C730] =	vst v2;
	v2 =	vld [tilespmem:s10+$0x50]  }
0xba: {  	v1 =	vld.idx.msk [tilespmem:v1+s30+$0x0], $0xffff;
	_ =	sdelay $0x5  }
0xbb: {  	[tilespmem:s10+$0x1C740] =	vst v1;
	v1 =	vld [tilespmem:s10+$0x60]  }
0xbc: {  	v2 =	vld.idx.msk [tilespmem:v2+s30+$0x0], $0xffff;
	_ =	sdelay $0x5  }
0xbd: {  	[tilespmem:s10+$0x1C750] =	vst v2;
	v2 =	vld [tilespmem:s10+$0x70]  }
0xbe: {  	v1 =	vld.idx.msk [tilespmem:v1+s30+$0x0], $0xffff;
	_ =	sdelay $0x5  }
0xbf: {  	[tilespmem:s10+$0x1C760] =	vst v1;
	v1 =	vld [tilespmem:s10+$0x80]  }
0xc0: {  	v2 =	vld.idx.msk [tilespmem:v2+s30+$0x0], $0xffff;
	_ =	sdelay $0x5  }
0xc1: {  	[tilespmem:s10+$0x1C770] =	vst v2;
	v2 =	vld [tilespmem:s10+$0x90]  }
0xc2: {  	v1 =	vld.idx.msk [tilespmem:v1+s30+$0x0], $0xffff;
	_ =	sdelay $0x5  }
0xc3: {  	[tilespmem:s10+$0x1C780] =	vst v1;
	v1 =	vld [tilespmem:s10+$0xA0]  }
0xc4: {  	v2 =	vld.idx.msk [tilespmem:v2+s30+$0x0], $0xffff;
	_ =	sdelay $0x5  }
0xc5: {  	[tilespmem:s10+$0x1C790] =	vst v2;
	v2 =	vld [tilespmem:s10+$0xB0]  }
0xc6: {  	v1 =	vld.idx.msk [tilespmem:v1+s30+$0x0], $0xffff;
	_ =	sdelay $0x5  }
0xc7: {  	[tilespmem:s10+$0x1C7A0] =	vst v1;
	v1 =	vld [tilespmem:s10+$0xC0]  }
0xc8: {  	v2 =	vld.idx.msk [tilespmem:v2+s30+$0x0], $0xffff;
	_ =	sdelay $0x5  }
0xc9: {  	[tilespmem:s10+$0x1C7B0] =	vst v2;
	v2 =	vld [tilespmem:s10+$0xD0]  }
0xca: {  	v1 =	vld.idx.msk [tilespmem:v1+s30+$0x0], $0xffff;
	_ =	sdelay $0x5  }
0xcb: {  	[tilespmem:s10+$0x1C7C0] =	vst v1;
	v3 =	vld [tilespmem:s10+$0xE0]  }
0xcc: {  	v1 =	vld.idx.msk [tilespmem:v2+s30+$0x0], $0xffff;
	_ =	sdelay $0x5  }
0xcd: {  	[tilespmem:s10+$0x1C7D0] =	vst v1;
	v1 =	vld [tilespmem:s10+$0xF0]  }
0xce: {  	v2 =	vld.idx.msk [tilespmem:v3+s30+$0x0], $0xffff  }
.Ltmp2:
0xcf: {  	(pc) =	sbr.rel @p6 .LBB2_2-.Ltmp2, $2  }
0xd0: {  	_ =	sdelay $0x2  }
0xd1: {  	s12 =	sshra.s32 s11, $0x2;
	s11 =	sadd.s32 $0x400, s11  }
0xd2: {  	_ =	sdelay $0x1  }
0xd3: {  	v3 =	vld [tilespmem:s12+$0x0]  }
0xd4: {  	[tilespmem:s10+$0x1C7E0] =	vst v2  }
0xd5: {  	v1 =	vld.idx.msk [tilespmem:v1+s30+$0x0], $0xffff;
	_ =	sdelay $0x3  }
0xd6: {  	v2 =	vld [tilespmem:s12+$0x10]  }
0xd7: {  	[tilespmem:s10+$0x1C7F0] =	vst v1  }
0xd8: {  	v1 =	vld.idx.msk [tilespmem:v3+s30+$0x0], $0xffff;
	_ =	sdelay $0x4  }
0xd9: {  	[tilespmem:s12+$0x1C700] =	vst v1;
	v1 =	vld [tilespmem:s12+$0x20]  }
0xda: {  	v2 =	vld.idx.msk [tilespmem:v2+s30+$0x0], $0xffff;
	_ =	sdelay $0x4  }
0xdb: {  	[tilespmem:s12+$0x1C710] =	vst v2;
	v2 =	vld [tilespmem:s12+$0x30];
	_ =	sdelay $0x1  }
0xdc: {  	v1 =	vld.idx.msk [tilespmem:v1+s30+$0x0], $0xffff;
	_ =	sdelay $0x4  }
0xdd: {  	[tilespmem:s12+$0x1C720] =	vst v1;
	v1 =	vld [tilespmem:s12+$0x40]  }
0xde: {  	v2 =	vld.idx.msk [tilespmem:v2+s30+$0x0], $0xffff;
	_ =	sdelay $0x4  }
0xdf: {  	[tilespmem:s12+$0x1C730] =	vst v2;
	v2 =	vld [tilespmem:s12+$0x50];
	_ =	sdelay $0x1  }
0xe0: {  	v1 =	vld.idx.msk [tilespmem:v1+s30+$0x0], $0xffff;
	_ =	sdelay $0x4  }
0xe1: {  	[tilespmem:s12+$0x1C740] =	vst v1;
	v1 =	vld [tilespmem:s12+$0x60]  }
0xe2: {  	v2 =	vld.idx.msk [tilespmem:v2+s30+$0x0], $0xffff;
	_ =	sdelay $0x4  }
0xe3: {  	[tilespmem:s12+$0x1C750] =	vst v2;
	v2 =	vld [tilespmem:s12+$0x70];
	_ =	sdelay $0x1  }
0xe4: {  	v1 =	vld.idx.msk [tilespmem:v1+s30+$0x0], $0xffff;
	_ =	sdelay $0x4  }
0xe5: {  	[tilespmem:s12+$0x1C760] =	vst v1;
	v1 =	vld [tilespmem:s12+$0x80]  }
0xe6: {  	v2 =	vld.idx.msk [tilespmem:v2+s30+$0x0], $0xffff;
	_ =	sdelay $0x4  }
0xe7: {  	[tilespmem:s12+$0x1C770] =	vst v2;
	v2 =	vld [tilespmem:s12+$0x90];
	_ =	sdelay $0x1  }
0xe8: {  	v1 =	vld.idx.msk [tilespmem:v1+s30+$0x0], $0xffff;
	_ =	sdelay $0x4  }
0xe9: {  	[tilespmem:s12+$0x1C780] =	vst v1;
	v1 =	vld [tilespmem:s12+$0xA0]  }
0xea: {  	v2 =	vld.idx.msk [tilespmem:v2+s30+$0x0], $0xffff;
	_ =	sdelay $0x4  }
0xeb: {  	[tilespmem:s12+$0x1C790] =	vst v2;
	v2 =	vld [tilespmem:s12+$0xB0];
	_ =	sdelay $0x1  }
0xec: {  	v1 =	vld.idx.msk [tilespmem:v1+s30+$0x0], $0xffff;
	_ =	sdelay $0x4  }
0xed: {  	[tilespmem:s12+$0x1C7A0] =	vst v1;
	v1 =	vld [tilespmem:s12+$0xC0]  }
0xee: {  	v2 =	vld.idx.msk [tilespmem:v2+s30+$0x0], $0xffff;
	_ =	sdelay $0x4  }
0xef: {  	[tilespmem:s12+$0x1C7B0] =	vst v2;
	v2 =	vld [tilespmem:s12+$0xD0];
	_ =	sdelay $0x1  }
0xf0: {  	v1 =	vld.idx.msk [tilespmem:v1+s30+$0x0], $0xffff;
	_ =	sdelay $0x4  }
0xf1: {  	[tilespmem:s12+$0x1C7C0] =	vst v1;
	v1 =	vld [tilespmem:s12+$0xE0]  }
0xf2: {  	v2 =	vld.idx.msk [tilespmem:v2+s30+$0x0], $0xffff;
	_ =	sdelay $0x4  }
0xf3: {  	[tilespmem:s12+$0x1C7D0] =	vst v2;
	v2 =	vld [tilespmem:s12+$0xF0];
	_ =	sdelay $0x1  }
0xf4: {  	v1 =	vld.idx.msk [tilespmem:v1+s30+$0x0], $0xffff;
	_ =	sdelay $0x4  }
0xf5: {  	[tilespmem:s12+$0x1C7E0] =	vst v1  }
0xf6: {  	v1 =	vld.idx.msk [tilespmem:v2+s30+$0x0], $0xffff;
	_ =	sdelay $0x4  }
0xf7: {  	s10 =	simm.s32 $0x0;
	[tilespmem:s12+$0x1C7F0] =	vst v1;
	s12 =	rddreg [dreg:$0x10]  }
0xf8: {  	[hbm4b:s12+s20] =	stream.strided.scatter [tilespmem:s5], [sflag:$0x2], $0x1000, s17, s20, $0x38;
	[tilespmem:$0x1E800] =	vst v63  }
0xf9: {  	v1 =	vld [tilespmem:s10+$0x1000];
	_ =	sdelay $0x5  }
0xfa: {  	v2 =	vld [tilespmem:s10+$0x1010];
	_ =	sdelay $0x1  }
0xfb: {  	v1 =	vld.idx.msk [tilespmem:v1+s30+$0x0], $0xffff;
	_ =	sdelay $0x4  }
0xfc: {  	[tilespmem:s10+$0x1D700] =	vst v1;
	v1 =	vld [tilespmem:s10+$0x1020]  }
0xfd: {  	v2 =	vld.idx.msk [tilespmem:v2+s30+$0x0], $0xffff;
	_ =	sdelay $0x4  }
0xfe: {  	[tilespmem:s10+$0x1D710] =	vst v2;
	v2 =	vld [tilespmem:s10+$0x1030];
	_ =	sdelay $0x1  }
0xff: {  	v1 =	vld.idx.msk [tilespmem:v1+s30+$0x0], $0xffff;
	_ =	sdelay $0x4  }
0x100: {  	[tilespmem:s10+$0x1D720] =	vst v1;
	v1 =	vld [tilespmem:s10+$0x1040]  }
0x101: {  	v2 =	vld.idx.msk [tilespmem:v2+s30+$0x0], $0xffff;
	_ =	sdelay $0x4  }
0x102: {  	[tilespmem:s10+$0x1D730] =	vst v2;
	v2 =	vld [tilespmem:s10+$0x1050];
	_ =	sdelay $0x1  }
0x103: {  	v1 =	vld.idx.msk [tilespmem:v1+s30+$0x0], $0xffff;
	_ =	sdelay $0x4  }
0x104: {  	[tilespmem:s10+$0x1D740] =	vst v1;
	v1 =	vld [tilespmem:s10+$0x1060]  }
0x105: {  	v2 =	vld.idx.msk [tilespmem:v2+s30+$0x0], $0xffff;
	_ =	sdelay $0x4  }
0x106: {  	[tilespmem:s10+$0x1D750] =	vst v2;
	v2 =	vld [tilespmem:s10+$0x1070];
	_ =	sdelay $0x1  }
0x107: {  	v1 =	vld.idx.msk [tilespmem:v1+s30+$0x0], $0xffff;
	_ =	sdelay $0x4  }
0x108: {  	[tilespmem:s10+$0x1D760] =	vst v1;
	v1 =	vld [tilespmem:s10+$0x1080]  }
0x109: {  	v2 =	vld.idx.msk [tilespmem:v2+s30+$0x0], $0xffff;
	_ =	sdelay $0x4  }
0x10a: {  	[tilespmem:s10+$0x1D770] =	vst v2;
	v2 =	vld [tilespmem:s10+$0x1090];
	_ =	sdelay $0x1  }
0x10b: {  	v1 =	vld.idx.msk [tilespmem:v1+s30+$0x0], $0xffff;
	_ =	sdelay $0x4  }
0x10c: {  	[tilespmem:s10+$0x1D780] =	vst v1;
	v1 =	vld [tilespmem:s10+$0x10A0]  }
0x10d: {  	v2 =	vld.idx.msk [tilespmem:v2+s30+$0x0], $0xffff;
	_ =	sdelay $0x4  }
0x10e: {  	[tilespmem:s10+$0x1D790] =	vst v2;
	v2 =	vld [tilespmem:s10+$0x10B0];
	_ =	sdelay $0x1  }
0x10f: {  	v1 =	vld.idx.msk [tilespmem:v1+s30+$0x0], $0xffff;
	_ =	sdelay $0x4  }
0x110: {  	[tilespmem:s10+$0x1D7A0] =	vst v1;
	v1 =	vld [tilespmem:s10+$0x10C0]  }
0x111: {  	v2 =	vld.idx.msk [tilespmem:v2+s30+$0x0], $0xffff;
	_ =	sdelay $0x4  }
0x112: {  	[tilespmem:s10+$0x1D7B0] =	vst v2;
	v2 =	vld [tilespmem:s10+$0x10D0];
	_ =	sdelay $0x1  }
0x113: {  	v1 =	vld.idx.msk [tilespmem:v1+s30+$0x0], $0xffff;
	_ =	sdelay $0x4  }
0x114: {  	v3 =	vld [tilespmem:s10+$0x10E0];
	[tilespmem:s10+$0x1D7C0] =	vst v1  }
0x115: {  	v1 =	vld.idx.msk [tilespmem:v2+s30+$0x0], $0xffff;
	_ =	sdelay $0x4  }
0x116: {  	[tilespmem:s10+$0x1D7D0] =	vst v1;
	v1 =	vld [tilespmem:s10+$0x10F0];
	_ =	sdelay $0x1  }
0x117: {  	v2 =	vld.idx.msk [tilespmem:v3+s30+$0x0], $0xffff;
	_ =	sdelay $0x3  }
0x118: {  	s11 =	simm.s32 $0x800;
	s12 =	simm.s32 $0x100  }
.LBB2_4:
0x119: {  	p6 =	sne.s32 s11, $0x3C00;
	v3 =	vld [tilespmem:s12+$0x1000];
	[tilespmem:s10+$0x1D7E0] =	vst v2  }
0x11a: {  	v1 =	vld.idx.msk [tilespmem:v1+s30+$0x0], $0xffff;
	_ =	sdelay $0x5  }
0x11b: {  	v2 =	vld [tilespmem:s12+$0x1010];
	[tilespmem:s10+$0x1D7F0] =	vst v1;
	s10 =	smov.u32 s12  }
0x11c: {  	v1 =	vld.idx.msk [tilespmem:v3+s30+$0x0], $0xffff;
	_ =	sdelay $0x5  }
0x11d: {  	[tilespmem:s10+$0x1D700] =	vst v1;
	v1 =	vld [tilespmem:s10+$0x1020]  }
0x11e: {  	v2 =	vld.idx.msk [tilespmem:v2+s30+$0x0], $0xffff;
	_ =	sdelay $0x5  }
0x11f: {  	[tilespmem:s10+$0x1D710] =	vst v2;
	v2 =	vld [tilespmem:s10+$0x1030]  }
0x120: {  	v1 =	vld.idx.msk [tilespmem:v1+s30+$0x0], $0xffff;
	_ =	sdelay $0x5  }
0x121: {  	[tilespmem:s10+$0x1D720] =	vst v1;
	v1 =	vld [tilespmem:s10+$0x1040]  }
0x122: {  	v2 =	vld.idx.msk [tilespmem:v2+s30+$0x0], $0xffff;
	_ =	sdelay $0x5  }
0x123: {  	[tilespmem:s10+$0x1D730] =	vst v2;
	v2 =	vld [tilespmem:s10+$0x1050]  }
0x124: {  	v1 =	vld.idx.msk [tilespmem:v1+s30+$0x0], $0xffff;
	_ =	sdelay $0x5  }
0x125: {  	[tilespmem:s10+$0x1D740] =	vst v1;
	v1 =	vld [tilespmem:s10+$0x1060]  }
0x126: {  	v2 =	vld.idx.msk [tilespmem:v2+s30+$0x0], $0xffff;
	_ =	sdelay $0x5  }
0x127: {  	[tilespmem:s10+$0x1D750] =	vst v2;
	v2 =	vld [tilespmem:s10+$0x1070]  }
0x128: {  	v1 =	vld.idx.msk [tilespmem:v1+s30+$0x0], $0xffff;
	_ =	sdelay $0x5  }
0x129: {  	[tilespmem:s10+$0x1D760] =	vst v1;
	v1 =	vld [tilespmem:s10+$0x1080]  }
0x12a: {  	v2 =	vld.idx.msk [tilespmem:v2+s30+$0x0], $0xffff;
	_ =	sdelay $0x5  }
0x12b: {  	[tilespmem:s10+$0x1D770] =	vst v2;
	v2 =	vld [tilespmem:s10+$0x1090]  }
0x12c: {  	v1 =	vld.idx.msk [tilespmem:v1+s30+$0x0], $0xffff;
	_ =	sdelay $0x5  }
0x12d: {  	[tilespmem:s10+$0x1D780] =	vst v1;
	v1 =	vld [tilespmem:s10+$0x10A0]  }
0x12e: {  	v2 =	vld.idx.msk [tilespmem:v2+s30+$0x0], $0xffff;
	_ =	sdelay $0x5  }
0x12f: {  	[tilespmem:s10+$0x1D790] =	vst v2;
	v2 =	vld [tilespmem:s10+$0x10B0]  }
0x130: {  	v1 =	vld.idx.msk [tilespmem:v1+s30+$0x0], $0xffff;
	_ =	sdelay $0x5  }
0x131: {  	[tilespmem:s10+$0x1D7A0] =	vst v1;
	v1 =	vld [tilespmem:s10+$0x10C0]  }
0x132: {  	v2 =	vld.idx.msk [tilespmem:v2+s30+$0x0], $0xffff;
	_ =	sdelay $0x5  }
0x133: {  	[tilespmem:s10+$0x1D7B0] =	vst v2;
	v2 =	vld [tilespmem:s10+$0x10D0]  }
0x134: {  	v1 =	vld.idx.msk [tilespmem:v1+s30+$0x0], $0xffff;
	_ =	sdelay $0x5  }
0x135: {  	[tilespmem:s10+$0x1D7C0] =	vst v1;
	v3 =	vld [tilespmem:s10+$0x10E0]  }
0x136: {  	v1 =	vld.idx.msk [tilespmem:v2+s30+$0x0], $0xffff;
	_ =	sdelay $0x5  }
0x137: {  	[tilespmem:s10+$0x1D7D0] =	vst v1;
	v1 =	vld [tilespmem:s10+$0x10F0]  }
0x138: {  	v2 =	vld.idx.msk [tilespmem:v3+s30+$0x0], $0xffff  }
.Ltmp3:
0x139: {  	(pc) =	sbr.rel @p6 .LBB2_4-.Ltmp3, $2  }
0x13a: {  	_ =	sdelay $0x2  }
0x13b: {  	s12 =	sshra.s32 s11, $0x2;
	s11 =	sadd.s32 $0x400, s11  }
0x13c: {  	_ =	sdelay $0x1  }
0x13d: {  	v3 =	vld [tilespmem:s12+$0x1000]  }
0x13e: {  	[tilespmem:s10+$0x1D7E0] =	vst v2  }
0x13f: {  	v1 =	vld.idx.msk [tilespmem:v1+s30+$0x0], $0xffff;
	_ =	sdelay $0x3  }
0x140: {  	v2 =	vld [tilespmem:s12+$0x1010]  }
0x141: {  	[tilespmem:s10+$0x1D7F0] =	vst v1  }
0x142: {  	v1 =	vld.idx.msk [tilespmem:v3+s30+$0x0], $0xffff;
	_ =	sdelay $0x4  }
0x143: {  	[tilespmem:s12+$0x1D700] =	vst v1;
	v1 =	vld [tilespmem:s12+$0x1020]  }
0x144: {  	v2 =	vld.idx.msk [tilespmem:v2+s30+$0x0], $0xffff;
	_ =	sdelay $0x4  }
0x145: {  	[tilespmem:s12+$0x1D710] =	vst v2;
	v2 =	vld [tilespmem:s12+$0x1030];
	_ =	sdelay $0x1  }
0x146: {  	v1 =	vld.idx.msk [tilespmem:v1+s30+$0x0], $0xffff;
	_ =	sdelay $0x4  }
0x147: {  	[tilespmem:s12+$0x1D720] =	vst v1;
	v1 =	vld [tilespmem:s12+$0x1040]  }
0x148: {  	v2 =	vld.idx.msk [tilespmem:v2+s30+$0x0], $0xffff;
	_ =	sdelay $0x4  }
0x149: {  	[tilespmem:s12+$0x1D730] =	vst v2;
	v2 =	vld [tilespmem:s12+$0x1050];
	_ =	sdelay $0x1  }
0x14a: {  	v1 =	vld.idx.msk [tilespmem:v1+s30+$0x0], $0xffff;
	_ =	sdelay $0x4  }
0x14b: {  	[tilespmem:s12+$0x1D740] =	vst v1;
	v1 =	vld [tilespmem:s12+$0x1060]  }
0x14c: {  	v2 =	vld.idx.msk [tilespmem:v2+s30+$0x0], $0xffff;
	_ =	sdelay $0x4  }
0x14d: {  	[tilespmem:s12+$0x1D750] =	vst v2;
	v2 =	vld [tilespmem:s12+$0x1070];
	_ =	sdelay $0x1  }
0x14e: {  	v1 =	vld.idx.msk [tilespmem:v1+s30+$0x0], $0xffff;
	_ =	sdelay $0x4  }
0x14f: {  	[tilespmem:s12+$0x1D760] =	vst v1;
	v1 =	vld [tilespmem:s12+$0x1080]  }
0x150: {  	v2 =	vld.idx.msk [tilespmem:v2+s30+$0x0], $0xffff;
	_ =	sdelay $0x4  }
0x151: {  	[tilespmem:s12+$0x1D770] =	vst v2;
	v2 =	vld [tilespmem:s12+$0x1090];
	_ =	sdelay $0x1  }
0x152: {  	v1 =	vld.idx.msk [tilespmem:v1+s30+$0x0], $0xffff;
	_ =	sdelay $0x4  }
0x153: {  	[tilespmem:s12+$0x1D780] =	vst v1;
	v1 =	vld [tilespmem:s12+$0x10A0]  }
0x154: {  	v2 =	vld.idx.msk [tilespmem:v2+s30+$0x0], $0xffff;
	_ =	sdelay $0x4  }
0x155: {  	[tilespmem:s12+$0x1D790] =	vst v2;
	v2 =	vld [tilespmem:s12+$0x10B0];
	_ =	sdelay $0x1  }
0x156: {  	v1 =	vld.idx.msk [tilespmem:v1+s30+$0x0], $0xffff;
	_ =	sdelay $0x4  }
0x157: {  	[tilespmem:s12+$0x1D7A0] =	vst v1;
	v1 =	vld [tilespmem:s12+$0x10C0]  }
0x158: {  	v2 =	vld.idx.msk [tilespmem:v2+s30+$0x0], $0xffff;
	_ =	sdelay $0x4  }
0x159: {  	[tilespmem:s12+$0x1D7B0] =	vst v2;
	v2 =	vld [tilespmem:s12+$0x10D0];
	_ =	sdelay $0x1  }
0x15a: {  	v1 =	vld.idx.msk [tilespmem:v1+s30+$0x0], $0xffff;
	_ =	sdelay $0x4  }
0x15b: {  	[tilespmem:s12+$0x1D7C0] =	vst v1;
	v1 =	vld [tilespmem:s12+$0x10E0]  }
0x15c: {  	v2 =	vld.idx.msk [tilespmem:v2+s30+$0x0], $0xffff;
	_ =	sdelay $0x4  }
0x15d: {  	[tilespmem:s12+$0x1D7D0] =	vst v2;
	v2 =	vld [tilespmem:s12+$0x10F0];
	_ =	sdelay $0x1  }
0x15e: {  	v1 =	vld.idx.msk [tilespmem:v1+s30+$0x0], $0xffff;
	_ =	sdelay $0x4  }
0x15f: {  	[tilespmem:s12+$0x1D7E0] =	vst v1  }
0x160: {  	v1 =	vld.idx.msk [tilespmem:v2+s30+$0x0], $0xffff;
	_ =	sdelay $0x4  }
0x161: {  	[tilespmem:s12+$0x1D7F0] =	vst v1;
	s12 =	rddreg [dreg:$0x11]  }
0x162: {  	[hbm4b:s12+s20] =	stream.strided.scatter [tilespmem:s6], [sflag:$0x3], $0x1000, s17, s20, $0x38;
	[tilespmem:$0x1E800] =	vst v63  }
0x163: {  	_ =	swait.ge [sflag:s7], $0x1000  }
0x164: {  	[sflag:s7] =	ssyncset.done $0x0  }
0x165: {  	s10 =	simm.s32 $0x0;
	[sflag:s7] =	ssyncadd.s32 $0xFFFFF000  }
0x166: {  	v1 =	vld [tilespmem:s10+$0x2000];
	_ =	sdelay $0x5  }
0x167: {  	v2 =	vld [tilespmem:s10+$0x2010];
	_ =	sdelay $0x1  }
0x168: {  	v1 =	vld.idx.msk [tilespmem:v1+s30+$0x0], $0xffff;
	_ =	sdelay $0x4  }
0x169: {  	[tilespmem:s10+$0x1C700] =	vst v1;
	v1 =	vld [tilespmem:s10+$0x2020]  }
0x16a: {  	v2 =	vld.idx.msk [tilespmem:v2+s30+$0x0], $0xffff;
	_ =	sdelay $0x4  }
0x16b: {  	[tilespmem:s10+$0x1C710] =	vst v2;
	v2 =	vld [tilespmem:s10+$0x2030];
	_ =	sdelay $0x1  }
0x16c: {  	v1 =	vld.idx.msk [tilespmem:v1+s30+$0x0], $0xffff;
	_ =	sdelay $0x4  }
0x16d: {  	[tilespmem:s10+$0x1C720] =	vst v1;
	v1 =	vld [tilespmem:s10+$0x2040]  }
0x16e: {  	v2 =	vld.idx.msk [tilespmem:v2+s30+$0x0], $0xffff;
	_ =	sdelay $0x4  }
0x16f: {  	[tilespmem:s10+$0x1C730] =	vst v2;
	v2 =	vld [tilespmem:s10+$0x2050];
	_ =	sdelay $0x1  }
0x170: {  	v1 =	vld.idx.msk [tilespmem:v1+s30+$0x0], $0xffff;
	_ =	sdelay $0x4  }
0x171: {  	[tilespmem:s10+$0x1C740] =	vst v1;
	v1 =	vld [tilespmem:s10+$0x2060]  }
0x172: {  	v2 =	vld.idx.msk [tilespmem:v2+s30+$0x0], $0xffff;
	_ =	sdelay $0x4  }
0x173: {  	[tilespmem:s10+$0x1C750] =	vst v2;
	v2 =	vld [tilespmem:s10+$0x2070];
	_ =	sdelay $0x1  }
0x174: {  	v1 =	vld.idx.msk [tilespmem:v1+s30+$0x0], $0xffff;
	_ =	sdelay $0x4  }
0x175: {  	[tilespmem:s10+$0x1C760] =	vst v1;
	v1 =	vld [tilespmem:s10+$0x2080]  }
0x176: {  	v2 =	vld.idx.msk [tilespmem:v2+s30+$0x0], $0xffff;
	_ =	sdelay $0x4  }
0x177: {  	[tilespmem:s10+$0x1C770] =	vst v2;
	v2 =	vld [tilespmem:s10+$0x2090];
	_ =	sdelay $0x1  }
0x178: {  	v1 =	vld.idx.msk [tilespmem:v1+s30+$0x0], $0xffff;
	_ =	sdelay $0x4  }
0x179: {  	[tilespmem:s10+$0x1C780] =	vst v1;
	v1 =	vld [tilespmem:s10+$0x20A0]  }
0x17a: {  	v2 =	vld.idx.msk [tilespmem:v2+s30+$0x0], $0xffff;
	_ =	sdelay $0x4  }
0x17b: {  	[tilespmem:s10+$0x1C790] =	vst v2;
	v2 =	vld [tilespmem:s10+$0x20B0];
	_ =	sdelay $0x1  }
0x17c: {  	v1 =	vld.idx.msk [tilespmem:v1+s30+$0x0], $0xffff;
	_ =	sdelay $0x4  }
0x17d: {  	[tilespmem:s10+$0x1C7A0] =	vst v1;
	v1 =	vld [tilespmem:s10+$0x20C0]  }
0x17e: {  	v2 =	vld.idx.msk [tilespmem:v2+s30+$0x0], $0xffff;
	_ =	sdelay $0x4  }
0x17f: {  	[tilespmem:s10+$0x1C7B0] =	vst v2;
	v2 =	vld [tilespmem:s10+$0x20D0];
	_ =	sdelay $0x1  }
0x180: {  	v1 =	vld.idx.msk [tilespmem:v1+s30+$0x0], $0xffff;
	_ =	sdelay $0x4  }
0x181: {  	v3 =	vld [tilespmem:s10+$0x20E0];
	[tilespmem:s10+$0x1C7C0] =	vst v1  }
0x182: {  	v1 =	vld.idx.msk [tilespmem:v2+s30+$0x0], $0xffff;
	_ =	sdelay $0x4  }
0x183: {  	[tilespmem:s10+$0x1C7D0] =	vst v1;
	v1 =	vld [tilespmem:s10+$0x20F0];
	_ =	sdelay $0x1  }
0x184: {  	v2 =	vld.idx.msk [tilespmem:v3+s30+$0x0], $0xffff;
	_ =	sdelay $0x3  }
0x185: {  	s11 =	simm.s32 $0x800;
	s12 =	simm.s32 $0x100  }
.LBB2_6:
0x186: {  	p6 =	sne.s32 s11, $0x3C00;
	v3 =	vld [tilespmem:s12+$0x2000];
	[tilespmem:s10+$0x1C7E0] =	vst v2  }
0x187: {  	v1 =	vld.idx.msk [tilespmem:v1+s30+$0x0], $0xffff;
	_ =	sdelay $0x5  }
0x188: {  	v2 =	vld [tilespmem:s12+$0x2010];
	[tilespmem:s10+$0x1C7F0] =	vst v1;
	s10 =	smov.u32 s12  }
0x189: {  	v1 =	vld.idx.msk [tilespmem:v3+s30+$0x0], $0xffff;
	_ =	sdelay $0x5  }
0x18a: {  	[tilespmem:s10+$0x1C700] =	vst v1;
	v1 =	vld [tilespmem:s10+$0x2020]  }
0x18b: {  	v2 =	vld.idx.msk [tilespmem:v2+s30+$0x0], $0xffff;
	_ =	sdelay $0x5  }
0x18c: {  	[tilespmem:s10+$0x1C710] =	vst v2;
	v2 =	vld [tilespmem:s10+$0x2030]  }
0x18d: {  	v1 =	vld.idx.msk [tilespmem:v1+s30+$0x0], $0xffff;
	_ =	sdelay $0x5  }
0x18e: {  	[tilespmem:s10+$0x1C720] =	vst v1;
	v1 =	vld [tilespmem:s10+$0x2040]  }
0x18f: {  	v2 =	vld.idx.msk [tilespmem:v2+s30+$0x0], $0xffff;
	_ =	sdelay $0x5  }
0x190: {  	[tilespmem:s10+$0x1C730] =	vst v2;
	v2 =	vld [tilespmem:s10+$0x2050]  }
0x191: {  	v1 =	vld.idx.msk [tilespmem:v1+s30+$0x0], $0xffff;
	_ =	sdelay $0x5  }
0x192: {  	[tilespmem:s10+$0x1C740] =	vst v1;
	v1 =	vld [tilespmem:s10+$0x2060]  }
0x193: {  	v2 =	vld.idx.msk [tilespmem:v2+s30+$0x0], $0xffff;
	_ =	sdelay $0x5  }
0x194: {  	[tilespmem:s10+$0x1C750] =	vst v2;
	v2 =	vld [tilespmem:s10+$0x2070]  }
0x195: {  	v1 =	vld.idx.msk [tilespmem:v1+s30+$0x0], $0xffff;
	_ =	sdelay $0x5  }
0x196: {  	[tilespmem:s10+$0x1C760] =	vst v1;
	v1 =	vld [tilespmem:s10+$0x2080]  }
0x197: {  	v2 =	vld.idx.msk [tilespmem:v2+s30+$0x0], $0xffff;
	_ =	sdelay $0x5  }
0x198: {  	[tilespmem:s10+$0x1C770] =	vst v2;
	v2 =	vld [tilespmem:s10+$0x2090]  }
0x199: {  	v1 =	vld.idx.msk [tilespmem:v1+s30+$0x0], $0xffff;
	_ =	sdelay $0x5  }
0x19a: {  	[tilespmem:s10+$0x1C780] =	vst v1;
	v1 =	vld [tilespmem:s10+$0x20A0]  }
0x19b: {  	v2 =	vld.idx.msk [tilespmem:v2+s30+$0x0], $0xffff;
	_ =	sdelay $0x5  }
0x19c: {  	[tilespmem:s10+$0x1C790] =	vst v2;
	v2 =	vld [tilespmem:s10+$0x20B0]  }
0x19d: {  	v1 =	vld.idx.msk [tilespmem:v1+s30+$0x0], $0xffff;
	_ =	sdelay $0x5  }
0x19e: {  	[tilespmem:s10+$0x1C7A0] =	vst v1;
	v1 =	vld [tilespmem:s10+$0x20C0]  }
0x19f: {  	v2 =	vld.idx.msk [tilespmem:v2+s30+$0x0], $0xffff;
	_ =	sdelay $0x5  }
0x1a0: {  	[tilespmem:s10+$0x1C7B0] =	vst v2;
	v2 =	vld [tilespmem:s10+$0x20D0]  }
0x1a1: {  	v1 =	vld.idx.msk [tilespmem:v1+s30+$0x0], $0xffff;
	_ =	sdelay $0x5  }
0x1a2: {  	[tilespmem:s10+$0x1C7C0] =	vst v1;
	v3 =	vld [tilespmem:s10+$0x20E0]  }
0x1a3: {  	v1 =	vld.idx.msk [tilespmem:v2+s30+$0x0], $0xffff;
	_ =	sdelay $0x5  }
0x1a4: {  	[tilespmem:s10+$0x1C7D0] =	vst v1;
	v1 =	vld [tilespmem:s10+$0x20F0]  }
0x1a5: {  	v2 =	vld.idx.msk [tilespmem:v3+s30+$0x0], $0xffff  }
.Ltmp4:
0x1a6: {  	(pc) =	sbr.rel @p6 .LBB2_6-.Ltmp4, $2  }
0x1a7: {  	_ =	sdelay $0x2  }
0x1a8: {  	s12 =	sshra.s32 s11, $0x2;
	s11 =	sadd.s32 $0x400, s11  }
0x1a9: {  	_ =	sdelay $0x1  }
0x1aa: {  	v3 =	vld [tilespmem:s12+$0x2000]  }
0x1ab: {  	[tilespmem:s10+$0x1C7E0] =	vst v2  }
0x1ac: {  	v1 =	vld.idx.msk [tilespmem:v1+s30+$0x0], $0xffff;
	_ =	sdelay $0x3  }
0x1ad: {  	v2 =	vld [tilespmem:s12+$0x2010]  }
0x1ae: {  	[tilespmem:s10+$0x1C7F0] =	vst v1  }
0x1af: {  	v1 =	vld.idx.msk [tilespmem:v3+s30+$0x0], $0xffff;
	_ =	sdelay $0x4  }
0x1b0: {  	[tilespmem:s12+$0x1C700] =	vst v1;
	v1 =	vld [tilespmem:s12+$0x2020]  }
0x1b1: {  	v2 =	vld.idx.msk [tilespmem:v2+s30+$0x0], $0xffff;
	_ =	sdelay $0x4  }
0x1b2: {  	[tilespmem:s12+$0x1C710] =	vst v2;
	v2 =	vld [tilespmem:s12+$0x2030];
	_ =	sdelay $0x1  }
0x1b3: {  	v1 =	vld.idx.msk [tilespmem:v1+s30+$0x0], $0xffff;
	_ =	sdelay $0x4  }
0x1b4: {  	[tilespmem:s12+$0x1C720] =	vst v1;
	v1 =	vld [tilespmem:s12+$0x2040]  }
0x1b5: {  	v2 =	vld.idx.msk [tilespmem:v2+s30+$0x0], $0xffff;
	_ =	sdelay $0x4  }
0x1b6: {  	[tilespmem:s12+$0x1C730] =	vst v2;
	v2 =	vld [tilespmem:s12+$0x2050];
	_ =	sdelay $0x1  }
0x1b7: {  	v1 =	vld.idx.msk [tilespmem:v1+s30+$0x0], $0xffff;
	_ =	sdelay $0x4  }
0x1b8: {  	[tilespmem:s12+$0x1C740] =	vst v1;
	v1 =	vld [tilespmem:s12+$0x2060]  }
0x1b9: {  	v2 =	vld.idx.msk [tilespmem:v2+s30+$0x0], $0xffff;
	_ =	sdelay $0x4  }
0x1ba: {  	[tilespmem:s12+$0x1C750] =	vst v2;
	v2 =	vld [tilespmem:s12+$0x2070];
	_ =	sdelay $0x1  }
0x1bb: {  	v1 =	vld.idx.msk [tilespmem:v1+s30+$0x0], $0xffff;
	_ =	sdelay $0x4  }
0x1bc: {  	[tilespmem:s12+$0x1C760] =	vst v1;
	v1 =	vld [tilespmem:s12+$0x2080]  }
0x1bd: {  	v2 =	vld.idx.msk [tilespmem:v2+s30+$0x0], $0xffff;
	_ =	sdelay $0x4  }
0x1be: {  	[tilespmem:s12+$0x1C770] =	vst v2;
	v2 =	vld [tilespmem:s12+$0x2090];
	_ =	sdelay $0x1  }
0x1bf: {  	v1 =	vld.idx.msk [tilespmem:v1+s30+$0x0], $0xffff;
	_ =	sdelay $0x4  }
0x1c0: {  	[tilespmem:s12+$0x1C780] =	vst v1;
	v1 =	vld [tilespmem:s12+$0x20A0]  }
0x1c1: {  	v2 =	vld.idx.msk [tilespmem:v2+s30+$0x0], $0xffff;
	_ =	sdelay $0x4  }
0x1c2: {  	[tilespmem:s12+$0x1C790] =	vst v2;
	v2 =	vld [tilespmem:s12+$0x20B0];
	_ =	sdelay $0x1  }
0x1c3: {  	v1 =	vld.idx.msk [tilespmem:v1+s30+$0x0], $0xffff;
	_ =	sdelay $0x4  }
0x1c4: {  	[tilespmem:s12+$0x1C7A0] =	vst v1;
	v1 =	vld [tilespmem:s12+$0x20C0]  }
0x1c5: {  	v2 =	vld.idx.msk [tilespmem:v2+s30+$0x0], $0xffff;
	_ =	sdelay $0x4  }
0x1c6: {  	[tilespmem:s12+$0x1C7B0] =	vst v2;
	v2 =	vld [tilespmem:s12+$0x20D0];
	_ =	sdelay $0x1  }
0x1c7: {  	v1 =	vld.idx.msk [tilespmem:v1+s30+$0x0], $0xffff;
	_ =	sdelay $0x4  }
0x1c8: {  	[tilespmem:s12+$0x1C7C0] =	vst v1;
	v1 =	vld [tilespmem:s12+$0x20E0]  }
0x1c9: {  	v2 =	vld.idx.msk [tilespmem:v2+s30+$0x0], $0xffff;
	_ =	sdelay $0x4  }
0x1ca: {  	[tilespmem:s12+$0x1C7D0] =	vst v2;
	v2 =	vld [tilespmem:s12+$0x20F0];
	_ =	sdelay $0x1  }
0x1cb: {  	v1 =	vld.idx.msk [tilespmem:v1+s30+$0x0], $0xffff;
	_ =	sdelay $0x4  }
0x1cc: {  	[tilespmem:s12+$0x1C7E0] =	vst v1  }
0x1cd: {  	v1 =	vld.idx.msk [tilespmem:v2+s30+$0x0], $0xffff;
	_ =	sdelay $0x4  }
0x1ce: {  	[tilespmem:s12+$0x1C7F0] =	vst v1  }
0x1cf: {  	[hbm4b:s15+s20] =	stream.strided.scatter [tilespmem:s5], [sflag:$0x2], $0x1000, s17, s20, $0x38;
	[tilespmem:$0x1E800] =	vst v63  }
0x1d0: {  	_ =	swait.ge [sflag:s8], $0x1000  }
0x1d1: {  	[sflag:s8] =	ssyncset.done $0x0  }
0x1d2: {  	s10 =	simm.s32 $0x0;
	[sflag:s8] =	ssyncadd.s32 $0xFFFFF000  }
0x1d3: {  	v1 =	vld [tilespmem:s10+$0x3000];
	_ =	sdelay $0x5  }
0x1d4: {  	v2 =	vld [tilespmem:s10+$0x3010];
	_ =	sdelay $0x1  }
0x1d5: {  	v1 =	vld.idx.msk [tilespmem:v1+s30+$0x0], $0xffff;
	_ =	sdelay $0x4  }
0x1d6: {  	[tilespmem:s10+$0x1D700] =	vst v1;
	v1 =	vld [tilespmem:s10+$0x3020]  }
0x1d7: {  	v2 =	vld.idx.msk [tilespmem:v2+s30+$0x0], $0xffff;
	_ =	sdelay $0x4  }
0x1d8: {  	[tilespmem:s10+$0x1D710] =	vst v2;
	v2 =	vld [tilespmem:s10+$0x3030];
	_ =	sdelay $0x1  }
0x1d9: {  	v1 =	vld.idx.msk [tilespmem:v1+s30+$0x0], $0xffff;
	_ =	sdelay $0x4  }
0x1da: {  	[tilespmem:s10+$0x1D720] =	vst v1;
	v1 =	vld [tilespmem:s10+$0x3040]  }
0x1db: {  	v2 =	vld.idx.msk [tilespmem:v2+s30+$0x0], $0xffff;
	_ =	sdelay $0x4  }
0x1dc: {  	[tilespmem:s10+$0x1D730] =	vst v2;
	v2 =	vld [tilespmem:s10+$0x3050];
	_ =	sdelay $0x1  }
0x1dd: {  	v1 =	vld.idx.msk [tilespmem:v1+s30+$0x0], $0xffff;
	_ =	sdelay $0x4  }
0x1de: {  	[tilespmem:s10+$0x1D740] =	vst v1;
	v1 =	vld [tilespmem:s10+$0x3060]  }
0x1df: {  	v2 =	vld.idx.msk [tilespmem:v2+s30+$0x0], $0xffff;
	_ =	sdelay $0x4  }
0x1e0: {  	[tilespmem:s10+$0x1D750] =	vst v2;
	v2 =	vld [tilespmem:s10+$0x3070];
	_ =	sdelay $0x1  }
0x1e1: {  	v1 =	vld.idx.msk [tilespmem:v1+s30+$0x0], $0xffff;
	_ =	sdelay $0x4  }
0x1e2: {  	[tilespmem:s10+$0x1D760] =	vst v1;
	v1 =	vld [tilespmem:s10+$0x3080]  }
0x1e3: {  	v2 =	vld.idx.msk [tilespmem:v2+s30+$0x0], $0xffff;
	_ =	sdelay $0x4  }
0x1e4: {  	[tilespmem:s10+$0x1D770] =	vst v2;
	v2 =	vld [tilespmem:s10+$0x3090];
	_ =	sdelay $0x1  }
0x1e5: {  	v1 =	vld.idx.msk [tilespmem:v1+s30+$0x0], $0xffff;
	_ =	sdelay $0x4  }
0x1e6: {  	[tilespmem:s10+$0x1D780] =	vst v1;
	v1 =	vld [tilespmem:s10+$0x30A0]  }
0x1e7: {  	v2 =	vld.idx.msk [tilespmem:v2+s30+$0x0], $0xffff;
	_ =	sdelay $0x4  }
0x1e8: {  	[tilespmem:s10+$0x1D790] =	vst v2;
	v2 =	vld [tilespmem:s10+$0x30B0];
	_ =	sdelay $0x1  }
0x1e9: {  	v1 =	vld.idx.msk [tilespmem:v1+s30+$0x0], $0xffff;
	_ =	sdelay $0x4  }
0x1ea: {  	[tilespmem:s10+$0x1D7A0] =	vst v1;
	v1 =	vld [tilespmem:s10+$0x30C0]  }
0x1eb: {  	v2 =	vld.idx.msk [tilespmem:v2+s30+$0x0], $0xffff;
	_ =	sdelay $0x4  }
0x1ec: {  	[tilespmem:s10+$0x1D7B0] =	vst v2;
	v2 =	vld [tilespmem:s10+$0x30D0];
	_ =	sdelay $0x1  }
0x1ed: {  	v1 =	vld.idx.msk [tilespmem:v1+s30+$0x0], $0xffff;
	_ =	sdelay $0x4  }
0x1ee: {  	v3 =	vld [tilespmem:s10+$0x30E0];
	[tilespmem:s10+$0x1D7C0] =	vst v1  }
0x1ef: {  	v1 =	vld.idx.msk [tilespmem:v2+s30+$0x0], $0xffff;
	_ =	sdelay $0x4  }
0x1f0: {  	[tilespmem:s10+$0x1D7D0] =	vst v1;
	v1 =	vld [tilespmem:s10+$0x30F0];
	_ =	sdelay $0x1  }
0x1f1: {  	v2 =	vld.idx.msk [tilespmem:v3+s30+$0x0], $0xffff;
	_ =	sdelay $0x3  }
0x1f2: {  	s11 =	simm.s32 $0x800;
	s12 =	simm.s32 $0x100  }
.LBB2_8:
0x1f3: {  	p6 =	sne.s32 s11, $0x3C00;
	v3 =	vld [tilespmem:s12+$0x3000];
	[tilespmem:s10+$0x1D7E0] =	vst v2  }
0x1f4: {  	v1 =	vld.idx.msk [tilespmem:v1+s30+$0x0], $0xffff;
	_ =	sdelay $0x5  }
0x1f5: {  	v2 =	vld [tilespmem:s12+$0x3010];
	[tilespmem:s10+$0x1D7F0] =	vst v1;
	s10 =	smov.u32 s12  }
0x1f6: {  	v1 =	vld.idx.msk [tilespmem:v3+s30+$0x0], $0xffff;
	_ =	sdelay $0x5  }
0x1f7: {  	[tilespmem:s10+$0x1D700] =	vst v1;
	v1 =	vld [tilespmem:s10+$0x3020]  }
0x1f8: {  	v2 =	vld.idx.msk [tilespmem:v2+s30+$0x0], $0xffff;
	_ =	sdelay $0x5  }
0x1f9: {  	[tilespmem:s10+$0x1D710] =	vst v2;
	v2 =	vld [tilespmem:s10+$0x3030]  }
0x1fa: {  	v1 =	vld.idx.msk [tilespmem:v1+s30+$0x0], $0xffff;
	_ =	sdelay $0x5  }
0x1fb: {  	[tilespmem:s10+$0x1D720] =	vst v1;
	v1 =	vld [tilespmem:s10+$0x3040]  }
0x1fc: {  	v2 =	vld.idx.msk [tilespmem:v2+s30+$0x0], $0xffff;
	_ =	sdelay $0x5  }
0x1fd: {  	[tilespmem:s10+$0x1D730] =	vst v2;
	v2 =	vld [tilespmem:s10+$0x3050]  }
0x1fe: {  	v1 =	vld.idx.msk [tilespmem:v1+s30+$0x0], $0xffff;
	_ =	sdelay $0x5  }
0x1ff: {  	[tilespmem:s10+$0x1D740] =	vst v1;
	v1 =	vld [tilespmem:s10+$0x3060]  }
0x200: {  	v2 =	vld.idx.msk [tilespmem:v2+s30+$0x0], $0xffff;
	_ =	sdelay $0x5  }
0x201: {  	[tilespmem:s10+$0x1D750] =	vst v2;
	v2 =	vld [tilespmem:s10+$0x3070]  }
0x202: {  	v1 =	vld.idx.msk [tilespmem:v1+s30+$0x0], $0xffff;
	_ =	sdelay $0x5  }
0x203: {  	[tilespmem:s10+$0x1D760] =	vst v1;
	v1 =	vld [tilespmem:s10+$0x3080]  }
0x204: {  	v2 =	vld.idx.msk [tilespmem:v2+s30+$0x0], $0xffff;
	_ =	sdelay $0x5  }
0x205: {  	[tilespmem:s10+$0x1D770] =	vst v2;
	v2 =	vld [tilespmem:s10+$0x3090]  }
0x206: {  	v1 =	vld.idx.msk [tilespmem:v1+s30+$0x0], $0xffff;
	_ =	sdelay $0x5  }
0x207: {  	[tilespmem:s10+$0x1D780] =	vst v1;
	v1 =	vld [tilespmem:s10+$0x30A0]  }
0x208: {  	v2 =	vld.idx.msk [tilespmem:v2+s30+$0x0], $0xffff;
	_ =	sdelay $0x5  }
0x209: {  	[tilespmem:s10+$0x1D790] =	vst v2;
	v2 =	vld [tilespmem:s10+$0x30B0]  }
0x20a: {  	v1 =	vld.idx.msk [tilespmem:v1+s30+$0x0], $0xffff;
	_ =	sdelay $0x5  }
0x20b: {  	[tilespmem:s10+$0x1D7A0] =	vst v1;
	v1 =	vld [tilespmem:s10+$0x30C0]  }
0x20c: {  	v2 =	vld.idx.msk [tilespmem:v2+s30+$0x0], $0xffff;
	_ =	sdelay $0x5  }
0x20d: {  	[tilespmem:s10+$0x1D7B0] =	vst v2;
	v2 =	vld [tilespmem:s10+$0x30D0]  }
0x20e: {  	v1 =	vld.idx.msk [tilespmem:v1+s30+$0x0], $0xffff;
	_ =	sdelay $0x5  }
0x20f: {  	[tilespmem:s10+$0x1D7C0] =	vst v1;
	v3 =	vld [tilespmem:s10+$0x30E0]  }
0x210: {  	v1 =	vld.idx.msk [tilespmem:v2+s30+$0x0], $0xffff;
	_ =	sdelay $0x5  }
0x211: {  	[tilespmem:s10+$0x1D7D0] =	vst v1;
	v1 =	vld [tilespmem:s10+$0x30F0]  }
0x212: {  	v2 =	vld.idx.msk [tilespmem:v3+s30+$0x0], $0xffff  }
.Ltmp5:
0x213: {  	(pc) =	sbr.rel @p6 .LBB2_8-.Ltmp5, $2  }
0x214: {  	_ =	sdelay $0x2  }
0x215: {  	s12 =	sshra.s32 s11, $0x2;
	s11 =	sadd.s32 $0x400, s11  }
0x216: {  	_ =	sdelay $0x1  }
0x217: {  	v3 =	vld [tilespmem:s12+$0x3000]  }
0x218: {  	[tilespmem:s10+$0x1D7E0] =	vst v2  }
0x219: {  	v1 =	vld.idx.msk [tilespmem:v1+s30+$0x0], $0xffff;
	_ =	sdelay $0x3  }
0x21a: {  	v2 =	vld [tilespmem:s12+$0x3010]  }
0x21b: {  	[tilespmem:s10+$0x1D7F0] =	vst v1  }
0x21c: {  	v1 =	vld.idx.msk [tilespmem:v3+s30+$0x0], $0xffff;
	_ =	sdelay $0x4  }
0x21d: {  	[tilespmem:s12+$0x1D700] =	vst v1;
	v1 =	vld [tilespmem:s12+$0x3020]  }
0x21e: {  	v2 =	vld.idx.msk [tilespmem:v2+s30+$0x0], $0xffff;
	_ =	sdelay $0x4  }
0x21f: {  	[tilespmem:s12+$0x1D710] =	vst v2;
	v2 =	vld [tilespmem:s12+$0x3030];
	_ =	sdelay $0x1  }
0x220: {  	v1 =	vld.idx.msk [tilespmem:v1+s30+$0x0], $0xffff;
	_ =	sdelay $0x4  }
0x221: {  	[tilespmem:s12+$0x1D720] =	vst v1;
	v1 =	vld [tilespmem:s12+$0x3040]  }
0x222: {  	v2 =	vld.idx.msk [tilespmem:v2+s30+$0x0], $0xffff;
	_ =	sdelay $0x4  }
0x223: {  	[tilespmem:s12+$0x1D730] =	vst v2;
	v2 =	vld [tilespmem:s12+$0x3050];
	_ =	sdelay $0x1  }
0x224: {  	v1 =	vld.idx.msk [tilespmem:v1+s30+$0x0], $0xffff;
	_ =	sdelay $0x4  }
0x225: {  	[tilespmem:s12+$0x1D740] =	vst v1;
	v1 =	vld [tilespmem:s12+$0x3060]  }
0x226: {  	v2 =	vld.idx.msk [tilespmem:v2+s30+$0x0], $0xffff;
	_ =	sdelay $0x4  }
0x227: {  	[tilespmem:s12+$0x1D750] =	vst v2;
	v2 =	vld [tilespmem:s12+$0x3070];
	_ =	sdelay $0x1  }
0x228: {  	v1 =	vld.idx.msk [tilespmem:v1+s30+$0x0], $0xffff;
	_ =	sdelay $0x4  }
0x229: {  	[tilespmem:s12+$0x1D760] =	vst v1;
	v1 =	vld [tilespmem:s12+$0x3080]  }
0x22a: {  	v2 =	vld.idx.msk [tilespmem:v2+s30+$0x0], $0xffff;
	_ =	sdelay $0x4  }
0x22b: {  	[tilespmem:s12+$0x1D770] =	vst v2;
	v2 =	vld [tilespmem:s12+$0x3090];
	_ =	sdelay $0x1  }
0x22c: {  	v1 =	vld.idx.msk [tilespmem:v1+s30+$0x0], $0xffff;
	_ =	sdelay $0x4  }
0x22d: {  	[tilespmem:s12+$0x1D780] =	vst v1;
	v1 =	vld [tilespmem:s12+$0x30A0]  }
0x22e: {  	v2 =	vld.idx.msk [tilespmem:v2+s30+$0x0], $0xffff;
	_ =	sdelay $0x4  }
0x22f: {  	[tilespmem:s12+$0x1D790] =	vst v2;
	v2 =	vld [tilespmem:s12+$0x30B0];
	_ =	sdelay $0x1  }
0x230: {  	v1 =	vld.idx.msk [tilespmem:v1+s30+$0x0], $0xffff;
	_ =	sdelay $0x4  }
0x231: {  	[tilespmem:s12+$0x1D7A0] =	vst v1;
	v1 =	vld [tilespmem:s12+$0x30C0]  }
0x232: {  	v2 =	vld.idx.msk [tilespmem:v2+s30+$0x0], $0xffff;
	_ =	sdelay $0x4  }
0x233: {  	[tilespmem:s12+$0x1D7B0] =	vst v2;
	v2 =	vld [tilespmem:s12+$0x30D0];
	_ =	sdelay $0x1  }
0x234: {  	v1 =	vld.idx.msk [tilespmem:v1+s30+$0x0], $0xffff;
	_ =	sdelay $0x4  }
0x235: {  	[tilespmem:s12+$0x1D7C0] =	vst v1;
	v1 =	vld [tilespmem:s12+$0x30E0]  }
0x236: {  	v2 =	vld.idx.msk [tilespmem:v2+s30+$0x0], $0xffff;
	_ =	sdelay $0x4  }
0x237: {  	[tilespmem:s12+$0x1D7D0] =	vst v2;
	v2 =	vld [tilespmem:s12+$0x30F0];
	_ =	sdelay $0x1  }
0x238: {  	v1 =	vld.idx.msk [tilespmem:v1+s30+$0x0], $0xffff;
	_ =	sdelay $0x4  }
0x239: {  	[tilespmem:s12+$0x1D7E0] =	vst v1  }
0x23a: {  	v1 =	vld.idx.msk [tilespmem:v2+s30+$0x0], $0xffff;
	_ =	sdelay $0x4  }
0x23b: {  	[tilespmem:s12+$0x1D7F0] =	vst v1  }
0x23c: {  	[hbm4b:s16+s20] =	stream.strided.scatter [tilespmem:s6], [sflag:$0x3], $0x1000, s17, s20, $0x38;
	[tilespmem:$0x1E800] =	vst v63  }
0x23d: {  	s11 =	rddreg [dreg:$0x12]  }
0x23e: {  	[tilespmem:s30], [sflag:$0x1] =	stream.strided.gather [hbm4b:s11+s20], $0x6200, s17, s20, $0x38;
	[tilespmem:$0x1E800] =	vst v63  }
0x23f: {  	s12 =	rddreg [dreg:$0x13]  }
0x240: {  	[tilespmem:s0], [sflag:$0x1] =	stream.strided.gather [hbm4b:s12+s20], $0x6200, s17, s20, $0x38;
	[tilespmem:$0x1E800] =	vst v63  }
0x241: {  	s11 =	rddreg [dreg:$0x14]  }
0x242: {  	[tilespmem:s28], [sflag:$0x1] =	stream.strided.gather [hbm4b:s11+s20], $0x6200, s17, s20, $0x38;
	[tilespmem:$0x1E800] =	vst v63  }
0x243: {  	_ = 	snop  }
0x244: {  	[tilespmem:s31], [sflag:$0x1] =	stream.strided.gather [hbm4b:s13+s20], $0x6080, s17, s20, $0x38;
	[tilespmem:$0x1E800] =	vst v63  }
0x245: {  	s12 =	simm.s32 $0x0  }
0x246: {  	[tilespmem:s3], [sflag:$0x1] =	stream.linear.gather [hbm4b:s14+s12], $0x80, $0x38;
	[tilespmem:$0x1E800] =	vst v63  }
0x247: {  	_ =	swait.ge [sflag:s4], $0x6200  }
0x248: {  	[sflag:s4] =	ssyncset.done $0x0  }
0x249: {  	[sflag:s4] =	ssyncadd.s32 $0xFFFF9E00  }
0x24a: {  	_ =	swait.ge [sflag:s4], $0x6200  }
0x24b: {  	[sflag:s4] =	ssyncset.done $0x0  }
0x24c: {  	[sflag:s4] =	ssyncadd.s32 $0xFFFF9E00  }
0x24d: {  	_ =	swait.ge [sflag:s4], $0x6200  }
0x24e: {  	[sflag:s4] =	ssyncset.done $0x0  }
0x24f: {  	[sflag:s4] =	ssyncadd.s32 $0xFFFF9E00  }
0x250: {  	_ =	swait.ge [sflag:s4], $0x6080  }
0x251: {  	[sflag:s4] =	ssyncset.done $0x0  }
0x252: {  	[sflag:s4] =	ssyncadd.s32 $0xFFFF9F80  }
0x253: {  	_ =	swait.ge [sflag:s4], $0x80  }
0x254: {  	[sflag:s4] =	ssyncset.done $0x0  }
0x255: {  	[sflag:s4] =	ssyncadd.s32 $0xFFFFFF80  }
0x256: {  	_ =	swait.ge [sflag:s7], $0x1000  }
0x257: {  	[sflag:s7] =	ssyncset.done $0x0  }
0x258: {  	s10 =	simm.s32 $0x0;
	[sflag:s7] =	ssyncadd.s32 $0xFFFFF000  }
0x259: {  	v1 =	vld [tilespmem:s10+$0x0];
	_ =	sdelay $0x5  }
0x25a: {  	v2 =	vld [tilespmem:s10+$0x10];
	_ =	sdelay $0x1  }
0x25b: {  	v1 =	vld.idx.msk [tilespmem:v1+s30+$0x0], $0xffff;
	_ =	sdelay $0x4  }
0x25c: {  	[tilespmem:s10+$0x1C700] =	vst v1;
	v1 =	vld [tilespmem:s10+$0x20]  }
0x25d: {  	v2 =	vld.idx.msk [tilespmem:v2+s30+$0x0], $0xffff;
	_ =	sdelay $0x4  }
0x25e: {  	[tilespmem:s10+$0x1C710] =	vst v2;
	v2 =	vld [tilespmem:s10+$0x30];
	_ =	sdelay $0x1  }
0x25f: {  	v1 =	vld.idx.msk [tilespmem:v1+s30+$0x0], $0xffff;
	_ =	sdelay $0x4  }
0x260: {  	[tilespmem:s10+$0x1C720] =	vst v1;
	v1 =	vld [tilespmem:s10+$0x40]  }
0x261: {  	v2 =	vld.idx.msk [tilespmem:v2+s30+$0x0], $0xffff;
	_ =	sdelay $0x4  }
0x262: {  	[tilespmem:s10+$0x1C730] =	vst v2;
	v2 =	vld [tilespmem:s10+$0x50];
	_ =	sdelay $0x1  }
0x263: {  	v1 =	vld.idx.msk [tilespmem:v1+s30+$0x0], $0xffff;
	_ =	sdelay $0x4  }
0x264: {  	[tilespmem:s10+$0x1C740] =	vst v1;
	v1 =	vld [tilespmem:s10+$0x60]  }
0x265: {  	v2 =	vld.idx.msk [tilespmem:v2+s30+$0x0], $0xffff;
	_ =	sdelay $0x4  }
0x266: {  	[tilespmem:s10+$0x1C750] =	vst v2;
	v2 =	vld [tilespmem:s10+$0x70];
	_ =	sdelay $0x1  }
0x267: {  	v1 =	vld.idx.msk [tilespmem:v1+s30+$0x0], $0xffff;
	_ =	sdelay $0x4  }
0x268: {  	[tilespmem:s10+$0x1C760] =	vst v1;
	v1 =	vld [tilespmem:s10+$0x80]  }
0x269: {  	v2 =	vld.idx.msk [tilespmem:v2+s30+$0x0], $0xffff;
	_ =	sdelay $0x4  }
0x26a: {  	[tilespmem:s10+$0x1C770] =	vst v2;
	v2 =	vld [tilespmem:s10+$0x90];
	_ =	sdelay $0x1  }
0x26b: {  	v1 =	vld.idx.msk [tilespmem:v1+s30+$0x0], $0xffff;
	_ =	sdelay $0x4  }
0x26c: {  	[tilespmem:s10+$0x1C780] =	vst v1;
	v1 =	vld [tilespmem:s10+$0xA0]  }
0x26d: {  	v2 =	vld.idx.msk [tilespmem:v2+s30+$0x0], $0xffff;
	_ =	sdelay $0x4  }
0x26e: {  	[tilespmem:s10+$0x1C790] =	vst v2;
	v2 =	vld [tilespmem:s10+$0xB0];
	_ =	sdelay $0x1  }
0x26f: {  	v1 =	vld.idx.msk [tilespmem:v1+s30+$0x0], $0xffff;
	_ =	sdelay $0x4  }
0x270: {  	[tilespmem:s10+$0x1C7A0] =	vst v1;
	v1 =	vld [tilespmem:s10+$0xC0]  }
0x271: {  	v2 =	vld.idx.msk [tilespmem:v2+s30+$0x0], $0xffff;
	_ =	sdelay $0x4  }
0x272: {  	[tilespmem:s10+$0x1C7B0] =	vst v2;
	v2 =	vld [tilespmem:s10+$0xD0];
	_ =	sdelay $0x1  }
0x273: {  	v1 =	vld.idx.msk [tilespmem:v1+s30+$0x0], $0xffff;
	_ =	sdelay $0x4  }
0x274: {  	v3 =	vld [tilespmem:s10+$0xE0];
	[tilespmem:s10+$0x1C7C0] =	vst v1  }
0x275: {  	v1 =	vld.idx.msk [tilespmem:v2+s30+$0x0], $0xffff;
	_ =	sdelay $0x4  }
0x276: {  	[tilespmem:s10+$0x1C7D0] =	vst v1;
	v1 =	vld [tilespmem:s10+$0xF0];
	_ =	sdelay $0x1  }
0x277: {  	v2 =	vld.idx.msk [tilespmem:v3+s30+$0x0], $0xffff;
	_ =	sdelay $0x3  }
0x278: {  	s11 =	simm.s32 $0x800;
	s12 =	simm.s32 $0x100  }
.LBB2_10:
0x279: {  	p6 =	sne.s32 s11, $0x3C00;
	v3 =	vld [tilespmem:s12+$0x0];
	[tilespmem:s10+$0x1C7E0] =	vst v2  }
0x27a: {  	v1 =	vld.idx.msk [tilespmem:v1+s30+$0x0], $0xffff;
	_ =	sdelay $0x5  }
0x27b: {  	v2 =	vld [tilespmem:s12+$0x10];
	[tilespmem:s10+$0x1C7F0] =	vst v1;
	s10 =	smov.u32 s12  }
0x27c: {  	v1 =	vld.idx.msk [tilespmem:v3+s30+$0x0], $0xffff;
	_ =	sdelay $0x5  }
0x27d: {  	[tilespmem:s10+$0x1C700] =	vst v1;
	v1 =	vld [tilespmem:s10+$0x20]  }
0x27e: {  	v2 =	vld.idx.msk [tilespmem:v2+s30+$0x0], $0xffff;
	_ =	sdelay $0x5  }
0x27f: {  	[tilespmem:s10+$0x1C710] =	vst v2;
	v2 =	vld [tilespmem:s10+$0x30]  }
0x280: {  	v1 =	vld.idx.msk [tilespmem:v1+s30+$0x0], $0xffff;
	_ =	sdelay $0x5  }
0x281: {  	[tilespmem:s10+$0x1C720] =	vst v1;
	v1 =	vld [tilespmem:s10+$0x40]  }
0x282: {  	v2 =	vld.idx.msk [tilespmem:v2+s30+$0x0], $0xffff;
	_ =	sdelay $0x5  }
0x283: {  	[tilespmem:s10+$0x1C730] =	vst v2;
	v2 =	vld [tilespmem:s10+$0x50]  }
0x284: {  	v1 =	vld.idx.msk [tilespmem:v1+s30+$0x0], $0xffff;
	_ =	sdelay $0x5  }
0x285: {  	[tilespmem:s10+$0x1C740] =	vst v1;
	v1 =	vld [tilespmem:s10+$0x60]  }
0x286: {  	v2 =	vld.idx.msk [tilespmem:v2+s30+$0x0], $0xffff;
	_ =	sdelay $0x5  }
0x287: {  	[tilespmem:s10+$0x1C750] =	vst v2;
	v2 =	vld [tilespmem:s10+$0x70]  }
0x288: {  	v1 =	vld.idx.msk [tilespmem:v1+s30+$0x0], $0xffff;
	_ =	sdelay $0x5  }
0x289: {  	[tilespmem:s10+$0x1C760] =	vst v1;
	v1 =	vld [tilespmem:s10+$0x80]  }
0x28a: {  	v2 =	vld.idx.msk [tilespmem:v2+s30+$0x0], $0xffff;
	_ =	sdelay $0x5  }
0x28b: {  	[tilespmem:s10+$0x1C770] =	vst v2;
	v2 =	vld [tilespmem:s10+$0x90]  }
0x28c: {  	v1 =	vld.idx.msk [tilespmem:v1+s30+$0x0], $0xffff;
	_ =	sdelay $0x5  }
0x28d: {  	[tilespmem:s10+$0x1C780] =	vst v1;
	v1 =	vld [tilespmem:s10+$0xA0]  }
0x28e: {  	v2 =	vld.idx.msk [tilespmem:v2+s30+$0x0], $0xffff;
	_ =	sdelay $0x5  }
0x28f: {  	[tilespmem:s10+$0x1C790] =	vst v2;
	v2 =	vld [tilespmem:s10+$0xB0]  }
0x290: {  	v1 =	vld.idx.msk [tilespmem:v1+s30+$0x0], $0xffff;
	_ =	sdelay $0x5  }
0x291: {  	[tilespmem:s10+$0x1C7A0] =	vst v1;
	v1 =	vld [tilespmem:s10+$0xC0]  }
0x292: {  	v2 =	vld.idx.msk [tilespmem:v2+s30+$0x0], $0xffff;
	_ =	sdelay $0x5  }
0x293: {  	[tilespmem:s10+$0x1C7B0] =	vst v2;
	v2 =	vld [tilespmem:s10+$0xD0]  }
0x294: {  	v1 =	vld.idx.msk [tilespmem:v1+s30+$0x0], $0xffff;
	_ =	sdelay $0x5  }
0x295: {  	[tilespmem:s10+$0x1C7C0] =	vst v1;
	v3 =	vld [tilespmem:s10+$0xE0]  }
0x296: {  	v1 =	vld.idx.msk [tilespmem:v2+s30+$0x0], $0xffff;
	_ =	sdelay $0x5  }
0x297: {  	[tilespmem:s10+$0x1C7D0] =	vst v1;
	v1 =	vld [tilespmem:s10+$0xF0]  }
0x298: {  	v2 =	vld.idx.msk [tilespmem:v3+s30+$0x0], $0xffff  }
.Ltmp6:
0x299: {  	(pc) =	sbr.rel @p6 .LBB2_10-.Ltmp6, $2  }
0x29a: {  	_ =	sdelay $0x2  }
0x29b: {  	s12 =	sshra.s32 s11, $0x2;
	s11 =	sadd.s32 $0x400, s11  }
0x29c: {  	_ =	sdelay $0x1  }
0x29d: {  	v3 =	vld [tilespmem:s12+$0x0]  }
0x29e: {  	[tilespmem:s10+$0x1C7E0] =	vst v2  }
0x29f: {  	v1 =	vld.idx.msk [tilespmem:v1+s30+$0x0], $0xffff;
	_ =	sdelay $0x3  }
0x2a0: {  	v2 =	vld [tilespmem:s12+$0x10]  }
0x2a1: {  	[tilespmem:s10+$0x1C7F0] =	vst v1  }
0x2a2: {  	v1 =	vld.idx.msk [tilespmem:v3+s30+$0x0], $0xffff;
	_ =	sdelay $0x4  }
0x2a3: {  	[tilespmem:s12+$0x1C700] =	vst v1;
	v1 =	vld [tilespmem:s12+$0x20]  }
0x2a4: {  	v2 =	vld.idx.msk [tilespmem:v2+s30+$0x0], $0xffff;
	_ =	sdelay $0x4  }
0x2a5: {  	[tilespmem:s12+$0x1C710] =	vst v2;
	v2 =	vld [tilespmem:s12+$0x30];
	_ =	sdelay $0x1  }
0x2a6: {  	v1 =	vld.idx.msk [tilespmem:v1+s30+$0x0], $0xffff;
	_ =	sdelay $0x4  }
0x2a7: {  	[tilespmem:s12+$0x1C720] =	vst v1;
	v1 =	vld [tilespmem:s12+$0x40]  }
0x2a8: {  	v2 =	vld.idx.msk [tilespmem:v2+s30+$0x0], $0xffff;
	_ =	sdelay $0x4  }
0x2a9: {  	[tilespmem:s12+$0x1C730] =	vst v2;
	v2 =	vld [tilespmem:s12+$0x50];
	_ =	sdelay $0x1  }
0x2aa: {  	v1 =	vld.idx.msk [tilespmem:v1+s30+$0x0], $0xffff;
	_ =	sdelay $0x4  }
0x2ab: {  	[tilespmem:s12+$0x1C740] =	vst v1;
	v1 =	vld [tilespmem:s12+$0x60]  }
0x2ac: {  	v2 =	vld.idx.msk [tilespmem:v2+s30+$0x0], $0xffff;
	_ =	sdelay $0x4  }
0x2ad: {  	[tilespmem:s12+$0x1C750] =	vst v2;
	v2 =	vld [tilespmem:s12+$0x70];
	_ =	sdelay $0x1  }
0x2ae: {  	v1 =	vld.idx.msk [tilespmem:v1+s30+$0x0], $0xffff;
	_ =	sdelay $0x4  }
0x2af: {  	[tilespmem:s12+$0x1C760] =	vst v1;
	v1 =	vld [tilespmem:s12+$0x80]  }
0x2b0: {  	v2 =	vld.idx.msk [tilespmem:v2+s30+$0x0], $0xffff;
	_ =	sdelay $0x4  }
0x2b1: {  	[tilespmem:s12+$0x1C770] =	vst v2;
	v2 =	vld [tilespmem:s12+$0x90];
	_ =	sdelay $0x1  }
0x2b2: {  	v1 =	vld.idx.msk [tilespmem:v1+s30+$0x0], $0xffff;
	_ =	sdelay $0x4  }
0x2b3: {  	[tilespmem:s12+$0x1C780] =	vst v1;
	v1 =	vld [tilespmem:s12+$0xA0]  }
0x2b4: {  	v2 =	vld.idx.msk [tilespmem:v2+s30+$0x0], $0xffff;
	_ =	sdelay $0x4  }
0x2b5: {  	[tilespmem:s12+$0x1C790] =	vst v2;
	v2 =	vld [tilespmem:s12+$0xB0];
	_ =	sdelay $0x1  }
0x2b6: {  	v1 =	vld.idx.msk [tilespmem:v1+s30+$0x0], $0xffff;
	_ =	sdelay $0x4  }
0x2b7: {  	[tilespmem:s12+$0x1C7A0] =	vst v1;
	v1 =	vld [tilespmem:s12+$0xC0]  }
0x2b8: {  	v2 =	vld.idx.msk [tilespmem:v2+s30+$0x0], $0xffff;
	_ =	sdelay $0x4  }
0x2b9: {  	[tilespmem:s12+$0x1C7B0] =	vst v2;
	v2 =	vld [tilespmem:s12+$0xD0];
	_ =	sdelay $0x1  }
0x2ba: {  	v1 =	vld.idx.msk [tilespmem:v1+s30+$0x0], $0xffff;
	_ =	sdelay $0x4  }
0x2bb: {  	[tilespmem:s12+$0x1C7C0] =	vst v1;
	v1 =	vld [tilespmem:s12+$0xE0]  }
0x2bc: {  	v2 =	vld.idx.msk [tilespmem:v2+s30+$0x0], $0xffff;
	_ =	sdelay $0x4  }
0x2bd: {  	[tilespmem:s12+$0x1C7D0] =	vst v2;
	v2 =	vld [tilespmem:s12+$0xF0];
	_ =	sdelay $0x1  }
0x2be: {  	v1 =	vld.idx.msk [tilespmem:v1+s30+$0x0], $0xffff;
	_ =	sdelay $0x4  }
0x2bf: {  	[tilespmem:s12+$0x1C7E0] =	vst v1  }
0x2c0: {  	v1 =	vld.idx.msk [tilespmem:v2+s30+$0x0], $0xffff;
	_ =	sdelay $0x4  }
0x2c1: {  	[tilespmem:s12+$0x1C7F0] =	vst v1  }
0x2c2: {  	[hbm4b:s22+s20] =	stream.strided.scatter [tilespmem:s5], [sflag:$0x2], $0x1000, s17, s20, $0x38;
	[tilespmem:$0x1E800] =	vst v63  }
0x2c3: {  	_ =	swait.ge [sflag:s8], $0x1000  }
0x2c4: {  	[sflag:s8] =	ssyncset.done $0x0  }
0x2c5: {  	s10 =	simm.s32 $0x0;
	[sflag:s8] =	ssyncadd.s32 $0xFFFFF000  }
0x2c6: {  	v1 =	vld [tilespmem:s10+$0x1000];
	_ =	sdelay $0x5  }
0x2c7: {  	v2 =	vld [tilespmem:s10+$0x1010];
	_ =	sdelay $0x1  }
0x2c8: {  	v1 =	vld.idx.msk [tilespmem:v1+s30+$0x0], $0xffff;
	_ =	sdelay $0x4  }
0x2c9: {  	[tilespmem:s10+$0x1D700] =	vst v1;
	v1 =	vld [tilespmem:s10+$0x1020]  }
0x2ca: {  	v2 =	vld.idx.msk [tilespmem:v2+s30+$0x0], $0xffff;
	_ =	sdelay $0x4  }
0x2cb: {  	[tilespmem:s10+$0x1D710] =	vst v2;
	v2 =	vld [tilespmem:s10+$0x1030];
	_ =	sdelay $0x1  }
0x2cc: {  	v1 =	vld.idx.msk [tilespmem:v1+s30+$0x0], $0xffff;
	_ =	sdelay $0x4  }
0x2cd: {  	[tilespmem:s10+$0x1D720] =	vst v1;
	v1 =	vld [tilespmem:s10+$0x1040]  }
0x2ce: {  	v2 =	vld.idx.msk [tilespmem:v2+s30+$0x0], $0xffff;
	_ =	sdelay $0x4  }
0x2cf: {  	[tilespmem:s10+$0x1D730] =	vst v2;
	v2 =	vld [tilespmem:s10+$0x1050];
	_ =	sdelay $0x1  }
0x2d0: {  	v1 =	vld.idx.msk [tilespmem:v1+s30+$0x0], $0xffff;
	_ =	sdelay $0x4  }
0x2d1: {  	[tilespmem:s10+$0x1D740] =	vst v1;
	v1 =	vld [tilespmem:s10+$0x1060]  }
0x2d2: {  	v2 =	vld.idx.msk [tilespmem:v2+s30+$0x0], $0xffff;
	_ =	sdelay $0x4  }
0x2d3: {  	[tilespmem:s10+$0x1D750] =	vst v2;
	v2 =	vld [tilespmem:s10+$0x1070];
	_ =	sdelay $0x1  }
0x2d4: {  	v1 =	vld.idx.msk [tilespmem:v1+s30+$0x0], $0xffff;
	_ =	sdelay $0x4  }
0x2d5: {  	[tilespmem:s10+$0x1D760] =	vst v1;
	v1 =	vld [tilespmem:s10+$0x1080]  }
0x2d6: {  	v2 =	vld.idx.msk [tilespmem:v2+s30+$0x0], $0xffff;
	_ =	sdelay $0x4  }
0x2d7: {  	[tilespmem:s10+$0x1D770] =	vst v2;
	v2 =	vld [tilespmem:s10+$0x1090];
	_ =	sdelay $0x1  }
0x2d8: {  	v1 =	vld.idx.msk [tilespmem:v1+s30+$0x0], $0xffff;
	_ =	sdelay $0x4  }
0x2d9: {  	[tilespmem:s10+$0x1D780] =	vst v1;
	v1 =	vld [tilespmem:s10+$0x10A0]  }
0x2da: {  	v2 =	vld.idx.msk [tilespmem:v2+s30+$0x0], $0xffff;
	_ =	sdelay $0x4  }
0x2db: {  	[tilespmem:s10+$0x1D790] =	vst v2;
	v2 =	vld [tilespmem:s10+$0x10B0];
	_ =	sdelay $0x1  }
0x2dc: {  	v1 =	vld.idx.msk [tilespmem:v1+s30+$0x0], $0xffff;
	_ =	sdelay $0x4  }
0x2dd: {  	[tilespmem:s10+$0x1D7A0] =	vst v1;
	v1 =	vld [tilespmem:s10+$0x10C0]  }
0x2de: {  	v2 =	vld.idx.msk [tilespmem:v2+s30+$0x0], $0xffff;
	_ =	sdelay $0x4  }
0x2df: {  	[tilespmem:s10+$0x1D7B0] =	vst v2;
	v2 =	vld [tilespmem:s10+$0x10D0];
	_ =	sdelay $0x1  }
0x2e0: {  	v1 =	vld.idx.msk [tilespmem:v1+s30+$0x0], $0xffff;
	_ =	sdelay $0x4  }
0x2e1: {  	v3 =	vld [tilespmem:s10+$0x10E0];
	[tilespmem:s10+$0x1D7C0] =	vst v1  }
0x2e2: {  	v1 =	vld.idx.msk [tilespmem:v2+s30+$0x0], $0xffff;
	_ =	sdelay $0x4  }
0x2e3: {  	[tilespmem:s10+$0x1D7D0] =	vst v1;
	v1 =	vld [tilespmem:s10+$0x10F0];
	_ =	sdelay $0x1  }
0x2e4: {  	v2 =	vld.idx.msk [tilespmem:v3+s30+$0x0], $0xffff;
	_ =	sdelay $0x3  }
0x2e5: {  	s11 =	simm.s32 $0x800;
	s12 =	simm.s32 $0x100  }
.LBB2_12:
0x2e6: {  	p6 =	sne.s32 s11, $0x3C00;
	v3 =	vld [tilespmem:s12+$0x1000];
	[tilespmem:s10+$0x1D7E0] =	vst v2  }
0x2e7: {  	v1 =	vld.idx.msk [tilespmem:v1+s30+$0x0], $0xffff;
	_ =	sdelay $0x5  }
0x2e8: {  	v2 =	vld [tilespmem:s12+$0x1010];
	[tilespmem:s10+$0x1D7F0] =	vst v1;
	s10 =	smov.u32 s12  }
0x2e9: {  	v1 =	vld.idx.msk [tilespmem:v3+s30+$0x0], $0xffff;
	_ =	sdelay $0x5  }
0x2ea: {  	[tilespmem:s10+$0x1D700] =	vst v1;
	v1 =	vld [tilespmem:s10+$0x1020]  }
0x2eb: {  	v2 =	vld.idx.msk [tilespmem:v2+s30+$0x0], $0xffff;
	_ =	sdelay $0x5  }
0x2ec: {  	[tilespmem:s10+$0x1D710] =	vst v2;
	v2 =	vld [tilespmem:s10+$0x1030]  }
0x2ed: {  	v1 =	vld.idx.msk [tilespmem:v1+s30+$0x0], $0xffff;
	_ =	sdelay $0x5  }
0x2ee: {  	[tilespmem:s10+$0x1D720] =	vst v1;
	v1 =	vld [tilespmem:s10+$0x1040]  }
0x2ef: {  	v2 =	vld.idx.msk [tilespmem:v2+s30+$0x0], $0xffff;
	_ =	sdelay $0x5  }
0x2f0: {  	[tilespmem:s10+$0x1D730] =	vst v2;
	v2 =	vld [tilespmem:s10+$0x1050]  }
0x2f1: {  	v1 =	vld.idx.msk [tilespmem:v1+s30+$0x0], $0xffff;
	_ =	sdelay $0x5  }
0x2f2: {  	[tilespmem:s10+$0x1D740] =	vst v1;
	v1 =	vld [tilespmem:s10+$0x1060]  }
0x2f3: {  	v2 =	vld.idx.msk [tilespmem:v2+s30+$0x0], $0xffff;
	_ =	sdelay $0x5  }
0x2f4: {  	[tilespmem:s10+$0x1D750] =	vst v2;
	v2 =	vld [tilespmem:s10+$0x1070]  }
0x2f5: {  	v1 =	vld.idx.msk [tilespmem:v1+s30+$0x0], $0xffff;
	_ =	sdelay $0x5  }
0x2f6: {  	[tilespmem:s10+$0x1D760] =	vst v1;
	v1 =	vld [tilespmem:s10+$0x1080]  }
0x2f7: {  	v2 =	vld.idx.msk [tilespmem:v2+s30+$0x0], $0xffff;
	_ =	sdelay $0x5  }
0x2f8: {  	[tilespmem:s10+$0x1D770] =	vst v2;
	v2 =	vld [tilespmem:s10+$0x1090]  }
0x2f9: {  	v1 =	vld.idx.msk [tilespmem:v1+s30+$0x0], $0xffff;
	_ =	sdelay $0x5  }
0x2fa: {  	[tilespmem:s10+$0x1D780] =	vst v1;
	v1 =	vld [tilespmem:s10+$0x10A0]  }
0x2fb: {  	v2 =	vld.idx.msk [tilespmem:v2+s30+$0x0], $0xffff;
	_ =	sdelay $0x5  }
0x2fc: {  	[tilespmem:s10+$0x1D790] =	vst v2;
	v2 =	vld [tilespmem:s10+$0x10B0]  }
0x2fd: {  	v1 =	vld.idx.msk [tilespmem:v1+s30+$0x0], $0xffff;
	_ =	sdelay $0x5  }
0x2fe: {  	[tilespmem:s10+$0x1D7A0] =	vst v1;
	v1 =	vld [tilespmem:s10+$0x10C0]  }
0x2ff: {  	v2 =	vld.idx.msk [tilespmem:v2+s30+$0x0], $0xffff;
	_ =	sdelay $0x5  }
0x300: {  	[tilespmem:s10+$0x1D7B0] =	vst v2;
	v2 =	vld [tilespmem:s10+$0x10D0]  }
0x301: {  	v1 =	vld.idx.msk [tilespmem:v1+s30+$0x0], $0xffff;
	_ =	sdelay $0x5  }
0x302: {  	[tilespmem:s10+$0x1D7C0] =	vst v1;
	v3 =	vld [tilespmem:s10+$0x10E0]  }
0x303: {  	v1 =	vld.idx.msk [tilespmem:v2+s30+$0x0], $0xffff;
	_ =	sdelay $0x5  }
0x304: {  	[tilespmem:s10+$0x1D7D0] =	vst v1;
	v1 =	vld [tilespmem:s10+$0x10F0]  }
0x305: {  	v2 =	vld.idx.msk [tilespmem:v3+s30+$0x0], $0xffff  }
.Ltmp7:
0x306: {  	(pc) =	sbr.rel @p6 .LBB2_12-.Ltmp7, $2  }
0x307: {  	_ =	sdelay $0x2  }
0x308: {  	s12 =	sshra.s32 s11, $0x2;
	s11 =	sadd.s32 $0x400, s11  }
0x309: {  	_ =	sdelay $0x1  }
0x30a: {  	v3 =	vld [tilespmem:s12+$0x1000]  }
0x30b: {  	[tilespmem:s10+$0x1D7E0] =	vst v2  }
0x30c: {  	v1 =	vld.idx.msk [tilespmem:v1+s30+$0x0], $0xffff;
	_ =	sdelay $0x3  }
0x30d: {  	v2 =	vld [tilespmem:s12+$0x1010]  }
0x30e: {  	[tilespmem:s10+$0x1D7F0] =	vst v1  }
0x30f: {  	v1 =	vld.idx.msk [tilespmem:v3+s30+$0x0], $0xffff;
	_ =	sdelay $0x4  }
0x310: {  	[tilespmem:s12+$0x1D700] =	vst v1;
	v1 =	vld [tilespmem:s12+$0x1020]  }
0x311: {  	v2 =	vld.idx.msk [tilespmem:v2+s30+$0x0], $0xffff;
	_ =	sdelay $0x4  }
0x312: {  	[tilespmem:s12+$0x1D710] =	vst v2;
	v2 =	vld [tilespmem:s12+$0x1030];
	_ =	sdelay $0x1  }
0x313: {  	v1 =	vld.idx.msk [tilespmem:v1+s30+$0x0], $0xffff;
	_ =	sdelay $0x4  }
0x314: {  	[tilespmem:s12+$0x1D720] =	vst v1;
	v1 =	vld [tilespmem:s12+$0x1040]  }
0x315: {  	v2 =	vld.idx.msk [tilespmem:v2+s30+$0x0], $0xffff;
	_ =	sdelay $0x4  }
0x316: {  	[tilespmem:s12+$0x1D730] =	vst v2;
	v2 =	vld [tilespmem:s12+$0x1050];
	_ =	sdelay $0x1  }
0x317: {  	v1 =	vld.idx.msk [tilespmem:v1+s30+$0x0], $0xffff;
	_ =	sdelay $0x4  }
0x318: {  	[tilespmem:s12+$0x1D740] =	vst v1;
	v1 =	vld [tilespmem:s12+$0x1060]  }
0x319: {  	v2 =	vld.idx.msk [tilespmem:v2+s30+$0x0], $0xffff;
	_ =	sdelay $0x4  }
0x31a: {  	[tilespmem:s12+$0x1D750] =	vst v2;
	v2 =	vld [tilespmem:s12+$0x1070];
	_ =	sdelay $0x1  }
0x31b: {  	v1 =	vld.idx.msk [tilespmem:v1+s30+$0x0], $0xffff;
	_ =	sdelay $0x4  }
0x31c: {  	[tilespmem:s12+$0x1D760] =	vst v1;
	v1 =	vld [tilespmem:s12+$0x1080]  }
0x31d: {  	v2 =	vld.idx.msk [tilespmem:v2+s30+$0x0], $0xffff;
	_ =	sdelay $0x4  }
0x31e: {  	[tilespmem:s12+$0x1D770] =	vst v2;
	v2 =	vld [tilespmem:s12+$0x1090];
	_ =	sdelay $0x1  }
0x31f: {  	v1 =	vld.idx.msk [tilespmem:v1+s30+$0x0], $0xffff;
	_ =	sdelay $0x4  }
0x320: {  	[tilespmem:s12+$0x1D780] =	vst v1;
	v1 =	vld [tilespmem:s12+$0x10A0]  }
0x321: {  	v2 =	vld.idx.msk [tilespmem:v2+s30+$0x0], $0xffff;
	_ =	sdelay $0x4  }
0x322: {  	[tilespmem:s12+$0x1D790] =	vst v2;
	v2 =	vld [tilespmem:s12+$0x10B0];
	_ =	sdelay $0x1  }
0x323: {  	v1 =	vld.idx.msk [tilespmem:v1+s30+$0x0], $0xffff;
	_ =	sdelay $0x4  }
0x324: {  	[tilespmem:s12+$0x1D7A0] =	vst v1;
	v1 =	vld [tilespmem:s12+$0x10C0]  }
0x325: {  	v2 =	vld.idx.msk [tilespmem:v2+s30+$0x0], $0xffff;
	_ =	sdelay $0x4  }
0x326: {  	[tilespmem:s12+$0x1D7B0] =	vst v2;
	v2 =	vld [tilespmem:s12+$0x10D0];
	_ =	sdelay $0x1  }
0x327: {  	v1 =	vld.idx.msk [tilespmem:v1+s30+$0x0], $0xffff;
	_ =	sdelay $0x4  }
0x328: {  	[tilespmem:s12+$0x1D7C0] =	vst v1;
	v1 =	vld [tilespmem:s12+$0x10E0]  }
0x329: {  	v2 =	vld.idx.msk [tilespmem:v2+s30+$0x0], $0xffff;
	_ =	sdelay $0x4  }
0x32a: {  	[tilespmem:s12+$0x1D7D0] =	vst v2;
	v2 =	vld [tilespmem:s12+$0x10F0];
	_ =	sdelay $0x1  }
0x32b: {  	v1 =	vld.idx.msk [tilespmem:v1+s30+$0x0], $0xffff;
	_ =	sdelay $0x4  }
0x32c: {  	[tilespmem:s12+$0x1D7E0] =	vst v1  }
0x32d: {  	v1 =	vld.idx.msk [tilespmem:v2+s30+$0x0], $0xffff;
	_ =	sdelay $0x4  }
0x32e: {  	[tilespmem:s12+$0x1D7F0] =	vst v1  }
0x32f: {  	[hbm4b:s23+s20] =	stream.strided.scatter [tilespmem:s6], [sflag:$0x3], $0x1000, s17, s20, $0x38;
	[tilespmem:$0x1E800] =	vst v63  }
0x330: {  	_ =	swait.ge [sflag:s7], $0x1000  }
0x331: {  	[sflag:s7] =	ssyncset.done $0x0  }
0x332: {  	s10 =	simm.s32 $0x0;
	[sflag:s7] =	ssyncadd.s32 $0xFFFFF000  }
0x333: {  	v1 =	vld [tilespmem:s10+$0x2000];
	_ =	sdelay $0x5  }
0x334: {  	v2 =	vld [tilespmem:s10+$0x2010];
	_ =	sdelay $0x1  }
0x335: {  	v1 =	vld.idx.msk [tilespmem:v1+s30+$0x0], $0xffff;
	_ =	sdelay $0x4  }
0x336: {  	[tilespmem:s10+$0x1C700] =	vst v1;
	v1 =	vld [tilespmem:s10+$0x2020]  }
0x337: {  	v2 =	vld.idx.msk [tilespmem:v2+s30+$0x0], $0xffff;
	_ =	sdelay $0x4  }
0x338: {  	[tilespmem:s10+$0x1C710] =	vst v2;
	v2 =	vld [tilespmem:s10+$0x2030];
	_ =	sdelay $0x1  }
0x339: {  	v1 =	vld.idx.msk [tilespmem:v1+s30+$0x0], $0xffff;
	_ =	sdelay $0x4  }
0x33a: {  	[tilespmem:s10+$0x1C720] =	vst v1;
	v1 =	vld [tilespmem:s10+$0x2040]  }
0x33b: {  	v2 =	vld.idx.msk [tilespmem:v2+s30+$0x0], $0xffff;
	_ =	sdelay $0x4  }
0x33c: {  	[tilespmem:s10+$0x1C730] =	vst v2;
	v2 =	vld [tilespmem:s10+$0x2050];
	_ =	sdelay $0x1  }
0x33d: {  	v1 =	vld.idx.msk [tilespmem:v1+s30+$0x0], $0xffff;
	_ =	sdelay $0x4  }
0x33e: {  	[tilespmem:s10+$0x1C740] =	vst v1;
	v1 =	vld [tilespmem:s10+$0x2060]  }
0x33f: {  	v2 =	vld.idx.msk [tilespmem:v2+s30+$0x0], $0xffff;
	_ =	sdelay $0x4  }
0x340: {  	[tilespmem:s10+$0x1C750] =	vst v2;
	v2 =	vld [tilespmem:s10+$0x2070];
	_ =	sdelay $0x1  }
0x341: {  	v1 =	vld.idx.msk [tilespmem:v1+s30+$0x0], $0xffff;
	_ =	sdelay $0x4  }
0x342: {  	[tilespmem:s10+$0x1C760] =	vst v1;
	v1 =	vld [tilespmem:s10+$0x2080]  }
0x343: {  	v2 =	vld.idx.msk [tilespmem:v2+s30+$0x0], $0xffff;
	_ =	sdelay $0x4  }
0x344: {  	[tilespmem:s10+$0x1C770] =	vst v2;
	v2 =	vld [tilespmem:s10+$0x2090];
	_ =	sdelay $0x1  }
0x345: {  	v1 =	vld.idx.msk [tilespmem:v1+s30+$0x0], $0xffff;
	_ =	sdelay $0x4  }
0x346: {  	[tilespmem:s10+$0x1C780] =	vst v1;
	v1 =	vld [tilespmem:s10+$0x20A0]  }
0x347: {  	v2 =	vld.idx.msk [tilespmem:v2+s30+$0x0], $0xffff;
	_ =	sdelay $0x4  }
0x348: {  	[tilespmem:s10+$0x1C790] =	vst v2;
	v2 =	vld [tilespmem:s10+$0x20B0];
	_ =	sdelay $0x1  }
0x349: {  	v1 =	vld.idx.msk [tilespmem:v1+s30+$0x0], $0xffff;
	_ =	sdelay $0x4  }
0x34a: {  	[tilespmem:s10+$0x1C7A0] =	vst v1;
	v1 =	vld [tilespmem:s10+$0x20C0]  }
0x34b: {  	v2 =	vld.idx.msk [tilespmem:v2+s30+$0x0], $0xffff;
	_ =	sdelay $0x4  }
0x34c: {  	[tilespmem:s10+$0x1C7B0] =	vst v2;
	v2 =	vld [tilespmem:s10+$0x20D0];
	_ =	sdelay $0x1  }
0x34d: {  	v1 =	vld.idx.msk [tilespmem:v1+s30+$0x0], $0xffff;
	_ =	sdelay $0x4  }
0x34e: {  	v3 =	vld [tilespmem:s10+$0x20E0];
	[tilespmem:s10+$0x1C7C0] =	vst v1  }
0x34f: {  	v1 =	vld.idx.msk [tilespmem:v2+s30+$0x0], $0xffff;
	_ =	sdelay $0x4  }
0x350: {  	[tilespmem:s10+$0x1C7D0] =	vst v1;
	v1 =	vld [tilespmem:s10+$0x20F0];
	_ =	sdelay $0x1  }
0x351: {  	v2 =	vld.idx.msk [tilespmem:v3+s30+$0x0], $0xffff;
	_ =	sdelay $0x3  }
0x352: {  	s11 =	simm.s32 $0x800;
	s12 =	simm.s32 $0x100  }
.LBB2_14:
0x353: {  	p6 =	sne.s32 s11, $0x3C00;
	v3 =	vld [tilespmem:s12+$0x2000];
	[tilespmem:s10+$0x1C7E0] =	vst v2  }
0x354: {  	v1 =	vld.idx.msk [tilespmem:v1+s30+$0x0], $0xffff;
	_ =	sdelay $0x5  }
0x355: {  	v2 =	vld [tilespmem:s12+$0x2010];
	[tilespmem:s10+$0x1C7F0] =	vst v1;
	s10 =	smov.u32 s12  }
0x356: {  	v1 =	vld.idx.msk [tilespmem:v3+s30+$0x0], $0xffff;
	_ =	sdelay $0x5  }
0x357: {  	[tilespmem:s10+$0x1C700] =	vst v1;
	v1 =	vld [tilespmem:s10+$0x2020]  }
0x358: {  	v2 =	vld.idx.msk [tilespmem:v2+s30+$0x0], $0xffff;
	_ =	sdelay $0x5  }
0x359: {  	[tilespmem:s10+$0x1C710] =	vst v2;
	v2 =	vld [tilespmem:s10+$0x2030]  }
0x35a: {  	v1 =	vld.idx.msk [tilespmem:v1+s30+$0x0], $0xffff;
	_ =	sdelay $0x5  }
0x35b: {  	[tilespmem:s10+$0x1C720] =	vst v1;
	v1 =	vld [tilespmem:s10+$0x2040]  }
0x35c: {  	v2 =	vld.idx.msk [tilespmem:v2+s30+$0x0], $0xffff;
	_ =	sdelay $0x5  }
0x35d: {  	[tilespmem:s10+$0x1C730] =	vst v2;
	v2 =	vld [tilespmem:s10+$0x2050]  }
0x35e: {  	v1 =	vld.idx.msk [tilespmem:v1+s30+$0x0], $0xffff;
	_ =	sdelay $0x5  }
0x35f: {  	[tilespmem:s10+$0x1C740] =	vst v1;
	v1 =	vld [tilespmem:s10+$0x2060]  }
0x360: {  	v2 =	vld.idx.msk [tilespmem:v2+s30+$0x0], $0xffff;
	_ =	sdelay $0x5  }
0x361: {  	[tilespmem:s10+$0x1C750] =	vst v2;
	v2 =	vld [tilespmem:s10+$0x2070]  }
0x362: {  	v1 =	vld.idx.msk [tilespmem:v1+s30+$0x0], $0xffff;
	_ =	sdelay $0x5  }
0x363: {  	[tilespmem:s10+$0x1C760] =	vst v1;
	v1 =	vld [tilespmem:s10+$0x2080]  }
0x364: {  	v2 =	vld.idx.msk [tilespmem:v2+s30+$0x0], $0xffff;
	_ =	sdelay $0x5  }
0x365: {  	[tilespmem:s10+$0x1C770] =	vst v2;
	v2 =	vld [tilespmem:s10+$0x2090]  }
0x366: {  	v1 =	vld.idx.msk [tilespmem:v1+s30+$0x0], $0xffff;
	_ =	sdelay $0x5  }
0x367: {  	[tilespmem:s10+$0x1C780] =	vst v1;
	v1 =	vld [tilespmem:s10+$0x20A0]  }
0x368: {  	v2 =	vld.idx.msk [tilespmem:v2+s30+$0x0], $0xffff;
	_ =	sdelay $0x5  }
0x369: {  	[tilespmem:s10+$0x1C790] =	vst v2;
	v2 =	vld [tilespmem:s10+$0x20B0]  }
0x36a: {  	v1 =	vld.idx.msk [tilespmem:v1+s30+$0x0], $0xffff;
	_ =	sdelay $0x5  }
0x36b: {  	[tilespmem:s10+$0x1C7A0] =	vst v1;
	v1 =	vld [tilespmem:s10+$0x20C0]  }
0x36c: {  	v2 =	vld.idx.msk [tilespmem:v2+s30+$0x0], $0xffff;
	_ =	sdelay $0x5  }
0x36d: {  	[tilespmem:s10+$0x1C7B0] =	vst v2;
	v2 =	vld [tilespmem:s10+$0x20D0]  }
0x36e: {  	v1 =	vld.idx.msk [tilespmem:v1+s30+$0x0], $0xffff;
	_ =	sdelay $0x5  }
0x36f: {  	[tilespmem:s10+$0x1C7C0] =	vst v1;
	v3 =	vld [tilespmem:s10+$0x20E0]  }
0x370: {  	v1 =	vld.idx.msk [tilespmem:v2+s30+$0x0], $0xffff;
	_ =	sdelay $0x5  }
0x371: {  	[tilespmem:s10+$0x1C7D0] =	vst v1;
	v1 =	vld [tilespmem:s10+$0x20F0]  }
0x372: {  	v2 =	vld.idx.msk [tilespmem:v3+s30+$0x0], $0xffff  }
.Ltmp8:
0x373: {  	(pc) =	sbr.rel @p6 .LBB2_14-.Ltmp8, $2  }
0x374: {  	_ =	sdelay $0x2  }
0x375: {  	s12 =	sshra.s32 s11, $0x2;
	s11 =	sadd.s32 $0x400, s11  }
0x376: {  	_ =	sdelay $0x1  }
0x377: {  	v3 =	vld [tilespmem:s12+$0x2000]  }
0x378: {  	[tilespmem:s10+$0x1C7E0] =	vst v2  }
0x379: {  	v1 =	vld.idx.msk [tilespmem:v1+s30+$0x0], $0xffff;
	_ =	sdelay $0x3  }
0x37a: {  	v2 =	vld [tilespmem:s12+$0x2010]  }
0x37b: {  	[tilespmem:s10+$0x1C7F0] =	vst v1  }
0x37c: {  	v1 =	vld.idx.msk [tilespmem:v3+s30+$0x0], $0xffff;
	_ =	sdelay $0x4  }
0x37d: {  	[tilespmem:s12+$0x1C700] =	vst v1;
	v1 =	vld [tilespmem:s12+$0x2020]  }
0x37e: {  	v2 =	vld.idx.msk [tilespmem:v2+s30+$0x0], $0xffff;
	_ =	sdelay $0x4  }
0x37f: {  	[tilespmem:s12+$0x1C710] =	vst v2;
	v2 =	vld [tilespmem:s12+$0x2030];
	_ =	sdelay $0x1  }
0x380: {  	v1 =	vld.idx.msk [tilespmem:v1+s30+$0x0], $0xffff;
	_ =	sdelay $0x4  }
0x381: {  	[tilespmem:s12+$0x1C720] =	vst v1;
	v1 =	vld [tilespmem:s12+$0x2040]  }
0x382: {  	v2 =	vld.idx.msk [tilespmem:v2+s30+$0x0], $0xffff;
	_ =	sdelay $0x4  }
0x383: {  	[tilespmem:s12+$0x1C730] =	vst v2;
	v2 =	vld [tilespmem:s12+$0x2050];
	_ =	sdelay $0x1  }
0x384: {  	v1 =	vld.idx.msk [tilespmem:v1+s30+$0x0], $0xffff;
	_ =	sdelay $0x4  }
0x385: {  	[tilespmem:s12+$0x1C740] =	vst v1;
	v1 =	vld [tilespmem:s12+$0x2060]  }
0x386: {  	v2 =	vld.idx.msk [tilespmem:v2+s30+$0x0], $0xffff;
	_ =	sdelay $0x4  }
0x387: {  	[tilespmem:s12+$0x1C750] =	vst v2;
	v2 =	vld [tilespmem:s12+$0x2070];
	_ =	sdelay $0x1  }
0x388: {  	v1 =	vld.idx.msk [tilespmem:v1+s30+$0x0], $0xffff;
	_ =	sdelay $0x4  }
0x389: {  	[tilespmem:s12+$0x1C760] =	vst v1;
	v1 =	vld [tilespmem:s12+$0x2080]  }
0x38a: {  	v2 =	vld.idx.msk [tilespmem:v2+s30+$0x0], $0xffff;
	_ =	sdelay $0x4  }
0x38b: {  	[tilespmem:s12+$0x1C770] =	vst v2;
	v2 =	vld [tilespmem:s12+$0x2090];
	_ =	sdelay $0x1  }
0x38c: {  	v1 =	vld.idx.msk [tilespmem:v1+s30+$0x0], $0xffff;
	_ =	sdelay $0x4  }
0x38d: {  	[tilespmem:s12+$0x1C780] =	vst v1;
	v1 =	vld [tilespmem:s12+$0x20A0]  }
0x38e: {  	v2 =	vld.idx.msk [tilespmem:v2+s30+$0x0], $0xffff;
	_ =	sdelay $0x4  }
0x38f: {  	[tilespmem:s12+$0x1C790] =	vst v2;
	v2 =	vld [tilespmem:s12+$0x20B0];
	_ =	sdelay $0x1  }
0x390: {  	v1 =	vld.idx.msk [tilespmem:v1+s30+$0x0], $0xffff;
	_ =	sdelay $0x4  }
0x391: {  	[tilespmem:s12+$0x1C7A0] =	vst v1;
	v1 =	vld [tilespmem:s12+$0x20C0]  }
0x392: {  	v2 =	vld.idx.msk [tilespmem:v2+s30+$0x0], $0xffff;
	_ =	sdelay $0x4  }
0x393: {  	[tilespmem:s12+$0x1C7B0] =	vst v2;
	v2 =	vld [tilespmem:s12+$0x20D0];
	_ =	sdelay $0x1  }
0x394: {  	v1 =	vld.idx.msk [tilespmem:v1+s30+$0x0], $0xffff;
	_ =	sdelay $0x4  }
0x395: {  	[tilespmem:s12+$0x1C7C0] =	vst v1;
	v1 =	vld [tilespmem:s12+$0x20E0]  }
0x396: {  	v2 =	vld.idx.msk [tilespmem:v2+s30+$0x0], $0xffff;
	_ =	sdelay $0x4  }
0x397: {  	[tilespmem:s12+$0x1C7D0] =	vst v2;
	v2 =	vld [tilespmem:s12+$0x20F0];
	_ =	sdelay $0x1  }
0x398: {  	v1 =	vld.idx.msk [tilespmem:v1+s30+$0x0], $0xffff;
	_ =	sdelay $0x4  }
0x399: {  	[tilespmem:s12+$0x1C7E0] =	vst v1  }
0x39a: {  	v1 =	vld.idx.msk [tilespmem:v2+s30+$0x0], $0xffff;
	_ =	sdelay $0x4  }
0x39b: {  	[tilespmem:s12+$0x1C7F0] =	vst v1  }
0x39c: {  	[hbm4b:s18+s20] =	stream.strided.scatter [tilespmem:s5], [sflag:$0x2], $0x1000, s17, s20, $0x38;
	[tilespmem:$0x1E800] =	vst v63  }
0x39d: {  	_ =	swait.ge [sflag:s8], $0x1000  }
0x39e: {  	[sflag:s8] =	ssyncset.done $0x0  }
0x39f: {  	s10 =	simm.s32 $0x0;
	[sflag:s8] =	ssyncadd.s32 $0xFFFFF000  }
0x3a0: {  	v1 =	vld [tilespmem:s10+$0x3000];
	_ =	sdelay $0x5  }
0x3a1: {  	v2 =	vld [tilespmem:s10+$0x3010];
	_ =	sdelay $0x1  }
0x3a2: {  	v1 =	vld.idx.msk [tilespmem:v1+s30+$0x0], $0xffff;
	_ =	sdelay $0x4  }
0x3a3: {  	[tilespmem:s10+$0x1D700] =	vst v1;
	v1 =	vld [tilespmem:s10+$0x3020]  }
0x3a4: {  	v2 =	vld.idx.msk [tilespmem:v2+s30+$0x0], $0xffff;
	_ =	sdelay $0x4  }
0x3a5: {  	[tilespmem:s10+$0x1D710] =	vst v2;
	v2 =	vld [tilespmem:s10+$0x3030];
	_ =	sdelay $0x1  }
0x3a6: {  	v1 =	vld.idx.msk [tilespmem:v1+s30+$0x0], $0xffff;
	_ =	sdelay $0x4  }
0x3a7: {  	[tilespmem:s10+$0x1D720] =	vst v1;
	v1 =	vld [tilespmem:s10+$0x3040]  }
0x3a8: {  	v2 =	vld.idx.msk [tilespmem:v2+s30+$0x0], $0xffff;
	_ =	sdelay $0x4  }
0x3a9: {  	[tilespmem:s10+$0x1D730] =	vst v2;
	v2 =	vld [tilespmem:s10+$0x3050];
	_ =	sdelay $0x1  }
0x3aa: {  	v1 =	vld.idx.msk [tilespmem:v1+s30+$0x0], $0xffff;
	_ =	sdelay $0x4  }
0x3ab: {  	[tilespmem:s10+$0x1D740] =	vst v1;
	v1 =	vld [tilespmem:s10+$0x3060]  }
0x3ac: {  	v2 =	vld.idx.msk [tilespmem:v2+s30+$0x0], $0xffff;
	_ =	sdelay $0x4  }
0x3ad: {  	[tilespmem:s10+$0x1D750] =	vst v2;
	v2 =	vld [tilespmem:s10+$0x3070];
	_ =	sdelay $0x1  }
0x3ae: {  	v1 =	vld.idx.msk [tilespmem:v1+s30+$0x0], $0xffff;
	_ =	sdelay $0x4  }
0x3af: {  	[tilespmem:s10+$0x1D760] =	vst v1;
	v1 =	vld [tilespmem:s10+$0x3080]  }
0x3b0: {  	v2 =	vld.idx.msk [tilespmem:v2+s30+$0x0], $0xffff;
	_ =	sdelay $0x4  }
0x3b1: {  	[tilespmem:s10+$0x1D770] =	vst v2;
	v2 =	vld [tilespmem:s10+$0x3090];
	_ =	sdelay $0x1  }
0x3b2: {  	v1 =	vld.idx.msk [tilespmem:v1+s30+$0x0], $0xffff;
	_ =	sdelay $0x4  }
0x3b3: {  	[tilespmem:s10+$0x1D780] =	vst v1;
	v1 =	vld [tilespmem:s10+$0x30A0]  }
0x3b4: {  	v2 =	vld.idx.msk [tilespmem:v2+s30+$0x0], $0xffff;
	_ =	sdelay $0x4  }
0x3b5: {  	[tilespmem:s10+$0x1D790] =	vst v2;
	v2 =	vld [tilespmem:s10+$0x30B0];
	_ =	sdelay $0x1  }
0x3b6: {  	v1 =	vld.idx.msk [tilespmem:v1+s30+$0x0], $0xffff;
	_ =	sdelay $0x4  }
0x3b7: {  	[tilespmem:s10+$0x1D7A0] =	vst v1;
	v1 =	vld [tilespmem:s10+$0x30C0]  }
0x3b8: {  	v2 =	vld.idx.msk [tilespmem:v2+s30+$0x0], $0xffff;
	_ =	sdelay $0x4  }
0x3b9: {  	[tilespmem:s10+$0x1D7B0] =	vst v2;
	v2 =	vld [tilespmem:s10+$0x30D0];
	_ =	sdelay $0x1  }
0x3ba: {  	v1 =	vld.idx.msk [tilespmem:v1+s30+$0x0], $0xffff;
	_ =	sdelay $0x4  }
0x3bb: {  	v3 =	vld [tilespmem:s10+$0x30E0];
	[tilespmem:s10+$0x1D7C0] =	vst v1  }
0x3bc: {  	v1 =	vld.idx.msk [tilespmem:v2+s30+$0x0], $0xffff;
	_ =	sdelay $0x4  }
0x3bd: {  	[tilespmem:s10+$0x1D7D0] =	vst v1;
	v1 =	vld [tilespmem:s10+$0x30F0];
	_ =	sdelay $0x1  }
0x3be: {  	v2 =	vld.idx.msk [tilespmem:v3+s30+$0x0], $0xffff;
	_ =	sdelay $0x3  }
0x3bf: {  	s11 =	simm.s32 $0x800;
	s12 =	simm.s32 $0x100  }
.LBB2_16:
0x3c0: {  	p6 =	sne.s32 s11, $0x3C00;
	v3 =	vld [tilespmem:s12+$0x3000];
	[tilespmem:s10+$0x1D7E0] =	vst v2  }
0x3c1: {  	v1 =	vld.idx.msk [tilespmem:v1+s30+$0x0], $0xffff;
	_ =	sdelay $0x5  }
0x3c2: {  	v2 =	vld [tilespmem:s12+$0x3010];
	[tilespmem:s10+$0x1D7F0] =	vst v1;
	s10 =	smov.u32 s12  }
0x3c3: {  	v1 =	vld.idx.msk [tilespmem:v3+s30+$0x0], $0xffff;
	_ =	sdelay $0x5  }
0x3c4: {  	[tilespmem:s10+$0x1D700] =	vst v1;
	v1 =	vld [tilespmem:s10+$0x3020]  }
0x3c5: {  	v2 =	vld.idx.msk [tilespmem:v2+s30+$0x0], $0xffff;
	_ =	sdelay $0x5  }
0x3c6: {  	[tilespmem:s10+$0x1D710] =	vst v2;
	v2 =	vld [tilespmem:s10+$0x3030]  }
0x3c7: {  	v1 =	vld.idx.msk [tilespmem:v1+s30+$0x0], $0xffff;
	_ =	sdelay $0x5  }
0x3c8: {  	[tilespmem:s10+$0x1D720] =	vst v1;
	v1 =	vld [tilespmem:s10+$0x3040]  }
0x3c9: {  	v2 =	vld.idx.msk [tilespmem:v2+s30+$0x0], $0xffff;
	_ =	sdelay $0x5  }
0x3ca: {  	[tilespmem:s10+$0x1D730] =	vst v2;
	v2 =	vld [tilespmem:s10+$0x3050]  }
0x3cb: {  	v1 =	vld.idx.msk [tilespmem:v1+s30+$0x0], $0xffff;
	_ =	sdelay $0x5  }
0x3cc: {  	[tilespmem:s10+$0x1D740] =	vst v1;
	v1 =	vld [tilespmem:s10+$0x3060]  }
0x3cd: {  	v2 =	vld.idx.msk [tilespmem:v2+s30+$0x0], $0xffff;
	_ =	sdelay $0x5  }
0x3ce: {  	[tilespmem:s10+$0x1D750] =	vst v2;
	v2 =	vld [tilespmem:s10+$0x3070]  }
0x3cf: {  	v1 =	vld.idx.msk [tilespmem:v1+s30+$0x0], $0xffff;
	_ =	sdelay $0x5  }
0x3d0: {  	[tilespmem:s10+$0x1D760] =	vst v1;
	v1 =	vld [tilespmem:s10+$0x3080]  }
0x3d1: {  	v2 =	vld.idx.msk [tilespmem:v2+s30+$0x0], $0xffff;
	_ =	sdelay $0x5  }
0x3d2: {  	[tilespmem:s10+$0x1D770] =	vst v2;
	v2 =	vld [tilespmem:s10+$0x3090]  }
0x3d3: {  	v1 =	vld.idx.msk [tilespmem:v1+s30+$0x0], $0xffff;
	_ =	sdelay $0x5  }
0x3d4: {  	[tilespmem:s10+$0x1D780] =	vst v1;
	v1 =	vld [tilespmem:s10+$0x30A0]  }
0x3d5: {  	v2 =	vld.idx.msk [tilespmem:v2+s30+$0x0], $0xffff;
	_ =	sdelay $0x5  }
0x3d6: {  	[tilespmem:s10+$0x1D790] =	vst v2;
	v2 =	vld [tilespmem:s10+$0x30B0]  }
0x3d7: {  	v1 =	vld.idx.msk [tilespmem:v1+s30+$0x0], $0xffff;
	_ =	sdelay $0x5  }
0x3d8: {  	[tilespmem:s10+$0x1D7A0] =	vst v1;
	v1 =	vld [tilespmem:s10+$0x30C0]  }
0x3d9: {  	v2 =	vld.idx.msk [tilespmem:v2+s30+$0x0], $0xffff;
	_ =	sdelay $0x5  }
0x3da: {  	[tilespmem:s10+$0x1D7B0] =	vst v2;
	v2 =	vld [tilespmem:s10+$0x30D0]  }
0x3db: {  	v1 =	vld.idx.msk [tilespmem:v1+s30+$0x0], $0xffff;
	_ =	sdelay $0x5  }
0x3dc: {  	[tilespmem:s10+$0x1D7C0] =	vst v1;
	v3 =	vld [tilespmem:s10+$0x30E0]  }
0x3dd: {  	v1 =	vld.idx.msk [tilespmem:v2+s30+$0x0], $0xffff;
	_ =	sdelay $0x5  }
0x3de: {  	[tilespmem:s10+$0x1D7D0] =	vst v1;
	v1 =	vld [tilespmem:s10+$0x30F0]  }
0x3df: {  	v2 =	vld.idx.msk [tilespmem:v3+s30+$0x0], $0xffff  }
.Ltmp9:
0x3e0: {  	(pc) =	sbr.rel @p6 .LBB2_16-.Ltmp9, $2  }
0x3e1: {  	_ =	sdelay $0x2  }
0x3e2: {  	s12 =	sshra.s32 s11, $0x2;
	s11 =	sadd.s32 $0x400, s11  }
0x3e3: {  	_ =	sdelay $0x1  }
0x3e4: {  	v3 =	vld [tilespmem:s12+$0x3000]  }
0x3e5: {  	[tilespmem:s10+$0x1D7E0] =	vst v2  }
0x3e6: {  	v1 =	vld.idx.msk [tilespmem:v1+s30+$0x0], $0xffff;
	_ =	sdelay $0x3  }
0x3e7: {  	v2 =	vld [tilespmem:s12+$0x3010]  }
0x3e8: {  	[tilespmem:s10+$0x1D7F0] =	vst v1  }
0x3e9: {  	v1 =	vld.idx.msk [tilespmem:v3+s30+$0x0], $0xffff;
	_ =	sdelay $0x4  }
0x3ea: {  	[tilespmem:s12+$0x1D700] =	vst v1;
	v1 =	vld [tilespmem:s12+$0x3020]  }
0x3eb: {  	v2 =	vld.idx.msk [tilespmem:v2+s30+$0x0], $0xffff;
	_ =	sdelay $0x4  }
0x3ec: {  	[tilespmem:s12+$0x1D710] =	vst v2;
	v2 =	vld [tilespmem:s12+$0x3030];
	_ =	sdelay $0x1  }
0x3ed: {  	v1 =	vld.idx.msk [tilespmem:v1+s30+$0x0], $0xffff;
	_ =	sdelay $0x4  }
0x3ee: {  	[tilespmem:s12+$0x1D720] =	vst v1;
	v1 =	vld [tilespmem:s12+$0x3040]  }
0x3ef: {  	v2 =	vld.idx.msk [tilespmem:v2+s30+$0x0], $0xffff;
	_ =	sdelay $0x4  }
0x3f0: {  	[tilespmem:s12+$0x1D730] =	vst v2;
	v2 =	vld [tilespmem:s12+$0x3050];
	_ =	sdelay $0x1  }
0x3f1: {  	v1 =	vld.idx.msk [tilespmem:v1+s30+$0x0], $0xffff;
	_ =	sdelay $0x4  }
0x3f2: {  	[tilespmem:s12+$0x1D740] =	vst v1;
	v1 =	vld [tilespmem:s12+$0x3060]  }
0x3f3: {  	v2 =	vld.idx.msk [tilespmem:v2+s30+$0x0], $0xffff;
	_ =	sdelay $0x4  }
0x3f4: {  	[tilespmem:s12+$0x1D750] =	vst v2;
	v2 =	vld [tilespmem:s12+$0x3070];
	_ =	sdelay $0x1  }
0x3f5: {  	v1 =	vld.idx.msk [tilespmem:v1+s30+$0x0], $0xffff;
	_ =	sdelay $0x4  }
0x3f6: {  	[tilespmem:s12+$0x1D760] =	vst v1;
	v1 =	vld [tilespmem:s12+$0x3080]  }
0x3f7: {  	v2 =	vld.idx.msk [tilespmem:v2+s30+$0x0], $0xffff;
	_ =	sdelay $0x4  }
0x3f8: {  	[tilespmem:s12+$0x1D770] =	vst v2;
	v2 =	vld [tilespmem:s12+$0x3090];
	_ =	sdelay $0x1  }
0x3f9: {  	v1 =	vld.idx.msk [tilespmem:v1+s30+$0x0], $0xffff;
	_ =	sdelay $0x4  }
0x3fa: {  	[tilespmem:s12+$0x1D780] =	vst v1;
	v1 =	vld [tilespmem:s12+$0x30A0]  }
0x3fb: {  	v2 =	vld.idx.msk [tilespmem:v2+s30+$0x0], $0xffff;
	_ =	sdelay $0x4  }
0x3fc: {  	[tilespmem:s12+$0x1D790] =	vst v2;
	v2 =	vld [tilespmem:s12+$0x30B0];
	_ =	sdelay $0x1  }
0x3fd: {  	v1 =	vld.idx.msk [tilespmem:v1+s30+$0x0], $0xffff;
	_ =	sdelay $0x4  }
0x3fe: {  	[tilespmem:s12+$0x1D7A0] =	vst v1;
	v1 =	vld [tilespmem:s12+$0x30C0]  }
0x3ff: {  	v2 =	vld.idx.msk [tilespmem:v2+s30+$0x0], $0xffff;
	_ =	sdelay $0x4  }
0x400: {  	[tilespmem:s12+$0x1D7B0] =	vst v2;
	v2 =	vld [tilespmem:s12+$0x30D0];
	_ =	sdelay $0x1  }
0x401: {  	v1 =	vld.idx.msk [tilespmem:v1+s30+$0x0], $0xffff;
	_ =	sdelay $0x4  }
0x402: {  	[tilespmem:s12+$0x1D7C0] =	vst v1;
	v1 =	vld [tilespmem:s12+$0x30E0]  }
0x403: {  	v2 =	vld.idx.msk [tilespmem:v2+s30+$0x0], $0xffff;
	_ =	sdelay $0x4  }
0x404: {  	[tilespmem:s12+$0x1D7D0] =	vst v2;
	v2 =	vld [tilespmem:s12+$0x30F0];
	_ =	sdelay $0x1  }
0x405: {  	v1 =	vld.idx.msk [tilespmem:v1+s30+$0x0], $0xffff;
	_ =	sdelay $0x4  }
0x406: {  	[tilespmem:s12+$0x1D7E0] =	vst v1  }
0x407: {  	v1 =	vld.idx.msk [tilespmem:v2+s30+$0x0], $0xffff;
	_ =	sdelay $0x4  }
0x408: {  	[tilespmem:s12+$0x1D7F0] =	vst v1  }
0x409: {  	[hbm4b:s19+s20] =	stream.strided.scatter [tilespmem:s6], [sflag:$0x3], $0x1000, s17, s20, $0x38;
	[tilespmem:$0x1E800] =	vst v63  }
0x40a: {  	_ =	swait.ge [sflag:s7], $0x1000  }
.Ltmp10:
0x40b: {  	[sflag:s7] =	ssyncset.done $0x0;
	(pc) =	sbr.rel @!p0 .LBB2_29-.Ltmp10, $4  }
0x40c: {  	[sflag:s7] =	ssyncadd.s32 $0xFFFFF000  }
0x40d: {  	_ =	swait.ge [sflag:s8], $0x1000  }
0x40e: {  	[sflag:s8] =	ssyncset.done $0x0  }
0x40f: {  	[sflag:s8] =	ssyncadd.s32 $0xFFFFF000  }
0x410: {  	v2 =	vld [tilespmem:s29+$0x1E700]  }
.Ltmp11:
0x411: {  	v1 =	vld [tilespmem:s29+$0x1E740];
	(pc) =	sbr.rel @p2 .LBB2_20-.Ltmp11, $1  }
0x412: {  	_ =	sdelay $0x3  }
.Ltmp12:
0x413: {  	(pc) =	sbr.rel @p3 .LBB2_23-.Ltmp12, $4  }
.Ltmp13:
0x414: {  	(pc) =	sbr.rel @!p3 .LBB2_24-.Ltmp13, $4  }
0x415: {  	_ = 	snop  }
0x416: {  	_ = 	snop  }
0x417: {  	s10 =	rddreg [dreg:$0x15]  }
0x418: {  	_ = 	snop  }
.LBB2_20:
.Ltmp14:
0x419: {  	(pc) =	sbr.rel @p4 .LBB2_23-.Ltmp14, $2  }
0x41a: {  	_ =	sdelay $0x2  }
0x41b: {  	s10 =	rddreg [dreg:$0x3]  }
.Ltmp15:
0x41c: {  	(pc) =	sbr.rel @!p5 .LBB2_24-.Ltmp15, $1  }
0x41d: {  	_ =	sdelay $0x3  }
0x41e: {  	s10 =	rddreg [dreg:$0x4]  }
.LBB2_23:
0x41f: {  	s11 =	rddreg [dreg:$0x16]  }
0x420: {  	s10 =	sadd.s32 s10, s11  }
0x421: {  	[tilespmem:s30], [sflag:$0x4] =	stream.linear.gather [hbm4b:s10+s2], $0x2000, $0x38;
	[tilespmem:$0x1E800] =	vst v63  }
0x422: {  	_ =	swait.ge [sflag:s1], $0x2000  }
0x423: {  	[sflag:s1] =	ssyncset.done $0x0  }
0x424: {  	[sflag:s1] =	ssyncadd.s32 $0xFFFFE000  }
.LBB2_24:
0x425: {  	s10 =	simm.s32 $0x0  }
0x426: {  	v3 =	vld [tilespmem:s10+$0x40F0];
	_ =	sdelay $0x1  }
0x427: {  	v4 =	vld [tilespmem:s10+$0x4000]  }
0x428: {  	v5 =	vld [tilespmem:s10+$0x4010]  }
0x429: {  	v6 =	vld [tilespmem:s10+$0x4020]  }
0x42a: {  	v3 =	vsub.f32 v3, v2  }
0x42b: {  	v7 =	vld [tilespmem:s10+$0x4030]  }
0x42c: {  	v8 =	vld [tilespmem:s10+$0x4040];
	v4 =	vsub.f32 v4, v2;
	v3 =	vmul.f32 v3, v1  }
0x42d: {  	v9 =	vld [tilespmem:s10+$0x4050];
	v5 =	vsub.f32 v5, v2  }
0x42e: {  	v4 =	vmul.f32 v4, v1;
	[tilespmem:s10+$0x1C7F0] =	vst v3;
	v3 =	vsub.f32 v6, v2  }
0x42f: {  	v10 =	vld [tilespmem:s10+$0x4060];
	v5 =	vmul.f32 v5, v1  }
0x430: {  	v11 =	vld [tilespmem:s10+$0x4070];
	[tilespmem:s10+$0x1C700] =	vst v4;
	v4 =	vsub.f32 v7, v2;
	v6 =	vmul.f32 v3, v1  }
0x431: {  	v12 =	vld [tilespmem:s10+$0x4080];
	[tilespmem:s10+$0x1C710] =	vst v5;
	v5 =	vsub.f32 v8, v2  }
0x432: {  	v13 =	vld [tilespmem:s10+$0x4090];
	v7 =	vmul.f32 v4, v1;
	[tilespmem:s10+$0x1C720] =	vst v6;
	v6 =	vsub.f32 v9, v2  }
0x433: {  	v3 =	vld [tilespmem:s10+$0x40A0];
	v8 =	vmul.f32 v5, v1  }
0x434: {  	v4 =	vld [tilespmem:s10+$0x40B0];
	[tilespmem:s10+$0x1C730] =	vst v7;
	v7 =	vsub.f32 v10, v2;
	v9 =	vmul.f32 v6, v1  }
0x435: {  	v5 =	vld [tilespmem:s10+$0x40C0];
	[tilespmem:s10+$0x1C740] =	vst v8;
	v10 =	vsub.f32 v11, v2  }
0x436: {  	v6 =	vld [tilespmem:s10+$0x40D0];
	v8 =	vmul.f32 v7, v1;
	[tilespmem:s10+$0x1C750] =	vst v9;
	v9 =	vsub.f32 v12, v2  }
0x437: {  	s11 =	simm.s32 $0x100;
	s12 =	simm.s32 $0x800;
	v11 =	vmul.f32 v10, v1;
	v10 =	vsub.f32 v13, v2;
	v7 =	vld [tilespmem:s10+$0x40E0]  }
.LBB2_25:
0x438: {  	p6 =	sne.s32 s12, $0x3C00;
	v12 =	vld [tilespmem:s11+$0x40F0];
	[tilespmem:s10+$0x1C760] =	vst v8;
	v8 =	vmul.f32 v9, v1;
	v3 =	vsub.f32 v3, v2  }
0x439: {  	v9 =	vld [tilespmem:s11+$0x4000];
	[tilespmem:s10+$0x1C770] =	vst v11;
	v10 =	vmul.f32 v10, v1;
	v4 =	vsub.f32 v4, v2  }
0x43a: {  	v11 =	vld [tilespmem:s11+$0x4010];
	[tilespmem:s10+$0x1C780] =	vst v8;
	v3 =	vmul.f32 v3, v1;
	v5 =	vsub.f32 v5, v2  }
0x43b: {  	v8 =	vld [tilespmem:s11+$0x4020];
	[tilespmem:s10+$0x1C790] =	vst v10;
	v4 =	vmul.f32 v4, v1;
	v6 =	vsub.f32 v6, v2  }
0x43c: {  	v10 =	vld [tilespmem:s11+$0x4030];
	[tilespmem:s10+$0x1C7A0] =	vst v3;
	v3 =	vmul.f32 v5, v1;
	v5 =	vsub.f32 v7, v2  }
0x43d: {  	v7 =	vld [tilespmem:s11+$0x4040];
	v12 =	vsub.f32 v12, v2;
	[tilespmem:s10+$0x1C7B0] =	vst v4;
	v4 =	vmul.f32 v6, v1  }
0x43e: {  	v6 =	vsub.f32 v9, v2;
	v9 =	vld [tilespmem:s11+$0x4050];
	[tilespmem:s10+$0x1C7C0] =	vst v3;
	v3 =	vmul.f32 v5, v1  }
0x43f: {  	v5 =	vsub.f32 v11, v2;
	v11 =	vld [tilespmem:s11+$0x4060];
	v12 =	vmul.f32 v12, v1;
	[tilespmem:s10+$0x1C7D0] =	vst v4  }
0x440: {  	v4 =	vmul.f32 v6, v1;
	v6 =	vsub.f32 v8, v2;
	v8 =	vld [tilespmem:s11+$0x4070];
	[tilespmem:s10+$0x1C7E0] =	vst v3;
	s10 =	smov.u32 s11  }
0x441: {  	v3 =	vmul.f32 v5, v1;
	v5 =	vsub.f32 v10, v2;
	v10 =	vld [tilespmem:s10+$0x4080];
	[tilespmem:s10+$0x1C7F0] =	vst v12  }
0x442: {  	[tilespmem:s10+$0x1C700] =	vst v4;
	v4 =	vmul.f32 v6, v1;
	v6 =	vsub.f32 v7, v2;
	v7 =	vld [tilespmem:s10+$0x4090]  }
.Ltmp16:
0x443: {  	[tilespmem:s10+$0x1C710] =	vst v3;
	v5 =	vmul.f32 v5, v1;
	v9 =	vsub.f32 v9, v2;
	v3 =	vld [tilespmem:s10+$0x40A0];
	(pc) =	sbr.rel @p6 .LBB2_25-.Ltmp16, $4  }
0x444: {  	[tilespmem:s10+$0x1C720] =	vst v4;
	v6 =	vmul.f32 v6, v1;
	v11 =	vsub.f32 v11, v2;
	v4 =	vld [tilespmem:s10+$0x40B0]  }
0x445: {  	[tilespmem:s10+$0x1C730] =	vst v5;
	v12 =	vmul.f32 v9, v1;
	v13 =	vsub.f32 v8, v2;
	v5 =	vld [tilespmem:s10+$0x40C0]  }
0x446: {  	[tilespmem:s10+$0x1C740] =	vst v6;
	v8 =	vmul.f32 v11, v1;
	v9 =	vsub.f32 v10, v2;
	v6 =	vld [tilespmem:s10+$0x40D0]  }
0x447: {  	s11 =	sshra.s32 s12, $0x2;
	s12 =	sadd.s32 $0x400, s12;
	[tilespmem:s10+$0x1C750] =	vst v12;
	v11 =	vmul.f32 v13, v1;
	v10 =	vsub.f32 v7, v2;
	v7 =	vld [tilespmem:s10+$0x40E0]  }
0x448: {  	v12 =	vld [tilespmem:s11+$0x40F0];
	[tilespmem:s10+$0x1C760] =	vst v8;
	v9 =	vmul.f32 v9, v1;
	v3 =	vsub.f32 v3, v2  }
0x449: {  	v8 =	vld [tilespmem:s11+$0x4000];
	[tilespmem:s10+$0x1C770] =	vst v11;
	v10 =	vmul.f32 v10, v1;
	v4 =	vsub.f32 v4, v2  }
0x44a: {  	v11 =	vld [tilespmem:s11+$0x4010];
	[tilespmem:s10+$0x1C780] =	vst v9;
	v3 =	vmul.f32 v3, v1;
	v5 =	vsub.f32 v5, v2  }
0x44b: {  	v9 =	vld [tilespmem:s11+$0x4020];
	[tilespmem:s10+$0x1C790] =	vst v10;
	v4 =	vmul.f32 v4, v1;
	v6 =	vsub.f32 v6, v2  }
0x44c: {  	v10 =	vld [tilespmem:s11+$0x4030];
	[tilespmem:s10+$0x1C7A0] =	vst v3;
	v5 =	vmul.f32 v5, v1;
	v7 =	vsub.f32 v7, v2  }
0x44d: {  	v3 =	vld [tilespmem:s11+$0x4040];
	[tilespmem:s10+$0x1C7B0] =	vst v4;
	v6 =	vmul.f32 v6, v1  }
0x44e: {  	v4 =	vld [tilespmem:s11+$0x4050];
	[tilespmem:s10+$0x1C7C0] =	vst v5;
	v7 =	vmul.f32 v7, v1  }
0x44f: {  	v5 =	vld [tilespmem:s11+$0x4060];
	[tilespmem:s10+$0x1C7D0] =	vst v6;
	v6 =	vsub.f32 v8, v2  }
0x450: {  	v8 =	vld [tilespmem:s11+$0x4070];
	[tilespmem:s10+$0x1C7E0] =	vst v7;
	v7 =	vsub.f32 v11, v2  }
0x451: {  	v9 =	vsub.f32 v9, v2;
	v6 =	vmul.f32 v6, v1  }
0x452: {  	v10 =	vsub.f32 v10, v2;
	v7 =	vmul.f32 v7, v1  }
0x453: {  	v11 =	vld [tilespmem:s11+$0x4080];
	v9 =	vmul.f32 v9, v1;
	v3 =	vsub.f32 v3, v2;
	[tilespmem:s11+$0x1C700] =	vst v6  }
0x454: {  	v12 =	vsub.f32 v12, v2;
	v6 =	vld [tilespmem:s11+$0x4090];
	v10 =	vmul.f32 v10, v1;
	[tilespmem:s11+$0x1C710] =	vst v7  }
0x455: {  	v4 =	vsub.f32 v4, v2;
	v7 =	vld [tilespmem:s11+$0x40A0];
	[tilespmem:s11+$0x1C720] =	vst v9;
	v3 =	vmul.f32 v3, v1  }
0x456: {  	v12 =	vmul.f32 v12, v1;
	v9 =	vld [tilespmem:s11+$0x40B0];
	v5 =	vsub.f32 v5, v2;
	[tilespmem:s11+$0x1C730] =	vst v10  }
0x457: {  	v10 =	vld [tilespmem:s11+$0x40C0];
	v4 =	vmul.f32 v4, v1;
	[tilespmem:s11+$0x1C740] =	vst v3;
	v3 =	vsub.f32 v8, v2  }
0x458: {  	[tilespmem:s11+$0x1C7F0] =	vst v12;
	v8 =	vld [tilespmem:s11+$0x40D0];
	v5 =	vmul.f32 v5, v1;
	v11 =	vsub.f32 v11, v2  }
0x459: {  	[tilespmem:s11+$0x1C750] =	vst v4;
	v3 =	vmul.f32 v3, v1;
	v4 =	vsub.f32 v6, v2;
	v6 =	vld [tilespmem:s11+$0x40E0]  }
0x45a: {  	[tilespmem:s11+$0x1C760] =	vst v5;
	v5 =	vmul.f32 v11, v1;
	v7 =	vsub.f32 v7, v2  }
0x45b: {  	[tilespmem:s11+$0x1C770] =	vst v3;
	v3 =	vmul.f32 v4, v1;
	v4 =	vsub.f32 v9, v2  }
0x45c: {  	[tilespmem:s11+$0x1C780] =	vst v5;
	v5 =	vmul.f32 v7, v1;
	v7 =	vsub.f32 v10, v2  }
0x45d: {  	[tilespmem:s11+$0x1C790] =	vst v3;
	v3 =	vmul.f32 v4, v1;
	v4 =	vsub.f32 v8, v2  }
0x45e: {  	[tilespmem:s11+$0x1C7A0] =	vst v5;
	v5 =	vmul.f32 v7, v1;
	v6 =	vsub.f32 v6, v2  }
0x45f: {  	[tilespmem:s11+$0x1C7B0] =	vst v3;
	v3 =	vmul.f32 v4, v1  }
0x460: {  	[tilespmem:s11+$0x1C7C0] =	vst v5;
	v4 =	vmul.f32 v6, v1  }
0x461: {  	[tilespmem:s11+$0x1C7D0] =	vst v3  }
0x462: {  	[tilespmem:s11+$0x1C7E0] =	vst v4  }
0x463: {  	[hbm4b:s24+s20] =	stream.strided.scatter [tilespmem:s5], [sflag:$0x4], $0x1000, s17, s20, $0x38;
	[tilespmem:$0x1E800] =	vst v63  }
0x464: {  	_ =	swait.ge [sflag:s1], $0x1000  }
0x465: {  	[sflag:s1] =	ssyncset.done $0x0  }
0x466: {  	s10 =	simm.s32 $0x0;
	[sflag:s1] =	ssyncadd.s32 $0xFFFFF000  }
0x467: {  	v3 =	vld [tilespmem:s10+$0x50F0];
	_ =	sdelay $0x1  }
0x468: {  	v4 =	vld [tilespmem:s10+$0x5000]  }
0x469: {  	v5 =	vld [tilespmem:s10+$0x5010]  }
0x46a: {  	v6 =	vld [tilespmem:s10+$0x5020]  }
0x46b: {  	v3 =	vsub.f32 v3, v2  }
0x46c: {  	v7 =	vld [tilespmem:s10+$0x5030]  }
0x46d: {  	v8 =	vld [tilespmem:s10+$0x5040];
	v4 =	vsub.f32 v4, v2;
	v3 =	vmul.f32 v3, v1  }
0x46e: {  	v9 =	vld [tilespmem:s10+$0x5050];
	v5 =	vsub.f32 v5, v2  }
0x46f: {  	v4 =	vmul.f32 v4, v1;
	[tilespmem:s10+$0x1C7F0] =	vst v3;
	v3 =	vsub.f32 v6, v2  }
0x470: {  	v10 =	vld [tilespmem:s10+$0x5060];
	v5 =	vmul.f32 v5, v1  }
0x471: {  	v11 =	vld [tilespmem:s10+$0x5070];
	[tilespmem:s10+$0x1C700] =	vst v4;
	v4 =	vsub.f32 v7, v2;
	v6 =	vmul.f32 v3, v1  }
0x472: {  	v63 =	vld [tilespmem:s10+$0x5080];
	[tilespmem:s10+$0x1C710] =	vst v5;
	v5 =	vsub.f32 v8, v2  }
0x473: {  	v13 =	vld [tilespmem:s10+$0x5090];
	v7 =	vmul.f32 v4, v1;
	[tilespmem:s10+$0x1C720] =	vst v6;
	v6 =	vsub.f32 v9, v2  }
0x474: {  	v3 =	vld [tilespmem:s10+$0x50A0];
	v8 =	vmul.f32 v5, v1  }
0x475: {  	v4 =	vld [tilespmem:s10+$0x50B0];
	[tilespmem:s10+$0x1C730] =	vst v7;
	v7 =	vsub.f32 v10, v2;
	v9 =	vmul.f32 v6, v1  }
0x476: {  	v5 =	vld [tilespmem:s10+$0x50C0];
	[tilespmem:s10+$0x1C740] =	vst v8;
	v10 =	vsub.f32 v11, v2  }
0x477: {  	v6 =	vld [tilespmem:s10+$0x50D0];
	v8 =	vmul.f32 v7, v1;
	[tilespmem:s10+$0x1C750] =	vst v9;
	v9 =	vsub.f32 v63, v2  }
0x478: {  	s12 =	simm.s32 $0x800;
	s11 =	simm.s32 $0x100;
	v11 =	vmul.f32 v10, v1;
	v10 =	vsub.f32 v13, v2;
	v7 =	vld [tilespmem:s10+$0x50E0]  }
.LBB2_27:
0x479: {  	p6 =	sne.s32 s12, $0x3C00;
	v12 =	vld [tilespmem:s11+$0x50F0];
	[tilespmem:s10+$0x1C760] =	vst v8;
	v8 =	vmul.f32 v9, v1;
	v3 =	vsub.f32 v3, v2  }
0x47a: {  	v9 =	vld [tilespmem:s11+$0x5000];
	[tilespmem:s10+$0x1C770] =	vst v11;
	v10 =	vmul.f32 v10, v1;
	v4 =	vsub.f32 v4, v2  }
0x47b: {  	v11 =	vld [tilespmem:s11+$0x5010];
	[tilespmem:s10+$0x1C780] =	vst v8;
	v3 =	vmul.f32 v3, v1;
	v5 =	vsub.f32 v5, v2  }
0x47c: {  	v8 =	vld [tilespmem:s11+$0x5020];
	[tilespmem:s10+$0x1C790] =	vst v10;
	v4 =	vmul.f32 v4, v1;
	v6 =	vsub.f32 v6, v2  }
0x47d: {  	v10 =	vld [tilespmem:s11+$0x5030];
	[tilespmem:s10+$0x1C7A0] =	vst v3;
	v3 =	vmul.f32 v5, v1;
	v5 =	vsub.f32 v7, v2  }
0x47e: {  	v7 =	vld [tilespmem:s11+$0x5040];
	v12 =	vsub.f32 v12, v2;
	[tilespmem:s10+$0x1C7B0] =	vst v4;
	v4 =	vmul.f32 v6, v1  }
0x47f: {  	v6 =	vsub.f32 v9, v2;
	v9 =	vld [tilespmem:s11+$0x5050];
	[tilespmem:s10+$0x1C7C0] =	vst v3;
	v3 =	vmul.f32 v5, v1  }
0x480: {  	v5 =	vsub.f32 v11, v2;
	v11 =	vld [tilespmem:s11+$0x5060];
	v12 =	vmul.f32 v12, v1;
	[tilespmem:s10+$0x1C7D0] =	vst v4  }
0x481: {  	v4 =	vmul.f32 v6, v1;
	v6 =	vsub.f32 v8, v2;
	v8 =	vld [tilespmem:s11+$0x5070];
	[tilespmem:s10+$0x1C7E0] =	vst v3;
	s10 =	smov.u32 s11  }
0x482: {  	v3 =	vmul.f32 v5, v1;
	v5 =	vsub.f32 v10, v2;
	v10 =	vld [tilespmem:s10+$0x5080];
	[tilespmem:s10+$0x1C7F0] =	vst v12  }
0x483: {  	[tilespmem:s10+$0x1C700] =	vst v4;
	v4 =	vmul.f32 v6, v1;
	v6 =	vsub.f32 v7, v2;
	v7 =	vld [tilespmem:s10+$0x5090]  }
.Ltmp17:
0x484: {  	[tilespmem:s10+$0x1C710] =	vst v3;
	v5 =	vmul.f32 v5, v1;
	v9 =	vsub.f32 v9, v2;
	v3 =	vld [tilespmem:s10+$0x50A0];
	(pc) =	sbr.rel @p6 .LBB2_27-.Ltmp17, $4  }
0x485: {  	[tilespmem:s10+$0x1C720] =	vst v4;
	v6 =	vmul.f32 v6, v1;
	v11 =	vsub.f32 v11, v2;
	v4 =	vld [tilespmem:s10+$0x50B0]  }
0x486: {  	[tilespmem:s10+$0x1C730] =	vst v5;
	v12 =	vmul.f32 v9, v1;
	v13 =	vsub.f32 v8, v2;
	v5 =	vld [tilespmem:s10+$0x50C0]  }
0x487: {  	[tilespmem:s10+$0x1C740] =	vst v6;
	v8 =	vmul.f32 v11, v1;
	v9 =	vsub.f32 v10, v2;
	v6 =	vld [tilespmem:s10+$0x50D0]  }
0x488: {  	s11 =	sshra.s32 s12, $0x2;
	s12 =	sadd.s32 $0x400, s12;
	[tilespmem:s10+$0x1C750] =	vst v12;
	v11 =	vmul.f32 v13, v1;
	v10 =	vsub.f32 v7, v2;
	v7 =	vld [tilespmem:s10+$0x50E0]  }
0x489: {  	v12 =	vld [tilespmem:s11+$0x50F0];
	[tilespmem:s10+$0x1C760] =	vst v8;
	v9 =	vmul.f32 v9, v1;
	v3 =	vsub.f32 v3, v2  }
0x48a: {  	v8 =	vld [tilespmem:s11+$0x5000];
	[tilespmem:s10+$0x1C770] =	vst v11;
	v10 =	vmul.f32 v10, v1  }
0x48b: {  	v4 =	vsub.f32 v4, v2;
	v11 =	vld [tilespmem:s11+$0x5010];
	[tilespmem:s10+$0x1C780] =	vst v9;
	v3 =	vmul.f32 v3, v1  }
0x48c: {  	v5 =	vsub.f32 v5, v2;
	v9 =	vld [tilespmem:s11+$0x5020];
	[tilespmem:s10+$0x1C790] =	vst v10  }
0x48d: {  	v4 =	vmul.f32 v4, v1;
	v6 =	vsub.f32 v6, v2;
	v10 =	vld [tilespmem:s11+$0x5030];
	[tilespmem:s10+$0x1C7A0] =	vst v3  }
0x48e: {  	v5 =	vmul.f32 v5, v1;
	v7 =	vsub.f32 v7, v2;
	v3 =	vld [tilespmem:s11+$0x5040]  }
0x48f: {  	[tilespmem:s10+$0x1C7B0] =	vst v4;
	v6 =	vmul.f32 v6, v1;
	v12 =	vsub.f32 v12, v2  }
0x490: {  	v4 =	vld [tilespmem:s11+$0x5050];
	[tilespmem:s10+$0x1C7C0] =	vst v5;
	v7 =	vmul.f32 v7, v1;
	v47 =	vsub.f32 v8, v2  }
0x491: {  	v5 =	vld [tilespmem:s11+$0x5060];
	[tilespmem:s10+$0x1C7D0] =	vst v6;
	v12 =	vmul.f32 v12, v1;
	v49 =	vsub.f32 v11, v2  }
0x492: {  	v48 =	vld [tilespmem:s11+$0x5070];
	[tilespmem:s10+$0x1C7E0] =	vst v7;
	v6 =	vmul.f32 v47, v1;
	v9 =	vsub.f32 v9, v2  }
0x493: {  	v50 =	vld [tilespmem:s11+$0x5080];
	[tilespmem:s11+$0x1C7F0] =	vst v12;
	v7 =	vmul.f32 v49, v1;
	v3 =	vsub.f32 v3, v2  }
0x494: {  	v51 =	vld [tilespmem:s11+$0x5090];
	v10 =	vsub.f32 v10, v2;
	[tilespmem:s11+$0x1C700] =	vst v6;
	v9 =	vmul.f32 v9, v1  }
0x495: {  	v52 =	vld [tilespmem:s11+$0x50A0];
	[tilespmem:s11+$0x1C710] =	vst v7;
	v4 =	vsub.f32 v4, v2;
	v3 =	vmul.f32 v3, v1  }
0x496: {  	v53 =	vld [tilespmem:s11+$0x50B0];
	v10 =	vmul.f32 v10, v1;
	[tilespmem:s11+$0x1C720] =	vst v9;
	v5 =	vsub.f32 v5, v2  }
0x497: {  	v54 =	vld [tilespmem:s11+$0x50C0];
	v4 =	vmul.f32 v4, v1;
	[tilespmem:s11+$0x1C740] =	vst v3;
	v3 =	vsub.f32 v48, v2  }
0x498: {  	v55 =	vld [tilespmem:s11+$0x50D0];
	[tilespmem:s11+$0x1C730] =	vst v10;
	v5 =	vmul.f32 v5, v1;
	v11 =	vsub.f32 v50, v2  }
0x499: {  	v57 =	vld [tilespmem:s11+$0x50E0];
	v56 =	vsub.f32 v51, v2;
	[tilespmem:s11+$0x1C750] =	vst v4;
	v3 =	vmul.f32 v3, v1  }
0x49a: {  	v7 =	vsub.f32 v52, v2;
	[tilespmem:s11+$0x1C760] =	vst v5;
	v58 =	vmul.f32 v11, v1  }
0x49b: {  	v59 =	vsub.f32 v53, v2;
	[tilespmem:s11+$0x1C770] =	vst v3;
	v3 =	vmul.f32 v56, v1  }
0x49c: {  	v61 =	vsub.f32 v54, v2;
	v60 =	vmul.f32 v7, v1;
	[tilespmem:s11+$0x1C780] =	vst v58  }
0x49d: {  	v62 =	vsub.f32 v55, v2;
	[tilespmem:s11+$0x1C790] =	vst v3;
	v3 =	vmul.f32 v59, v1  }
0x49e: {  	v2 =	vsub.f32 v57, v2;
	v63 =	vmul.f32 v61, v1;
	[tilespmem:s11+$0x1C7A0] =	vst v60  }
0x49f: {  	[tilespmem:s11+$0x1C7B0] =	vst v3;
	v3 =	vmul.f32 v62, v1  }
0x4a0: {  	[tilespmem:s11+$0x1C7C0] =	vst v63;
	v1 =	vmul.f32 v2, v1  }
0x4a1: {  	[tilespmem:s11+$0x1C7D0] =	vst v3  }
0x4a2: {  	[tilespmem:s11+$0x1C7E0] =	vst v1  }
0x4a3: {  	[hbm4b:s26+s20] =	stream.strided.scatter [tilespmem:s5], [sflag:$0x4], $0x1000, s17, s20, $0x38;
	[tilespmem:$0x1E800] =	vst v63  }
0x4a4: {  	_ =	swait.ge [sflag:s1], $0x1000  }
0x4a5: {  	[sflag:s1] =	ssyncset.done $0x0  }
0x4a6: {  	[sflag:s1] =	ssyncadd.s32 $0xFFFFF000  }
.LBB2_29:
.Ltmp18:
0x4a7: {  	(pc) =	sbr.rel @!p1 .LBB2_35-.Ltmp18, $1  }
0x4a8: {  	_ =	sdelay $0x3  }
0x4a9: {  	s10 =	simm.s32 $0x0;
	s11 =	rddreg [dreg:$0x17]  }
0x4aa: {  	[tilespmem:s10], [sflag:$0x4] =	stream.linear.gather [hbm4b:s11+s10], $0x2000, $0x38;
	[tilespmem:$0x1E800] =	vst v63  }
0x4ab: {  	_ =	swait.ge [sflag:s1], $0x2000  }
0x4ac: {  	[sflag:s1] =	ssyncset.done $0x0  }
0x4ad: {  	s10 =	simm.s32 $0x0;
	[sflag:s1] =	ssyncadd.s32 $0xFFFFE000  }
0x4ae: {  	v1 =	vld [tilespmem:s10+$0x0];
	_ =	sdelay $0x4  }
0x4af: {  	v1 =	vshll.u32 v1, $0x3  }
0x4b0: {  	v2 =	vld [tilespmem:s10+$0x10];
	v1 =	vadd.s32 v1, v0;
	_ =	sdelay $0x4  }
0x4b1: {  	v2 =	vshll.u32 v2, $0x3;
	v1 =	vld.idx.msk [tilespmem:v1+s21+$0x0], $0xffff  }
0x4b2: {  	v3 =	vld [tilespmem:s10+$0x20];
	v2 =	vadd.s32 v2, v0;
	_ =	sdelay $0x3  }
0x4b3: {  	[tilespmem:s10+$0x1C700] =	vst v1  }
0x4b4: {  	v1 =	vld.idx.msk [tilespmem:v2+s21+$0x0], $0xffff;
	v2 =	vshll.u32 v3, $0x3  }
0x4b5: {  	v3 =	vld [tilespmem:s10+$0x30];
	v2 =	vadd.s32 v2, v0;
	_ =	sdelay $0x3  }
0x4b6: {  	[tilespmem:s10+$0x1C710] =	vst v1  }
0x4b7: {  	v1 =	vld.idx.msk [tilespmem:v2+s21+$0x0], $0xffff;
	v2 =	vshll.u32 v3, $0x3  }
0x4b8: {  	v3 =	vld [tilespmem:s10+$0x40];
	v2 =	vadd.s32 v2, v0;
	_ =	sdelay $0x3  }
0x4b9: {  	[tilespmem:s10+$0x1C720] =	vst v1  }
0x4ba: {  	v1 =	vld.idx.msk [tilespmem:v2+s21+$0x0], $0xffff;
	v2 =	vshll.u32 v3, $0x3  }
0x4bb: {  	v3 =	vld [tilespmem:s10+$0x50];
	v2 =	vadd.s32 v2, v0;
	_ =	sdelay $0x3  }
0x4bc: {  	[tilespmem:s10+$0x1C730] =	vst v1  }
0x4bd: {  	v1 =	vld.idx.msk [tilespmem:v2+s21+$0x0], $0xffff;
	v2 =	vshll.u32 v3, $0x3  }
0x4be: {  	v3 =	vld [tilespmem:s10+$0x60];
	v2 =	vadd.s32 v2, v0;
	_ =	sdelay $0x3  }
0x4bf: {  	[tilespmem:s10+$0x1C740] =	vst v1  }
0x4c0: {  	v1 =	vld.idx.msk [tilespmem:v2+s21+$0x0], $0xffff;
	v2 =	vshll.u32 v3, $0x3  }
0x4c1: {  	v3 =	vld [tilespmem:s10+$0x70];
	v2 =	vadd.s32 v2, v0;
	_ =	sdelay $0x3  }
0x4c2: {  	[tilespmem:s10+$0x1C750] =	vst v1  }
0x4c3: {  	v1 =	vld.idx.msk [tilespmem:v2+s21+$0x0], $0xffff;
	v2 =	vshll.u32 v3, $0x3  }
0x4c4: {  	v3 =	vld [tilespmem:s10+$0x80];
	v2 =	vadd.s32 v2, v0;
	_ =	sdelay $0x3  }
0x4c5: {  	[tilespmem:s10+$0x1C760] =	vst v1  }
0x4c6: {  	v1 =	vld.idx.msk [tilespmem:v2+s21+$0x0], $0xffff;
	v2 =	vshll.u32 v3, $0x3  }
0x4c7: {  	v3 =	vld [tilespmem:s10+$0x90];
	v2 =	vadd.s32 v2, v0;
	_ =	sdelay $0x3  }
0x4c8: {  	[tilespmem:s10+$0x1C770] =	vst v1  }
0x4c9: {  	v1 =	vld.idx.msk [tilespmem:v2+s21+$0x0], $0xffff;
	v2 =	vshll.u32 v3, $0x3  }
0x4ca: {  	v3 =	vld [tilespmem:s10+$0xA0];
	v2 =	vadd.s32 v2, v0;
	_ =	sdelay $0x3  }
0x4cb: {  	[tilespmem:s10+$0x1C780] =	vst v1  }
0x4cc: {  	v1 =	vld.idx.msk [tilespmem:v2+s21+$0x0], $0xffff;
	v2 =	vshll.u32 v3, $0x3  }
0x4cd: {  	v3 =	vld [tilespmem:s10+$0xB0];
	v2 =	vadd.s32 v2, v0;
	_ =	sdelay $0x3  }
0x4ce: {  	[tilespmem:s10+$0x1C790] =	vst v1  }
0x4cf: {  	v1 =	vld.idx.msk [tilespmem:v2+s21+$0x0], $0xffff;
	v2 =	vshll.u32 v3, $0x3  }
0x4d0: {  	v3 =	vld [tilespmem:s10+$0xC0];
	v2 =	vadd.s32 v2, v0;
	_ =	sdelay $0x3  }
0x4d1: {  	[tilespmem:s10+$0x1C7A0] =	vst v1  }
0x4d2: {  	v1 =	vld.idx.msk [tilespmem:v2+s21+$0x0], $0xffff;
	v2 =	vshll.u32 v3, $0x3  }
0x4d3: {  	v3 =	vld [tilespmem:s10+$0xD0];
	v2 =	vadd.s32 v2, v0;
	_ =	sdelay $0x3  }
0x4d4: {  	[tilespmem:s10+$0x1C7B0] =	vst v1  }
0x4d5: {  	v1 =	vld.idx.msk [tilespmem:v2+s21+$0x0], $0xffff;
	v2 =	vshll.u32 v3, $0x3  }
0x4d6: {  	v3 =	vld [tilespmem:s10+$0xE0];
	v2 =	vadd.s32 v2, v0;
	_ =	sdelay $0x3  }
0x4d7: {  	[tilespmem:s10+$0x1C7C0] =	vst v1  }
0x4d8: {  	v1 =	vld.idx.msk [tilespmem:v2+s21+$0x0], $0xffff;
	v2 =	vshll.u32 v3, $0x3  }
0x4d9: {  	v3 =	vld [tilespmem:s10+$0xF0];
	v2 =	vadd.s32 v2, v0;
	_ =	sdelay $0x3  }
0x4da: {  	[tilespmem:s10+$0x1C7D0] =	vst v1  }
0x4db: {  	v3 =	vshll.u32 v3, $0x3;
	v1 =	vld.idx.msk [tilespmem:v2+s21+$0x0], $0xffff  }
0x4dc: {  	s12 =	simm.s32 $0x100;
	s11 =	simm.s32 $0x800;
	v2 =	vadd.s32 v3, v0  }
.LBB2_31:
0x4dd: {  	p6 =	sne.s32 s11, $0x3C00;
	v3 =	vld [tilespmem:s12+$0x0];
	_ =	sdelay $0x2  }
0x4de: {  	[tilespmem:s10+$0x1C7E0] =	vst v1  }
0x4df: {  	v1 =	vld.idx.msk [tilespmem:v2+s21+$0x0], $0xffff  }
0x4e0: {  	v2 =	vshll.u32 v3, $0x3  }
0x4e1: {  	v2 =	vadd.s32 v2, v0  }
0x4e2: {  	v3 =	vld [tilespmem:s12+$0x10];
	_ =	sdelay $0x2  }
0x4e3: {  	[tilespmem:s10+$0x1C7F0] =	vst v1;
	s10 =	smov.u32 s12  }
0x4e4: {  	v1 =	vld.idx.msk [tilespmem:v2+s21+$0x0], $0xffff  }
0x4e5: {  	v2 =	vshll.u32 v3, $0x3  }
0x4e6: {  	v2 =	vadd.s32 v2, v0  }
0x4e7: {  	v3 =	vld [tilespmem:s10+$0x20];
	_ =	sdelay $0x2  }
0x4e8: {  	[tilespmem:s10+$0x1C700] =	vst v1  }
0x4e9: {  	v1 =	vld.idx.msk [tilespmem:v2+s21+$0x0], $0xffff  }
0x4ea: {  	v2 =	vshll.u32 v3, $0x3  }
0x4eb: {  	v2 =	vadd.s32 v2, v0  }
0x4ec: {  	v3 =	vld [tilespmem:s10+$0x30];
	_ =	sdelay $0x2  }
0x4ed: {  	[tilespmem:s10+$0x1C710] =	vst v1  }
0x4ee: {  	v1 =	vld.idx.msk [tilespmem:v2+s21+$0x0], $0xffff  }
0x4ef: {  	v2 =	vshll.u32 v3, $0x3  }
0x4f0: {  	v2 =	vadd.s32 v2, v0  }
0x4f1: {  	v3 =	vld [tilespmem:s10+$0x40];
	_ =	sdelay $0x2  }
0x4f2: {  	[tilespmem:s10+$0x1C720] =	vst v1  }
0x4f3: {  	v1 =	vld.idx.msk [tilespmem:v2+s21+$0x0], $0xffff  }
0x4f4: {  	v2 =	vshll.u32 v3, $0x3  }
0x4f5: {  	v2 =	vadd.s32 v2, v0  }
0x4f6: {  	v3 =	vld [tilespmem:s10+$0x50];
	_ =	sdelay $0x2  }
0x4f7: {  	[tilespmem:s10+$0x1C730] =	vst v1  }
0x4f8: {  	v1 =	vld.idx.msk [tilespmem:v2+s21+$0x0], $0xffff  }
0x4f9: {  	v2 =	vshll.u32 v3, $0x3  }
0x4fa: {  	v2 =	vadd.s32 v2, v0  }
0x4fb: {  	v3 =	vld [tilespmem:s10+$0x60];
	_ =	sdelay $0x2  }
0x4fc: {  	[tilespmem:s10+$0x1C740] =	vst v1  }
0x4fd: {  	v1 =	vld.idx.msk [tilespmem:v2+s21+$0x0], $0xffff  }
0x4fe: {  	v2 =	vshll.u32 v3, $0x3  }
0x4ff: {  	v2 =	vadd.s32 v2, v0  }
0x500: {  	v3 =	vld [tilespmem:s10+$0x70];
	_ =	sdelay $0x2  }
0x501: {  	[tilespmem:s10+$0x1C750] =	vst v1  }
0x502: {  	v1 =	vld.idx.msk [tilespmem:v2+s21+$0x0], $0xffff  }
0x503: {  	v2 =	vshll.u32 v3, $0x3  }
0x504: {  	v2 =	vadd.s32 v2, v0  }
0x505: {  	v3 =	vld [tilespmem:s10+$0x80];
	_ =	sdelay $0x2  }
0x506: {  	[tilespmem:s10+$0x1C760] =	vst v1  }
0x507: {  	v1 =	vld.idx.msk [tilespmem:v2+s21+$0x0], $0xffff  }
0x508: {  	v2 =	vshll.u32 v3, $0x3  }
0x509: {  	v2 =	vadd.s32 v2, v0  }
0x50a: {  	v3 =	vld [tilespmem:s10+$0x90];
	_ =	sdelay $0x2  }
0x50b: {  	[tilespmem:s10+$0x1C770] =	vst v1  }
0x50c: {  	v1 =	vld.idx.msk [tilespmem:v2+s21+$0x0], $0xffff  }
0x50d: {  	v2 =	vshll.u32 v3, $0x3  }
0x50e: {  	v2 =	vadd.s32 v2, v0  }
0x50f: {  	v3 =	vld [tilespmem:s10+$0xA0];
	_ =	sdelay $0x2  }
0x510: {  	[tilespmem:s10+$0x1C780] =	vst v1  }
0x511: {  	v1 =	vld.idx.msk [tilespmem:v2+s21+$0x0], $0xffff  }
0x512: {  	v2 =	vshll.u32 v3, $0x3  }
0x513: {  	v2 =	vadd.s32 v2, v0  }
0x514: {  	v3 =	vld [tilespmem:s10+$0xB0];
	_ =	sdelay $0x2  }
0x515: {  	[tilespmem:s10+$0x1C790] =	vst v1  }
0x516: {  	v1 =	vld.idx.msk [tilespmem:v2+s21+$0x0], $0xffff  }
0x517: {  	v2 =	vshll.u32 v3, $0x3  }
0x518: {  	v2 =	vadd.s32 v2, v0  }
0x519: {  	v3 =	vld [tilespmem:s10+$0xC0];
	_ =	sdelay $0x2  }
0x51a: {  	[tilespmem:s10+$0x1C7A0] =	vst v1  }
0x51b: {  	v1 =	vld.idx.msk [tilespmem:v2+s21+$0x0], $0xffff  }
0x51c: {  	v2 =	vshll.u32 v3, $0x3  }
0x51d: {  	v2 =	vadd.s32 v2, v0  }
0x51e: {  	v3 =	vld [tilespmem:s10+$0xD0];
	_ =	sdelay $0x2  }
0x51f: {  	[tilespmem:s10+$0x1C7B0] =	vst v1  }
0x520: {  	v1 =	vld.idx.msk [tilespmem:v2+s21+$0x0], $0xffff  }
0x521: {  	v2 =	vshll.u32 v3, $0x3  }
0x522: {  	v2 =	vadd.s32 v2, v0  }
0x523: {  	v3 =	vld [tilespmem:s10+$0xE0];
	_ =	sdelay $0x2  }
0x524: {  	[tilespmem:s10+$0x1C7C0] =	vst v1  }
0x525: {  	v1 =	vld.idx.msk [tilespmem:v2+s21+$0x0], $0xffff  }
0x526: {  	v2 =	vshll.u32 v3, $0x3  }
0x527: {  	v2 =	vadd.s32 v2, v0  }
0x528: {  	v3 =	vld [tilespmem:s10+$0xF0];
	_ =	sdelay $0x1  }
.Ltmp19:
0x529: {  	(pc) =	sbr.rel @p6 .LBB2_31-.Ltmp19, $4  }
0x52a: {  	[tilespmem:s10+$0x1C7D0] =	vst v1  }
0x52b: {  	v1 =	vld.idx.msk [tilespmem:v2+s21+$0x0], $0xffff  }
0x52c: {  	v2 =	vshll.u32 v3, $0x3  }
0x52d: {  	s12 =	sshra.s32 s11, $0x2;
	s11 =	sadd.s32 $0x400, s11;
	v2 =	vadd.s32 v2, v0  }
0x52e: {  	v3 =	vld [tilespmem:s12+$0x0];
	_ =	sdelay $0x3  }
0x52f: {  	[tilespmem:s10+$0x1C7E0] =	vst v1  }
0x530: {  	v1 =	vld.idx.msk [tilespmem:v2+s21+$0x0], $0xffff;
	v2 =	vshll.u32 v3, $0x3  }
0x531: {  	v3 =	vld [tilespmem:s12+$0x10];
	v2 =	vadd.s32 v2, v0;
	_ =	sdelay $0x3  }
0x532: {  	[tilespmem:s10+$0x1C7F0] =	vst v1  }
0x533: {  	v1 =	vld.idx.msk [tilespmem:v2+s21+$0x0], $0xffff;
	v2 =	vshll.u32 v3, $0x3  }
0x534: {  	v3 =	vld [tilespmem:s12+$0x20];
	v2 =	vadd.s32 v2, v0;
	_ =	sdelay $0x3  }
0x535: {  	[tilespmem:s12+$0x1C700] =	vst v1  }
0x536: {  	v1 =	vld.idx.msk [tilespmem:v2+s21+$0x0], $0xffff;
	v2 =	vshll.u32 v3, $0x3  }
0x537: {  	v3 =	vld [tilespmem:s12+$0x30];
	v2 =	vadd.s32 v2, v0;
	_ =	sdelay $0x3  }
0x538: {  	[tilespmem:s12+$0x1C710] =	vst v1  }
0x539: {  	v1 =	vld.idx.msk [tilespmem:v2+s21+$0x0], $0xffff;
	v2 =	vshll.u32 v3, $0x3  }
0x53a: {  	v3 =	vld [tilespmem:s12+$0x40];
	v2 =	vadd.s32 v2, v0;
	_ =	sdelay $0x3  }
0x53b: {  	[tilespmem:s12+$0x1C720] =	vst v1  }
0x53c: {  	v1 =	vld.idx.msk [tilespmem:v2+s21+$0x0], $0xffff;
	v2 =	vshll.u32 v3, $0x3  }
0x53d: {  	v3 =	vld [tilespmem:s12+$0x50];
	v2 =	vadd.s32 v2, v0;
	_ =	sdelay $0x3  }
0x53e: {  	[tilespmem:s12+$0x1C730] =	vst v1  }
0x53f: {  	v1 =	vld.idx.msk [tilespmem:v2+s21+$0x0], $0xffff;
	v2 =	vshll.u32 v3, $0x3  }
0x540: {  	v3 =	vld [tilespmem:s12+$0x60];
	v2 =	vadd.s32 v2, v0;
	_ =	sdelay $0x3  }
0x541: {  	[tilespmem:s12+$0x1C740] =	vst v1  }
0x542: {  	v1 =	vld.idx.msk [tilespmem:v2+s21+$0x0], $0xffff;
	v2 =	vshll.u32 v3, $0x3  }
0x543: {  	v3 =	vld [tilespmem:s12+$0x70];
	v2 =	vadd.s32 v2, v0;
	_ =	sdelay $0x3  }
0x544: {  	[tilespmem:s12+$0x1C750] =	vst v1  }
0x545: {  	v1 =	vld.idx.msk [tilespmem:v2+s21+$0x0], $0xffff;
	v2 =	vshll.u32 v3, $0x3  }
0x546: {  	v3 =	vld [tilespmem:s12+$0x80];
	v2 =	vadd.s32 v2, v0;
	_ =	sdelay $0x3  }
0x547: {  	[tilespmem:s12+$0x1C760] =	vst v1  }
0x548: {  	v1 =	vld.idx.msk [tilespmem:v2+s21+$0x0], $0xffff;
	v2 =	vshll.u32 v3, $0x3  }
0x549: {  	v3 =	vld [tilespmem:s12+$0x90];
	v2 =	vadd.s32 v2, v0;
	_ =	sdelay $0x3  }
0x54a: {  	[tilespmem:s12+$0x1C770] =	vst v1  }
0x54b: {  	v1 =	vld.idx.msk [tilespmem:v2+s21+$0x0], $0xffff;
	v2 =	vshll.u32 v3, $0x3  }
0x54c: {  	v3 =	vld [tilespmem:s12+$0xA0];
	v2 =	vadd.s32 v2, v0;
	_ =	sdelay $0x3  }
0x54d: {  	[tilespmem:s12+$0x1C780] =	vst v1  }
0x54e: {  	v1 =	vld.idx.msk [tilespmem:v2+s21+$0x0], $0xffff;
	v2 =	vshll.u32 v3, $0x3  }
0x54f: {  	v3 =	vld [tilespmem:s12+$0xB0];
	v2 =	vadd.s32 v2, v0;
	_ =	sdelay $0x3  }
0x550: {  	[tilespmem:s12+$0x1C790] =	vst v1  }
0x551: {  	v1 =	vld.idx.msk [tilespmem:v2+s21+$0x0], $0xffff;
	v2 =	vshll.u32 v3, $0x3  }
0x552: {  	v3 =	vld [tilespmem:s12+$0xC0];
	v2 =	vadd.s32 v2, v0;
	_ =	sdelay $0x3  }
0x553: {  	[tilespmem:s12+$0x1C7A0] =	vst v1  }
0x554: {  	v1 =	vld.idx.msk [tilespmem:v2+s21+$0x0], $0xffff;
	v2 =	vshll.u32 v3, $0x3  }
0x555: {  	v3 =	vld [tilespmem:s12+$0xD0];
	v2 =	vadd.s32 v2, v0;
	_ =	sdelay $0x3  }
0x556: {  	[tilespmem:s12+$0x1C7B0] =	vst v1  }
0x557: {  	v1 =	vld.idx.msk [tilespmem:v2+s21+$0x0], $0xffff;
	v2 =	vshll.u32 v3, $0x3  }
0x558: {  	v3 =	vld [tilespmem:s12+$0xE0];
	v2 =	vadd.s32 v2, v0;
	_ =	sdelay $0x3  }
0x559: {  	[tilespmem:s12+$0x1C7C0] =	vst v1  }
0x55a: {  	v1 =	vld.idx.msk [tilespmem:v2+s21+$0x0], $0xffff;
	v2 =	vshll.u32 v3, $0x3  }
0x55b: {  	v3 =	vld [tilespmem:s12+$0xF0];
	v2 =	vadd.s32 v2, v0;
	_ =	sdelay $0x3  }
0x55c: {  	[tilespmem:s12+$0x1C7D0] =	vst v1  }
0x55d: {  	v1 =	vld.idx.msk [tilespmem:v2+s21+$0x0], $0xffff;
	v2 =	vshll.u32 v3, $0x3  }
0x55e: {  	v2 =	vadd.s32 v2, v0;
	_ =	sdelay $0x3  }
0x55f: {  	[tilespmem:s12+$0x1C7E0] =	vst v1  }
0x560: {  	v1 =	vld.idx.msk [tilespmem:v2+s21+$0x0], $0xffff;
	_ =	sdelay $0x4  }
0x561: {  	[tilespmem:s12+$0x1C7F0] =	vst v1  }
0x562: {  	[hbm4b:s24+s20] =	stream.strided.scatter [tilespmem:s5], [sflag:$0x4], $0x1000, s17, s20, $0x38;
	[tilespmem:$0x1E800] =	vst v63  }
0x563: {  	_ =	swait.ge [sflag:s1], $0x1000  }
0x564: {  	[sflag:s1] =	ssyncset.done $0x0  }
0x565: {  	s10 =	simm.s32 $0x0;
	[sflag:s1] =	ssyncadd.s32 $0xFFFFF000  }
0x566: {  	v1 =	vld [tilespmem:s10+$0x1000];
	_ =	sdelay $0x4  }
0x567: {  	v1 =	vshll.u32 v1, $0x3  }
0x568: {  	v2 =	vld [tilespmem:s10+$0x1010];
	v1 =	vadd.s32 v1, v0;
	_ =	sdelay $0x4  }
0x569: {  	v2 =	vshll.u32 v2, $0x3;
	v1 =	vld.idx.msk [tilespmem:v1+s21+$0x0], $0xffff  }
0x56a: {  	v3 =	vld [tilespmem:s10+$0x1020];
	v2 =	vadd.s32 v2, v0;
	_ =	sdelay $0x3  }
0x56b: {  	[tilespmem:s10+$0x1C700] =	vst v1  }
0x56c: {  	v1 =	vld.idx.msk [tilespmem:v2+s21+$0x0], $0xffff;
	v2 =	vshll.u32 v3, $0x3  }
0x56d: {  	v3 =	vld [tilespmem:s10+$0x1030];
	v2 =	vadd.s32 v2, v0;
	_ =	sdelay $0x3  }
0x56e: {  	[tilespmem:s10+$0x1C710] =	vst v1  }
0x56f: {  	v1 =	vld.idx.msk [tilespmem:v2+s21+$0x0], $0xffff;
	v2 =	vshll.u32 v3, $0x3  }
0x570: {  	v3 =	vld [tilespmem:s10+$0x1040];
	v2 =	vadd.s32 v2, v0;
	_ =	sdelay $0x3  }
0x571: {  	[tilespmem:s10+$0x1C720] =	vst v1  }
0x572: {  	v1 =	vld.idx.msk [tilespmem:v2+s21+$0x0], $0xffff;
	v2 =	vshll.u32 v3, $0x3  }
0x573: {  	v3 =	vld [tilespmem:s10+$0x1050];
	v2 =	vadd.s32 v2, v0;
	_ =	sdelay $0x3  }
0x574: {  	[tilespmem:s10+$0x1C730] =	vst v1  }
0x575: {  	v1 =	vld.idx.msk [tilespmem:v2+s21+$0x0], $0xffff;
	v2 =	vshll.u32 v3, $0x3  }
0x576: {  	v3 =	vld [tilespmem:s10+$0x1060];
	v2 =	vadd.s32 v2, v0;
	_ =	sdelay $0x3  }
0x577: {  	[tilespmem:s10+$0x1C740] =	vst v1  }
0x578: {  	v1 =	vld.idx.msk [tilespmem:v2+s21+$0x0], $0xffff;
	v2 =	vshll.u32 v3, $0x3  }
0x579: {  	v3 =	vld [tilespmem:s10+$0x1070];
	v2 =	vadd.s32 v2, v0;
	_ =	sdelay $0x3  }
0x57a: {  	[tilespmem:s10+$0x1C750] =	vst v1  }
0x57b: {  	v1 =	vld.idx.msk [tilespmem:v2+s21+$0x0], $0xffff;
	v2 =	vshll.u32 v3, $0x3  }
0x57c: {  	v3 =	vld [tilespmem:s10+$0x1080];
	v2 =	vadd.s32 v2, v0;
	_ =	sdelay $0x3  }
0x57d: {  	[tilespmem:s10+$0x1C760] =	vst v1  }
0x57e: {  	v1 =	vld.idx.msk [tilespmem:v2+s21+$0x0], $0xffff;
	v2 =	vshll.u32 v3, $0x3  }
0x57f: {  	v3 =	vld [tilespmem:s10+$0x1090];
	v2 =	vadd.s32 v2, v0;
	_ =	sdelay $0x3  }
0x580: {  	[tilespmem:s10+$0x1C770] =	vst v1  }
0x581: {  	v1 =	vld.idx.msk [tilespmem:v2+s21+$0x0], $0xffff;
	v2 =	vshll.u32 v3, $0x3  }
0x582: {  	v3 =	vld [tilespmem:s10+$0x10A0];
	v2 =	vadd.s32 v2, v0;
	_ =	sdelay $0x3  }
0x583: {  	[tilespmem:s10+$0x1C780] =	vst v1  }
0x584: {  	v1 =	vld.idx.msk [tilespmem:v2+s21+$0x0], $0xffff;
	v2 =	vshll.u32 v3, $0x3  }
0x585: {  	v3 =	vld [tilespmem:s10+$0x10B0];
	v2 =	vadd.s32 v2, v0;
	_ =	sdelay $0x3  }
0x586: {  	[tilespmem:s10+$0x1C790] =	vst v1  }
0x587: {  	v1 =	vld.idx.msk [tilespmem:v2+s21+$0x0], $0xffff;
	v2 =	vshll.u32 v3, $0x3  }
0x588: {  	v3 =	vld [tilespmem:s10+$0x10C0];
	v2 =	vadd.s32 v2, v0;
	_ =	sdelay $0x3  }
0x589: {  	[tilespmem:s10+$0x1C7A0] =	vst v1  }
0x58a: {  	v1 =	vld.idx.msk [tilespmem:v2+s21+$0x0], $0xffff;
	v2 =	vshll.u32 v3, $0x3  }
0x58b: {  	v3 =	vld [tilespmem:s10+$0x10D0];
	v2 =	vadd.s32 v2, v0;
	_ =	sdelay $0x3  }
0x58c: {  	[tilespmem:s10+$0x1C7B0] =	vst v1  }
0x58d: {  	v1 =	vld.idx.msk [tilespmem:v2+s21+$0x0], $0xffff;
	v2 =	vshll.u32 v3, $0x3  }
0x58e: {  	v3 =	vld [tilespmem:s10+$0x10E0];
	v2 =	vadd.s32 v2, v0;
	_ =	sdelay $0x3  }
0x58f: {  	[tilespmem:s10+$0x1C7C0] =	vst v1  }
0x590: {  	v1 =	vld.idx.msk [tilespmem:v2+s21+$0x0], $0xffff;
	v2 =	vshll.u32 v3, $0x3  }
0x591: {  	v3 =	vld [tilespmem:s10+$0x10F0];
	v2 =	vadd.s32 v2, v0;
	_ =	sdelay $0x3  }
0x592: {  	[tilespmem:s10+$0x1C7D0] =	vst v1  }
0x593: {  	v3 =	vshll.u32 v3, $0x3;
	v1 =	vld.idx.msk [tilespmem:v2+s21+$0x0], $0xffff  }
0x594: {  	s11 =	simm.s32 $0x800;
	s12 =	simm.s32 $0x100;
	v2 =	vadd.s32 v3, v0  }
.LBB2_33:
0x595: {  	p6 =	sne.s32 s11, $0x3C00;
	v3 =	vld [tilespmem:s12+$0x1000];
	_ =	sdelay $0x2  }
0x596: {  	[tilespmem:s10+$0x1C7E0] =	vst v1  }
0x597: {  	v1 =	vld.idx.msk [tilespmem:v2+s21+$0x0], $0xffff  }
0x598: {  	v2 =	vshll.u32 v3, $0x3  }
0x599: {  	v2 =	vadd.s32 v2, v0  }
0x59a: {  	v3 =	vld [tilespmem:s12+$0x1010];
	_ =	sdelay $0x2  }
0x59b: {  	[tilespmem:s10+$0x1C7F0] =	vst v1;
	s10 =	smov.u32 s12  }
0x59c: {  	v1 =	vld.idx.msk [tilespmem:v2+s21+$0x0], $0xffff  }
0x59d: {  	v2 =	vshll.u32 v3, $0x3  }
0x59e: {  	v2 =	vadd.s32 v2, v0  }
0x59f: {  	v3 =	vld [tilespmem:s10+$0x1020];
	_ =	sdelay $0x2  }
0x5a0: {  	[tilespmem:s10+$0x1C700] =	vst v1  }
0x5a1: {  	v1 =	vld.idx.msk [tilespmem:v2+s21+$0x0], $0xffff  }
0x5a2: {  	v2 =	vshll.u32 v3, $0x3  }
0x5a3: {  	v2 =	vadd.s32 v2, v0  }
0x5a4: {  	v3 =	vld [tilespmem:s10+$0x1030];
	_ =	sdelay $0x2  }
0x5a5: {  	[tilespmem:s10+$0x1C710] =	vst v1  }
0x5a6: {  	v1 =	vld.idx.msk [tilespmem:v2+s21+$0x0], $0xffff  }
0x5a7: {  	v2 =	vshll.u32 v3, $0x3  }
0x5a8: {  	v2 =	vadd.s32 v2, v0  }
0x5a9: {  	v3 =	vld [tilespmem:s10+$0x1040];
	_ =	sdelay $0x2  }
0x5aa: {  	[tilespmem:s10+$0x1C720] =	vst v1  }
0x5ab: {  	v1 =	vld.idx.msk [tilespmem:v2+s21+$0x0], $0xffff  }
0x5ac: {  	v2 =	vshll.u32 v3, $0x3  }
0x5ad: {  	v2 =	vadd.s32 v2, v0  }
0x5ae: {  	v3 =	vld [tilespmem:s10+$0x1050];
	_ =	sdelay $0x2  }
0x5af: {  	[tilespmem:s10+$0x1C730] =	vst v1  }
0x5b0: {  	v1 =	vld.idx.msk [tilespmem:v2+s21+$0x0], $0xffff  }
0x5b1: {  	v2 =	vshll.u32 v3, $0x3  }
0x5b2: {  	v2 =	vadd.s32 v2, v0  }
0x5b3: {  	v3 =	vld [tilespmem:s10+$0x1060];
	_ =	sdelay $0x2  }
0x5b4: {  	[tilespmem:s10+$0x1C740] =	vst v1  }
0x5b5: {  	v1 =	vld.idx.msk [tilespmem:v2+s21+$0x0], $0xffff  }
0x5b6: {  	v2 =	vshll.u32 v3, $0x3  }
0x5b7: {  	v2 =	vadd.s32 v2, v0  }
0x5b8: {  	v3 =	vld [tilespmem:s10+$0x1070];
	_ =	sdelay $0x2  }
0x5b9: {  	[tilespmem:s10+$0x1C750] =	vst v1  }
0x5ba: {  	v1 =	vld.idx.msk [tilespmem:v2+s21+$0x0], $0xffff  }
0x5bb: {  	v2 =	vshll.u32 v3, $0x3  }
0x5bc: {  	v2 =	vadd.s32 v2, v0  }
0x5bd: {  	v3 =	vld [tilespmem:s10+$0x1080];
	_ =	sdelay $0x2  }
0x5be: {  	[tilespmem:s10+$0x1C760] =	vst v1  }
0x5bf: {  	v1 =	vld.idx.msk [tilespmem:v2+s21+$0x0], $0xffff  }
0x5c0: {  	v2 =	vshll.u32 v3, $0x3  }
0x5c1: {  	v2 =	vadd.s32 v2, v0  }
0x5c2: {  	v3 =	vld [tilespmem:s10+$0x1090];
	_ =	sdelay $0x2  }
0x5c3: {  	[tilespmem:s10+$0x1C770] =	vst v1  }
0x5c4: {  	v1 =	vld.idx.msk [tilespmem:v2+s21+$0x0], $0xffff  }
0x5c5: {  	v2 =	vshll.u32 v3, $0x3  }
0x5c6: {  	v2 =	vadd.s32 v2, v0  }
0x5c7: {  	v3 =	vld [tilespmem:s10+$0x10A0];
	_ =	sdelay $0x2  }
0x5c8: {  	[tilespmem:s10+$0x1C780] =	vst v1  }
0x5c9: {  	v1 =	vld.idx.msk [tilespmem:v2+s21+$0x0], $0xffff  }
0x5ca: {  	v2 =	vshll.u32 v3, $0x3  }
0x5cb: {  	v2 =	vadd.s32 v2, v0  }
0x5cc: {  	v3 =	vld [tilespmem:s10+$0x10B0];
	_ =	sdelay $0x2  }
0x5cd: {  	[tilespmem:s10+$0x1C790] =	vst v1  }
0x5ce: {  	v1 =	vld.idx.msk [tilespmem:v2+s21+$0x0], $0xffff  }
0x5cf: {  	v2 =	vshll.u32 v3, $0x3  }
0x5d0: {  	v2 =	vadd.s32 v2, v0  }
0x5d1: {  	v3 =	vld [tilespmem:s10+$0x10C0];
	_ =	sdelay $0x2  }
0x5d2: {  	[tilespmem:s10+$0x1C7A0] =	vst v1  }
0x5d3: {  	v1 =	vld.idx.msk [tilespmem:v2+s21+$0x0], $0xffff  }
0x5d4: {  	v2 =	vshll.u32 v3, $0x3  }
0x5d5: {  	v2 =	vadd.s32 v2, v0  }
0x5d6: {  	v3 =	vld [tilespmem:s10+$0x10D0];
	_ =	sdelay $0x2  }
0x5d7: {  	[tilespmem:s10+$0x1C7B0] =	vst v1  }
0x5d8: {  	v1 =	vld.idx.msk [tilespmem:v2+s21+$0x0], $0xffff  }
0x5d9: {  	v2 =	vshll.u32 v3, $0x3  }
0x5da: {  	v2 =	vadd.s32 v2, v0  }
0x5db: {  	v3 =	vld [tilespmem:s10+$0x10E0];
	_ =	sdelay $0x2  }
0x5dc: {  	[tilespmem:s10+$0x1C7C0] =	vst v1  }
0x5dd: {  	v1 =	vld.idx.msk [tilespmem:v2+s21+$0x0], $0xffff  }
0x5de: {  	v2 =	vshll.u32 v3, $0x3  }
0x5df: {  	v2 =	vadd.s32 v2, v0  }
0x5e0: {  	v3 =	vld [tilespmem:s10+$0x10F0];
	_ =	sdelay $0x1  }
.Ltmp20:
0x5e1: {  	(pc) =	sbr.rel @p6 .LBB2_33-.Ltmp20, $4  }
0x5e2: {  	[tilespmem:s10+$0x1C7D0] =	vst v1  }
0x5e3: {  	v1 =	vld.idx.msk [tilespmem:v2+s21+$0x0], $0xffff  }
0x5e4: {  	v2 =	vshll.u32 v3, $0x3  }
0x5e5: {  	s12 =	sshra.s32 s11, $0x2;
	s11 =	sadd.s32 $0x400, s11;
	v2 =	vadd.s32 v2, v0  }
.Ltmp21:
0x5e6: {  	_ = 	snop;
	(pc) =	sbr.rel .LBB2_34-.Ltmp21, $1  }
0x5e7: {  	_ =	sdelay $0x3  }
.LBB2_36:
0x5e8: {  	_ =	sfence.sel $0x180000  }
0x5e9: {  	[bflag:$0x0] =	sbarrier.arrive $0xFFFF  }
0x5ea: {  	_ =	strace $0x90000047  }
0x5eb: {  	s0 =	stileid.u32;
	[bflag:$0x2] =	sbarrier.arrive $0xFFFF  }
0x5ec: {  	p0 =	sne.s32 s0, $0x0;
	s0 =	rddreg [dreg:$0xa]  }
0x5ed: {  	s0 =	sadd.s32 @!p0 $0x100000, s0  }
0x5ee: {  	[sflag:s0] =	ssyncadd.tile.s32 @!p0 $0x1;
	_ =	shalt  }
.Lfunc_end2:
_tile_overlayer_lowered:
.L_overlay_start_2:
0x5ef: {  	(tag) =	ssettag $0x2  }
0x5f0: {  	s0 =	rddreg [dreg:$0x0];
	s2 =	stileid.u32  }
0x5f1: {  	s1 =	rddreg [dreg:$0x1];
	p0 =	sne.s32 s2, $0x0  }
0x5f2: {  	s3 =	rddreg [dreg:$0x2];
	[bflag:$0x3] =	sbarrier.arrive $0xFFFF;
	s2 =	simm.s32 @!p0 $0x1C04  }
0x5f3: {  	[timem:s3], [sflag:s2] =	dma.local @!p0 [hbm:s0], s1  }
0x5f4: {  	s0 =	simm.s32 @!p0 $0x4  }
0x5f5: {  	_ =	swait.ge @!p0 [sflag:s0], s1  }
0x5f6: {  	s1 =	ssub.s32 @!p0 $0x0, s1;
	[sflag:s0] =	ssyncset.done @!p0 $0x0  }
0x5f7: {  	[sflag:s0] =	ssyncadd.s32 @!p0 s1  }
0x5f8: {  	[bflag:$0x3] =	sbarrier.arrive $0xFFFF  }
0x5f9: {  	_ =	shalt  }

</sc_bundles>
